<compile_context>
chip_gen: v7x
topology: tpu7x:2x2x1
jax: 0.10.2.dev20260603
libtpu: 0.0.44.dev20260713+nightly
codegen_flags: <defaults>
</compile_context>

<pallas_src>
import functools

import jax
import jax.numpy as jnp
from jax.experimental import pallas as pl
from jax.experimental.pallas import tpu as pltpu
from jax.experimental.pallas import tpu_sc as plsc

H = 128
W = 128
ALPHA_T = 1.0 / 255.0
ROWS = 8
UNROLL = 16
SUPER = 16
T_EPS = 1e-4
HALF = (ROWS - 1) * 0.5
LANES = 16


def _make_compact(g, half_n, cap):
    n_iter = half_n // LANES
    mesh = plsc.VectorSubcoreMesh(core_axis_name="c", subcore_axis_name="s")

    @functools.partial(
        pl.kernel, mesh=mesh,
        compiler_params=pltpu.CompilerParams(needs_layout_passes=False),
        out_type=[
            jax.ShapeDtypeStruct((32, cap), jnp.int32),
            jax.ShapeDtypeStruct((32, LANES), jnp.int32),
        ],
        scratch_types=[
            pltpu.VMEM((half_n,), jnp.int32),
            pltpu.VMEM((g + 8,), jnp.float32),
            pltpu.VMEM((g + 8,), jnp.float32),
            pltpu.VMEM((cap,), jnp.int32),
            pltpu.VMEM((LANES,), jnp.int32),
        ],
    )
    def compact(order_hbm, my_hbm, ye_hbm, lists_hbm, counts_hbm,
                ord_v, my_v, ye_v, list_v, cnt_v):
        band = jax.lax.axis_index("s")
        half = jax.lax.axis_index("c")
        wid = band * 2 + half
        pltpu.sync_copy(order_hbm.at[pl.ds(half * half_n, half_n)], ord_v)
        pltpu.sync_copy(my_hbm, my_v)
        pltpu.sync_copy(ye_hbm, ye_v)

        yc = jnp.zeros((LANES,), jnp.float32) + (
            band.astype(jnp.float32) * ROWS + 0.5 + HALF)

        def step(i, cnt):
            ordv = ord_v[pl.ds(i * LANES, LANES)]
            myv = plsc.load_gather(my_v, [ordv])
            yev = plsc.load_gather(ye_v, [ordv])
            hit = jnp.abs(myv - yc) <= yev + HALF
            incl = jnp.cumsum(hit.astype(jnp.int32))
            pos = cnt + incl - 1
            plsc.store_scatter(list_v, [pos], ordv, mask=hit)
            return cnt + plsc.all_reduce_population_count(hit)

        cnt = jax.lax.fori_loop(0, n_iter, step,
                                jnp.zeros((LANES,), jnp.int32))

        pos = cnt + jax.lax.iota(jnp.int32, LANES)
        plsc.store_scatter(list_v, [pos],
                           jnp.zeros((LANES,), jnp.int32) + g,
                           mask=pos < cap)
        cnt_v[...] = cnt
        pltpu.sync_copy(list_v, lists_hbm.at[wid])
        pltpu.sync_copy(cnt_v, counts_hbm.at[wid])

    return compact


def _raster_body(lists_ref, counts_ref, mx_ref, my_ref, na_ref, nb_ref,
                 nc_ref, opa_ref, cr_ref, cg_ref, cbl_ref,
                 outr_ref, outg_ref, outb_ref, t_ref):
    band = pl.program_id(0)
    y0 = band.astype(jnp.float32) * ROWS + 0.5
    ys = jax.lax.broadcasted_iota(jnp.int32, (ROWS, W), 0).astype(jnp.float32) + y0
    xs = jax.lax.broadcasted_iota(jnp.int32, (ROWS, W), 1).astype(jnp.float32) + 0.5

    t_ref[...] = jnp.ones((ROWS, W), jnp.float32)
    zero = jnp.zeros((ROWS, W), jnp.float32)
    outr_ref[...] = zero
    outg_ref[...] = zero
    outb_ref[...] = zero

    for h in range(2):
        cnt = counts_ref[band, h, 0]
        nblk = (cnt + (UNROLL - 1)) // UNROLL

        def one_block(bi, _):
            base = bi * UNROLL
            idx = [lists_ref[0, h, base + k] for k in range(UNROLL)]
            trans = t_ref[...]
            accr = outr_ref[...]
            accg = outg_ref[...]
            accb = outb_ref[...]
            for k in range(UNROLL):
                i = idx[k]
                dx = xs - mx_ref[i]
                dy = ys - my_ref[i]
                q = (na_ref[i] * dx * dx
                     + nb_ref[i] * dx * dy
                     + nc_ref[i] * dy * dy)
                alpha = opa_ref[i] * jnp.exp(q)
                alpha = jnp.minimum(alpha, 0.999)
                alpha = jnp.where(alpha >= ALPHA_T, alpha, 0.0)
                wgt = alpha * trans
                accr = accr + wgt * cr_ref[i]
                accg = accg + wgt * cg_ref[i]
                accb = accb + wgt * cbl_ref[i]
                trans = trans * (1.0 - alpha)
            outr_ref[...] = accr
            outg_ref[...] = accg
            outb_ref[...] = accb
            t_ref[...] = trans
            return 0

        jax.lax.fori_loop(jnp.int32(0), nblk, one_block, 0)


def _rasterize(lists3, counts3, mx, my, na, nb, nc, opa, cr, cg, cbl,
               interpret=False):
    cap = lists3.shape[2]
    smem = pl.BlockSpec(memory_space=pltpu.SMEM)
    outs = jax.ShapeDtypeStruct((H, W), jnp.float32)
    return pl.pallas_call(
        _raster_body,
        grid=(H // ROWS,),
        in_specs=[pl.BlockSpec((1, 2, cap), lambda i: (i, 0, 0),
                               memory_space=pltpu.SMEM)] + [smem] * 10,
        out_specs=[pl.BlockSpec((ROWS, W), lambda i: (i, 0))] * 3,
        out_shape=[outs, outs, outs],
        scratch_shapes=[pltpu.VMEM((ROWS, W), jnp.float32)],
        interpret=interpret,
    )(lists3, counts3, mx, my, na, nb, nc, opa, cr, cg, cbl)


def kernel(means2d, conics, colors, opacities, depths):
    b = means2d.shape[0]
    g = means2d.shape[1]
    order = jnp.argsort(depths, axis=1).astype(jnp.int32)

    a = conics[..., 0]
    bb = conics[..., 1]
    c = conics[..., 2]
    det = a * c - bb * bb
    qm = 2.0 * jnp.log(255.0 * opacities)
    ry = jnp.sqrt(jnp.maximum(qm, 0.0) * a / det)
    yext = jnp.where(opacities >= ALPHA_T, ry, -1e9).astype(jnp.float32)

    half_n = -(-g // (2 * LANES)) * LANES
    cap = half_n + LANES
    compact = _make_compact(g, half_n, cap)

    def padded(x, value, n):
        return jnp.concatenate([x, jnp.full((n - x.shape[0],), value, x.dtype)])

    imgs = []
    for i in range(b):
        order_i = padded(order[i], g, 2 * half_n)
        my_i = padded(means2d[i, :, 1], 0.0, g + 8)
        ye_i = padded(yext[i], -1e9, g + 8)
        lists, counts = compact(order_i, my_i, ye_i)
        r, gg, bl = _rasterize(
            lists.reshape(H // ROWS, 2, cap),
            counts.reshape(H // ROWS, 2, LANES),
            padded(means2d[i, :, 0], 0.0, g + 8),
            my_i,
            padded(-0.5 * conics[i, :, 0], 0.0, g + 8),
            padded(-conics[i, :, 1], 0.0, g + 8),
            padded(-0.5 * conics[i, :, 2], 0.0, g + 8),
            padded(opacities[i], 0.0, g + 8),
            padded(colors[i, :, 0], 0.0, g + 8),
            padded(colors[i, :, 1], 0.0, g + 8),
            padded(colors[i, :, 2], 0.0, g + 8),
        )
        imgs.append(jnp.stack([r, gg, bl], axis=-1))
    return jnp.stack(imgs, axis=0)

# --- scband reference (transcript-rebuilt; emitter-appended) ---
"""Pipeline reference for scband-projected-gaussian-rasterizer-7421703487874 (READ-ONLY COPY).

The authoritative reference and input builder live on the scoring server;
editing this copy changes nothing except your own understanding.
"""

import jax, jax.numpy as jnp
import numpy as np

H = 128
W = 128
ALPHA_T = 1.0 / 255.0
BG = jnp.array([0.0, 0.0, 0.0], dtype=jnp.float32)


def setup_inputs(seed: int = 0) -> dict:
    key = jax.random.key(seed)
    ks = jax.random.split(key, 8)
    B, G = 1, 8192
    # means in pixel coordinates spread over the image
    means2d = jax.random.uniform(ks[0], (B, G, 2), dtype=jnp.float32) * jnp.array([W, H], dtype=jnp.float32)
    # positive-definite conics (a, b, c) with a*c - b^2 > 0
    a = 0.02 + 0.3 * jax.random.uniform(ks[1], (B, G), dtype=jnp.float32)
    c = 0.02 + 0.3 * jax.random.uniform(ks[2], (B, G), dtype=jnp.float32)
    b = 0.5 * jnp.sqrt(a * c) * (2.0 * jax.random.uniform(ks[3], (B, G), dtype=jnp.float32) - 1.0)
    conics = jnp.stack([a, b, c], axis=-1)
    colors = jax.random.uniform(ks[4], (B, G, 3), dtype=jnp.float32)
    opacities = jax.random.uniform(ks[5], (B, G), dtype=jnp.float32)
    depths = jax.random.uniform(ks[6], (B, G), dtype=jnp.float32) * 10.0
    return {"means2d": means2d, "conics": conics, "colors": colors, "opacities": opacities, "depths": depths}


def _render_one(m2, con, col, opa):
    # m2: [G,2] sorted front-to-back, con: [G,3], col: [G,3], opa: [G]
    xs = jnp.arange(W, dtype=jnp.float32) + 0.5
    ys = jnp.arange(H, dtype=jnp.float32) + 0.5

    def row_fn(y):
        dy = y - m2[:, 1]                               # [G]
        dx = xs[:, None] - m2[None, :, 0]               # [W,G]
        q = (con[None, :, 0] * dx * dx
             + 2.0 * con[None, :, 1] * dx * dy[None, :]
             + con[None, :, 2] * (dy * dy)[None, :])    # [W,G]
        alpha = opa[None, :] * jnp.exp(-0.5 * q)
        alpha = jnp.clip(alpha, 0.0, 0.999)
        alpha = jnp.where(alpha >= ALPHA_T, alpha, 0.0)
        trans = jnp.cumprod(1.0 - alpha, axis=1)        # transmittance after each gaussian
        t_before = jnp.concatenate([jnp.ones((W, 1), jnp.float32), trans[:, :-1]], axis=1)
        wgt = alpha * t_before                          # [W,G]
        rgb = wgt @ col                                 # [W,3]
        rgb = rgb + trans[:, -1:] * BG[None, :]
        return rgb

    return jax.lax.map(jax.checkpoint(row_fn), ys)      # [H,W,3]


def reference(means2d, conics, colors, opacities, depths):
    # depth sort (front-to-back), as in sort_projected_inputs
    order = jnp.argsort(depths, axis=1)
    m2 = jnp.take_along_axis(means2d, order[..., None], axis=1)
    con = jnp.take_along_axis(conics, order[..., None], axis=1)
    col = jnp.take_along_axis(colors, order[..., None], axis=1)
    opa = jnp.take_along_axis(opacities, order, axis=1)
    img = jax.vmap(_render_one)(m2, con, col, opa)
    return img  # [B,H,W,3]

if __name__ == "__main__":
    import jax
    _d = setup_inputs()
    print(jax.jit(kernel)(*tuple(_d.values())))

</pallas_src>

<mosaic_0001>
#map = affine_map<(d0, d1) -> (0)>
#map1 = affine_map<(d0, d1) -> (0, 0)>
module attributes {stable_mosaic.version = 14 : i64} {
  func.func @compact(%arg0: i32, %arg1: i32, %arg2: memref<8192xi32, #tpu.memory_space<hbm>>, %arg3: memref<8200xf32, #tpu.memory_space<hbm>>, %arg4: memref<8200xf32, #tpu.memory_space<hbm>>, %arg5: memref<32x4112xi32, #tpu.memory_space<hbm>>, %arg6: memref<32x16xi32, #tpu.memory_space<hbm>>, %arg7: memref<4096xi32, #tpu.memory_space<vmem>>, %arg8: memref<8200xf32, #tpu.memory_space<vmem>>, %arg9: memref<8200xf32, #tpu.memory_space<vmem>>, %arg10: memref<4112xi32, #tpu.memory_space<vmem>>, %arg11: memref<16xi32, #tpu.memory_space<vmem>>) attributes {dimension_semantics = [#tpu.dimension_semantics<core_parallel>, #tpu.dimension_semantics<subcore_parallel>], iteration_bounds = array<i64: 2, 16>, scalar_prefetch = 0 : i64, scratch_operands = 5 : i64, tpu.core_type = #tpu.core_type<sc_vector_subcore>, window_params = [{transform_indices = #map}, {transform_indices = #map}, {transform_indices = #map}, {transform_indices = #map1}, {transform_indices = #map1}]} {
    %mul3A = arith.constant 2 : i32
    %mul3A_0 = arith.muli %arg1, %mul3A : i32
    %add3A = arith.addi %mul3A_0, %arg0 : i32
    %mul3A_1 = arith.constant 4096 : i32
    %mul3A_2 = arith.muli %arg0, %mul3A_1 : i32
    "tpu.region"() ({
      %run_scoped3A = tpu.sem_alloc : memref<!tpu.dma_semaphore, #tpu.memory_space<semaphore_mem>>
      %dma_start3A = tpu.memref_slice %arg2[%mul3A_2] : memref<8192xi32, #tpu.memory_space<hbm>> -> memref<4096xi32, #tpu.memory_space<hbm>>
      %dma_start3A_28 = tpu.memref_slice %arg2[%mul3A_2] : memref<8192xi32, #tpu.memory_space<hbm>> -> memref<4096xi32, #tpu.memory_space<hbm>>
      tpu.enqueue_dma source(%dma_start3A_28 : memref<4096xi32, #tpu.memory_space<hbm>>) target(%arg7 : memref<4096xi32, #tpu.memory_space<vmem>>) target_semaphore(%run_scoped3A : memref<!tpu.dma_semaphore, #tpu.memory_space<semaphore_mem>>)
      %dma_wait3A = tpu.memref_slice %arg2[%mul3A_2] : memref<8192xi32, #tpu.memory_space<hbm>> -> memref<4096xi32, #tpu.memory_space<hbm>>
      %dma_wait3A_29 = tpu.memref_slice %arg2[%mul3A_2] : memref<8192xi32, #tpu.memory_space<hbm>> -> memref<4096xi32, #tpu.memory_space<hbm>>
      tpu.wait_dma2 semaphore(%run_scoped3A : memref<!tpu.dma_semaphore, #tpu.memory_space<semaphore_mem>>) src(%dma_wait3A_29 : memref<4096xi32, #tpu.memory_space<hbm>>) dst(%arg7 : memref<4096xi32, #tpu.memory_space<vmem>>)
      tpu.yield
    }) : () -> ()
    "tpu.region"() ({
      %run_scoped3A = tpu.sem_alloc : memref<!tpu.dma_semaphore, #tpu.memory_space<semaphore_mem>>
      tpu.enqueue_dma source(%arg3 : memref<8200xf32, #tpu.memory_space<hbm>>) target(%arg8 : memref<8200xf32, #tpu.memory_space<vmem>>) target_semaphore(%run_scoped3A : memref<!tpu.dma_semaphore, #tpu.memory_space<semaphore_mem>>)
      tpu.wait_dma2 semaphore(%run_scoped3A : memref<!tpu.dma_semaphore, #tpu.memory_space<semaphore_mem>>) src(%arg3 : memref<8200xf32, #tpu.memory_space<hbm>>) dst(%arg8 : memref<8200xf32, #tpu.memory_space<vmem>>)
      tpu.yield
    }) : () -> ()
    "tpu.region"() ({
      %run_scoped3A = tpu.sem_alloc : memref<!tpu.dma_semaphore, #tpu.memory_space<semaphore_mem>>
      tpu.enqueue_dma source(%arg4 : memref<8200xf32, #tpu.memory_space<hbm>>) target(%arg9 : memref<8200xf32, #tpu.memory_space<vmem>>) target_semaphore(%run_scoped3A : memref<!tpu.dma_semaphore, #tpu.memory_space<semaphore_mem>>)
      tpu.wait_dma2 semaphore(%run_scoped3A : memref<!tpu.dma_semaphore, #tpu.memory_space<semaphore_mem>>) src(%arg4 : memref<8200xf32, #tpu.memory_space<hbm>>) dst(%arg9 : memref<8200xf32, #tpu.memory_space<vmem>>)
      tpu.yield
    }) : () -> ()
    %broadcast_in_dim3A = arith.constant 0.000000e+00 : f32
    %broadcast_in_dim3A_3 = vector.broadcast %broadcast_in_dim3A : f32 to vector<16xf32>
    %convert_element_type3A = arith.sitofp %arg1 : i32 to f32
    %mul3A_4 = arith.constant 8.000000e+00 : f32
    %mul3A_5 = arith.mulf %convert_element_type3A, %mul3A_4 : f32
    %add3A_6 = arith.constant 5.000000e-01 : f32
    %add3A_7 = arith.addf %mul3A_5, %add3A_6 : f32
    %add3A_8 = arith.constant 3.500000e+00 : f32
    %add3A_9 = arith.addf %add3A_7, %add3A_8 : f32
    %add3A_10 = vector.broadcast %add3A_9 : f32 to vector<16xf32>
    %add3A_11 = arith.addf %broadcast_in_dim3A_3, %add3A_10 : vector<16xf32>
    %broadcast_in_dim3A_12 = arith.constant 0 : i32
    %broadcast_in_dim3A_13 = vector.broadcast %broadcast_in_dim3A_12 : i32 to vector<16xi32>
    %scan3A = arith.constant 0 : i32
    %scan3A_14 = arith.constant 256 : i32
    %scan3A_15 = arith.addi %scan3A, %scan3A_14 : i32
    %scan3A_16 = arith.constant 1 : i32
    %scan3A_17 = scf.for %scan3A_28 = %scan3A to %scan3A_15 step %scan3A_16 iter_args(%scan3A_29 = %broadcast_in_dim3A_13) -> (vector<16xi32>)  : i32 {
      %mul3A_30 = arith.constant 16 : i32
      %mul3A_31 = arith.muli %scan3A_28, %mul3A_30 : i32
      %get3A = arith.index_cast %mul3A_31 : i32 to index
      %get3A_32 = tpu.vector_load %arg7[%get3A] {strides = array<i32>} : memref<4096xi32, #tpu.memory_space<vmem>>, vector<16xi32>,
      %gather3A = tpu.vector_load_idx %arg8[%get3A_32] : memref<8200xf32, #tpu.memory_space<vmem>>[vector<16xi32>], vector<16xf32>,
      %gather3A_33 = tpu.vector_load_idx %arg9[%get3A_32] : memref<8200xf32, #tpu.memory_space<vmem>>[vector<16xi32>], vector<16xf32>,
      %sub3A = arith.subf %gather3A, %add3A_11 : vector<16xf32>
      %abs3A = math.absf %sub3A : vector<16xf32>
      %add3A_34 = arith.constant 3.500000e+00 : f32
      %add3A_35 = vector.broadcast %add3A_34 : f32 to vector<16xf32>
      %add3A_36 = arith.addf %gather3A_33, %add3A_35 : vector<16xf32>
      %le3A = arith.cmpf ole, %abs3A, %add3A_36 : vector<16xf32>
      %convert_element_type3A_37 = arith.extui %le3A : vector<16xi1> to vector<16xi32>
      %cumsum3A = arith.constant true
      %cumsum3A_38 = vector.broadcast %cumsum3A : i1 to vector<16xi1>
      %cumsum3A_39 = tpu.scan <sum>, %convert_element_type3A_37 masked %cumsum3A_38 : vector<16xi32>, vector<16xi1> -> vector<16xi32>
      %add3A_40 = arith.addi %scan3A_29, %cumsum3A_39 : vector<16xi32>
      %sub3A_41 = arith.constant 1 : i32
      %sub3A_42 = vector.broadcast %sub3A_41 : i32 to vector<16xi32>
      %sub3A_43 = arith.subi %add3A_40, %sub3A_42 : vector<16xi32>
      tpu.vector_store_idx %arg10[%sub3A_43], %get3A_32 masked %le3A : memref<4112xi32, #tpu.memory_space<vmem>>[vector<16xi32>], vector<16xi32>, vector<16xi1>
      %all_reduce_population_count3A = tpu.all_reduce %le3A {dim = 0 : i64, kind = #tpu.reduction_kind<sum>} : vector<16xi1> -> vector<16xi32>
      %add3A_44 = arith.addi %scan3A_29, %all_reduce_population_count3A : vector<16xi32>
      scf.yield %add3A_44 : vector<16xi32>
    }
    %scan3A_18 = arith.constant 256 : i32
    %iota3A = tpu.iota {dimensions = array<i32: 0>} : vector<16xi32>
    %add3A_19 = arith.addi %scan3A_17, %iota3A : vector<16xi32>
    %broadcast_in_dim3A_20 = arith.constant 0 : i32
    %broadcast_in_dim3A_21 = vector.broadcast %broadcast_in_dim3A_20 : i32 to vector<16xi32>
    %add3A_22 = arith.constant 8192 : i32
    %add3A_23 = vector.broadcast %add3A_22 : i32 to vector<16xi32>
    %add3A_24 = arith.addi %broadcast_in_dim3A_21, %add3A_23 : vector<16xi32>
    %lt3A = arith.constant 4112 : i32
    %lt3A_25 = vector.broadcast %lt3A : i32 to vector<16xi32>
    %lt3A_26 = arith.cmpi slt, %add3A_19, %lt3A_25 : vector<16xi32>
    tpu.vector_store_idx %arg10[%add3A_19], %add3A_24 masked %lt3A_26 : memref<4112xi32, #tpu.memory_space<vmem>>[vector<16xi32>], vector<16xi32>, vector<16xi1>
    %swap3A = arith.constant 0 : index
    %swap3A_27 = tpu.vector_load %arg11[%swap3A] {strides = array<i32>} : memref<16xi32, #tpu.memory_space<vmem>>, vector<16xi32>,
    tpu.vector_store %arg11[%swap3A], %scan3A_17 {strides = array<i32>} : memref<16xi32, #tpu.memory_space<vmem>>, vector<16xi32>,
    "tpu.region"() ({
      %run_scoped3A = tpu.sem_alloc : memref<!tpu.dma_semaphore, #tpu.memory_space<semaphore_mem>>
      %dma_start3A = arith.constant 0 : i32
      %dma_start3A_28 = tpu.memref_slice %arg5[%add3A, %dma_start3A] : memref<32x4112xi32, #tpu.memory_space<hbm>> -> memref<1x4112xi32, #tpu.memory_space<hbm>>
      %dma_start3A_29 = tpu.memref_squeeze %dma_start3A_28 : memref<1x4112xi32, #tpu.memory_space<hbm>> -> memref<4112xi32, #tpu.memory_space<hbm>>
      %dma_start3A_30 = arith.constant 0 : i32
      %dma_start3A_31 = tpu.memref_slice %arg5[%add3A, %dma_start3A_30] : memref<32x4112xi32, #tpu.memory_space<hbm>> -> memref<1x4112xi32, #tpu.memory_space<hbm>>
      %dma_start3A_32 = tpu.memref_squeeze %dma_start3A_31 : memref<1x4112xi32, #tpu.memory_space<hbm>> -> memref<4112xi32, #tpu.memory_space<hbm>>
      tpu.enqueue_dma source(%arg10 : memref<4112xi32, #tpu.memory_space<vmem>>) target(%dma_start3A_32 : memref<4112xi32, #tpu.memory_space<hbm>>) target_semaphore(%run_scoped3A : memref<!tpu.dma_semaphore, #tpu.memory_space<semaphore_mem>>)
      %dma_wait3A = arith.constant 0 : i32
      %dma_wait3A_33 = tpu.memref_slice %arg5[%add3A, %dma_wait3A] : memref<32x4112xi32, #tpu.memory_space<hbm>> -> memref<1x4112xi32, #tpu.memory_space<hbm>>
      %dma_wait3A_34 = tpu.memref_squeeze %dma_wait3A_33 : memref<1x4112xi32, #tpu.memory_space<hbm>> -> memref<4112xi32, #tpu.memory_space<hbm>>
      %dma_wait3A_35 = arith.constant 0 : i32
      %dma_wait3A_36 = tpu.memref_slice %arg5[%add3A, %dma_wait3A_35] : memref<32x4112xi32, #tpu.memory_space<hbm>> -> memref<1x4112xi32, #tpu.memory_space<hbm>>
      %dma_wait3A_37 = tpu.memref_squeeze %dma_wait3A_36 : memref<1x4112xi32, #tpu.memory_space<hbm>> -> memref<4112xi32, #tpu.memory_space<hbm>>
      tpu.wait_dma2 semaphore(%run_scoped3A : memref<!tpu.dma_semaphore, #tpu.memory_space<semaphore_mem>>) src(%arg10 : memref<4112xi32, #tpu.memory_space<vmem>>) dst(%dma_wait3A_37 : memref<4112xi32, #tpu.memory_space<hbm>>)
      tpu.yield
    }) : () -> ()
    "tpu.region"() ({
      %run_scoped3A = tpu.sem_alloc : memref<!tpu.dma_semaphore, #tpu.memory_space<semaphore_mem>>
      %dma_start3A = arith.constant 0 : i32
      %dma_start3A_28 = tpu.memref_slice %arg6[%add3A, %dma_start3A] : memref<32x16xi32, #tpu.memory_space<hbm>> -> memref<1x16xi32, #tpu.memory_space<hbm>>
      %dma_start3A_29 = tpu.memref_squeeze %dma_start3A_28 : memref<1x16xi32, #tpu.memory_space<hbm>> -> memref<16xi32, #tpu.memory_space<hbm>>
      %dma_start3A_30 = arith.constant 0 : i32
      %dma_start3A_31 = tpu.memref_slice %arg6[%add3A, %dma_start3A_30] : memref<32x16xi32, #tpu.memory_space<hbm>> -> memref<1x16xi32, #tpu.memory_space<hbm>>
      %dma_start3A_32 = tpu.memref_squeeze %dma_start3A_31 : memref<1x16xi32, #tpu.memory_space<hbm>> -> memref<16xi32, #tpu.memory_space<hbm>>
      tpu.enqueue_dma source(%arg11 : memref<16xi32, #tpu.memory_space<vmem>>) target(%dma_start3A_32 : memref<16xi32, #tpu.memory_space<hbm>>) target_semaphore(%run_scoped3A : memref<!tpu.dma_semaphore, #tpu.memory_space<semaphore_mem>>)
      %dma_wait3A = arith.constant 0 : i32
      %dma_wait3A_33 = tpu.memref_slice %arg6[%add3A, %dma_wait3A] : memref<32x16xi32, #tpu.memory_space<hbm>> -> memref<1x16xi32, #tpu.memory_space<hbm>>
      %dma_wait3A_34 = tpu.memref_squeeze %dma_wait3A_33 : memref<1x16xi32, #tpu.memory_space<hbm>> -> memref<16xi32, #tpu.memory_space<hbm>>
      %dma_wait3A_35 = arith.constant 0 : i32
      %dma_wait3A_36 = tpu.memref_slice %arg6[%add3A, %dma_wait3A_35] : memref<32x16xi32, #tpu.memory_space<hbm>> -> memref<1x16xi32, #tpu.memory_space<hbm>>
      %dma_wait3A_37 = tpu.memref_squeeze %dma_wait3A_36 : memref<1x16xi32, #tpu.memory_space<hbm>> -> memref<16xi32, #tpu.memory_space<hbm>>
      tpu.wait_dma2 semaphore(%run_scoped3A : memref<!tpu.dma_semaphore, #tpu.memory_space<semaphore_mem>>) src(%arg11 : memref<16xi32, #tpu.memory_space<vmem>>) dst(%dma_wait3A_37 : memref<16xi32, #tpu.memory_space<hbm>>)
      tpu.yield
    }) : () -> ()
    return
  }
}

module attributes {stable_mosaic.version = 14 : i64} {
  func.func @_raster_body(%arg0: i32, %arg1: memref<1x2x4112xi32, #tpu.memory_space<smem>>, %arg2: memref<16x2x16xi32, #tpu.memory_space<smem>>, %arg3: memref<8200xf32, #tpu.memory_space<smem>>, %arg4: memref<8200xf32, #tpu.memory_space<smem>>, %arg5: memref<8200xf32, #tpu.memory_space<smem>>, %arg6: memref<8200xf32, #tpu.memory_space<smem>>, %arg7: memref<8200xf32, #tpu.memory_space<smem>>, %arg8: memref<8200xf32, #tpu.memory_space<smem>>, %arg9: memref<8200xf32, #tpu.memory_space<smem>>, %arg10: memref<8200xf32, #tpu.memory_space<smem>>, %arg11: memref<8200xf32, #tpu.memory_space<smem>>, %arg12: memref<8x128xf32, #tpu.memory_space<vmem>>, %arg13: memref<8x128xf32, #tpu.memory_space<vmem>>, %arg14: memref<8x128xf32, #tpu.memory_space<vmem>>, %arg15: memref<8x128xf32, #tpu.memory_space<vmem>>) attributes {dimension_semantics = [#tpu.dimension_semantics<arbitrary>], iteration_bounds = array<i64: 16>, scalar_prefetch = 0 : i64, scratch_operands = 1 : i64, tpu.core_type = #tpu.core_type<tc>, window_params = [{transform_indices = @transform_0, window_bounds = array<i64: 1, 2, 4112>}, {transform_indices = @transform_1, window_bounds = array<i64: 16, 2, 16>}, {transform_indices = @transform_2, window_bounds = array<i64: 8200>}, {transform_indices = @transform_3, window_bounds = array<i64: 8200>}, {transform_indices = @transform_4, window_bounds = array<i64: 8200>}, {transform_indices = @transform_5, window_bounds = array<i64: 8200>}, {transform_indices = @transform_6, window_bounds = array<i64: 8200>}, {transform_indices = @transform_7, window_bounds = array<i64: 8200>}, {transform_indices = @transform_8, window_bounds = array<i64: 8200>}, {transform_indices = @transform_9, window_bounds = array<i64: 8200>}, {transform_indices = @transform_10, window_bounds = array<i64: 8200>}, {transform_indices = @transform_11, window_bounds = array<i64: 8, 128>}, {transform_indices = @transform_12, window_bounds = array<i64: 8, 128>}, {transform_indices = @transform_13, window_bounds = array<i64: 8, 128>}]} {
    %convert_element_type3A = arith.sitofp %arg0 : i32 to f32
    %mul3A = arith.constant 8.000000e+00 : f32
    %mul3A_0 = arith.mulf %convert_element_type3A, %mul3A : f32
    %add3A = arith.constant 5.000000e-01 : f32
    %add3A_1 = arith.addf %mul3A_0, %add3A : f32
    %iota3A = tpu.iota {dimensions = array<i32: 0>} : vector<8x128xi32>
    %convert_element_type3A_2 = arith.sitofp %iota3A : vector<8x128xi32> to vector<8x128xf32>
    %add3A_3 = vector.broadcast %add3A_1 : f32 to vector<8x128xf32>
    %add3A_4 = arith.addf %convert_element_type3A_2, %add3A_3 : vector<8x128xf32>
    %iota3A_5 = tpu.iota {dimensions = array<i32: 1>} : vector<8x128xi32>
    %convert_element_type3A_6 = arith.sitofp %iota3A_5 : vector<8x128xi32> to vector<8x128xf32>
    %add3A_7 = arith.constant 5.000000e-01 : f32
    %add3A_8 = vector.broadcast %add3A_7 : f32 to vector<8x128xf32>
    %add3A_9 = arith.addf %convert_element_type3A_6, %add3A_8 : vector<8x128xf32>
    %broadcast_in_dim3A = arith.constant 1.000000e+00 : f32
    %broadcast_in_dim3A_10 = vector.broadcast %broadcast_in_dim3A : f32 to vector<8x128xf32>
    %swap3A = arith.constant 0 : index
    %swap3A_11 = arith.constant 0 : index
    %swap3A_12 = vector.load %arg15[%swap3A, %swap3A_11] : memref<8x128xf32, #tpu.memory_space<vmem>>, vector<8x128xf32>
    tpu.vector_store %arg15[%swap3A, %swap3A_11], %broadcast_in_dim3A_10 {strides = array<i32>} : memref<8x128xf32, #tpu.memory_space<vmem>>, vector<8x128xf32>,
    %broadcast_in_dim3A_13 = arith.constant 0.000000e+00 : f32
    %broadcast_in_dim3A_14 = vector.broadcast %broadcast_in_dim3A_13 : f32 to vector<8x128xf32>
    %swap3A_15 = arith.constant 0 : index
    %swap3A_16 = arith.constant 0 : index
    %swap3A_17 = vector.load %arg12[%swap3A_15, %swap3A_16] : memref<8x128xf32, #tpu.memory_space<vmem>>, vector<8x128xf32>
    tpu.vector_store %arg12[%swap3A_15, %swap3A_16], %broadcast_in_dim3A_14 {strides = array<i32>} : memref<8x128xf32, #tpu.memory_space<vmem>>, vector<8x128xf32>,
    %swap3A_18 = arith.constant 0 : index
    %swap3A_19 = arith.constant 0 : index
    %swap3A_20 = vector.load %arg13[%swap3A_18, %swap3A_19] : memref<8x128xf32, #tpu.memory_space<vmem>>, vector<8x128xf32>
    tpu.vector_store %arg13[%swap3A_18, %swap3A_19], %broadcast_in_dim3A_14 {strides = array<i32>} : memref<8x128xf32, #tpu.memory_space<vmem>>, vector<8x128xf32>,
    %swap3A_21 = arith.constant 0 : index
    %swap3A_22 = arith.constant 0 : index
    %swap3A_23 = vector.load %arg14[%swap3A_21, %swap3A_22] : memref<8x128xf32, #tpu.memory_space<vmem>>, vector<8x128xf32>
    tpu.vector_store %arg14[%swap3A_21, %swap3A_22], %broadcast_in_dim3A_14 {strides = array<i32>} : memref<8x128xf32, #tpu.memory_space<vmem>>, vector<8x128xf32>,
    %get3A = arith.index_cast %arg0 : i32 to index
    %get3A_24 = arith.constant 0 : index
    %get3A_25 = arith.constant 0 : index
    %get3A_26 = memref.load %arg2[%get3A, %get3A_24, %get3A_25] : memref<16x2x16xi32, #tpu.memory_space<smem>>
    %add3A_27 = arith.constant 15 : i32
    %add3A_28 = arith.addi %get3A_26, %add3A_27 : i32
    %jit3A = arith.constant 16 : i32
    %div3A = arith.divsi %add3A_28, %jit3A : i32
    %sign3A = arith.constant 0 : i32
    %sign3A_29 = arith.cmpi sgt, %add3A_28, %sign3A : i32
    %sign3A_30 = arith.extui %sign3A_29 : i1 to i32
    %sign3A_31 = arith.constant 0 : i32
    %sign3A_32 = arith.cmpi slt, %add3A_28, %sign3A_31 : i32
    %sign3A_33 = arith.extui %sign3A_32 : i1 to i32
    %sign3A_34 = arith.subi %sign3A_30, %sign3A_33 : i32
    %sign3A_35 = arith.constant 0 : i32
    %sign3A_36 = arith.cmpi sgt, %jit3A, %sign3A_35 : i32
    %sign3A_37 = arith.extui %sign3A_36 : i1 to i32
    %sign3A_38 = arith.constant 0 : i32
    %sign3A_39 = arith.cmpi slt, %jit3A, %sign3A_38 : i32
    %sign3A_40 = arith.extui %sign3A_39 : i1 to i32
    %sign3A_41 = arith.subi %sign3A_37, %sign3A_40 : i32
    %ne3A = arith.cmpi ne, %sign3A_34, %sign3A_41 : i32
    %rem3A = arith.remsi %add3A_28, %jit3A : i32
    %ne3A_42 = arith.constant 0 : i32
    %ne3A_43 = arith.cmpi ne, %rem3A, %ne3A_42 : i32
    %and3A = arith.andi %ne3A, %ne3A_43 : i1
    %sub3A = arith.constant 1 : i32
    %sub3A_44 = arith.subi %div3A, %sub3A : i32
    %select_n3A = arith.select %and3A, %sub3A_44, %div3A : i32
    %while3A = arith.constant 0 : i32
    %while3A_45 = arith.constant 0 : i32
    %while3A_46 = arith.subi %select_n3A, %while3A : i32
    %while3A_47 = arith.addi %while3A, %while3A_46 : i32
    %while3A_48 = arith.constant 1 : i32
    %while3A_49 = arith.divsi %while3A_46, %while3A_48 : i32
    %while3A_50 = arith.muli %while3A_49, %while3A_48 : i32
    %while3A_51 = arith.addi %while3A, %while3A_50 : i32
    %while3A_52 = arith.constant 1 : i32
    %while3A_53 = scf.for %while3A_98 = %while3A to %while3A_51 step %while3A_52 iter_args(%while3A_99 = %while3A_45) -> (i32)  : i32 {
      %mul3A_100 = arith.constant 16 : i32
      %mul3A_101 = arith.muli %while3A_98, %mul3A_100 : i32
      %add3A_102 = arith.constant 0 : i32
      %add3A_103 = arith.addi %mul3A_101, %add3A_102 : i32
      %get3A_104 = arith.constant 0 : index
      %get3A_105 = arith.constant 0 : index
      %get3A_106 = arith.index_cast %add3A_103 : i32 to index
      %get3A_107 = memref.load %arg1[%get3A_104, %get3A_105, %get3A_106] : memref<1x2x4112xi32, #tpu.memory_space<smem>>
      %add3A_108 = arith.constant 1 : i32
      %add3A_109 = arith.addi %mul3A_101, %add3A_108 : i32
      %get3A_110 = arith.constant 0 : index
      %get3A_111 = arith.constant 0 : index
      %get3A_112 = arith.index_cast %add3A_109 : i32 to index
      %get3A_113 = memref.load %arg1[%get3A_110, %get3A_111, %get3A_112] : memref<1x2x4112xi32, #tpu.memory_space<smem>>
      %add3A_114 = arith.constant 2 : i32
      %add3A_115 = arith.addi %mul3A_101, %add3A_114 : i32
      %get3A_116 = arith.constant 0 : index
      %get3A_117 = arith.constant 0 : index
      %get3A_118 = arith.index_cast %add3A_115 : i32 to index
      %get3A_119 = memref.load %arg1[%get3A_116, %get3A_117, %get3A_118] : memref<1x2x4112xi32, #tpu.memory_space<smem>>
      %add3A_120 = arith.constant 3 : i32
      %add3A_121 = arith.addi %mul3A_101, %add3A_120 : i32
      %get3A_122 = arith.constant 0 : index
      %get3A_123 = arith.constant 0 : index
      %get3A_124 = arith.index_cast %add3A_121 : i32 to index
      %get3A_125 = memref.load %arg1[%get3A_122, %get3A_123, %get3A_124] : memref<1x2x4112xi32, #tpu.memory_space<smem>>
      %add3A_126 = arith.constant 4 : i32
      %add3A_127 = arith.addi %mul3A_101, %add3A_126 : i32
      %get3A_128 = arith.constant 0 : index
      %get3A_129 = arith.constant 0 : index
      %get3A_130 = arith.index_cast %add3A_127 : i32 to index
      %get3A_131 = memref.load %arg1[%get3A_128, %get3A_129, %get3A_130] : memref<1x2x4112xi32, #tpu.memory_space<smem>>
      %add3A_132 = arith.constant 5 : i32
      %add3A_133 = arith.addi %mul3A_101, %add3A_132 : i32
      %get3A_134 = arith.constant 0 : index
      %get3A_135 = arith.constant 0 : index
      %get3A_136 = arith.index_cast %add3A_133 : i32 to index
      %get3A_137 = memref.load %arg1[%get3A_134, %get3A_135, %get3A_136] : memref<1x2x4112xi32, #tpu.memory_space<smem>>
      %add3A_138 = arith.constant 6 : i32
      %add3A_139 = arith.addi %mul3A_101, %add3A_138 : i32
      %get3A_140 = arith.constant 0 : index
      %get3A_141 = arith.constant 0 : index
      %get3A_142 = arith.index_cast %add3A_139 : i32 to index
      %get3A_143 = memref.load %arg1[%get3A_140, %get3A_141, %get3A_142] : memref<1x2x4112xi32, #tpu.memory_space<smem>>
      %add3A_144 = arith.constant 7 : i32
      %add3A_145 = arith.addi %mul3A_101, %add3A_144 : i32
      %get3A_146 = arith.constant 0 : index
      %get3A_147 = arith.constant 0 : index
      %get3A_148 = arith.index_cast %add3A_145 : i32 to index
      %get3A_149 = memref.load %arg1[%get3A_146, %get3A_147, %get3A_148] : memref<1x2x4112xi32, #tpu.memory_space<smem>>
      %add3A_150 = arith.constant 8 : i32
      %add3A_151 = arith.addi %mul3A_101, %add3A_150 : i32
      %get3A_152 = arith.constant 0 : index
      %get3A_153 = arith.constant 0 : index
      %get3A_154 = arith.index_cast %add3A_151 : i32 to index
      %get3A_155 = memref.load %arg1[%get3A_152, %get3A_153, %get3A_154] : memref<1x2x4112xi32, #tpu.memory_space<smem>>
      %add3A_156 = arith.constant 9 : i32
      %add3A_157 = arith.addi %mul3A_101, %add3A_156 : i32
      %get3A_158 = arith.constant 0 : index
      %get3A_159 = arith.constant 0 : index
      %get3A_160 = arith.index_cast %add3A_157 : i32 to index
      %get3A_161 = memref.load %arg1[%get3A_158, %get3A_159, %get3A_160] : memref<1x2x4112xi32, #tpu.memory_space<smem>>
      %add3A_162 = arith.constant 10 : i32
      %add3A_163 = arith.addi %mul3A_101, %add3A_162 : i32
      %get3A_164 = arith.constant 0 : index
      %get3A_165 = arith.constant 0 : index
      %get3A_166 = arith.index_cast %add3A_163 : i32 to index
      %get3A_167 = memref.load %arg1[%get3A_164, %get3A_165, %get3A_166] : memref<1x2x4112xi32, #tpu.memory_space<smem>>
      %add3A_168 = arith.constant 11 : i32
      %add3A_169 = arith.addi %mul3A_101, %add3A_168 : i32
      %get3A_170 = arith.constant 0 : index
      %get3A_171 = arith.constant 0 : index
      %get3A_172 = arith.index_cast %add3A_169 : i32 to index
      %get3A_173 = memref.load %arg1[%get3A_170, %get3A_171, %get3A_172] : memref<1x2x4112xi32, #tpu.memory_space<smem>>
      %add3A_174 = arith.constant 12 : i32
      %add3A_175 = arith.addi %mul3A_101, %add3A_174 : i32
      %get3A_176 = arith.constant 0 : index
      %get3A_177 = arith.constant 0 : index
      %get3A_178 = arith.index_cast %add3A_175 : i32 to index
      %get3A_179 = memref.load %arg1[%get3A_176, %get3A_177, %get3A_178] : memref<1x2x4112xi32, #tpu.memory_space<smem>>
      %add3A_180 = arith.constant 13 : i32
      %add3A_181 = arith.addi %mul3A_101, %add3A_180 : i32
      %get3A_182 = arith.constant 0 : index
      %get3A_183 = arith.constant 0 : index
      %get3A_184 = arith.index_cast %add3A_181 : i32 to index
      %get3A_185 = memref.load %arg1[%get3A_182, %get3A_183, %get3A_184] : memref<1x2x4112xi32, #tpu.memory_space<smem>>
      %add3A_186 = arith.constant 14 : i32
      %add3A_187 = arith.addi %mul3A_101, %add3A_186 : i32
      %get3A_188 = arith.constant 0 : index
      %get3A_189 = arith.constant 0 : index
      %get3A_190 = arith.index_cast %add3A_187 : i32 to index
      %get3A_191 = memref.load %arg1[%get3A_188, %get3A_189, %get3A_190] : memref<1x2x4112xi32, #tpu.memory_space<smem>>
      %add3A_192 = arith.constant 15 : i32
      %add3A_193 = arith.addi %mul3A_101, %add3A_192 : i32
      %get3A_194 = arith.constant 0 : index
      %get3A_195 = arith.constant 0 : index
      %get3A_196 = arith.index_cast %add3A_193 : i32 to index
      %get3A_197 = memref.load %arg1[%get3A_194, %get3A_195, %get3A_196] : memref<1x2x4112xi32, #tpu.memory_space<smem>>
      %get3A_198 = arith.constant 0 : index
      %get3A_199 = arith.constant 0 : index
      %get3A_200 = vector.load %arg15[%get3A_198, %get3A_199] : memref<8x128xf32, #tpu.memory_space<vmem>>, vector<8x128xf32>
      %get3A_201 = arith.constant 0 : index
      %get3A_202 = arith.constant 0 : index
      %get3A_203 = vector.load %arg12[%get3A_201, %get3A_202] : memref<8x128xf32, #tpu.memory_space<vmem>>, vector<8x128xf32>
      %get3A_204 = arith.constant 0 : index
      %get3A_205 = arith.constant 0 : index
      %get3A_206 = vector.load %arg13[%get3A_204, %get3A_205] : memref<8x128xf32, #tpu.memory_space<vmem>>, vector<8x128xf32>
      %get3A_207 = arith.constant 0 : index
      %get3A_208 = arith.constant 0 : index
      %get3A_209 = vector.load %arg14[%get3A_207, %get3A_208] : memref<8x128xf32, #tpu.memory_space<vmem>>, vector<8x128xf32>
      %get3A_210 = arith.index_cast %get3A_107 : i32 to index
      %get3A_211 = memref.load %arg3[%get3A_210] : memref<8200xf32, #tpu.memory_space<smem>>
      %sub3A_212 = vector.broadcast %get3A_211 : f32 to vector<8x128xf32>
      %sub3A_213 = arith.subf %add3A_9, %sub3A_212 : vector<8x128xf32>
      %get3A_214 = arith.index_cast %get3A_107 : i32 to index
      %get3A_215 = memref.load %arg4[%get3A_214] : memref<8200xf32, #tpu.memory_space<smem>>
      %sub3A_216 = vector.broadcast %get3A_215 : f32 to vector<8x128xf32>
      %sub3A_217 = arith.subf %add3A_4, %sub3A_216 : vector<8x128xf32>
      %get3A_218 = arith.index_cast %get3A_107 : i32 to index
      %get3A_219 = memref.load %arg5[%get3A_218] : memref<8200xf32, #tpu.memory_space<smem>>
      %mul3A_220 = vector.broadcast %get3A_219 : f32 to vector<8x128xf32>
      %mul3A_221 = arith.mulf %mul3A_220, %sub3A_213 : vector<8x128xf32>
      %mul3A_222 = arith.mulf %mul3A_221, %sub3A_213 : vector<8x128xf32>
      %get3A_223 = arith.index_cast %get3A_107 : i32 to index
      %get3A_224 = memref.load %arg6[%get3A_223] : memref<8200xf32, #tpu.memory_space<smem>>
      %mul3A_225 = vector.broadcast %get3A_224 : f32 to vector<8x128xf32>
      %mul3A_226 = arith.mulf %mul3A_225, %sub3A_213 : vector<8x128xf32>
      %mul3A_227 = arith.mulf %mul3A_226, %sub3A_217 : vector<8x128xf32>
      %add3A_228 = arith.addf %mul3A_222, %mul3A_227 : vector<8x128xf32>
      %get3A_229 = arith.index_cast %get3A_107 : i32 to index
      %get3A_230 = memref.load %arg7[%get3A_229] : memref<8200xf32, #tpu.memory_space<smem>>
      %mul3A_231 = vector.broadcast %get3A_230 : f32 to vector<8x128xf32>
      %mul3A_232 = arith.mulf %mul3A_231, %sub3A_217 : vector<8x128xf32>
      %mul3A_233 = arith.mulf %mul3A_232, %sub3A_217 : vector<8x128xf32>
      %add3A_234 = arith.addf %add3A_228, %mul3A_233 : vector<8x128xf32>
      %get3A_235 = arith.index_cast %get3A_107 : i32 to index
      %get3A_236 = memref.load %arg8[%get3A_235] : memref<8200xf32, #tpu.memory_space<smem>>
      %exp3A = math.exp %add3A_234 : vector<8x128xf32>
      %mul3A_237 = vector.broadcast %get3A_236 : f32 to vector<8x128xf32>
      %mul3A_238 = arith.mulf %mul3A_237, %exp3A : vector<8x128xf32>
      %min3A = arith.constant 9.990000e-01 : f32
      %min3A_239 = vector.broadcast %min3A : f32 to vector<8x128xf32>
      %min3A_240 = arith.minimumf %mul3A_238, %min3A_239 : vector<8x128xf32>
      %ge3A = arith.constant 0.00392156886 : f32
      %ge3A_241 = vector.broadcast %ge3A : f32 to vector<8x128xf32>
      %ge3A_242 = arith.cmpf oge, %min3A_240, %ge3A_241 : vector<8x128xf32>
      %jit3A_243 = arith.constant 0.000000e+00 : f32
      %broadcast_in_dim3A_244 = vector.broadcast %jit3A_243 : f32 to vector<8x128xf32>
      %select_n3A_245 = arith.select %ge3A_242, %min3A_240, %broadcast_in_dim3A_244 : vector<8x128xi1>, vector<8x128xf32>
      %mul3A_246 = arith.mulf %select_n3A_245, %get3A_200 : vector<8x128xf32>
      %get3A_247 = arith.index_cast %get3A_107 : i32 to index
      %get3A_248 = memref.load %arg9[%get3A_247] : memref<8200xf32, #tpu.memory_space<smem>>
      %mul3A_249 = vector.broadcast %get3A_248 : f32 to vector<8x128xf32>
      %mul3A_250 = arith.mulf %mul3A_246, %mul3A_249 : vector<8x128xf32>
      %add3A_251 = arith.addf %get3A_203, %mul3A_250 : vector<8x128xf32>
      %get3A_252 = arith.index_cast %get3A_107 : i32 to index
      %get3A_253 = memref.load %arg10[%get3A_252] : memref<8200xf32, #tpu.memory_space<smem>>
      %mul3A_254 = vector.broadcast %get3A_253 : f32 to vector<8x128xf32>
      %mul3A_255 = arith.mulf %mul3A_246, %mul3A_254 : vector<8x128xf32>
      %add3A_256 = arith.addf %get3A_206, %mul3A_255 : vector<8x128xf32>
      %get3A_257 = arith.index_cast %get3A_107 : i32 to index
      %get3A_258 = memref.load %arg11[%get3A_257] : memref<8200xf32, #tpu.memory_space<smem>>
      %mul3A_259 = vector.broadcast %get3A_258 : f32 to vector<8x128xf32>
      %mul3A_260 = arith.mulf %mul3A_246, %mul3A_259 : vector<8x128xf32>
      %add3A_261 = arith.addf %get3A_209, %mul3A_260 : vector<8x128xf32>
      %sub3A_262 = arith.constant 1.000000e+00 : f32
      %sub3A_263 = vector.broadcast %sub3A_262 : f32 to vector<8x128xf32>
      %sub3A_264 = arith.subf %sub3A_263, %select_n3A_245 : vector<8x128xf32>
      %mul3A_265 = arith.mulf %get3A_200, %sub3A_264 : vector<8x128xf32>
      %get3A_266 = arith.index_cast %get3A_113 : i32 to index
      %get3A_267 = memref.load %arg3[%get3A_266] : memref<8200xf32, #tpu.memory_space<smem>>
      %sub3A_268 = vector.broadcast %get3A_267 : f32 to vector<8x128xf32>
      %sub3A_269 = arith.subf %add3A_9, %sub3A_268 : vector<8x128xf32>
      %get3A_270 = arith.index_cast %get3A_113 : i32 to index
      %get3A_271 = memref.load %arg4[%get3A_270] : memref<8200xf32, #tpu.memory_space<smem>>
      %sub3A_272 = vector.broadcast %get3A_271 : f32 to vector<8x128xf32>
      %sub3A_273 = arith.subf %add3A_4, %sub3A_272 : vector<8x128xf32>
      %get3A_274 = arith.index_cast %get3A_113 : i32 to index
      %get3A_275 = memref.load %arg5[%get3A_274] : memref<8200xf32, #tpu.memory_space<smem>>
      %mul3A_276 = vector.broadcast %get3A_275 : f32 to vector<8x128xf32>
      %mul3A_277 = arith.mulf %mul3A_276, %sub3A_269 : vector<8x128xf32>
      %mul3A_278 = arith.mulf %mul3A_277, %sub3A_269 : vector<8x128xf32>
      %get3A_279 = arith.index_cast %get3A_113 : i32 to index
      %get3A_280 = memref.load %arg6[%get3A_279] : memref<8200xf32, #tpu.memory_space<smem>>
      %mul3A_281 = vector.broadcast %get3A_280 : f32 to vector<8x128xf32>
      %mul3A_282 = arith.mulf %mul3A_281, %sub3A_269 : vector<8x128xf32>
      %mul3A_283 = arith.mulf %mul3A_282, %sub3A_273 : vector<8x128xf32>
      %add3A_284 = arith.addf %mul3A_278, %mul3A_283 : vector<8x128xf32>
      %get3A_285 = arith.index_cast %get3A_113 : i32 to index
      %get3A_286 = memref.load %arg7[%get3A_285] : memref<8200xf32, #tpu.memory_space<smem>>
      %mul3A_287 = vector.broadcast %get3A_286 : f32 to vector<8x128xf32>
      %mul3A_288 = arith.mulf %mul3A_287, %sub3A_273 : vector<8x128xf32>
      %mul3A_289 = arith.mulf %mul3A_288, %sub3A_273 : vector<8x128xf32>
      %add3A_290 = arith.addf %add3A_284, %mul3A_289 : vector<8x128xf32>
      %get3A_291 = arith.index_cast %get3A_113 : i32 to index
      %get3A_292 = memref.load %arg8[%get3A_291] : memref<8200xf32, #tpu.memory_space<smem>>
      %exp3A_293 = math.exp %add3A_290 : vector<8x128xf32>
      %mul3A_294 = vector.broadcast %get3A_292 : f32 to vector<8x128xf32>
      %mul3A_295 = arith.mulf %mul3A_294, %exp3A_293 : vector<8x128xf32>
      %min3A_296 = arith.constant 9.990000e-01 : f32
      %min3A_297 = vector.broadcast %min3A_296 : f32 to vector<8x128xf32>
      %min3A_298 = arith.minimumf %mul3A_295, %min3A_297 : vector<8x128xf32>
      %ge3A_299 = arith.constant 0.00392156886 : f32
      %ge3A_300 = vector.broadcast %ge3A_299 : f32 to vector<8x128xf32>
      %ge3A_301 = arith.cmpf oge, %min3A_298, %ge3A_300 : vector<8x128xf32>
      %jit3A_302 = arith.constant 0.000000e+00 : f32
      %broadcast_in_dim3A_303 = vector.broadcast %jit3A_302 : f32 to vector<8x128xf32>
      %select_n3A_304 = arith.select %ge3A_301, %min3A_298, %broadcast_in_dim3A_303 : vector<8x128xi1>, vector<8x128xf32>
      %mul3A_305 = arith.mulf %select_n3A_304, %mul3A_265 : vector<8x128xf32>
      %get3A_306 = arith.index_cast %get3A_113 : i32 to index
      %get3A_307 = memref.load %arg9[%get3A_306] : memref<8200xf32, #tpu.memory_space<smem>>
      %mul3A_308 = vector.broadcast %get3A_307 : f32 to vector<8x128xf32>
      %mul3A_309 = arith.mulf %mul3A_305, %mul3A_308 : vector<8x128xf32>
      %add3A_310 = arith.addf %add3A_251, %mul3A_309 : vector<8x128xf32>
      %get3A_311 = arith.index_cast %get3A_113 : i32 to index
      %get3A_312 = memref.load %arg10[%get3A_311] : memref<8200xf32, #tpu.memory_space<smem>>
      %mul3A_313 = vector.broadcast %get3A_312 : f32 to vector<8x128xf32>
      %mul3A_314 = arith.mulf %mul3A_305, %mul3A_313 : vector<8x128xf32>
      %add3A_315 = arith.addf %add3A_256, %mul3A_314 : vector<8x128xf32>
      %get3A_316 = arith.index_cast %get3A_113 : i32 to index
      %get3A_317 = memref.load %arg11[%get3A_316] : memref<8200xf32, #tpu.memory_space<smem>>
      %mul3A_318 = vector.broadcast %get3A_317 : f32 to vector<8x128xf32>
      %mul3A_319 = arith.mulf %mul3A_305, %mul3A_318 : vector<8x128xf32>
      %add3A_320 = arith.addf %add3A_261, %mul3A_319 : vector<8x128xf32>
      %sub3A_321 = arith.constant 1.000000e+00 : f32
      %sub3A_322 = vector.broadcast %sub3A_321 : f32 to vector<8x128xf32>
      %sub3A_323 = arith.subf %sub3A_322, %select_n3A_304 : vector<8x128xf32>
      %mul3A_324 = arith.mulf %mul3A_265, %sub3A_323 : vector<8x128xf32>
      %get3A_325 = arith.index_cast %get3A_119 : i32 to index
      %get3A_326 = memref.load %arg3[%get3A_325] : memref<8200xf32, #tpu.memory_space<smem>>
      %sub3A_327 = vector.broadcast %get3A_326 : f32 to vector<8x128xf32>
      %sub3A_328 = arith.subf %add3A_9, %sub3A_327 : vector<8x128xf32>
      %get3A_329 = arith.index_cast %get3A_119 : i32 to index
      %get3A_330 = memref.load %arg4[%get3A_329] : memref<8200xf32, #tpu.memory_space<smem>>
      %sub3A_331 = vector.broadcast %get3A_330 : f32 to vector<8x128xf32>
      %sub3A_332 = arith.subf %add3A_4, %sub3A_331 : vector<8x128xf32>
      %get3A_333 = arith.index_cast %get3A_119 : i32 to index
      %get3A_334 = memref.load %arg5[%get3A_333] : memref<8200xf32, #tpu.memory_space<smem>>
      %mul3A_335 = vector.broadcast %get3A_334 : f32 to vector<8x128xf32>
      %mul3A_336 = arith.mulf %mul3A_335, %sub3A_328 : vector<8x128xf32>
      %mul3A_337 = arith.mulf %mul3A_336, %sub3A_328 : vector<8x128xf32>
      %get3A_338 = arith.index_cast %get3A_119 : i32 to index
      %get3A_339 = memref.load %arg6[%get3A_338] : memref<8200xf32, #tpu.memory_space<smem>>
      %mul3A_340 = vector.broadcast %get3A_339 : f32 to vector<8x128xf32>
      %mul3A_341 = arith.mulf %mul3A_340, %sub3A_328 : vector<8x128xf32>
      %mul3A_342 = arith.mulf %mul3A_341, %sub3A_332 : vector<8x128xf32>
      %add3A_343 = arith.addf %mul3A_337, %mul3A_342 : vector<8x128xf32>
      %get3A_344 = arith.index_cast %get3A_119 : i32 to index
      %get3A_345 = memref.load %arg7[%get3A_344] : memref<8200xf32, #tpu.memory_space<smem>>
      %mul3A_346 = vector.broadcast %get3A_345 : f32 to vector<8x128xf32>
      %mul3A_347 = arith.mulf %mul3A_346, %sub3A_332 : vector<8x128xf32>
      %mul3A_348 = arith.mulf %mul3A_347, %sub3A_332 : vector<8x128xf32>
      %add3A_349 = arith.addf %add3A_343, %mul3A_348 : vector<8x128xf32>
      %get3A_350 = arith.index_cast %get3A_119 : i32 to index
      %get3A_351 = memref.load %arg8[%get3A_350] : memref<8200xf32, #tpu.memory_space<smem>>
      %exp3A_352 = math.exp %add3A_349 : vector<8x128xf32>
      %mul3A_353 = vector.broadcast %get3A_351 : f32 to vector<8x128xf32>
      %mul3A_354 = arith.mulf %mul3A_353, %exp3A_352 : vector<8x128xf32>
      %min3A_355 = arith.constant 9.990000e-01 : f32
      %min3A_356 = vector.broadcast %min3A_355 : f32 to vector<8x128xf32>
      %min3A_357 = arith.minimumf %mul3A_354, %min3A_356 : vector<8x128xf32>
      %ge3A_358 = arith.constant 0.00392156886 : f32
      %ge3A_359 = vector.broadcast %ge3A_358 : f32 to vector<8x128xf32>
      %ge3A_360 = arith.cmpf oge, %min3A_357, %ge3A_359 : vector<8x128xf32>
      %jit3A_361 = arith.constant 0.000000e+00 : f32
      %broadcast_in_dim3A_362 = vector.broadcast %jit3A_361 : f32 to vector<8x128xf32>
      %select_n3A_363 = arith.select %ge3A_360, %min3A_357, %broadcast_in_dim3A_362 : vector<8x128xi1>, vector<8x128xf32>
      %mul3A_364 = arith.mulf %select_n3A_363, %mul3A_324 : vector<8x128xf32>
      %get3A_365 = arith.index_cast %get3A_119 : i32 to index
      %get3A_366 = memref.load %arg9[%get3A_365] : memref<8200xf32, #tpu.memory_space<smem>>
      %mul3A_367 = vector.broadcast %get3A_366 : f32 to vector<8x128xf32>
      %mul3A_368 = arith.mulf %mul3A_364, %mul3A_367 : vector<8x128xf32>
      %add3A_369 = arith.addf %add3A_310, %mul3A_368 : vector<8x128xf32>
      %get3A_370 = arith.index_cast %get3A_119 : i32 to index
      %get3A_371 = memref.load %arg10[%get3A_370] : memref<8200xf32, #tpu.memory_space<smem>>
      %mul3A_372 = vector.broadcast %get3A_371 : f32 to vector<8x128xf32>
      %mul3A_373 = arith.mulf %mul3A_364, %mul3A_372 : vector<8x128xf32>
      %add3A_374 = arith.addf %add3A_315, %mul3A_373 : vector<8x128xf32>
      %get3A_375 = arith.index_cast %get3A_119 : i32 to index
      %get3A_376 = memref.load %arg11[%get3A_375] : memref<8200xf32, #tpu.memory_space<smem>>
      %mul3A_377 = vector.broadcast %get3A_376 : f32 to vector<8x128xf32>
      %mul3A_378 = arith.mulf %mul3A_364, %mul3A_377 : vector<8x128xf32>
      %add3A_379 = arith.addf %add3A_320, %mul3A_378 : vector<8x128xf32>
      %sub3A_380 = arith.constant 1.000000e+00 : f32
      %sub3A_381 = vector.broadcast %sub3A_380 : f32 to vector<8x128xf32>
      %sub3A_382 = arith.subf %sub3A_381, %select_n3A_363 : vector<8x128xf32>
      %mul3A_383 = arith.mulf %mul3A_324, %sub3A_382 : vector<8x128xf32>
      %get3A_384 = arith.index_cast %get3A_125 : i32 to index
      %get3A_385 = memref.load %arg3[%get3A_384] : memref<8200xf32, #tpu.memory_space<smem>>
      %sub3A_386 = vector.broadcast %get3A_385 : f32 to vector<8x128xf32>
      %sub3A_387 = arith.subf %add3A_9, %sub3A_386 : vector<8x128xf32>
      %get3A_388 = arith.index_cast %get3A_125 : i32 to index
      %get3A_389 = memref.load %arg4[%get3A_388] : memref<8200xf32, #tpu.memory_space<smem>>
      %sub3A_390 = vector.broadcast %get3A_389 : f32 to vector<8x128xf32>
      %sub3A_391 = arith.subf %add3A_4, %sub3A_390 : vector<8x128xf32>
      %get3A_392 = arith.index_cast %get3A_125 : i32 to index
      %get3A_393 = memref.load %arg5[%get3A_392] : memref<8200xf32, #tpu.memory_space<smem>>
      %mul3A_394 = vector.broadcast %get3A_393 : f32 to vector<8x128xf32>
      %mul3A_395 = arith.mulf %mul3A_394, %sub3A_387 : vector<8x128xf32>
      %mul3A_396 = arith.mulf %mul3A_395, %sub3A_387 : vector<8x128xf32>
      %get3A_397 = arith.index_cast %get3A_125 : i32 to index
      %get3A_398 = memref.load %arg6[%get3A_397] : memref<8200xf32, #tpu.memory_space<smem>>
      %mul3A_399 = vector.broadcast %get3A_398 : f32 to vector<8x128xf32>
      %mul3A_400 = arith.mulf %mul3A_399, %sub3A_387 : vector<8x128xf32>
      %mul3A_401 = arith.mulf %mul3A_400, %sub3A_391 : vector<8x128xf32>
      %add3A_402 = arith.addf %mul3A_396, %mul3A_401 : vector<8x128xf32>
      %get3A_403 = arith.index_cast %get3A_125 : i32 to index
      %get3A_404 = memref.load %arg7[%get3A_403] : memref<8200xf32, #tpu.memory_space<smem>>
      %mul3A_405 = vector.broadcast %get3A_404 : f32 to vector<8x128xf32>
      %mul3A_406 = arith.mulf %mul3A_405, %sub3A_391 : vector<8x128xf32>
      %mul3A_407 = arith.mulf %mul3A_406, %sub3A_391 : vector<8x128xf32>
      %add3A_408 = arith.addf %add3A_402, %mul3A_407 : vector<8x128xf32>
      %get3A_409 = arith.index_cast %get3A_125 : i32 to index
      %get3A_410 = memref.load %arg8[%get3A_409] : memref<8200xf32, #tpu.memory_space<smem>>
      %exp3A_411 = math.exp %add3A_408 : vector<8x128xf32>
      %mul3A_412 = vector.broadcast %get3A_410 : f32 to vector<8x128xf32>
      %mul3A_413 = arith.mulf %mul3A_412, %exp3A_411 : vector<8x128xf32>
      %min3A_414 = arith.constant 9.990000e-01 : f32
      %min3A_415 = vector.broadcast %min3A_414 : f32 to vector<8x128xf32>
      %min3A_416 = arith.minimumf %mul3A_413, %min3A_415 : vector<8x128xf32>
      %ge3A_417 = arith.constant 0.00392156886 : f32
      %ge3A_418 = vector.broadcast %ge3A_417 : f32 to vector<8x128xf32>
      %ge3A_419 = arith.cmpf oge, %min3A_416, %ge3A_418 : vector<8x128xf32>
      %jit3A_420 = arith.constant 0.000000e+00 : f32
      %broadcast_in_dim3A_421 = vector.broadcast %jit3A_420 : f32 to vector<8x128xf32>
      %select_n3A_422 = arith.select %ge3A_419, %min3A_416, %broadcast_in_dim3A_421 : vector<8x128xi1>, vector<8x128xf32>
      %mul3A_423 = arith.mulf %select_n3A_422, %mul3A_383 : vector<8x128xf32>
      %get3A_424 = arith.index_cast %get3A_125 : i32 to index
      %get3A_425 = memref.load %arg9[%get3A_424] : memref<8200xf32, #tpu.memory_space<smem>>
      %mul3A_426 = vector.broadcast %get3A_425 : f32 to vector<8x128xf32>
      %mul3A_427 = arith.mulf %mul3A_423, %mul3A_426 : vector<8x128xf32>
      %add3A_428 = arith.addf %add3A_369, %mul3A_427 : vector<8x128xf32>
      %get3A_429 = arith.index_cast %get3A_125 : i32 to index
      %get3A_430 = memref.load %arg10[%get3A_429] : memref<8200xf32, #tpu.memory_space<smem>>
      %mul3A_431 = vector.broadcast %get3A_430 : f32 to vector<8x128xf32>
      %mul3A_432 = arith.mulf %mul3A_423, %mul3A_431 : vector<8x128xf32>
      %add3A_433 = arith.addf %add3A_374, %mul3A_432 : vector<8x128xf32>
      %get3A_434 = arith.index_cast %get3A_125 : i32 to index
      %get3A_435 = memref.load %arg11[%get3A_434] : memref<8200xf32, #tpu.memory_space<smem>>
      %mul3A_436 = vector.broadcast %get3A_435 : f32 to vector<8x128xf32>
      %mul3A_437 = arith.mulf %mul3A_423, %mul3A_436 : vector<8x128xf32>
      %add3A_438 = arith.addf %add3A_379, %mul3A_437 : vector<8x128xf32>
      %sub3A_439 = arith.constant 1.000000e+00 : f32
      %sub3A_440 = vector.broadcast %sub3A_439 : f32 to vector<8x128xf32>
      %sub3A_441 = arith.subf %sub3A_440, %select_n3A_422 : vector<8x128xf32>
      %mul3A_442 = arith.mulf %mul3A_383, %sub3A_441 : vector<8x128xf32>
      %get3A_443 = arith.index_cast %get3A_131 : i32 to index
      %get3A_444 = memref.load %arg3[%get3A_443] : memref<8200xf32, #tpu.memory_space<smem>>
      %sub3A_445 = vector.broadcast %get3A_444 : f32 to vector<8x128xf32>
      %sub3A_446 = arith.subf %add3A_9, %sub3A_445 : vector<8x128xf32>
      %get3A_447 = arith.index_cast %get3A_131 : i32 to index
      %get3A_448 = memref.load %arg4[%get3A_447] : memref<8200xf32, #tpu.memory_space<smem>>
      %sub3A_449 = vector.broadcast %get3A_448 : f32 to vector<8x128xf32>
      %sub3A_450 = arith.subf %add3A_4, %sub3A_449 : vector<8x128xf32>
      %get3A_451 = arith.index_cast %get3A_131 : i32 to index
      %get3A_452 = memref.load %arg5[%get3A_451] : memref<8200xf32, #tpu.memory_space<smem>>
      %mul3A_453 = vector.broadcast %get3A_452 : f32 to vector<8x128xf32>
      %mul3A_454 = arith.mulf %mul3A_453, %sub3A_446 : vector<8x128xf32>
      %mul3A_455 = arith.mulf %mul3A_454, %sub3A_446 : vector<8x128xf32>
      %get3A_456 = arith.index_cast %get3A_131 : i32 to index
      %get3A_457 = memref.load %arg6[%get3A_456] : memref<8200xf32, #tpu.memory_space<smem>>
      %mul3A_458 = vector.broadcast %get3A_457 : f32 to vector<8x128xf32>
      %mul3A_459 = arith.mulf %mul3A_458, %sub3A_446 : vector<8x128xf32>
      %mul3A_460 = arith.mulf %mul3A_459, %sub3A_450 : vector<8x128xf32>
      %add3A_461 = arith.addf %mul3A_455, %mul3A_460 : vector<8x128xf32>
      %get3A_462 = arith.index_cast %get3A_131 : i32 to index
      %get3A_463 = memref.load %arg7[%get3A_462] : memref<8200xf32, #tpu.memory_space<smem>>
      %mul3A_464 = vector.broadcast %get3A_463 : f32 to vector<8x128xf32>
      %mul3A_465 = arith.mulf %mul3A_464, %sub3A_450 : vector<8x128xf32>
      %mul3A_466 = arith.mulf %mul3A_465, %sub3A_450 : vector<8x128xf32>
      %add3A_467 = arith.addf %add3A_461, %mul3A_466 : vector<8x128xf32>
      %get3A_468 = arith.index_cast %get3A_131 : i32 to index
      %get3A_469 = memref.load %arg8[%get3A_468] : memref<8200xf32, #tpu.memory_space<smem>>
      %exp3A_470 = math.exp %add3A_467 : vector<8x128xf32>
      %mul3A_471 = vector.broadcast %get3A_469 : f32 to vector<8x128xf32>
      %mul3A_472 = arith.mulf %mul3A_471, %exp3A_470 : vector<8x128xf32>
      %min3A_473 = arith.constant 9.990000e-01 : f32
      %min3A_474 = vector.broadcast %min3A_473 : f32 to vector<8x128xf32>
      %min3A_475 = arith.minimumf %mul3A_472, %min3A_474 : vector<8x128xf32>
      %ge3A_476 = arith.constant 0.00392156886 : f32
      %ge3A_477 = vector.broadcast %ge3A_476 : f32 to vector<8x128xf32>
      %ge3A_478 = arith.cmpf oge, %min3A_475, %ge3A_477 : vector<8x128xf32>
      %jit3A_479 = arith.constant 0.000000e+00 : f32
      %broadcast_in_dim3A_480 = vector.broadcast %jit3A_479 : f32 to vector<8x128xf32>
      %select_n3A_481 = arith.select %ge3A_478, %min3A_475, %broadcast_in_dim3A_480 : vector<8x128xi1>, vector<8x128xf32>
      %mul3A_482 = arith.mulf %select_n3A_481, %mul3A_442 : vector<8x128xf32>
      %get3A_483 = arith.index_cast %get3A_131 : i32 to index
      %get3A_484 = memref.load %arg9[%get3A_483] : memref<8200xf32, #tpu.memory_space<smem>>
      %mul3A_485 = vector.broadcast %get3A_484 : f32 to vector<8x128xf32>
      %mul3A_486 = arith.mulf %mul3A_482, %mul3A_485 : vector<8x128xf32>
      %add3A_487 = arith.addf %add3A_428, %mul3A_486 : vector<8x128xf32>
      %get3A_488 = arith.index_cast %get3A_131 : i32 to index
      %get3A_489 = memref.load %arg10[%get3A_488] : memref<8200xf32, #tpu.memory_space<smem>>
      %mul3A_490 = vector.broadcast %get3A_489 : f32 to vector<8x128xf32>
      %mul3A_491 = arith.mulf %mul3A_482, %mul3A_490 : vector<8x128xf32>
      %add3A_492 = arith.addf %add3A_433, %mul3A_491 : vector<8x128xf32>
      %get3A_493 = arith.index_cast %get3A_131 : i32 to index
      %get3A_494 = memref.load %arg11[%get3A_493] : memref<8200xf32, #tpu.memory_space<smem>>
      %mul3A_495 = vector.broadcast %get3A_494 : f32 to vector<8x128xf32>
      %mul3A_496 = arith.mulf %mul3A_482, %mul3A_495 : vector<8x128xf32>
      %add3A_497 = arith.addf %add3A_438, %mul3A_496 : vector<8x128xf32>
      %sub3A_498 = arith.constant 1.000000e+00 : f32
      %sub3A_499 = vector.broadcast %sub3A_498 : f32 to vector<8x128xf32>
      %sub3A_500 = arith.subf %sub3A_499, %select_n3A_481 : vector<8x128xf32>
      %mul3A_501 = arith.mulf %mul3A_442, %sub3A_500 : vector<8x128xf32>
      %get3A_502 = arith.index_cast %get3A_137 : i32 to index
      %get3A_503 = memref.load %arg3[%get3A_502] : memref<8200xf32, #tpu.memory_space<smem>>
      %sub3A_504 = vector.broadcast %get3A_503 : f32 to vector<8x128xf32>
      %sub3A_505 = arith.subf %add3A_9, %sub3A_504 : vector<8x128xf32>
      %get3A_506 = arith.index_cast %get3A_137 : i32 to index
      %get3A_507 = memref.load %arg4[%get3A_506] : memref<8200xf32, #tpu.memory_space<smem>>
      %sub3A_508 = vector.broadcast %get3A_507 : f32 to vector<8x128xf32>
      %sub3A_509 = arith.subf %add3A_4, %sub3A_508 : vector<8x128xf32>
      %get3A_510 = arith.index_cast %get3A_137 : i32 to index
      %get3A_511 = memref.load %arg5[%get3A_510] : memref<8200xf32, #tpu.memory_space<smem>>
      %mul3A_512 = vector.broadcast %get3A_511 : f32 to vector<8x128xf32>
      %mul3A_513 = arith.mulf %mul3A_512, %sub3A_505 : vector<8x128xf32>
      %mul3A_514 = arith.mulf %mul3A_513, %sub3A_505 : vector<8x128xf32>
      %get3A_515 = arith.index_cast %get3A_137 : i32 to index
      %get3A_516 = memref.load %arg6[%get3A_515] : memref<8200xf32, #tpu.memory_space<smem>>
      %mul3A_517 = vector.broadcast %get3A_516 : f32 to vector<8x128xf32>
      %mul3A_518 = arith.mulf %mul3A_517, %sub3A_505 : vector<8x128xf32>
      %mul3A_519 = arith.mulf %mul3A_518, %sub3A_509 : vector<8x128xf32>
      %add3A_520 = arith.addf %mul3A_514, %mul3A_519 : vector<8x128xf32>
      %get3A_521 = arith.index_cast %get3A_137 : i32 to index
      %get3A_522 = memref.load %arg7[%get3A_521] : memref<8200xf32, #tpu.memory_space<smem>>
      %mul3A_523 = vector.broadcast %get3A_522 : f32 to vector<8x128xf32>
      %mul3A_524 = arith.mulf %mul3A_523, %sub3A_509 : vector<8x128xf32>
      %mul3A_525 = arith.mulf %mul3A_524, %sub3A_509 : vector<8x128xf32>
      %add3A_526 = arith.addf %add3A_520, %mul3A_525 : vector<8x128xf32>
      %get3A_527 = arith.index_cast %get3A_137 : i32 to index
      %get3A_528 = memref.load %arg8[%get3A_527] : memref<8200xf32, #tpu.memory_space<smem>>
      %exp3A_529 = math.exp %add3A_526 : vector<8x128xf32>
      %mul3A_530 = vector.broadcast %get3A_528 : f32 to vector<8x128xf32>
      %mul3A_531 = arith.mulf %mul3A_530, %exp3A_529 : vector<8x128xf32>
      %min3A_532 = arith.constant 9.990000e-01 : f32
      %min3A_533 = vector.broadcast %min3A_532 : f32 to vector<8x128xf32>
      %min3A_534 = arith.minimumf %mul3A_531, %min3A_533 : vector<8x128xf32>
      %ge3A_535 = arith.constant 0.00392156886 : f32
      %ge3A_536 = vector.broadcast %ge3A_535 : f32 to vector<8x128xf32>
      %ge3A_537 = arith.cmpf oge, %min3A_534, %ge3A_536 : vector<8x128xf32>
      %jit3A_538 = arith.constant 0.000000e+00 : f32
      %broadcast_in_dim3A_539 = vector.broadcast %jit3A_538 : f32 to vector<8x128xf32>
      %select_n3A_540 = arith.select %ge3A_537, %min3A_534, %broadcast_in_dim3A_539 : vector<8x128xi1>, vector<8x128xf32>
      %mul3A_541 = arith.mulf %select_n3A_540, %mul3A_501 : vector<8x128xf32>
      %get3A_542 = arith.index_cast %get3A_137 : i32 to index
      %get3A_543 = memref.load %arg9[%get3A_542] : memref<8200xf32, #tpu.memory_space<smem>>
      %mul3A_544 = vector.broadcast %get3A_543 : f32 to vector<8x128xf32>
      %mul3A_545 = arith.mulf %mul3A_541, %mul3A_544 : vector<8x128xf32>
      %add3A_546 = arith.addf %add3A_487, %mul3A_545 : vector<8x128xf32>
      %get3A_547 = arith.index_cast %get3A_137 : i32 to index
      %get3A_548 = memref.load %arg10[%get3A_547] : memref<8200xf32, #tpu.memory_space<smem>>
      %mul3A_549 = vector.broadcast %get3A_548 : f32 to vector<8x128xf32>
      %mul3A_550 = arith.mulf %mul3A_541, %mul3A_549 : vector<8x128xf32>
      %add3A_551 = arith.addf %add3A_492, %mul3A_550 : vector<8x128xf32>
      %get3A_552 = arith.index_cast %get3A_137 : i32 to index
      %get3A_553 = memref.load %arg11[%get3A_552] : memref<8200xf32, #tpu.memory_space<smem>>
      %mul3A_554 = vector.broadcast %get3A_553 : f32 to vector<8x128xf32>
      %mul3A_555 = arith.mulf %mul3A_541, %mul3A_554 : vector<8x128xf32>
      %add3A_556 = arith.addf %add3A_497, %mul3A_555 : vector<8x128xf32>
      %sub3A_557 = arith.constant 1.000000e+00 : f32
      %sub3A_558 = vector.broadcast %sub3A_557 : f32 to vector<8x128xf32>
      %sub3A_559 = arith.subf %sub3A_558, %select_n3A_540 : vector<8x128xf32>
      %mul3A_560 = arith.mulf %mul3A_501, %sub3A_559 : vector<8x128xf32>
      %get3A_561 = arith.index_cast %get3A_143 : i32 to index
      %get3A_562 = memref.load %arg3[%get3A_561] : memref<8200xf32, #tpu.memory_space<smem>>
      %sub3A_563 = vector.broadcast %get3A_562 : f32 to vector<8x128xf32>
      %sub3A_564 = arith.subf %add3A_9, %sub3A_563 : vector<8x128xf32>
      %get3A_565 = arith.index_cast %get3A_143 : i32 to index
      %get3A_566 = memref.load %arg4[%get3A_565] : memref<8200xf32, #tpu.memory_space<smem>>
      %sub3A_567 = vector.broadcast %get3A_566 : f32 to vector<8x128xf32>
      %sub3A_568 = arith.subf %add3A_4, %sub3A_567 : vector<8x128xf32>
      %get3A_569 = arith.index_cast %get3A_143 : i32 to index
      %get3A_570 = memref.load %arg5[%get3A_569] : memref<8200xf32, #tpu.memory_space<smem>>
      %mul3A_571 = vector.broadcast %get3A_570 : f32 to vector<8x128xf32>
      %mul3A_572 = arith.mulf %mul3A_571, %sub3A_564 : vector<8x128xf32>
      %mul3A_573 = arith.mulf %mul3A_572, %sub3A_564 : vector<8x128xf32>
      %get3A_574 = arith.index_cast %get3A_143 : i32 to index
      %get3A_575 = memref.load %arg6[%get3A_574] : memref<8200xf32, #tpu.memory_space<smem>>
      %mul3A_576 = vector.broadcast %get3A_575 : f32 to vector<8x128xf32>
      %mul3A_577 = arith.mulf %mul3A_576, %sub3A_564 : vector<8x128xf32>
      %mul3A_578 = arith.mulf %mul3A_577, %sub3A_568 : vector<8x128xf32>
      %add3A_579 = arith.addf %mul3A_573, %mul3A_578 : vector<8x128xf32>
      %get3A_580 = arith.index_cast %get3A_143 : i32 to index
      %get3A_581 = memref.load %arg7[%get3A_580] : memref<8200xf32, #tpu.memory_space<smem>>
      %mul3A_582 = vector.broadcast %get3A_581 : f32 to vector<8x128xf32>
      %mul3A_583 = arith.mulf %mul3A_582, %sub3A_568 : vector<8x128xf32>
      %mul3A_584 = arith.mulf %mul3A_583, %sub3A_568 : vector<8x128xf32>
      %add3A_585 = arith.addf %add3A_579, %mul3A_584 : vector<8x128xf32>
      %get3A_586 = arith.index_cast %get3A_143 : i32 to index
      %get3A_587 = memref.load %arg8[%get3A_586] : memref<8200xf32, #tpu.memory_space<smem>>
      %exp3A_588 = math.exp %add3A_585 : vector<8x128xf32>
      %mul3A_589 = vector.broadcast %get3A_587 : f32 to vector<8x128xf32>
      %mul3A_590 = arith.mulf %mul3A_589, %exp3A_588 : vector<8x128xf32>
      %min3A_591 = arith.constant 9.990000e-01 : f32
      %min3A_592 = vector.broadcast %min3A_591 : f32 to vector<8x128xf32>
      %min3A_593 = arith.minimumf %mul3A_590, %min3A_592 : vector<8x128xf32>
      %ge3A_594 = arith.constant 0.00392156886 : f32
      %ge3A_595 = vector.broadcast %ge3A_594 : f32 to vector<8x128xf32>
      %ge3A_596 = arith.cmpf oge, %min3A_593, %ge3A_595 : vector<8x128xf32>
      %jit3A_597 = arith.constant 0.000000e+00 : f32
      %broadcast_in_dim3A_598 = vector.broadcast %jit3A_597 : f32 to vector<8x128xf32>
      %select_n3A_599 = arith.select %ge3A_596, %min3A_593, %broadcast_in_dim3A_598 : vector<8x128xi1>, vector<8x128xf32>
      %mul3A_600 = arith.mulf %select_n3A_599, %mul3A_560 : vector<8x128xf32>
      %get3A_601 = arith.index_cast %get3A_143 : i32 to index
      %get3A_602 = memref.load %arg9[%get3A_601] : memref<8200xf32, #tpu.memory_space<smem>>
      %mul3A_603 = vector.broadcast %get3A_602 : f32 to vector<8x128xf32>
      %mul3A_604 = arith.mulf %mul3A_600, %mul3A_603 : vector<8x128xf32>
      %add3A_605 = arith.addf %add3A_546, %mul3A_604 : vector<8x128xf32>
      %get3A_606 = arith.index_cast %get3A_143 : i32 to index
      %get3A_607 = memref.load %arg10[%get3A_606] : memref<8200xf32, #tpu.memory_space<smem>>
      %mul3A_608 = vector.broadcast %get3A_607 : f32 to vector<8x128xf32>
      %mul3A_609 = arith.mulf %mul3A_600, %mul3A_608 : vector<8x128xf32>
      %add3A_610 = arith.addf %add3A_551, %mul3A_609 : vector<8x128xf32>
      %get3A_611 = arith.index_cast %get3A_143 : i32 to index
      %get3A_612 = memref.load %arg11[%get3A_611] : memref<8200xf32, #tpu.memory_space<smem>>
      %mul3A_613 = vector.broadcast %get3A_612 : f32 to vector<8x128xf32>
      %mul3A_614 = arith.mulf %mul3A_600, %mul3A_613 : vector<8x128xf32>
      %add3A_615 = arith.addf %add3A_556, %mul3A_614 : vector<8x128xf32>
      %sub3A_616 = arith.constant 1.000000e+00 : f32
      %sub3A_617 = vector.broadcast %sub3A_616 : f32 to vector<8x128xf32>
      %sub3A_618 = arith.subf %sub3A_617, %select_n3A_599 : vector<8x128xf32>
      %mul3A_619 = arith.mulf %mul3A_560, %sub3A_618 : vector<8x128xf32>
      %get3A_620 = arith.index_cast %get3A_149 : i32 to index
      %get3A_621 = memref.load %arg3[%get3A_620] : memref<8200xf32, #tpu.memory_space<smem>>
      %sub3A_622 = vector.broadcast %get3A_621 : f32 to vector<8x128xf32>
      %sub3A_623 = arith.subf %add3A_9, %sub3A_622 : vector<8x128xf32>
      %get3A_624 = arith.index_cast %get3A_149 : i32 to index
      %get3A_625 = memref.load %arg4[%get3A_624] : memref<8200xf32, #tpu.memory_space<smem>>
      %sub3A_626 = vector.broadcast %get3A_625 : f32 to vector<8x128xf32>
      %sub3A_627 = arith.subf %add3A_4, %sub3A_626 : vector<8x128xf32>
      %get3A_628 = arith.index_cast %get3A_149 : i32 to index
      %get3A_629 = memref.load %arg5[%get3A_628] : memref<8200xf32, #tpu.memory_space<smem>>
      %mul3A_630 = vector.broadcast %get3A_629 : f32 to vector<8x128xf32>
      %mul3A_631 = arith.mulf %mul3A_630, %sub3A_623 : vector<8x128xf32>
      %mul3A_632 = arith.mulf %mul3A_631, %sub3A_623 : vector<8x128xf32>
      %get3A_633 = arith.index_cast %get3A_149 : i32 to index
      %get3A_634 = memref.load %arg6[%get3A_633] : memref<8200xf32, #tpu.memory_space<smem>>
      %mul3A_635 = vector.broadcast %get3A_634 : f32 to vector<8x128xf32>
      %mul3A_636 = arith.mulf %mul3A_635, %sub3A_623 : vector<8x128xf32>
      %mul3A_637 = arith.mulf %mul3A_636, %sub3A_627 : vector<8x128xf32>
      %add3A_638 = arith.addf %mul3A_632, %mul3A_637 : vector<8x128xf32>
      %get3A_639 = arith.index_cast %get3A_149 : i32 to index
      %get3A_640 = memref.load %arg7[%get3A_639] : memref<8200xf32, #tpu.memory_space<smem>>
      %mul3A_641 = vector.broadcast %get3A_640 : f32 to vector<8x128xf32>
      %mul3A_642 = arith.mulf %mul3A_641, %sub3A_627 : vector<8x128xf32>
      %mul3A_643 = arith.mulf %mul3A_642, %sub3A_627 : vector<8x128xf32>
      %add3A_644 = arith.addf %add3A_638, %mul3A_643 : vector<8x128xf32>
      %get3A_645 = arith.index_cast %get3A_149 : i32 to index
      %get3A_646 = memref.load %arg8[%get3A_645] : memref<8200xf32, #tpu.memory_space<smem>>
      %exp3A_647 = math.exp %add3A_644 : vector<8x128xf32>
      %mul3A_648 = vector.broadcast %get3A_646 : f32 to vector<8x128xf32>
      %mul3A_649 = arith.mulf %mul3A_648, %exp3A_647 : vector<8x128xf32>
      %min3A_650 = arith.constant 9.990000e-01 : f32
      %min3A_651 = vector.broadcast %min3A_650 : f32 to vector<8x128xf32>
      %min3A_652 = arith.minimumf %mul3A_649, %min3A_651 : vector<8x128xf32>
      %ge3A_653 = arith.constant 0.00392156886 : f32
      %ge3A_654 = vector.broadcast %ge3A_653 : f32 to vector<8x128xf32>
      %ge3A_655 = arith.cmpf oge, %min3A_652, %ge3A_654 : vector<8x128xf32>
      %jit3A_656 = arith.constant 0.000000e+00 : f32
      %broadcast_in_dim3A_657 = vector.broadcast %jit3A_656 : f32 to vector<8x128xf32>
      %select_n3A_658 = arith.select %ge3A_655, %min3A_652, %broadcast_in_dim3A_657 : vector<8x128xi1>, vector<8x128xf32>
      %mul3A_659 = arith.mulf %select_n3A_658, %mul3A_619 : vector<8x128xf32>
      %get3A_660 = arith.index_cast %get3A_149 : i32 to index
      %get3A_661 = memref.load %arg9[%get3A_660] : memref<8200xf32, #tpu.memory_space<smem>>
      %mul3A_662 = vector.broadcast %get3A_661 : f32 to vector<8x128xf32>
      %mul3A_663 = arith.mulf %mul3A_659, %mul3A_662 : vector<8x128xf32>
      %add3A_664 = arith.addf %add3A_605, %mul3A_663 : vector<8x128xf32>
      %get3A_665 = arith.index_cast %get3A_149 : i32 to index
      %get3A_666 = memref.load %arg10[%get3A_665] : memref<8200xf32, #tpu.memory_space<smem>>
      %mul3A_667 = vector.broadcast %get3A_666 : f32 to vector<8x128xf32>
      %mul3A_668 = arith.mulf %mul3A_659, %mul3A_667 : vector<8x128xf32>
      %add3A_669 = arith.addf %add3A_610, %mul3A_668 : vector<8x128xf32>
      %get3A_670 = arith.index_cast %get3A_149 : i32 to index
      %get3A_671 = memref.load %arg11[%get3A_670] : memref<8200xf32, #tpu.memory_space<smem>>
      %mul3A_672 = vector.broadcast %get3A_671 : f32 to vector<8x128xf32>
      %mul3A_673 = arith.mulf %mul3A_659, %mul3A_672 : vector<8x128xf32>
      %add3A_674 = arith.addf %add3A_615, %mul3A_673 : vector<8x128xf32>
      %sub3A_675 = arith.constant 1.000000e+00 : f32
      %sub3A_676 = vector.broadcast %sub3A_675 : f32 to vector<8x128xf32>
      %sub3A_677 = arith.subf %sub3A_676, %select_n3A_658 : vector<8x128xf32>
      %mul3A_678 = arith.mulf %mul3A_619, %sub3A_677 : vector<8x128xf32>
      %get3A_679 = arith.index_cast %get3A_155 : i32 to index
      %get3A_680 = memref.load %arg3[%get3A_679] : memref<8200xf32, #tpu.memory_space<smem>>
      %sub3A_681 = vector.broadcast %get3A_680 : f32 to vector<8x128xf32>
      %sub3A_682 = arith.subf %add3A_9, %sub3A_681 : vector<8x128xf32>
      %get3A_683 = arith.index_cast %get3A_155 : i32 to index
      %get3A_684 = memref.load %arg4[%get3A_683] : memref<8200xf32, #tpu.memory_space<smem>>
      %sub3A_685 = vector.broadcast %get3A_684 : f32 to vector<8x128xf32>
      %sub3A_686 = arith.subf %add3A_4, %sub3A_685 : vector<8x128xf32>
      %get3A_687 = arith.index_cast %get3A_155 : i32 to index
      %get3A_688 = memref.load %arg5[%get3A_687] : memref<8200xf32, #tpu.memory_space<smem>>
      %mul3A_689 = vector.broadcast %get3A_688 : f32 to vector<8x128xf32>
      %mul3A_690 = arith.mulf %mul3A_689, %sub3A_682 : vector<8x128xf32>
      %mul3A_691 = arith.mulf %mul3A_690, %sub3A_682 : vector<8x128xf32>
      %get3A_692 = arith.index_cast %get3A_155 : i32 to index
      %get3A_693 = memref.load %arg6[%get3A_692] : memref<8200xf32, #tpu.memory_space<smem>>
      %mul3A_694 = vector.broadcast %get3A_693 : f32 to vector<8x128xf32>
      %mul3A_695 = arith.mulf %mul3A_694, %sub3A_682 : vector<8x128xf32>
      %mul3A_696 = arith.mulf %mul3A_695, %sub3A_686 : vector<8x128xf32>
      %add3A_697 = arith.addf %mul3A_691, %mul3A_696 : vector<8x128xf32>
      %get3A_698 = arith.index_cast %get3A_155 : i32 to index
      %get3A_699 = memref.load %arg7[%get3A_698] : memref<8200xf32, #tpu.memory_space<smem>>
      %mul3A_700 = vector.broadcast %get3A_699 : f32 to vector<8x128xf32>
      %mul3A_701 = arith.mulf %mul3A_700, %sub3A_686 : vector<8x128xf32>
      %mul3A_702 = arith.mulf %mul3A_701, %sub3A_686 : vector<8x128xf32>
      %add3A_703 = arith.addf %add3A_697, %mul3A_702 : vector<8x128xf32>
      %get3A_704 = arith.index_cast %get3A_155 : i32 to index
      %get3A_705 = memref.load %arg8[%get3A_704] : memref<8200xf32, #tpu.memory_space<smem>>
      %exp3A_706 = math.exp %add3A_703 : vector<8x128xf32>
      %mul3A_707 = vector.broadcast %get3A_705 : f32 to vector<8x128xf32>
      %mul3A_708 = arith.mulf %mul3A_707, %exp3A_706 : vector<8x128xf32>
      %min3A_709 = arith.constant 9.990000e-01 : f32
      %min3A_710 = vector.broadcast %min3A_709 : f32 to vector<8x128xf32>
      %min3A_711 = arith.minimumf %mul3A_708, %min3A_710 : vector<8x128xf32>
      %ge3A_712 = arith.constant 0.00392156886 : f32
      %ge3A_713 = vector.broadcast %ge3A_712 : f32 to vector<8x128xf32>
      %ge3A_714 = arith.cmpf oge, %min3A_711, %ge3A_713 : vector<8x128xf32>
      %jit3A_715 = arith.constant 0.000000e+00 : f32
      %broadcast_in_dim3A_716 = vector.broadcast %jit3A_715 : f32 to vector<8x128xf32>
      %select_n3A_717 = arith.select %ge3A_714, %min3A_711, %broadcast_in_dim3A_716 : vector<8x128xi1>, vector<8x128xf32>
      %mul3A_718 = arith.mulf %select_n3A_717, %mul3A_678 : vector<8x128xf32>
      %get3A_719 = arith.index_cast %get3A_155 : i32 to index
      %get3A_720 = memref.load %arg9[%get3A_719] : memref<8200xf32, #tpu.memory_space<smem>>
      %mul3A_721 = vector.broadcast %get3A_720 : f32 to vector<8x128xf32>
      %mul3A_722 = arith.mulf %mul3A_718, %mul3A_721 : vector<8x128xf32>
      %add3A_723 = arith.addf %add3A_664, %mul3A_722 : vector<8x128xf32>
      %get3A_724 = arith.index_cast %get3A_155 : i32 to index
      %get3A_725 = memref.load %arg10[%get3A_724] : memref<8200xf32, #tpu.memory_space<smem>>
      %mul3A_726 = vector.broadcast %get3A_725 : f32 to vector<8x128xf32>
      %mul3A_727 = arith.mulf %mul3A_718, %mul3A_726 : vector<8x128xf32>
      %add3A_728 = arith.addf %add3A_669, %mul3A_727 : vector<8x128xf32>
      %get3A_729 = arith.index_cast %get3A_155 : i32 to index
      %get3A_730 = memref.load %arg11[%get3A_729] : memref<8200xf32, #tpu.memory_space<smem>>
      %mul3A_731 = vector.broadcast %get3A_730 : f32 to vector<8x128xf32>
      %mul3A_732 = arith.mulf %mul3A_718, %mul3A_731 : vector<8x128xf32>
      %add3A_733 = arith.addf %add3A_674, %mul3A_732 : vector<8x128xf32>
      %sub3A_734 = arith.constant 1.000000e+00 : f32
      %sub3A_735 = vector.broadcast %sub3A_734 : f32 to vector<8x128xf32>
      %sub3A_736 = arith.subf %sub3A_735, %select_n3A_717 : vector<8x128xf32>
      %mul3A_737 = arith.mulf %mul3A_678, %sub3A_736 : vector<8x128xf32>
      %get3A_738 = arith.index_cast %get3A_161 : i32 to index
      %get3A_739 = memref.load %arg3[%get3A_738] : memref<8200xf32, #tpu.memory_space<smem>>
      %sub3A_740 = vector.broadcast %get3A_739 : f32 to vector<8x128xf32>
      %sub3A_741 = arith.subf %add3A_9, %sub3A_740 : vector<8x128xf32>
      %get3A_742 = arith.index_cast %get3A_161 : i32 to index
      %get3A_743 = memref.load %arg4[%get3A_742] : memref<8200xf32, #tpu.memory_space<smem>>
      %sub3A_744 = vector.broadcast %get3A_743 : f32 to vector<8x128xf32>
      %sub3A_745 = arith.subf %add3A_4, %sub3A_744 : vector<8x128xf32>
      %get3A_746 = arith.index_cast %get3A_161 : i32 to index
      %get3A_747 = memref.load %arg5[%get3A_746] : memref<8200xf32, #tpu.memory_space<smem>>
      %mul3A_748 = vector.broadcast %get3A_747 : f32 to vector<8x128xf32>
      %mul3A_749 = arith.mulf %mul3A_748, %sub3A_741 : vector<8x128xf32>
      %mul3A_750 = arith.mulf %mul3A_749, %sub3A_741 : vector<8x128xf32>
      %get3A_751 = arith.index_cast %get3A_161 : i32 to index
      %get3A_752 = memref.load %arg6[%get3A_751] : memref<8200xf32, #tpu.memory_space<smem>>
      %mul3A_753 = vector.broadcast %get3A_752 : f32 to vector<8x128xf32>
      %mul3A_754 = arith.mulf %mul3A_753, %sub3A_741 : vector<8x128xf32>
      %mul3A_755 = arith.mulf %mul3A_754, %sub3A_745 : vector<8x128xf32>
      %add3A_756 = arith.addf %mul3A_750, %mul3A_755 : vector<8x128xf32>
      %get3A_757 = arith.index_cast %get3A_161 : i32 to index
      %get3A_758 = memref.load %arg7[%get3A_757] : memref<8200xf32, #tpu.memory_space<smem>>
      %mul3A_759 = vector.broadcast %get3A_758 : f32 to vector<8x128xf32>
      %mul3A_760 = arith.mulf %mul3A_759, %sub3A_745 : vector<8x128xf32>
      %mul3A_761 = arith.mulf %mul3A_760, %sub3A_745 : vector<8x128xf32>
      %add3A_762 = arith.addf %add3A_756, %mul3A_761 : vector<8x128xf32>
      %get3A_763 = arith.index_cast %get3A_161 : i32 to index
      %get3A_764 = memref.load %arg8[%get3A_763] : memref<8200xf32, #tpu.memory_space<smem>>
      %exp3A_765 = math.exp %add3A_762 : vector<8x128xf32>
      %mul3A_766 = vector.broadcast %get3A_764 : f32 to vector<8x128xf32>
      %mul3A_767 = arith.mulf %mul3A_766, %exp3A_765 : vector<8x128xf32>
      %min3A_768 = arith.constant 9.990000e-01 : f32
      %min3A_769 = vector.broadcast %min3A_768 : f32 to vector<8x128xf32>
      %min3A_770 = arith.minimumf %mul3A_767, %min3A_769 : vector<8x128xf32>
      %ge3A_771 = arith.constant 0.00392156886 : f32
      %ge3A_772 = vector.broadcast %ge3A_771 : f32 to vector<8x128xf32>
      %ge3A_773 = arith.cmpf oge, %min3A_770, %ge3A_772 : vector<8x128xf32>
      %jit3A_774 = arith.constant 0.000000e+00 : f32
      %broadcast_in_dim3A_775 = vector.broadcast %jit3A_774 : f32 to vector<8x128xf32>
      %select_n3A_776 = arith.select %ge3A_773, %min3A_770, %broadcast_in_dim3A_775 : vector<8x128xi1>, vector<8x128xf32>
      %mul3A_777 = arith.mulf %select_n3A_776, %mul3A_737 : vector<8x128xf32>
      %get3A_778 = arith.index_cast %get3A_161 : i32 to index
      %get3A_779 = memref.load %arg9[%get3A_778] : memref<8200xf32, #tpu.memory_space<smem>>
      %mul3A_780 = vector.broadcast %get3A_779 : f32 to vector<8x128xf32>
      %mul3A_781 = arith.mulf %mul3A_777, %mul3A_780 : vector<8x128xf32>
      %add3A_782 = arith.addf %add3A_723, %mul3A_781 : vector<8x128xf32>
      %get3A_783 = arith.index_cast %get3A_161 : i32 to index
      %get3A_784 = memref.load %arg10[%get3A_783] : memref<8200xf32, #tpu.memory_space<smem>>
      %mul3A_785 = vector.broadcast %get3A_784 : f32 to vector<8x128xf32>
      %mul3A_786 = arith.mulf %mul3A_777, %mul3A_785 : vector<8x128xf32>
      %add3A_787 = arith.addf %add3A_728, %mul3A_786 : vector<8x128xf32>
      %get3A_788 = arith.index_cast %get3A_161 : i32 to index
      %get3A_789 = memref.load %arg11[%get3A_788] : memref<8200xf32, #tpu.memory_space<smem>>
      %mul3A_790 = vector.broadcast %get3A_789 : f32 to vector<8x128xf32>
      %mul3A_791 = arith.mulf %mul3A_777, %mul3A_790 : vector<8x128xf32>
      %add3A_792 = arith.addf %add3A_733, %mul3A_791 : vector<8x128xf32>
      %sub3A_793 = arith.constant 1.000000e+00 : f32
      %sub3A_794 = vector.broadcast %sub3A_793 : f32 to vector<8x128xf32>
      %sub3A_795 = arith.subf %sub3A_794, %select_n3A_776 : vector<8x128xf32>
      %mul3A_796 = arith.mulf %mul3A_737, %sub3A_795 : vector<8x128xf32>
      %get3A_797 = arith.index_cast %get3A_167 : i32 to index
      %get3A_798 = memref.load %arg3[%get3A_797] : memref<8200xf32, #tpu.memory_space<smem>>
      %sub3A_799 = vector.broadcast %get3A_798 : f32 to vector<8x128xf32>
      %sub3A_800 = arith.subf %add3A_9, %sub3A_799 : vector<8x128xf32>
      %get3A_801 = arith.index_cast %get3A_167 : i32 to index
      %get3A_802 = memref.load %arg4[%get3A_801] : memref<8200xf32, #tpu.memory_space<smem>>
      %sub3A_803 = vector.broadcast %get3A_802 : f32 to vector<8x128xf32>
      %sub3A_804 = arith.subf %add3A_4, %sub3A_803 : vector<8x128xf32>
      %get3A_805 = arith.index_cast %get3A_167 : i32 to index
      %get3A_806 = memref.load %arg5[%get3A_805] : memref<8200xf32, #tpu.memory_space<smem>>
      %mul3A_807 = vector.broadcast %get3A_806 : f32 to vector<8x128xf32>
      %mul3A_808 = arith.mulf %mul3A_807, %sub3A_800 : vector<8x128xf32>
      %mul3A_809 = arith.mulf %mul3A_808, %sub3A_800 : vector<8x128xf32>
      %get3A_810 = arith.index_cast %get3A_167 : i32 to index
      %get3A_811 = memref.load %arg6[%get3A_810] : memref<8200xf32, #tpu.memory_space<smem>>
      %mul3A_812 = vector.broadcast %get3A_811 : f32 to vector<8x128xf32>
      %mul3A_813 = arith.mulf %mul3A_812, %sub3A_800 : vector<8x128xf32>
      %mul3A_814 = arith.mulf %mul3A_813, %sub3A_804 : vector<8x128xf32>
      %add3A_815 = arith.addf %mul3A_809, %mul3A_814 : vector<8x128xf32>
      %get3A_816 = arith.index_cast %get3A_167 : i32 to index
      %get3A_817 = memref.load %arg7[%get3A_816] : memref<8200xf32, #tpu.memory_space<smem>>
      %mul3A_818 = vector.broadcast %get3A_817 : f32 to vector<8x128xf32>
      %mul3A_819 = arith.mulf %mul3A_818, %sub3A_804 : vector<8x128xf32>
      %mul3A_820 = arith.mulf %mul3A_819, %sub3A_804 : vector<8x128xf32>
      %add3A_821 = arith.addf %add3A_815, %mul3A_820 : vector<8x128xf32>
      %get3A_822 = arith.index_cast %get3A_167 : i32 to index
      %get3A_823 = memref.load %arg8[%get3A_822] : memref<8200xf32, #tpu.memory_space<smem>>
      %exp3A_824 = math.exp %add3A_821 : vector<8x128xf32>
      %mul3A_825 = vector.broadcast %get3A_823 : f32 to vector<8x128xf32>
      %mul3A_826 = arith.mulf %mul3A_825, %exp3A_824 : vector<8x128xf32>
      %min3A_827 = arith.constant 9.990000e-01 : f32
      %min3A_828 = vector.broadcast %min3A_827 : f32 to vector<8x128xf32>
      %min3A_829 = arith.minimumf %mul3A_826, %min3A_828 : vector<8x128xf32>
      %ge3A_830 = arith.constant 0.00392156886 : f32
      %ge3A_831 = vector.broadcast %ge3A_830 : f32 to vector<8x128xf32>
      %ge3A_832 = arith.cmpf oge, %min3A_829, %ge3A_831 : vector<8x128xf32>
      %jit3A_833 = arith.constant 0.000000e+00 : f32
      %broadcast_in_dim3A_834 = vector.broadcast %jit3A_833 : f32 to vector<8x128xf32>
      %select_n3A_835 = arith.select %ge3A_832, %min3A_829, %broadcast_in_dim3A_834 : vector<8x128xi1>, vector<8x128xf32>
      %mul3A_836 = arith.mulf %select_n3A_835, %mul3A_796 : vector<8x128xf32>
      %get3A_837 = arith.index_cast %get3A_167 : i32 to index
      %get3A_838 = memref.load %arg9[%get3A_837] : memref<8200xf32, #tpu.memory_space<smem>>
      %mul3A_839 = vector.broadcast %get3A_838 : f32 to vector<8x128xf32>
      %mul3A_840 = arith.mulf %mul3A_836, %mul3A_839 : vector<8x128xf32>
      %add3A_841 = arith.addf %add3A_782, %mul3A_840 : vector<8x128xf32>
      %get3A_842 = arith.index_cast %get3A_167 : i32 to index
      %get3A_843 = memref.load %arg10[%get3A_842] : memref<8200xf32, #tpu.memory_space<smem>>
      %mul3A_844 = vector.broadcast %get3A_843 : f32 to vector<8x128xf32>
      %mul3A_845 = arith.mulf %mul3A_836, %mul3A_844 : vector<8x128xf32>
      %add3A_846 = arith.addf %add3A_787, %mul3A_845 : vector<8x128xf32>
      %get3A_847 = arith.index_cast %get3A_167 : i32 to index
      %get3A_848 = memref.load %arg11[%get3A_847] : memref<8200xf32, #tpu.memory_space<smem>>
      %mul3A_849 = vector.broadcast %get3A_848 : f32 to vector<8x128xf32>
      %mul3A_850 = arith.mulf %mul3A_836, %mul3A_849 : vector<8x128xf32>
      %add3A_851 = arith.addf %add3A_792, %mul3A_850 : vector<8x128xf32>
      %sub3A_852 = arith.constant 1.000000e+00 : f32
      %sub3A_853 = vector.broadcast %sub3A_852 : f32 to vector<8x128xf32>
      %sub3A_854 = arith.subf %sub3A_853, %select_n3A_835 : vector<8x128xf32>
      %mul3A_855 = arith.mulf %mul3A_796, %sub3A_854 : vector<8x128xf32>
      %get3A_856 = arith.index_cast %get3A_173 : i32 to index
      %get3A_857 = memref.load %arg3[%get3A_856] : memref<8200xf32, #tpu.memory_space<smem>>
      %sub3A_858 = vector.broadcast %get3A_857 : f32 to vector<8x128xf32>
      %sub3A_859 = arith.subf %add3A_9, %sub3A_858 : vector<8x128xf32>
      %get3A_860 = arith.index_cast %get3A_173 : i32 to index
      %get3A_861 = memref.load %arg4[%get3A_860] : memref<8200xf32, #tpu.memory_space<smem>>
      %sub3A_862 = vector.broadcast %get3A_861 : f32 to vector<8x128xf32>
      %sub3A_863 = arith.subf %add3A_4, %sub3A_862 : vector<8x128xf32>
      %get3A_864 = arith.index_cast %get3A_173 : i32 to index
      %get3A_865 = memref.load %arg5[%get3A_864] : memref<8200xf32, #tpu.memory_space<smem>>
      %mul3A_866 = vector.broadcast %get3A_865 : f32 to vector<8x128xf32>
      %mul3A_867 = arith.mulf %mul3A_866, %sub3A_859 : vector<8x128xf32>
      %mul3A_868 = arith.mulf %mul3A_867, %sub3A_859 : vector<8x128xf32>
      %get3A_869 = arith.index_cast %get3A_173 : i32 to index
      %get3A_870 = memref.load %arg6[%get3A_869] : memref<8200xf32, #tpu.memory_space<smem>>
      %mul3A_871 = vector.broadcast %get3A_870 : f32 to vector<8x128xf32>
      %mul3A_872 = arith.mulf %mul3A_871, %sub3A_859 : vector<8x128xf32>
      %mul3A_873 = arith.mulf %mul3A_872, %sub3A_863 : vector<8x128xf32>
      %add3A_874 = arith.addf %mul3A_868, %mul3A_873 : vector<8x128xf32>
      %get3A_875 = arith.index_cast %get3A_173 : i32 to index
      %get3A_876 = memref.load %arg7[%get3A_875] : memref<8200xf32, #tpu.memory_space<smem>>
      %mul3A_877 = vector.broadcast %get3A_876 : f32 to vector<8x128xf32>
      %mul3A_878 = arith.mulf %mul3A_877, %sub3A_863 : vector<8x128xf32>
      %mul3A_879 = arith.mulf %mul3A_878, %sub3A_863 : vector<8x128xf32>
      %add3A_880 = arith.addf %add3A_874, %mul3A_879 : vector<8x128xf32>
      %get3A_881 = arith.index_cast %get3A_173 : i32 to index
      %get3A_882 = memref.load %arg8[%get3A_881] : memref<8200xf32, #tpu.memory_space<smem>>
      %exp3A_883 = math.exp %add3A_880 : vector<8x128xf32>
      %mul3A_884 = vector.broadcast %get3A_882 : f32 to vector<8x128xf32>
      %mul3A_885 = arith.mulf %mul3A_884, %exp3A_883 : vector<8x128xf32>
      %min3A_886 = arith.constant 9.990000e-01 : f32
      %min3A_887 = vector.broadcast %min3A_886 : f32 to vector<8x128xf32>
      %min3A_888 = arith.minimumf %mul3A_885, %min3A_887 : vector<8x128xf32>
      %ge3A_889 = arith.constant 0.00392156886 : f32
      %ge3A_890 = vector.broadcast %ge3A_889 : f32 to vector<8x128xf32>
      %ge3A_891 = arith.cmpf oge, %min3A_888, %ge3A_890 : vector<8x128xf32>
      %jit3A_892 = arith.constant 0.000000e+00 : f32
      %broadcast_in_dim3A_893 = vector.broadcast %jit3A_892 : f32 to vector<8x128xf32>
      %select_n3A_894 = arith.select %ge3A_891, %min3A_888, %broadcast_in_dim3A_893 : vector<8x128xi1>, vector<8x128xf32>
      %mul3A_895 = arith.mulf %select_n3A_894, %mul3A_855 : vector<8x128xf32>
      %get3A_896 = arith.index_cast %get3A_173 : i32 to index
      %get3A_897 = memref.load %arg9[%get3A_896] : memref<8200xf32, #tpu.memory_space<smem>>
      %mul3A_898 = vector.broadcast %get3A_897 : f32 to vector<8x128xf32>
      %mul3A_899 = arith.mulf %mul3A_895, %mul3A_898 : vector<8x128xf32>
      %add3A_900 = arith.addf %add3A_841, %mul3A_899 : vector<8x128xf32>
      %get3A_901 = arith.index_cast %get3A_173 : i32 to index
      %get3A_902 = memref.load %arg10[%get3A_901] : memref<8200xf32, #tpu.memory_space<smem>>
      %mul3A_903 = vector.broadcast %get3A_902 : f32 to vector<8x128xf32>
      %mul3A_904 = arith.mulf %mul3A_895, %mul3A_903 : vector<8x128xf32>
      %add3A_905 = arith.addf %add3A_846, %mul3A_904 : vector<8x128xf32>
      %get3A_906 = arith.index_cast %get3A_173 : i32 to index
      %get3A_907 = memref.load %arg11[%get3A_906] : memref<8200xf32, #tpu.memory_space<smem>>
      %mul3A_908 = vector.broadcast %get3A_907 : f32 to vector<8x128xf32>
      %mul3A_909 = arith.mulf %mul3A_895, %mul3A_908 : vector<8x128xf32>
      %add3A_910 = arith.addf %add3A_851, %mul3A_909 : vector<8x128xf32>
      %sub3A_911 = arith.constant 1.000000e+00 : f32
      %sub3A_912 = vector.broadcast %sub3A_911 : f32 to vector<8x128xf32>
      %sub3A_913 = arith.subf %sub3A_912, %select_n3A_894 : vector<8x128xf32>
      %mul3A_914 = arith.mulf %mul3A_855, %sub3A_913 : vector<8x128xf32>
      %get3A_915 = arith.index_cast %get3A_179 : i32 to index
      %get3A_916 = memref.load %arg3[%get3A_915] : memref<8200xf32, #tpu.memory_space<smem>>
      %sub3A_917 = vector.broadcast %get3A_916 : f32 to vector<8x128xf32>
      %sub3A_918 = arith.subf %add3A_9, %sub3A_917 : vector<8x128xf32>
      %get3A_919 = arith.index_cast %get3A_179 : i32 to index
      %get3A_920 = memref.load %arg4[%get3A_919] : memref<8200xf32, #tpu.memory_space<smem>>
      %sub3A_921 = vector.broadcast %get3A_920 : f32 to vector<8x128xf32>
      %sub3A_922 = arith.subf %add3A_4, %sub3A_921 : vector<8x128xf32>
      %get3A_923 = arith.index_cast %get3A_179 : i32 to index
      %get3A_924 = memref.load %arg5[%get3A_923] : memref<8200xf32, #tpu.memory_space<smem>>
      %mul3A_925 = vector.broadcast %get3A_924 : f32 to vector<8x128xf32>
      %mul3A_926 = arith.mulf %mul3A_925, %sub3A_918 : vector<8x128xf32>
      %mul3A_927 = arith.mulf %mul3A_926, %sub3A_918 : vector<8x128xf32>
      %get3A_928 = arith.index_cast %get3A_179 : i32 to index
      %get3A_929 = memref.load %arg6[%get3A_928] : memref<8200xf32, #tpu.memory_space<smem>>
      %mul3A_930 = vector.broadcast %get3A_929 : f32 to vector<8x128xf32>
      %mul3A_931 = arith.mulf %mul3A_930, %sub3A_918 : vector<8x128xf32>
      %mul3A_932 = arith.mulf %mul3A_931, %sub3A_922 : vector<8x128xf32>
      %add3A_933 = arith.addf %mul3A_927, %mul3A_932 : vector<8x128xf32>
      %get3A_934 = arith.index_cast %get3A_179 : i32 to index
      %get3A_935 = memref.load %arg7[%get3A_934] : memref<8200xf32, #tpu.memory_space<smem>>
      %mul3A_936 = vector.broadcast %get3A_935 : f32 to vector<8x128xf32>
      %mul3A_937 = arith.mulf %mul3A_936, %sub3A_922 : vector<8x128xf32>
      %mul3A_938 = arith.mulf %mul3A_937, %sub3A_922 : vector<8x128xf32>
      %add3A_939 = arith.addf %add3A_933, %mul3A_938 : vector<8x128xf32>
      %get3A_940 = arith.index_cast %get3A_179 : i32 to index
      %get3A_941 = memref.load %arg8[%get3A_940] : memref<8200xf32, #tpu.memory_space<smem>>
      %exp3A_942 = math.exp %add3A_939 : vector<8x128xf32>
      %mul3A_943 = vector.broadcast %get3A_941 : f32 to vector<8x128xf32>
      %mul3A_944 = arith.mulf %mul3A_943, %exp3A_942 : vector<8x128xf32>
      %min3A_945 = arith.constant 9.990000e-01 : f32
      %min3A_946 = vector.broadcast %min3A_945 : f32 to vector<8x128xf32>
      %min3A_947 = arith.minimumf %mul3A_944, %min3A_946 : vector<8x128xf32>
      %ge3A_948 = arith.constant 0.00392156886 : f32
      %ge3A_949 = vector.broadcast %ge3A_948 : f32 to vector<8x128xf32>
      %ge3A_950 = arith.cmpf oge, %min3A_947, %ge3A_949 : vector<8x128xf32>
      %jit3A_951 = arith.constant 0.000000e+00 : f32
      %broadcast_in_dim3A_952 = vector.broadcast %jit3A_951 : f32 to vector<8x128xf32>
      %select_n3A_953 = arith.select %ge3A_950, %min3A_947, %broadcast_in_dim3A_952 : vector<8x128xi1>, vector<8x128xf32>
      %mul3A_954 = arith.mulf %select_n3A_953, %mul3A_914 : vector<8x128xf32>
      %get3A_955 = arith.index_cast %get3A_179 : i32 to index
      %get3A_956 = memref.load %arg9[%get3A_955] : memref<8200xf32, #tpu.memory_space<smem>>
      %mul3A_957 = vector.broadcast %get3A_956 : f32 to vector<8x128xf32>
      %mul3A_958 = arith.mulf %mul3A_954, %mul3A_957 : vector<8x128xf32>
      %add3A_959 = arith.addf %add3A_900, %mul3A_958 : vector<8x128xf32>
      %get3A_960 = arith.index_cast %get3A_179 : i32 to index
      %get3A_961 = memref.load %arg10[%get3A_960] : memref<8200xf32, #tpu.memory_space<smem>>
      %mul3A_962 = vector.broadcast %get3A_961 : f32 to vector<8x128xf32>
      %mul3A_963 = arith.mulf %mul3A_954, %mul3A_962 : vector<8x128xf32>
      %add3A_964 = arith.addf %add3A_905, %mul3A_963 : vector<8x128xf32>
      %get3A_965 = arith.index_cast %get3A_179 : i32 to index
      %get3A_966 = memref.load %arg11[%get3A_965] : memref<8200xf32, #tpu.memory_space<smem>>
      %mul3A_967 = vector.broadcast %get3A_966 : f32 to vector<8x128xf32>
      %mul3A_968 = arith.mulf %mul3A_954, %mul3A_967 : vector<8x128xf32>
      %add3A_969 = arith.addf %add3A_910, %mul3A_968 : vector<8x128xf32>
      %sub3A_970 = arith.constant 1.000000e+00 : f32
      %sub3A_971 = vector.broadcast %sub3A_970 : f32 to vector<8x128xf32>
      %sub3A_972 = arith.subf %sub3A_971, %select_n3A_953 : vector<8x128xf32>
      %mul3A_973 = arith.mulf %mul3A_914, %sub3A_972 : vector<8x128xf32>
      %get3A_974 = arith.index_cast %get3A_185 : i32 to index
      %get3A_975 = memref.load %arg3[%get3A_974] : memref<8200xf32, #tpu.memory_space<smem>>
      %sub3A_976 = vector.broadcast %get3A_975 : f32 to vector<8x128xf32>
      %sub3A_977 = arith.subf %add3A_9, %sub3A_976 : vector<8x128xf32>
      %get3A_978 = arith.index_cast %get3A_185 : i32 to index
      %get3A_979 = memref.load %arg4[%get3A_978] : memref<8200xf32, #tpu.memory_space<smem>>
      %sub3A_980 = vector.broadcast %get3A_979 : f32 to vector<8x128xf32>
      %sub3A_981 = arith.subf %add3A_4, %sub3A_980 : vector<8x128xf32>
      %get3A_982 = arith.index_cast %get3A_185 : i32 to index
      %get3A_983 = memref.load %arg5[%get3A_982] : memref<8200xf32, #tpu.memory_space<smem>>
      %mul3A_984 = vector.broadcast %get3A_983 : f32 to vector<8x128xf32>
      %mul3A_985 = arith.mulf %mul3A_984, %sub3A_977 : vector<8x128xf32>
      %mul3A_986 = arith.mulf %mul3A_985, %sub3A_977 : vector<8x128xf32>
      %get3A_987 = arith.index_cast %get3A_185 : i32 to index
      %get3A_988 = memref.load %arg6[%get3A_987] : memref<8200xf32, #tpu.memory_space<smem>>
      %mul3A_989 = vector.broadcast %get3A_988 : f32 to vector<8x128xf32>
      %mul3A_990 = arith.mulf %mul3A_989, %sub3A_977 : vector<8x128xf32>
      %mul3A_991 = arith.mulf %mul3A_990, %sub3A_981 : vector<8x128xf32>
      %add3A_992 = arith.addf %mul3A_986, %mul3A_991 : vector<8x128xf32>
      %get3A_993 = arith.index_cast %get3A_185 : i32 to index
      %get3A_994 = memref.load %arg7[%get3A_993] : memref<8200xf32, #tpu.memory_space<smem>>
      %mul3A_995 = vector.broadcast %get3A_994 : f32 to vector<8x128xf32>
      %mul3A_996 = arith.mulf %mul3A_995, %sub3A_981 : vector<8x128xf32>
      %mul3A_997 = arith.mulf %mul3A_996, %sub3A_981 : vector<8x128xf32>
      %add3A_998 = arith.addf %add3A_992, %mul3A_997 : vector<8x128xf32>
      %get3A_999 = arith.index_cast %get3A_185 : i32 to index
      %get3A_1000 = memref.load %arg8[%get3A_999] : memref<8200xf32, #tpu.memory_space<smem>>
      %exp3A_1001 = math.exp %add3A_998 : vector<8x128xf32>
      %mul3A_1002 = vector.broadcast %get3A_1000 : f32 to vector<8x128xf32>
      %mul3A_1003 = arith.mulf %mul3A_1002, %exp3A_1001 : vector<8x128xf32>
      %min3A_1004 = arith.constant 9.990000e-01 : f32
      %min3A_1005 = vector.broadcast %min3A_1004 : f32 to vector<8x128xf32>
      %min3A_1006 = arith.minimumf %mul3A_1003, %min3A_1005 : vector<8x128xf32>
      %ge3A_1007 = arith.constant 0.00392156886 : f32
      %ge3A_1008 = vector.broadcast %ge3A_1007 : f32 to vector<8x128xf32>
      %ge3A_1009 = arith.cmpf oge, %min3A_1006, %ge3A_1008 : vector<8x128xf32>
      %jit3A_1010 = arith.constant 0.000000e+00 : f32
      %broadcast_in_dim3A_1011 = vector.broadcast %jit3A_1010 : f32 to vector<8x128xf32>
      %select_n3A_1012 = arith.select %ge3A_1009, %min3A_1006, %broadcast_in_dim3A_1011 : vector<8x128xi1>, vector<8x128xf32>
      %mul3A_1013 = arith.mulf %select_n3A_1012, %mul3A_973 : vector<8x128xf32>
      %get3A_1014 = arith.index_cast %get3A_185 : i32 to index
      %get3A_1015 = memref.load %arg9[%get3A_1014] : memref<8200xf32, #tpu.memory_space<smem>>
      %mul3A_1016 = vector.broadcast %get3A_1015 : f32 to vector<8x128xf32>
      %mul3A_1017 = arith.mulf %mul3A_1013, %mul3A_1016 : vector<8x128xf32>
      %add3A_1018 = arith.addf %add3A_959, %mul3A_1017 : vector<8x128xf32>
      %get3A_1019 = arith.index_cast %get3A_185 : i32 to index
      %get3A_1020 = memref.load %arg10[%get3A_1019] : memref<8200xf32, #tpu.memory_space<smem>>
      %mul3A_1021 = vector.broadcast %get3A_1020 : f32 to vector<8x128xf32>
      %mul3A_1022 = arith.mulf %mul3A_1013, %mul3A_1021 : vector<8x128xf32>
      %add3A_1023 = arith.addf %add3A_964, %mul3A_1022 : vector<8x128xf32>
      %get3A_1024 = arith.index_cast %get3A_185 : i32 to index
      %get3A_1025 = memref.load %arg11[%get3A_1024] : memref<8200xf32, #tpu.memory_space<smem>>
      %mul3A_1026 = vector.broadcast %get3A_1025 : f32 to vector<8x128xf32>
      %mul3A_1027 = arith.mulf %mul3A_1013, %mul3A_1026 : vector<8x128xf32>
      %add3A_1028 = arith.addf %add3A_969, %mul3A_1027 : vector<8x128xf32>
      %sub3A_1029 = arith.constant 1.000000e+00 : f32
      %sub3A_1030 = vector.broadcast %sub3A_1029 : f32 to vector<8x128xf32>
      %sub3A_1031 = arith.subf %sub3A_1030, %select_n3A_1012 : vector<8x128xf32>
      %mul3A_1032 = arith.mulf %mul3A_973, %sub3A_1031 : vector<8x128xf32>
      %get3A_1033 = arith.index_cast %get3A_191 : i32 to index
      %get3A_1034 = memref.load %arg3[%get3A_1033] : memref<8200xf32, #tpu.memory_space<smem>>
      %sub3A_1035 = vector.broadcast %get3A_1034 : f32 to vector<8x128xf32>
      %sub3A_1036 = arith.subf %add3A_9, %sub3A_1035 : vector<8x128xf32>
      %get3A_1037 = arith.index_cast %get3A_191 : i32 to index
      %get3A_1038 = memref.load %arg4[%get3A_1037] : memref<8200xf32, #tpu.memory_space<smem>>
      %sub3A_1039 = vector.broadcast %get3A_1038 : f32 to vector<8x128xf32>
      %sub3A_1040 = arith.subf %add3A_4, %sub3A_1039 : vector<8x128xf32>
      %get3A_1041 = arith.index_cast %get3A_191 : i32 to index
      %get3A_1042 = memref.load %arg5[%get3A_1041] : memref<8200xf32, #tpu.memory_space<smem>>
      %mul3A_1043 = vector.broadcast %get3A_1042 : f32 to vector<8x128xf32>
      %mul3A_1044 = arith.mulf %mul3A_1043, %sub3A_1036 : vector<8x128xf32>
      %mul3A_1045 = arith.mulf %mul3A_1044, %sub3A_1036 : vector<8x128xf32>
      %get3A_1046 = arith.index_cast %get3A_191 : i32 to index
      %get3A_1047 = memref.load %arg6[%get3A_1046] : memref<8200xf32, #tpu.memory_space<smem>>
      %mul3A_1048 = vector.broadcast %get3A_1047 : f32 to vector<8x128xf32>
      %mul3A_1049 = arith.mulf %mul3A_1048, %sub3A_1036 : vector<8x128xf32>
      %mul3A_1050 = arith.mulf %mul3A_1049, %sub3A_1040 : vector<8x128xf32>
      %add3A_1051 = arith.addf %mul3A_1045, %mul3A_1050 : vector<8x128xf32>
      %get3A_1052 = arith.index_cast %get3A_191 : i32 to index
      %get3A_1053 = memref.load %arg7[%get3A_1052] : memref<8200xf32, #tpu.memory_space<smem>>
      %mul3A_1054 = vector.broadcast %get3A_1053 : f32 to vector<8x128xf32>
      %mul3A_1055 = arith.mulf %mul3A_1054, %sub3A_1040 : vector<8x128xf32>
      %mul3A_1056 = arith.mulf %mul3A_1055, %sub3A_1040 : vector<8x128xf32>
      %add3A_1057 = arith.addf %add3A_1051, %mul3A_1056 : vector<8x128xf32>
      %get3A_1058 = arith.index_cast %get3A_191 : i32 to index
      %get3A_1059 = memref.load %arg8[%get3A_1058] : memref<8200xf32, #tpu.memory_space<smem>>
      %exp3A_1060 = math.exp %add3A_1057 : vector<8x128xf32>
      %mul3A_1061 = vector.broadcast %get3A_1059 : f32 to vector<8x128xf32>
      %mul3A_1062 = arith.mulf %mul3A_1061, %exp3A_1060 : vector<8x128xf32>
      %min3A_1063 = arith.constant 9.990000e-01 : f32
      %min3A_1064 = vector.broadcast %min3A_1063 : f32 to vector<8x128xf32>
      %min3A_1065 = arith.minimumf %mul3A_1062, %min3A_1064 : vector<8x128xf32>
      %ge3A_1066 = arith.constant 0.00392156886 : f32
      %ge3A_1067 = vector.broadcast %ge3A_1066 : f32 to vector<8x128xf32>
      %ge3A_1068 = arith.cmpf oge, %min3A_1065, %ge3A_1067 : vector<8x128xf32>
      %jit3A_1069 = arith.constant 0.000000e+00 : f32
      %broadcast_in_dim3A_1070 = vector.broadcast %jit3A_1069 : f32 to vector<8x128xf32>
      %select_n3A_1071 = arith.select %ge3A_1068, %min3A_1065, %broadcast_in_dim3A_1070 : vector<8x128xi1>, vector<8x128xf32>
      %mul3A_1072 = arith.mulf %select_n3A_1071, %mul3A_1032 : vector<8x128xf32>
      %get3A_1073 = arith.index_cast %get3A_191 : i32 to index
      %get3A_1074 = memref.load %arg9[%get3A_1073] : memref<8200xf32, #tpu.memory_space<smem>>
      %mul3A_1075 = vector.broadcast %get3A_1074 : f32 to vector<8x128xf32>
      %mul3A_1076 = arith.mulf %mul3A_1072, %mul3A_1075 : vector<8x128xf32>
      %add3A_1077 = arith.addf %add3A_1018, %mul3A_1076 : vector<8x128xf32>
      %get3A_1078 = arith.index_cast %get3A_191 : i32 to index
      %get3A_1079 = memref.load %arg10[%get3A_1078] : memref<8200xf32, #tpu.memory_space<smem>>
      %mul3A_1080 = vector.broadcast %get3A_1079 : f32 to vector<8x128xf32>
      %mul3A_1081 = arith.mulf %mul3A_1072, %mul3A_1080 : vector<8x128xf32>
      %add3A_1082 = arith.addf %add3A_1023, %mul3A_1081 : vector<8x128xf32>
      %get3A_1083 = arith.index_cast %get3A_191 : i32 to index
      %get3A_1084 = memref.load %arg11[%get3A_1083] : memref<8200xf32, #tpu.memory_space<smem>>
      %mul3A_1085 = vector.broadcast %get3A_1084 : f32 to vector<8x128xf32>
      %mul3A_1086 = arith.mulf %mul3A_1072, %mul3A_1085 : vector<8x128xf32>
      %add3A_1087 = arith.addf %add3A_1028, %mul3A_1086 : vector<8x128xf32>
      %sub3A_1088 = arith.constant 1.000000e+00 : f32
      %sub3A_1089 = vector.broadcast %sub3A_1088 : f32 to vector<8x128xf32>
      %sub3A_1090 = arith.subf %sub3A_1089, %select_n3A_1071 : vector<8x128xf32>
      %mul3A_1091 = arith.mulf %mul3A_1032, %sub3A_1090 : vector<8x128xf32>
      %get3A_1092 = arith.index_cast %get3A_197 : i32 to index
      %get3A_1093 = memref.load %arg3[%get3A_1092] : memref<8200xf32, #tpu.memory_space<smem>>
      %sub3A_1094 = vector.broadcast %get3A_1093 : f32 to vector<8x128xf32>
      %sub3A_1095 = arith.subf %add3A_9, %sub3A_1094 : vector<8x128xf32>
      %get3A_1096 = arith.index_cast %get3A_197 : i32 to index
      %get3A_1097 = memref.load %arg4[%get3A_1096] : memref<8200xf32, #tpu.memory_space<smem>>
      %sub3A_1098 = vector.broadcast %get3A_1097 : f32 to vector<8x128xf32>
      %sub3A_1099 = arith.subf %add3A_4, %sub3A_1098 : vector<8x128xf32>
      %get3A_1100 = arith.index_cast %get3A_197 : i32 to index
      %get3A_1101 = memref.load %arg5[%get3A_1100] : memref<8200xf32, #tpu.memory_space<smem>>
      %mul3A_1102 = vector.broadcast %get3A_1101 : f32 to vector<8x128xf32>
      %mul3A_1103 = arith.mulf %mul3A_1102, %sub3A_1095 : vector<8x128xf32>
      %mul3A_1104 = arith.mulf %mul3A_1103, %sub3A_1095 : vector<8x128xf32>
      %get3A_1105 = arith.index_cast %get3A_197 : i32 to index
      %get3A_1106 = memref.load %arg6[%get3A_1105] : memref<8200xf32, #tpu.memory_space<smem>>
      %mul3A_1107 = vector.broadcast %get3A_1106 : f32 to vector<8x128xf32>
      %mul3A_1108 = arith.mulf %mul3A_1107, %sub3A_1095 : vector<8x128xf32>
      %mul3A_1109 = arith.mulf %mul3A_1108, %sub3A_1099 : vector<8x128xf32>
      %add3A_1110 = arith.addf %mul3A_1104, %mul3A_1109 : vector<8x128xf32>
      %get3A_1111 = arith.index_cast %get3A_197 : i32 to index
      %get3A_1112 = memref.load %arg7[%get3A_1111] : memref<8200xf32, #tpu.memory_space<smem>>
      %mul3A_1113 = vector.broadcast %get3A_1112 : f32 to vector<8x128xf32>
      %mul3A_1114 = arith.mulf %mul3A_1113, %sub3A_1099 : vector<8x128xf32>
      %mul3A_1115 = arith.mulf %mul3A_1114, %sub3A_1099 : vector<8x128xf32>
      %add3A_1116 = arith.addf %add3A_1110, %mul3A_1115 : vector<8x128xf32>
      %get3A_1117 = arith.index_cast %get3A_197 : i32 to index
      %get3A_1118 = memref.load %arg8[%get3A_1117] : memref<8200xf32, #tpu.memory_space<smem>>
      %exp3A_1119 = math.exp %add3A_1116 : vector<8x128xf32>
      %mul3A_1120 = vector.broadcast %get3A_1118 : f32 to vector<8x128xf32>
      %mul3A_1121 = arith.mulf %mul3A_1120, %exp3A_1119 : vector<8x128xf32>
      %min3A_1122 = arith.constant 9.990000e-01 : f32
      %min3A_1123 = vector.broadcast %min3A_1122 : f32 to vector<8x128xf32>
      %min3A_1124 = arith.minimumf %mul3A_1121, %min3A_1123 : vector<8x128xf32>
      %ge3A_1125 = arith.constant 0.00392156886 : f32
      %ge3A_1126 = vector.broadcast %ge3A_1125 : f32 to vector<8x128xf32>
      %ge3A_1127 = arith.cmpf oge, %min3A_1124, %ge3A_1126 : vector<8x128xf32>
      %jit3A_1128 = arith.constant 0.000000e+00 : f32
      %broadcast_in_dim3A_1129 = vector.broadcast %jit3A_1128 : f32 to vector<8x128xf32>
      %select_n3A_1130 = arith.select %ge3A_1127, %min3A_1124, %broadcast_in_dim3A_1129 : vector<8x128xi1>, vector<8x128xf32>
      %mul3A_1131 = arith.mulf %select_n3A_1130, %mul3A_1091 : vector<8x128xf32>
      %get3A_1132 = arith.index_cast %get3A_197 : i32 to index
      %get3A_1133 = memref.load %arg9[%get3A_1132] : memref<8200xf32, #tpu.memory_space<smem>>
      %mul3A_1134 = vector.broadcast %get3A_1133 : f32 to vector<8x128xf32>
      %mul3A_1135 = arith.mulf %mul3A_1131, %mul3A_1134 : vector<8x128xf32>
      %add3A_1136 = arith.addf %add3A_1077, %mul3A_1135 : vector<8x128xf32>
      %get3A_1137 = arith.index_cast %get3A_197 : i32 to index
      %get3A_1138 = memref.load %arg10[%get3A_1137] : memref<8200xf32, #tpu.memory_space<smem>>
      %mul3A_1139 = vector.broadcast %get3A_1138 : f32 to vector<8x128xf32>
      %mul3A_1140 = arith.mulf %mul3A_1131, %mul3A_1139 : vector<8x128xf32>
      %add3A_1141 = arith.addf %add3A_1082, %mul3A_1140 : vector<8x128xf32>
      %get3A_1142 = arith.index_cast %get3A_197 : i32 to index
      %get3A_1143 = memref.load %arg11[%get3A_1142] : memref<8200xf32, #tpu.memory_space<smem>>
      %mul3A_1144 = vector.broadcast %get3A_1143 : f32 to vector<8x128xf32>
      %mul3A_1145 = arith.mulf %mul3A_1131, %mul3A_1144 : vector<8x128xf32>
      %add3A_1146 = arith.addf %add3A_1087, %mul3A_1145 : vector<8x128xf32>
      %sub3A_1147 = arith.constant 1.000000e+00 : f32
      %sub3A_1148 = vector.broadcast %sub3A_1147 : f32 to vector<8x128xf32>
      %sub3A_1149 = arith.subf %sub3A_1148, %select_n3A_1130 : vector<8x128xf32>
      %mul3A_1150 = arith.mulf %mul3A_1091, %sub3A_1149 : vector<8x128xf32>
      %swap3A_1151 = arith.constant 0 : index
      %swap3A_1152 = arith.constant 0 : index
      %swap3A_1153 = vector.load %arg12[%swap3A_1151, %swap3A_1152] : memref<8x128xf32, #tpu.memory_space<vmem>>, vector<8x128xf32>
      tpu.vector_store %arg12[%swap3A_1151, %swap3A_1152], %add3A_1136 {strides = array<i32>} : memref<8x128xf32, #tpu.memory_space<vmem>>, vector<8x128xf32>,
      %swap3A_1154 = arith.constant 0 : index
      %swap3A_1155 = arith.constant 0 : index
      %swap3A_1156 = vector.load %arg13[%swap3A_1154, %swap3A_1155] : memref<8x128xf32, #tpu.memory_space<vmem>>, vector<8x128xf32>
      tpu.vector_store %arg13[%swap3A_1154, %swap3A_1155], %add3A_1141 {strides = array<i32>} : memref<8x128xf32, #tpu.memory_space<vmem>>, vector<8x128xf32>,
      %swap3A_1157 = arith.constant 0 : index
      %swap3A_1158 = arith.constant 0 : index
      %swap3A_1159 = vector.load %arg14[%swap3A_1157, %swap3A_1158] : memref<8x128xf32, #tpu.memory_space<vmem>>, vector<8x128xf32>
      tpu.vector_store %arg14[%swap3A_1157, %swap3A_1158], %add3A_1146 {strides = array<i32>} : memref<8x128xf32, #tpu.memory_space<vmem>>, vector<8x128xf32>,
      %swap3A_1160 = arith.constant 0 : index
      %swap3A_1161 = arith.constant 0 : index
      %swap3A_1162 = vector.load %arg15[%swap3A_1160, %swap3A_1161] : memref<8x128xf32, #tpu.memory_space<vmem>>, vector<8x128xf32>
      tpu.vector_store %arg15[%swap3A_1160, %swap3A_1161], %mul3A_1150 {strides = array<i32>} : memref<8x128xf32, #tpu.memory_space<vmem>>, vector<8x128xf32>,
      %while3A_1163 = arith.constant 0 : i32
      scf.yield %while3A_1163 : i32
    }
    %while3A_54 = arith.constant 1 : i32
    %while3A_55 = scf.for %while3A_98 = %while3A_51 to %while3A_47 step %while3A_54 iter_args(%while3A_99 = %while3A_53) -> (i32)  : i32 {
      %mul3A_100 = arith.constant 16 : i32
      %mul3A_101 = arith.muli %while3A_98, %mul3A_100 : i32
      %add3A_102 = arith.constant 0 : i32
      %add3A_103 = arith.addi %mul3A_101, %add3A_102 : i32
      %get3A_104 = arith.constant 0 : index
      %get3A_105 = arith.constant 0 : index
      %get3A_106 = arith.index_cast %add3A_103 : i32 to index
      %get3A_107 = memref.load %arg1[%get3A_104, %get3A_105, %get3A_106] : memref<1x2x4112xi32, #tpu.memory_space<smem>>
      %add3A_108 = arith.constant 1 : i32
      %add3A_109 = arith.addi %mul3A_101, %add3A_108 : i32
      %get3A_110 = arith.constant 0 : index
      %get3A_111 = arith.constant 0 : index
      %get3A_112 = arith.index_cast %add3A_109 : i32 to index
      %get3A_113 = memref.load %arg1[%get3A_110, %get3A_111, %get3A_112] : memref<1x2x4112xi32, #tpu.memory_space<smem>>
      %add3A_114 = arith.constant 2 : i32
      %add3A_115 = arith.addi %mul3A_101, %add3A_114 : i32
      %get3A_116 = arith.constant 0 : index
      %get3A_117 = arith.constant 0 : index
      %get3A_118 = arith.index_cast %add3A_115 : i32 to index
      %get3A_119 = memref.load %arg1[%get3A_116, %get3A_117, %get3A_118] : memref<1x2x4112xi32, #tpu.memory_space<smem>>
      %add3A_120 = arith.constant 3 : i32
      %add3A_121 = arith.addi %mul3A_101, %add3A_120 : i32
      %get3A_122 = arith.constant 0 : index
      %get3A_123 = arith.constant 0 : index
      %get3A_124 = arith.index_cast %add3A_121 : i32 to index
      %get3A_125 = memref.load %arg1[%get3A_122, %get3A_123, %get3A_124] : memref<1x2x4112xi32, #tpu.memory_space<smem>>
      %add3A_126 = arith.constant 4 : i32
      %add3A_127 = arith.addi %mul3A_101, %add3A_126 : i32
      %get3A_128 = arith.constant 0 : index
      %get3A_129 = arith.constant 0 : index
      %get3A_130 = arith.index_cast %add3A_127 : i32 to index
      %get3A_131 = memref.load %arg1[%get3A_128, %get3A_129, %get3A_130] : memref<1x2x4112xi32, #tpu.memory_space<smem>>
      %add3A_132 = arith.constant 5 : i32
      %add3A_133 = arith.addi %mul3A_101, %add3A_132 : i32
      %get3A_134 = arith.constant 0 : index
      %get3A_135 = arith.constant 0 : index
      %get3A_136 = arith.index_cast %add3A_133 : i32 to index
      %get3A_137 = memref.load %arg1[%get3A_134, %get3A_135, %get3A_136] : memref<1x2x4112xi32, #tpu.memory_space<smem>>
      %add3A_138 = arith.constant 6 : i32
      %add3A_139 = arith.addi %mul3A_101, %add3A_138 : i32
      %get3A_140 = arith.constant 0 : index
      %get3A_141 = arith.constant 0 : index
      %get3A_142 = arith.index_cast %add3A_139 : i32 to index
      %get3A_143 = memref.load %arg1[%get3A_140, %get3A_141, %get3A_142] : memref<1x2x4112xi32, #tpu.memory_space<smem>>
      %add3A_144 = arith.constant 7 : i32
      %add3A_145 = arith.addi %mul3A_101, %add3A_144 : i32
      %get3A_146 = arith.constant 0 : index
      %get3A_147 = arith.constant 0 : index
      %get3A_148 = arith.index_cast %add3A_145 : i32 to index
      %get3A_149 = memref.load %arg1[%get3A_146, %get3A_147, %get3A_148] : memref<1x2x4112xi32, #tpu.memory_space<smem>>
      %add3A_150 = arith.constant 8 : i32
      %add3A_151 = arith.addi %mul3A_101, %add3A_150 : i32
      %get3A_152 = arith.constant 0 : index
      %get3A_153 = arith.constant 0 : index
      %get3A_154 = arith.index_cast %add3A_151 : i32 to index
      %get3A_155 = memref.load %arg1[%get3A_152, %get3A_153, %get3A_154] : memref<1x2x4112xi32, #tpu.memory_space<smem>>
      %add3A_156 = arith.constant 9 : i32
      %add3A_157 = arith.addi %mul3A_101, %add3A_156 : i32
      %get3A_158 = arith.constant 0 : index
      %get3A_159 = arith.constant 0 : index
      %get3A_160 = arith.index_cast %add3A_157 : i32 to index
      %get3A_161 = memref.load %arg1[%get3A_158, %get3A_159, %get3A_160] : memref<1x2x4112xi32, #tpu.memory_space<smem>>
      %add3A_162 = arith.constant 10 : i32
      %add3A_163 = arith.addi %mul3A_101, %add3A_162 : i32
      %get3A_164 = arith.constant 0 : index
      %get3A_165 = arith.constant 0 : index
      %get3A_166 = arith.index_cast %add3A_163 : i32 to index
      %get3A_167 = memref.load %arg1[%get3A_164, %get3A_165, %get3A_166] : memref<1x2x4112xi32, #tpu.memory_space<smem>>
      %add3A_168 = arith.constant 11 : i32
      %add3A_169 = arith.addi %mul3A_101, %add3A_168 : i32
      %get3A_170 = arith.constant 0 : index
      %get3A_171 = arith.constant 0 : index
      %get3A_172 = arith.index_cast %add3A_169 : i32 to index
      %get3A_173 = memref.load %arg1[%get3A_170, %get3A_171, %get3A_172] : memref<1x2x4112xi32, #tpu.memory_space<smem>>
      %add3A_174 = arith.constant 12 : i32
      %add3A_175 = arith.addi %mul3A_101, %add3A_174 : i32
      %get3A_176 = arith.constant 0 : index
      %get3A_177 = arith.constant 0 : index
      %get3A_178 = arith.index_cast %add3A_175 : i32 to index
      %get3A_179 = memref.load %arg1[%get3A_176, %get3A_177, %get3A_178] : memref<1x2x4112xi32, #tpu.memory_space<smem>>
      %add3A_180 = arith.constant 13 : i32
      %add3A_181 = arith.addi %mul3A_101, %add3A_180 : i32
      %get3A_182 = arith.constant 0 : index
      %get3A_183 = arith.constant 0 : index
      %get3A_184 = arith.index_cast %add3A_181 : i32 to index
      %get3A_185 = memref.load %arg1[%get3A_182, %get3A_183, %get3A_184] : memref<1x2x4112xi32, #tpu.memory_space<smem>>
      %add3A_186 = arith.constant 14 : i32
      %add3A_187 = arith.addi %mul3A_101, %add3A_186 : i32
      %get3A_188 = arith.constant 0 : index
      %get3A_189 = arith.constant 0 : index
      %get3A_190 = arith.index_cast %add3A_187 : i32 to index
      %get3A_191 = memref.load %arg1[%get3A_188, %get3A_189, %get3A_190] : memref<1x2x4112xi32, #tpu.memory_space<smem>>
      %add3A_192 = arith.constant 15 : i32
      %add3A_193 = arith.addi %mul3A_101, %add3A_192 : i32
      %get3A_194 = arith.constant 0 : index
      %get3A_195 = arith.constant 0 : index
      %get3A_196 = arith.index_cast %add3A_193 : i32 to index
      %get3A_197 = memref.load %arg1[%get3A_194, %get3A_195, %get3A_196] : memref<1x2x4112xi32, #tpu.memory_space<smem>>
      %get3A_198 = arith.constant 0 : index
      %get3A_199 = arith.constant 0 : index
      %get3A_200 = vector.load %arg15[%get3A_198, %get3A_199] : memref<8x128xf32, #tpu.memory_space<vmem>>, vector<8x128xf32>
      %get3A_201 = arith.constant 0 : index
      %get3A_202 = arith.constant 0 : index
      %get3A_203 = vector.load %arg12[%get3A_201, %get3A_202] : memref<8x128xf32, #tpu.memory_space<vmem>>, vector<8x128xf32>
      %get3A_204 = arith.constant 0 : index
      %get3A_205 = arith.constant 0 : index
      %get3A_206 = vector.load %arg13[%get3A_204, %get3A_205] : memref<8x128xf32, #tpu.memory_space<vmem>>, vector<8x128xf32>
      %get3A_207 = arith.constant 0 : index
      %get3A_208 = arith.constant 0 : index
      %get3A_209 = vector.load %arg14[%get3A_207, %get3A_208] : memref<8x128xf32, #tpu.memory_space<vmem>>, vector<8x128xf32>
      %get3A_210 = arith.index_cast %get3A_107 : i32 to index
      %get3A_211 = memref.load %arg3[%get3A_210] : memref<8200xf32, #tpu.memory_space<smem>>
      %sub3A_212 = vector.broadcast %get3A_211 : f32 to vector<8x128xf32>
      %sub3A_213 = arith.subf %add3A_9, %sub3A_212 : vector<8x128xf32>
      %get3A_214 = arith.index_cast %get3A_107 : i32 to index
      %get3A_215 = memref.load %arg4[%get3A_214] : memref<8200xf32, #tpu.memory_space<smem>>
      %sub3A_216 = vector.broadcast %get3A_215 : f32 to vector<8x128xf32>
      %sub3A_217 = arith.subf %add3A_4, %sub3A_216 : vector<8x128xf32>
      %get3A_218 = arith.index_cast %get3A_107 : i32 to index
      %get3A_219 = memref.load %arg5[%get3A_218] : memref<8200xf32, #tpu.memory_space<smem>>
      %mul3A_220 = vector.broadcast %get3A_219 : f32 to vector<8x128xf32>
      %mul3A_221 = arith.mulf %mul3A_220, %sub3A_213 : vector<8x128xf32>
      %mul3A_222 = arith.mulf %mul3A_221, %sub3A_213 : vector<8x128xf32>
      %get3A_223 = arith.index_cast %get3A_107 : i32 to index
      %get3A_224 = memref.load %arg6[%get3A_223] : memref<8200xf32, #tpu.memory_space<smem>>
      %mul3A_225 = vector.broadcast %get3A_224 : f32 to vector<8x128xf32>
      %mul3A_226 = arith.mulf %mul3A_225, %sub3A_213 : vector<8x128xf32>
      %mul3A_227 = arith.mulf %mul3A_226, %sub3A_217 : vector<8x128xf32>
      %add3A_228 = arith.addf %mul3A_222, %mul3A_227 : vector<8x128xf32>
      %get3A_229 = arith.index_cast %get3A_107 : i32 to index
      %get3A_230 = memref.load %arg7[%get3A_229] : memref<8200xf32, #tpu.memory_space<smem>>
      %mul3A_231 = vector.broadcast %get3A_230 : f32 to vector<8x128xf32>
      %mul3A_232 = arith.mulf %mul3A_231, %sub3A_217 : vector<8x128xf32>
      %mul3A_233 = arith.mulf %mul3A_232, %sub3A_217 : vector<8x128xf32>
      %add3A_234 = arith.addf %add3A_228, %mul3A_233 : vector<8x128xf32>
      %get3A_235 = arith.index_cast %get3A_107 : i32 to index
      %get3A_236 = memref.load %arg8[%get3A_235] : memref<8200xf32, #tpu.memory_space<smem>>
      %exp3A = math.exp %add3A_234 : vector<8x128xf32>
      %mul3A_237 = vector.broadcast %get3A_236 : f32 to vector<8x128xf32>
      %mul3A_238 = arith.mulf %mul3A_237, %exp3A : vector<8x128xf32>
      %min3A = arith.constant 9.990000e-01 : f32
      %min3A_239 = vector.broadcast %min3A : f32 to vector<8x128xf32>
      %min3A_240 = arith.minimumf %mul3A_238, %min3A_239 : vector<8x128xf32>
      %ge3A = arith.constant 0.00392156886 : f32
      %ge3A_241 = vector.broadcast %ge3A : f32 to vector<8x128xf32>
      %ge3A_242 = arith.cmpf oge, %min3A_240, %ge3A_241 : vector<8x128xf32>
      %jit3A_243 = arith.constant 0.000000e+00 : f32
      %broadcast_in_dim3A_244 = vector.broadcast %jit3A_243 : f32 to vector<8x128xf32>
      %select_n3A_245 = arith.select %ge3A_242, %min3A_240, %broadcast_in_dim3A_244 : vector<8x128xi1>, vector<8x128xf32>
      %mul3A_246 = arith.mulf %select_n3A_245, %get3A_200 : vector<8x128xf32>
      %get3A_247 = arith.index_cast %get3A_107 : i32 to index
      %get3A_248 = memref.load %arg9[%get3A_247] : memref<8200xf32, #tpu.memory_space<smem>>
      %mul3A_249 = vector.broadcast %get3A_248 : f32 to vector<8x128xf32>
      %mul3A_250 = arith.mulf %mul3A_246, %mul3A_249 : vector<8x128xf32>
      %add3A_251 = arith.addf %get3A_203, %mul3A_250 : vector<8x128xf32>
      %get3A_252 = arith.index_cast %get3A_107 : i32 to index
      %get3A_253 = memref.load %arg10[%get3A_252] : memref<8200xf32, #tpu.memory_space<smem>>
      %mul3A_254 = vector.broadcast %get3A_253 : f32 to vector<8x128xf32>
      %mul3A_255 = arith.mulf %mul3A_246, %mul3A_254 : vector<8x128xf32>
      %add3A_256 = arith.addf %get3A_206, %mul3A_255 : vector<8x128xf32>
      %get3A_257 = arith.index_cast %get3A_107 : i32 to index
      %get3A_258 = memref.load %arg11[%get3A_257] : memref<8200xf32, #tpu.memory_space<smem>>
      %mul3A_259 = vector.broadcast %get3A_258 : f32 to vector<8x128xf32>
      %mul3A_260 = arith.mulf %mul3A_246, %mul3A_259 : vector<8x128xf32>
      %add3A_261 = arith.addf %get3A_209, %mul3A_260 : vector<8x128xf32>
      %sub3A_262 = arith.constant 1.000000e+00 : f32
      %sub3A_263 = vector.broadcast %sub3A_262 : f32 to vector<8x128xf32>
      %sub3A_264 = arith.subf %sub3A_263, %select_n3A_245 : vector<8x128xf32>
      %mul3A_265 = arith.mulf %get3A_200, %sub3A_264 : vector<8x128xf32>
      %get3A_266 = arith.index_cast %get3A_113 : i32 to index
      %get3A_267 = memref.load %arg3[%get3A_266] : memref<8200xf32, #tpu.memory_space<smem>>
      %sub3A_268 = vector.broadcast %get3A_267 : f32 to vector<8x128xf32>
      %sub3A_269 = arith.subf %add3A_9, %sub3A_268 : vector<8x128xf32>
      %get3A_270 = arith.index_cast %get3A_113 : i32 to index
      %get3A_271 = memref.load %arg4[%get3A_270] : memref<8200xf32, #tpu.memory_space<smem>>
      %sub3A_272 = vector.broadcast %get3A_271 : f32 to vector<8x128xf32>
      %sub3A_273 = arith.subf %add3A_4, %sub3A_272 : vector<8x128xf32>
      %get3A_274 = arith.index_cast %get3A_113 : i32 to index
      %get3A_275 = memref.load %arg5[%get3A_274] : memref<8200xf32, #tpu.memory_space<smem>>
      %mul3A_276 = vector.broadcast %get3A_275 : f32 to vector<8x128xf32>
      %mul3A_277 = arith.mulf %mul3A_276, %sub3A_269 : vector<8x128xf32>
      %mul3A_278 = arith.mulf %mul3A_277, %sub3A_269 : vector<8x128xf32>
      %get3A_279 = arith.index_cast %get3A_113 : i32 to index
      %get3A_280 = memref.load %arg6[%get3A_279] : memref<8200xf32, #tpu.memory_space<smem>>
      %mul3A_281 = vector.broadcast %get3A_280 : f32 to vector<8x128xf32>
      %mul3A_282 = arith.mulf %mul3A_281, %sub3A_269 : vector<8x128xf32>
      %mul3A_283 = arith.mulf %mul3A_282, %sub3A_273 : vector<8x128xf32>
      %add3A_284 = arith.addf %mul3A_278, %mul3A_283 : vector<8x128xf32>
      %get3A_285 = arith.index_cast %get3A_113 : i32 to index
      %get3A_286 = memref.load %arg7[%get3A_285] : memref<8200xf32, #tpu.memory_space<smem>>
      %mul3A_287 = vector.broadcast %get3A_286 : f32 to vector<8x128xf32>
      %mul3A_288 = arith.mulf %mul3A_287, %sub3A_273 : vector<8x128xf32>
      %mul3A_289 = arith.mulf %mul3A_288, %sub3A_273 : vector<8x128xf32>
      %add3A_290 = arith.addf %add3A_284, %mul3A_289 : vector<8x128xf32>
      %get3A_291 = arith.index_cast %get3A_113 : i32 to index
      %get3A_292 = memref.load %arg8[%get3A_291] : memref<8200xf32, #tpu.memory_space<smem>>
      %exp3A_293 = math.exp %add3A_290 : vector<8x128xf32>
      %mul3A_294 = vector.broadcast %get3A_292 : f32 to vector<8x128xf32>
      %mul3A_295 = arith.mulf %mul3A_294, %exp3A_293 : vector<8x128xf32>
      %min3A_296 = arith.constant 9.990000e-01 : f32
      %min3A_297 = vector.broadcast %min3A_296 : f32 to vector<8x128xf32>
      %min3A_298 = arith.minimumf %mul3A_295, %min3A_297 : vector<8x128xf32>
      %ge3A_299 = arith.constant 0.00392156886 : f32
      %ge3A_300 = vector.broadcast %ge3A_299 : f32 to vector<8x128xf32>
      %ge3A_301 = arith.cmpf oge, %min3A_298, %ge3A_300 : vector<8x128xf32>
      %jit3A_302 = arith.constant 0.000000e+00 : f32
      %broadcast_in_dim3A_303 = vector.broadcast %jit3A_302 : f32 to vector<8x128xf32>
      %select_n3A_304 = arith.select %ge3A_301, %min3A_298, %broadcast_in_dim3A_303 : vector<8x128xi1>, vector<8x128xf32>
      %mul3A_305 = arith.mulf %select_n3A_304, %mul3A_265 : vector<8x128xf32>
      %get3A_306 = arith.index_cast %get3A_113 : i32 to index
      %get3A_307 = memref.load %arg9[%get3A_306] : memref<8200xf32, #tpu.memory_space<smem>>
      %mul3A_308 = vector.broadcast %get3A_307 : f32 to vector<8x128xf32>
      %mul3A_309 = arith.mulf %mul3A_305, %mul3A_308 : vector<8x128xf32>
      %add3A_310 = arith.addf %add3A_251, %mul3A_309 : vector<8x128xf32>
      %get3A_311 = arith.index_cast %get3A_113 : i32 to index
      %get3A_312 = memref.load %arg10[%get3A_311] : memref<8200xf32, #tpu.memory_space<smem>>
      %mul3A_313 = vector.broadcast %get3A_312 : f32 to vector<8x128xf32>
      %mul3A_314 = arith.mulf %mul3A_305, %mul3A_313 : vector<8x128xf32>
      %add3A_315 = arith.addf %add3A_256, %mul3A_314 : vector<8x128xf32>
      %get3A_316 = arith.index_cast %get3A_113 : i32 to index
      %get3A_317 = memref.load %arg11[%get3A_316] : memref<8200xf32, #tpu.memory_space<smem>>
      %mul3A_318 = vector.broadcast %get3A_317 : f32 to vector<8x128xf32>
      %mul3A_319 = arith.mulf %mul3A_305, %mul3A_318 : vector<8x128xf32>
      %add3A_320 = arith.addf %add3A_261, %mul3A_319 : vector<8x128xf32>
      %sub3A_321 = arith.constant 1.000000e+00 : f32
      %sub3A_322 = vector.broadcast %sub3A_321 : f32 to vector<8x128xf32>
      %sub3A_323 = arith.subf %sub3A_322, %select_n3A_304 : vector<8x128xf32>
      %mul3A_324 = arith.mulf %mul3A_265, %sub3A_323 : vector<8x128xf32>
      %get3A_325 = arith.index_cast %get3A_119 : i32 to index
      %get3A_326 = memref.load %arg3[%get3A_325] : memref<8200xf32, #tpu.memory_space<smem>>
      %sub3A_327 = vector.broadcast %get3A_326 : f32 to vector<8x128xf32>
      %sub3A_328 = arith.subf %add3A_9, %sub3A_327 : vector<8x128xf32>
      %get3A_329 = arith.index_cast %get3A_119 : i32 to index
      %get3A_330 = memref.load %arg4[%get3A_329] : memref<8200xf32, #tpu.memory_space<smem>>
      %sub3A_331 = vector.broadcast %get3A_330 : f32 to vector<8x128xf32>
      %sub3A_332 = arith.subf %add3A_4, %sub3A_331 : vector<8x128xf32>
      %get3A_333 = arith.index_cast %get3A_119 : i32 to index
      %get3A_334 = memref.load %arg5[%get3A_333] : memref<8200xf32, #tpu.memory_space<smem>>
      %mul3A_335 = vector.broadcast %get3A_334 : f32 to vector<8x128xf32>
      %mul3A_336 = arith.mulf %mul3A_335, %sub3A_328 : vector<8x128xf32>
      %mul3A_337 = arith.mulf %mul3A_336, %sub3A_328 : vector<8x128xf32>
      %get3A_338 = arith.index_cast %get3A_119 : i32 to index
      %get3A_339 = memref.load %arg6[%get3A_338] : memref<8200xf32, #tpu.memory_space<smem>>
      %mul3A_340 = vector.broadcast %get3A_339 : f32 to vector<8x128xf32>
      %mul3A_341 = arith.mulf %mul3A_340, %sub3A_328 : vector<8x128xf32>
      %mul3A_342 = arith.mulf %mul3A_341, %sub3A_332 : vector<8x128xf32>
      %add3A_343 = arith.addf %mul3A_337, %mul3A_342 : vector<8x128xf32>
      %get3A_344 = arith.index_cast %get3A_119 : i32 to index
      %get3A_345 = memref.load %arg7[%get3A_344] : memref<8200xf32, #tpu.memory_space<smem>>
      %mul3A_346 = vector.broadcast %get3A_345 : f32 to vector<8x128xf32>
      %mul3A_347 = arith.mulf %mul3A_346, %sub3A_332 : vector<8x128xf32>
      %mul3A_348 = arith.mulf %mul3A_347, %sub3A_332 : vector<8x128xf32>
      %add3A_349 = arith.addf %add3A_343, %mul3A_348 : vector<8x128xf32>
      %get3A_350 = arith.index_cast %get3A_119 : i32 to index
      %get3A_351 = memref.load %arg8[%get3A_350] : memref<8200xf32, #tpu.memory_space<smem>>
      %exp3A_352 = math.exp %add3A_349 : vector<8x128xf32>
      %mul3A_353 = vector.broadcast %get3A_351 : f32 to vector<8x128xf32>
      %mul3A_354 = arith.mulf %mul3A_353, %exp3A_352 : vector<8x128xf32>
      %min3A_355 = arith.constant 9.990000e-01 : f32
      %min3A_356 = vector.broadcast %min3A_355 : f32 to vector<8x128xf32>
      %min3A_357 = arith.minimumf %mul3A_354, %min3A_356 : vector<8x128xf32>
      %ge3A_358 = arith.constant 0.00392156886 : f32
      %ge3A_359 = vector.broadcast %ge3A_358 : f32 to vector<8x128xf32>
      %ge3A_360 = arith.cmpf oge, %min3A_357, %ge3A_359 : vector<8x128xf32>
      %jit3A_361 = arith.constant 0.000000e+00 : f32
      %broadcast_in_dim3A_362 = vector.broadcast %jit3A_361 : f32 to vector<8x128xf32>
      %select_n3A_363 = arith.select %ge3A_360, %min3A_357, %broadcast_in_dim3A_362 : vector<8x128xi1>, vector<8x128xf32>
      %mul3A_364 = arith.mulf %select_n3A_363, %mul3A_324 : vector<8x128xf32>
      %get3A_365 = arith.index_cast %get3A_119 : i32 to index
      %get3A_366 = memref.load %arg9[%get3A_365] : memref<8200xf32, #tpu.memory_space<smem>>
      %mul3A_367 = vector.broadcast %get3A_366 : f32 to vector<8x128xf32>
      %mul3A_368 = arith.mulf %mul3A_364, %mul3A_367 : vector<8x128xf32>
      %add3A_369 = arith.addf %add3A_310, %mul3A_368 : vector<8x128xf32>
      %get3A_370 = arith.index_cast %get3A_119 : i32 to index
      %get3A_371 = memref.load %arg10[%get3A_370] : memref<8200xf32, #tpu.memory_space<smem>>
      %mul3A_372 = vector.broadcast %get3A_371 : f32 to vector<8x128xf32>
      %mul3A_373 = arith.mulf %mul3A_364, %mul3A_372 : vector<8x128xf32>
      %add3A_374 = arith.addf %add3A_315, %mul3A_373 : vector<8x128xf32>
      %get3A_375 = arith.index_cast %get3A_119 : i32 to index
      %get3A_376 = memref.load %arg11[%get3A_375] : memref<8200xf32, #tpu.memory_space<smem>>
      %mul3A_377 = vector.broadcast %get3A_376 : f32 to vector<8x128xf32>
      %mul3A_378 = arith.mulf %mul3A_364, %mul3A_377 : vector<8x128xf32>
      %add3A_379 = arith.addf %add3A_320, %mul3A_378 : vector<8x128xf32>
      %sub3A_380 = arith.constant 1.000000e+00 : f32
      %sub3A_381 = vector.broadcast %sub3A_380 : f32 to vector<8x128xf32>
      %sub3A_382 = arith.subf %sub3A_381, %select_n3A_363 : vector<8x128xf32>
      %mul3A_383 = arith.mulf %mul3A_324, %sub3A_382 : vector<8x128xf32>
      %get3A_384 = arith.index_cast %get3A_125 : i32 to index
      %get3A_385 = memref.load %arg3[%get3A_384] : memref<8200xf32, #tpu.memory_space<smem>>
      %sub3A_386 = vector.broadcast %get3A_385 : f32 to vector<8x128xf32>
      %sub3A_387 = arith.subf %add3A_9, %sub3A_386 : vector<8x128xf32>
      %get3A_388 = arith.index_cast %get3A_125 : i32 to index
      %get3A_389 = memref.load %arg4[%get3A_388] : memref<8200xf32, #tpu.memory_space<smem>>
      %sub3A_390 = vector.broadcast %get3A_389 : f32 to vector<8x128xf32>
      %sub3A_391 = arith.subf %add3A_4, %sub3A_390 : vector<8x128xf32>
      %get3A_392 = arith.index_cast %get3A_125 : i32 to index
      %get3A_393 = memref.load %arg5[%get3A_392] : memref<8200xf32, #tpu.memory_space<smem>>
      %mul3A_394 = vector.broadcast %get3A_393 : f32 to vector<8x128xf32>
      %mul3A_395 = arith.mulf %mul3A_394, %sub3A_387 : vector<8x128xf32>
      %mul3A_396 = arith.mulf %mul3A_395, %sub3A_387 : vector<8x128xf32>
      %get3A_397 = arith.index_cast %get3A_125 : i32 to index
      %get3A_398 = memref.load %arg6[%get3A_397] : memref<8200xf32, #tpu.memory_space<smem>>
      %mul3A_399 = vector.broadcast %get3A_398 : f32 to vector<8x128xf32>
      %mul3A_400 = arith.mulf %mul3A_399, %sub3A_387 : vector<8x128xf32>
      %mul3A_401 = arith.mulf %mul3A_400, %sub3A_391 : vector<8x128xf32>
      %add3A_402 = arith.addf %mul3A_396, %mul3A_401 : vector<8x128xf32>
      %get3A_403 = arith.index_cast %get3A_125 : i32 to index
      %get3A_404 = memref.load %arg7[%get3A_403] : memref<8200xf32, #tpu.memory_space<smem>>
      %mul3A_405 = vector.broadcast %get3A_404 : f32 to vector<8x128xf32>
      %mul3A_406 = arith.mulf %mul3A_405, %sub3A_391 : vector<8x128xf32>
      %mul3A_407 = arith.mulf %mul3A_406, %sub3A_391 : vector<8x128xf32>
      %add3A_408 = arith.addf %add3A_402, %mul3A_407 : vector<8x128xf32>
      %get3A_409 = arith.index_cast %get3A_125 : i32 to index
      %get3A_410 = memref.load %arg8[%get3A_409] : memref<8200xf32, #tpu.memory_space<smem>>
      %exp3A_411 = math.exp %add3A_408 : vector<8x128xf32>
      %mul3A_412 = vector.broadcast %get3A_410 : f32 to vector<8x128xf32>
      %mul3A_413 = arith.mulf %mul3A_412, %exp3A_411 : vector<8x128xf32>
      %min3A_414 = arith.constant 9.990000e-01 : f32
      %min3A_415 = vector.broadcast %min3A_414 : f32 to vector<8x128xf32>
      %min3A_416 = arith.minimumf %mul3A_413, %min3A_415 : vector<8x128xf32>
      %ge3A_417 = arith.constant 0.00392156886 : f32
      %ge3A_418 = vector.broadcast %ge3A_417 : f32 to vector<8x128xf32>
      %ge3A_419 = arith.cmpf oge, %min3A_416, %ge3A_418 : vector<8x128xf32>
      %jit3A_420 = arith.constant 0.000000e+00 : f32
      %broadcast_in_dim3A_421 = vector.broadcast %jit3A_420 : f32 to vector<8x128xf32>
      %select_n3A_422 = arith.select %ge3A_419, %min3A_416, %broadcast_in_dim3A_421 : vector<8x128xi1>, vector<8x128xf32>
      %mul3A_423 = arith.mulf %select_n3A_422, %mul3A_383 : vector<8x128xf32>
      %get3A_424 = arith.index_cast %get3A_125 : i32 to index
      %get3A_425 = memref.load %arg9[%get3A_424] : memref<8200xf32, #tpu.memory_space<smem>>
      %mul3A_426 = vector.broadcast %get3A_425 : f32 to vector<8x128xf32>
      %mul3A_427 = arith.mulf %mul3A_423, %mul3A_426 : vector<8x128xf32>
      %add3A_428 = arith.addf %add3A_369, %mul3A_427 : vector<8x128xf32>
      %get3A_429 = arith.index_cast %get3A_125 : i32 to index
      %get3A_430 = memref.load %arg10[%get3A_429] : memref<8200xf32, #tpu.memory_space<smem>>
      %mul3A_431 = vector.broadcast %get3A_430 : f32 to vector<8x128xf32>
      %mul3A_432 = arith.mulf %mul3A_423, %mul3A_431 : vector<8x128xf32>
      %add3A_433 = arith.addf %add3A_374, %mul3A_432 : vector<8x128xf32>
      %get3A_434 = arith.index_cast %get3A_125 : i32 to index
      %get3A_435 = memref.load %arg11[%get3A_434] : memref<8200xf32, #tpu.memory_space<smem>>
      %mul3A_436 = vector.broadcast %get3A_435 : f32 to vector<8x128xf32>
      %mul3A_437 = arith.mulf %mul3A_423, %mul3A_436 : vector<8x128xf32>
      %add3A_438 = arith.addf %add3A_379, %mul3A_437 : vector<8x128xf32>
      %sub3A_439 = arith.constant 1.000000e+00 : f32
      %sub3A_440 = vector.broadcast %sub3A_439 : f32 to vector<8x128xf32>
      %sub3A_441 = arith.subf %sub3A_440, %select_n3A_422 : vector<8x128xf32>
      %mul3A_442 = arith.mulf %mul3A_383, %sub3A_441 : vector<8x128xf32>
      %get3A_443 = arith.index_cast %get3A_131 : i32 to index
      %get3A_444 = memref.load %arg3[%get3A_443] : memref<8200xf32, #tpu.memory_space<smem>>
      %sub3A_445 = vector.broadcast %get3A_444 : f32 to vector<8x128xf32>
      %sub3A_446 = arith.subf %add3A_9, %sub3A_445 : vector<8x128xf32>
      %get3A_447 = arith.index_cast %get3A_131 : i32 to index
      %get3A_448 = memref.load %arg4[%get3A_447] : memref<8200xf32, #tpu.memory_space<smem>>
      %sub3A_449 = vector.broadcast %get3A_448 : f32 to vector<8x128xf32>
      %sub3A_450 = arith.subf %add3A_4, %sub3A_449 : vector<8x128xf32>
      %get3A_451 = arith.index_cast %get3A_131 : i32 to index
      %get3A_452 = memref.load %arg5[%get3A_451] : memref<8200xf32, #tpu.memory_space<smem>>
      %mul3A_453 = vector.broadcast %get3A_452 : f32 to vector<8x128xf32>
      %mul3A_454 = arith.mulf %mul3A_453, %sub3A_446 : vector<8x128xf32>
      %mul3A_455 = arith.mulf %mul3A_454, %sub3A_446 : vector<8x128xf32>
      %get3A_456 = arith.index_cast %get3A_131 : i32 to index
      %get3A_457 = memref.load %arg6[%get3A_456] : memref<8200xf32, #tpu.memory_space<smem>>
      %mul3A_458 = vector.broadcast %get3A_457 : f32 to vector<8x128xf32>
      %mul3A_459 = arith.mulf %mul3A_458, %sub3A_446 : vector<8x128xf32>
      %mul3A_460 = arith.mulf %mul3A_459, %sub3A_450 : vector<8x128xf32>
      %add3A_461 = arith.addf %mul3A_455, %mul3A_460 : vector<8x128xf32>
      %get3A_462 = arith.index_cast %get3A_131 : i32 to index
      %get3A_463 = memref.load %arg7[%get3A_462] : memref<8200xf32, #tpu.memory_space<smem>>
      %mul3A_464 = vector.broadcast %get3A_463 : f32 to vector<8x128xf32>
      %mul3A_465 = arith.mulf %mul3A_464, %sub3A_450 : vector<8x128xf32>
      %mul3A_466 = arith.mulf %mul3A_465, %sub3A_450 : vector<8x128xf32>
      %add3A_467 = arith.addf %add3A_461, %mul3A_466 : vector<8x128xf32>
      %get3A_468 = arith.index_cast %get3A_131 : i32 to index
      %get3A_469 = memref.load %arg8[%get3A_468] : memref<8200xf32, #tpu.memory_space<smem>>
      %exp3A_470 = math.exp %add3A_467 : vector<8x128xf32>
      %mul3A_471 = vector.broadcast %get3A_469 : f32 to vector<8x128xf32>
      %mul3A_472 = arith.mulf %mul3A_471, %exp3A_470 : vector<8x128xf32>
      %min3A_473 = arith.constant 9.990000e-01 : f32
      %min3A_474 = vector.broadcast %min3A_473 : f32 to vector<8x128xf32>
      %min3A_475 = arith.minimumf %mul3A_472, %min3A_474 : vector<8x128xf32>
      %ge3A_476 = arith.constant 0.00392156886 : f32
      %ge3A_477 = vector.broadcast %ge3A_476 : f32 to vector<8x128xf32>
      %ge3A_478 = arith.cmpf oge, %min3A_475, %ge3A_477 : vector<8x128xf32>
      %jit3A_479 = arith.constant 0.000000e+00 : f32
      %broadcast_in_dim3A_480 = vector.broadcast %jit3A_479 : f32 to vector<8x128xf32>
      %select_n3A_481 = arith.select %ge3A_478, %min3A_475, %broadcast_in_dim3A_480 : vector<8x128xi1>, vector<8x128xf32>
      %mul3A_482 = arith.mulf %select_n3A_481, %mul3A_442 : vector<8x128xf32>
      %get3A_483 = arith.index_cast %get3A_131 : i32 to index
      %get3A_484 = memref.load %arg9[%get3A_483] : memref<8200xf32, #tpu.memory_space<smem>>
      %mul3A_485 = vector.broadcast %get3A_484 : f32 to vector<8x128xf32>
      %mul3A_486 = arith.mulf %mul3A_482, %mul3A_485 : vector<8x128xf32>
      %add3A_487 = arith.addf %add3A_428, %mul3A_486 : vector<8x128xf32>
      %get3A_488 = arith.index_cast %get3A_131 : i32 to index
      %get3A_489 = memref.load %arg10[%get3A_488] : memref<8200xf32, #tpu.memory_space<smem>>
      %mul3A_490 = vector.broadcast %get3A_489 : f32 to vector<8x128xf32>
      %mul3A_491 = arith.mulf %mul3A_482, %mul3A_490 : vector<8x128xf32>
      %add3A_492 = arith.addf %add3A_433, %mul3A_491 : vector<8x128xf32>
      %get3A_493 = arith.index_cast %get3A_131 : i32 to index
      %get3A_494 = memref.load %arg11[%get3A_493] : memref<8200xf32, #tpu.memory_space<smem>>
      %mul3A_495 = vector.broadcast %get3A_494 : f32 to vector<8x128xf32>
      %mul3A_496 = arith.mulf %mul3A_482, %mul3A_495 : vector<8x128xf32>
      %add3A_497 = arith.addf %add3A_438, %mul3A_496 : vector<8x128xf32>
      %sub3A_498 = arith.constant 1.000000e+00 : f32
      %sub3A_499 = vector.broadcast %sub3A_498 : f32 to vector<8x128xf32>
      %sub3A_500 = arith.subf %sub3A_499, %select_n3A_481 : vector<8x128xf32>
      %mul3A_501 = arith.mulf %mul3A_442, %sub3A_500 : vector<8x128xf32>
      %get3A_502 = arith.index_cast %get3A_137 : i32 to index
      %get3A_503 = memref.load %arg3[%get3A_502] : memref<8200xf32, #tpu.memory_space<smem>>
      %sub3A_504 = vector.broadcast %get3A_503 : f32 to vector<8x128xf32>
      %sub3A_505 = arith.subf %add3A_9, %sub3A_504 : vector<8x128xf32>
      %get3A_506 = arith.index_cast %get3A_137 : i32 to index
      %get3A_507 = memref.load %arg4[%get3A_506] : memref<8200xf32, #tpu.memory_space<smem>>
      %sub3A_508 = vector.broadcast %get3A_507 : f32 to vector<8x128xf32>
      %sub3A_509 = arith.subf %add3A_4, %sub3A_508 : vector<8x128xf32>
      %get3A_510 = arith.index_cast %get3A_137 : i32 to index
      %get3A_511 = memref.load %arg5[%get3A_510] : memref<8200xf32, #tpu.memory_space<smem>>
      %mul3A_512 = vector.broadcast %get3A_511 : f32 to vector<8x128xf32>
      %mul3A_513 = arith.mulf %mul3A_512, %sub3A_505 : vector<8x128xf32>
      %mul3A_514 = arith.mulf %mul3A_513, %sub3A_505 : vector<8x128xf32>
      %get3A_515 = arith.index_cast %get3A_137 : i32 to index
      %get3A_516 = memref.load %arg6[%get3A_515] : memref<8200xf32, #tpu.memory_space<smem>>
      %mul3A_517 = vector.broadcast %get3A_516 : f32 to vector<8x128xf32>
      %mul3A_518 = arith.mulf %mul3A_517, %sub3A_505 : vector<8x128xf32>
      %mul3A_519 = arith.mulf %mul3A_518, %sub3A_509 : vector<8x128xf32>
      %add3A_520 = arith.addf %mul3A_514, %mul3A_519 : vector<8x128xf32>
      %get3A_521 = arith.index_cast %get3A_137 : i32 to index
      %get3A_522 = memref.load %arg7[%get3A_521] : memref<8200xf32, #tpu.memory_space<smem>>
      %mul3A_523 = vector.broadcast %get3A_522 : f32 to vector<8x128xf32>
      %mul3A_524 = arith.mulf %mul3A_523, %sub3A_509 : vector<8x128xf32>
      %mul3A_525 = arith.mulf %mul3A_524, %sub3A_509 : vector<8x128xf32>
      %add3A_526 = arith.addf %add3A_520, %mul3A_525 : vector<8x128xf32>
      %get3A_527 = arith.index_cast %get3A_137 : i32 to index
      %get3A_528 = memref.load %arg8[%get3A_527] : memref<8200xf32, #tpu.memory_space<smem>>
      %exp3A_529 = math.exp %add3A_526 : vector<8x128xf32>
      %mul3A_530 = vector.broadcast %get3A_528 : f32 to vector<8x128xf32>
      %mul3A_531 = arith.mulf %mul3A_530, %exp3A_529 : vector<8x128xf32>
      %min3A_532 = arith.constant 9.990000e-01 : f32
      %min3A_533 = vector.broadcast %min3A_532 : f32 to vector<8x128xf32>
      %min3A_534 = arith.minimumf %mul3A_531, %min3A_533 : vector<8x128xf32>
      %ge3A_535 = arith.constant 0.00392156886 : f32
      %ge3A_536 = vector.broadcast %ge3A_535 : f32 to vector<8x128xf32>
      %ge3A_537 = arith.cmpf oge, %min3A_534, %ge3A_536 : vector<8x128xf32>
      %jit3A_538 = arith.constant 0.000000e+00 : f32
      %broadcast_in_dim3A_539 = vector.broadcast %jit3A_538 : f32 to vector<8x128xf32>
      %select_n3A_540 = arith.select %ge3A_537, %min3A_534, %broadcast_in_dim3A_539 : vector<8x128xi1>, vector<8x128xf32>
      %mul3A_541 = arith.mulf %select_n3A_540, %mul3A_501 : vector<8x128xf32>
      %get3A_542 = arith.index_cast %get3A_137 : i32 to index
      %get3A_543 = memref.load %arg9[%get3A_542] : memref<8200xf32, #tpu.memory_space<smem>>
      %mul3A_544 = vector.broadcast %get3A_543 : f32 to vector<8x128xf32>
      %mul3A_545 = arith.mulf %mul3A_541, %mul3A_544 : vector<8x128xf32>
      %add3A_546 = arith.addf %add3A_487, %mul3A_545 : vector<8x128xf32>
      %get3A_547 = arith.index_cast %get3A_137 : i32 to index
      %get3A_548 = memref.load %arg10[%get3A_547] : memref<8200xf32, #tpu.memory_space<smem>>
      %mul3A_549 = vector.broadcast %get3A_548 : f32 to vector<8x128xf32>
      %mul3A_550 = arith.mulf %mul3A_541, %mul3A_549 : vector<8x128xf32>
      %add3A_551 = arith.addf %add3A_492, %mul3A_550 : vector<8x128xf32>
      %get3A_552 = arith.index_cast %get3A_137 : i32 to index
      %get3A_553 = memref.load %arg11[%get3A_552] : memref<8200xf32, #tpu.memory_space<smem>>
      %mul3A_554 = vector.broadcast %get3A_553 : f32 to vector<8x128xf32>
      %mul3A_555 = arith.mulf %mul3A_541, %mul3A_554 : vector<8x128xf32>
      %add3A_556 = arith.addf %add3A_497, %mul3A_555 : vector<8x128xf32>
      %sub3A_557 = arith.constant 1.000000e+00 : f32
      %sub3A_558 = vector.broadcast %sub3A_557 : f32 to vector<8x128xf32>
      %sub3A_559 = arith.subf %sub3A_558, %select_n3A_540 : vector<8x128xf32>
      %mul3A_560 = arith.mulf %mul3A_501, %sub3A_559 : vector<8x128xf32>
      %get3A_561 = arith.index_cast %get3A_143 : i32 to index
      %get3A_562 = memref.load %arg3[%get3A_561] : memref<8200xf32, #tpu.memory_space<smem>>
      %sub3A_563 = vector.broadcast %get3A_562 : f32 to vector<8x128xf32>
      %sub3A_564 = arith.subf %add3A_9, %sub3A_563 : vector<8x128xf32>
      %get3A_565 = arith.index_cast %get3A_143 : i32 to index
      %get3A_566 = memref.load %arg4[%get3A_565] : memref<8200xf32, #tpu.memory_space<smem>>
      %sub3A_567 = vector.broadcast %get3A_566 : f32 to vector<8x128xf32>
      %sub3A_568 = arith.subf %add3A_4, %sub3A_567 : vector<8x128xf32>
      %get3A_569 = arith.index_cast %get3A_143 : i32 to index
      %get3A_570 = memref.load %arg5[%get3A_569] : memref<8200xf32, #tpu.memory_space<smem>>
      %mul3A_571 = vector.broadcast %get3A_570 : f32 to vector<8x128xf32>
      %mul3A_572 = arith.mulf %mul3A_571, %sub3A_564 : vector<8x128xf32>
      %mul3A_573 = arith.mulf %mul3A_572, %sub3A_564 : vector<8x128xf32>
      %get3A_574 = arith.index_cast %get3A_143 : i32 to index
      %get3A_575 = memref.load %arg6[%get3A_574] : memref<8200xf32, #tpu.memory_space<smem>>
      %mul3A_576 = vector.broadcast %get3A_575 : f32 to vector<8x128xf32>
      %mul3A_577 = arith.mulf %mul3A_576, %sub3A_564 : vector<8x128xf32>
      %mul3A_578 = arith.mulf %mul3A_577, %sub3A_568 : vector<8x128xf32>
      %add3A_579 = arith.addf %mul3A_573, %mul3A_578 : vector<8x128xf32>
      %get3A_580 = arith.index_cast %get3A_143 : i32 to index
      %get3A_581 = memref.load %arg7[%get3A_580] : memref<8200xf32, #tpu.memory_space<smem>>
      %mul3A_582 = vector.broadcast %get3A_581 : f32 to vector<8x128xf32>
      %mul3A_583 = arith.mulf %mul3A_582, %sub3A_568 : vector<8x128xf32>
      %mul3A_584 = arith.mulf %mul3A_583, %sub3A_568 : vector<8x128xf32>
      %add3A_585 = arith.addf %add3A_579, %mul3A_584 : vector<8x128xf32>
      %get3A_586 = arith.index_cast %get3A_143 : i32 to index
      %get3A_587 = memref.load %arg8[%get3A_586] : memref<8200xf32, #tpu.memory_space<smem>>
      %exp3A_588 = math.exp %add3A_585 : vector<8x128xf32>
      %mul3A_589 = vector.broadcast %get3A_587 : f32 to vector<8x128xf32>
      %mul3A_590 = arith.mulf %mul3A_589, %exp3A_588 : vector<8x128xf32>
      %min3A_591 = arith.constant 9.990000e-01 : f32
      %min3A_592 = vector.broadcast %min3A_591 : f32 to vector<8x128xf32>
      %min3A_593 = arith.minimumf %mul3A_590, %min3A_592 : vector<8x128xf32>
      %ge3A_594 = arith.constant 0.00392156886 : f32
      %ge3A_595 = vector.broadcast %ge3A_594 : f32 to vector<8x128xf32>
      %ge3A_596 = arith.cmpf oge, %min3A_593, %ge3A_595 : vector<8x128xf32>
      %jit3A_597 = arith.constant 0.000000e+00 : f32
      %broadcast_in_dim3A_598 = vector.broadcast %jit3A_597 : f32 to vector<8x128xf32>
      %select_n3A_599 = arith.select %ge3A_596, %min3A_593, %broadcast_in_dim3A_598 : vector<8x128xi1>, vector<8x128xf32>
      %mul3A_600 = arith.mulf %select_n3A_599, %mul3A_560 : vector<8x128xf32>
      %get3A_601 = arith.index_cast %get3A_143 : i32 to index
      %get3A_602 = memref.load %arg9[%get3A_601] : memref<8200xf32, #tpu.memory_space<smem>>
      %mul3A_603 = vector.broadcast %get3A_602 : f32 to vector<8x128xf32>
      %mul3A_604 = arith.mulf %mul3A_600, %mul3A_603 : vector<8x128xf32>
      %add3A_605 = arith.addf %add3A_546, %mul3A_604 : vector<8x128xf32>
      %get3A_606 = arith.index_cast %get3A_143 : i32 to index
      %get3A_607 = memref.load %arg10[%get3A_606] : memref<8200xf32, #tpu.memory_space<smem>>
      %mul3A_608 = vector.broadcast %get3A_607 : f32 to vector<8x128xf32>
      %mul3A_609 = arith.mulf %mul3A_600, %mul3A_608 : vector<8x128xf32>
      %add3A_610 = arith.addf %add3A_551, %mul3A_609 : vector<8x128xf32>
      %get3A_611 = arith.index_cast %get3A_143 : i32 to index
      %get3A_612 = memref.load %arg11[%get3A_611] : memref<8200xf32, #tpu.memory_space<smem>>
      %mul3A_613 = vector.broadcast %get3A_612 : f32 to vector<8x128xf32>
      %mul3A_614 = arith.mulf %mul3A_600, %mul3A_613 : vector<8x128xf32>
      %add3A_615 = arith.addf %add3A_556, %mul3A_614 : vector<8x128xf32>
      %sub3A_616 = arith.constant 1.000000e+00 : f32
      %sub3A_617 = vector.broadcast %sub3A_616 : f32 to vector<8x128xf32>
      %sub3A_618 = arith.subf %sub3A_617, %select_n3A_599 : vector<8x128xf32>
      %mul3A_619 = arith.mulf %mul3A_560, %sub3A_618 : vector<8x128xf32>
      %get3A_620 = arith.index_cast %get3A_149 : i32 to index
      %get3A_621 = memref.load %arg3[%get3A_620] : memref<8200xf32, #tpu.memory_space<smem>>
      %sub3A_622 = vector.broadcast %get3A_621 : f32 to vector<8x128xf32>
      %sub3A_623 = arith.subf %add3A_9, %sub3A_622 : vector<8x128xf32>
      %get3A_624 = arith.index_cast %get3A_149 : i32 to index
      %get3A_625 = memref.load %arg4[%get3A_624] : memref<8200xf32, #tpu.memory_space<smem>>
      %sub3A_626 = vector.broadcast %get3A_625 : f32 to vector<8x128xf32>
      %sub3A_627 = arith.subf %add3A_4, %sub3A_626 : vector<8x128xf32>
      %get3A_628 = arith.index_cast %get3A_149 : i32 to index
      %get3A_629 = memref.load %arg5[%get3A_628] : memref<8200xf32, #tpu.memory_space<smem>>
      %mul3A_630 = vector.broadcast %get3A_629 : f32 to vector<8x128xf32>
      %mul3A_631 = arith.mulf %mul3A_630, %sub3A_623 : vector<8x128xf32>
      %mul3A_632 = arith.mulf %mul3A_631, %sub3A_623 : vector<8x128xf32>
      %get3A_633 = arith.index_cast %get3A_149 : i32 to index
      %get3A_634 = memref.load %arg6[%get3A_633] : memref<8200xf32, #tpu.memory_space<smem>>
      %mul3A_635 = vector.broadcast %get3A_634 : f32 to vector<8x128xf32>
      %mul3A_636 = arith.mulf %mul3A_635, %sub3A_623 : vector<8x128xf32>
      %mul3A_637 = arith.mulf %mul3A_636, %sub3A_627 : vector<8x128xf32>
      %add3A_638 = arith.addf %mul3A_632, %mul3A_637 : vector<8x128xf32>
      %get3A_639 = arith.index_cast %get3A_149 : i32 to index
      %get3A_640 = memref.load %arg7[%get3A_639] : memref<8200xf32, #tpu.memory_space<smem>>
      %mul3A_641 = vector.broadcast %get3A_640 : f32 to vector<8x128xf32>
      %mul3A_642 = arith.mulf %mul3A_641, %sub3A_627 : vector<8x128xf32>
      %mul3A_643 = arith.mulf %mul3A_642, %sub3A_627 : vector<8x128xf32>
      %add3A_644 = arith.addf %add3A_638, %mul3A_643 : vector<8x128xf32>
      %get3A_645 = arith.index_cast %get3A_149 : i32 to index
      %get3A_646 = memref.load %arg8[%get3A_645] : memref<8200xf32, #tpu.memory_space<smem>>
      %exp3A_647 = math.exp %add3A_644 : vector<8x128xf32>
      %mul3A_648 = vector.broadcast %get3A_646 : f32 to vector<8x128xf32>
      %mul3A_649 = arith.mulf %mul3A_648, %exp3A_647 : vector<8x128xf32>
      %min3A_650 = arith.constant 9.990000e-01 : f32
      %min3A_651 = vector.broadcast %min3A_650 : f32 to vector<8x128xf32>
      %min3A_652 = arith.minimumf %mul3A_649, %min3A_651 : vector<8x128xf32>
      %ge3A_653 = arith.constant 0.00392156886 : f32
      %ge3A_654 = vector.broadcast %ge3A_653 : f32 to vector<8x128xf32>
      %ge3A_655 = arith.cmpf oge, %min3A_652, %ge3A_654 : vector<8x128xf32>
      %jit3A_656 = arith.constant 0.000000e+00 : f32
      %broadcast_in_dim3A_657 = vector.broadcast %jit3A_656 : f32 to vector<8x128xf32>
      %select_n3A_658 = arith.select %ge3A_655, %min3A_652, %broadcast_in_dim3A_657 : vector<8x128xi1>, vector<8x128xf32>
      %mul3A_659 = arith.mulf %select_n3A_658, %mul3A_619 : vector<8x128xf32>
      %get3A_660 = arith.index_cast %get3A_149 : i32 to index
      %get3A_661 = memref.load %arg9[%get3A_660] : memref<8200xf32, #tpu.memory_space<smem>>
      %mul3A_662 = vector.broadcast %get3A_661 : f32 to vector<8x128xf32>
      %mul3A_663 = arith.mulf %mul3A_659, %mul3A_662 : vector<8x128xf32>
      %add3A_664 = arith.addf %add3A_605, %mul3A_663 : vector<8x128xf32>
      %get3A_665 = arith.index_cast %get3A_149 : i32 to index
      %get3A_666 = memref.load %arg10[%get3A_665] : memref<8200xf32, #tpu.memory_space<smem>>
      %mul3A_667 = vector.broadcast %get3A_666 : f32 to vector<8x128xf32>
      %mul3A_668 = arith.mulf %mul3A_659, %mul3A_667 : vector<8x128xf32>
      %add3A_669 = arith.addf %add3A_610, %mul3A_668 : vector<8x128xf32>
      %get3A_670 = arith.index_cast %get3A_149 : i32 to index
      %get3A_671 = memref.load %arg11[%get3A_670] : memref<8200xf32, #tpu.memory_space<smem>>
      %mul3A_672 = vector.broadcast %get3A_671 : f32 to vector<8x128xf32>
      %mul3A_673 = arith.mulf %mul3A_659, %mul3A_672 : vector<8x128xf32>
      %add3A_674 = arith.addf %add3A_615, %mul3A_673 : vector<8x128xf32>
      %sub3A_675 = arith.constant 1.000000e+00 : f32
      %sub3A_676 = vector.broadcast %sub3A_675 : f32 to vector<8x128xf32>
      %sub3A_677 = arith.subf %sub3A_676, %select_n3A_658 : vector<8x128xf32>
      %mul3A_678 = arith.mulf %mul3A_619, %sub3A_677 : vector<8x128xf32>
      %get3A_679 = arith.index_cast %get3A_155 : i32 to index
      %get3A_680 = memref.load %arg3[%get3A_679] : memref<8200xf32, #tpu.memory_space<smem>>
      %sub3A_681 = vector.broadcast %get3A_680 : f32 to vector<8x128xf32>
      %sub3A_682 = arith.subf %add3A_9, %sub3A_681 : vector<8x128xf32>
      %get3A_683 = arith.index_cast %get3A_155 : i32 to index
      %get3A_684 = memref.load %arg4[%get3A_683] : memref<8200xf32, #tpu.memory_space<smem>>
      %sub3A_685 = vector.broadcast %get3A_684 : f32 to vector<8x128xf32>
      %sub3A_686 = arith.subf %add3A_4, %sub3A_685 : vector<8x128xf32>
      %get3A_687 = arith.index_cast %get3A_155 : i32 to index
      %get3A_688 = memref.load %arg5[%get3A_687] : memref<8200xf32, #tpu.memory_space<smem>>
      %mul3A_689 = vector.broadcast %get3A_688 : f32 to vector<8x128xf32>
      %mul3A_690 = arith.mulf %mul3A_689, %sub3A_682 : vector<8x128xf32>
      %mul3A_691 = arith.mulf %mul3A_690, %sub3A_682 : vector<8x128xf32>
      %get3A_692 = arith.index_cast %get3A_155 : i32 to index
      %get3A_693 = memref.load %arg6[%get3A_692] : memref<8200xf32, #tpu.memory_space<smem>>
      %mul3A_694 = vector.broadcast %get3A_693 : f32 to vector<8x128xf32>
      %mul3A_695 = arith.mulf %mul3A_694, %sub3A_682 : vector<8x128xf32>
      %mul3A_696 = arith.mulf %mul3A_695, %sub3A_686 : vector<8x128xf32>
      %add3A_697 = arith.addf %mul3A_691, %mul3A_696 : vector<8x128xf32>
      %get3A_698 = arith.index_cast %get3A_155 : i32 to index
      %get3A_699 = memref.load %arg7[%get3A_698] : memref<8200xf32, #tpu.memory_space<smem>>
      %mul3A_700 = vector.broadcast %get3A_699 : f32 to vector<8x128xf32>
      %mul3A_701 = arith.mulf %mul3A_700, %sub3A_686 : vector<8x128xf32>
      %mul3A_702 = arith.mulf %mul3A_701, %sub3A_686 : vector<8x128xf32>
      %add3A_703 = arith.addf %add3A_697, %mul3A_702 : vector<8x128xf32>
      %get3A_704 = arith.index_cast %get3A_155 : i32 to index
      %get3A_705 = memref.load %arg8[%get3A_704] : memref<8200xf32, #tpu.memory_space<smem>>
      %exp3A_706 = math.exp %add3A_703 : vector<8x128xf32>
      %mul3A_707 = vector.broadcast %get3A_705 : f32 to vector<8x128xf32>
      %mul3A_708 = arith.mulf %mul3A_707, %exp3A_706 : vector<8x128xf32>
      %min3A_709 = arith.constant 9.990000e-01 : f32
      %min3A_710 = vector.broadcast %min3A_709 : f32 to vector<8x128xf32>
      %min3A_711 = arith.minimumf %mul3A_708, %min3A_710 : vector<8x128xf32>
      %ge3A_712 = arith.constant 0.00392156886 : f32
      %ge3A_713 = vector.broadcast %ge3A_712 : f32 to vector<8x128xf32>
      %ge3A_714 = arith.cmpf oge, %min3A_711, %ge3A_713 : vector<8x128xf32>
      %jit3A_715 = arith.constant 0.000000e+00 : f32
      %broadcast_in_dim3A_716 = vector.broadcast %jit3A_715 : f32 to vector<8x128xf32>
      %select_n3A_717 = arith.select %ge3A_714, %min3A_711, %broadcast_in_dim3A_716 : vector<8x128xi1>, vector<8x128xf32>
      %mul3A_718 = arith.mulf %select_n3A_717, %mul3A_678 : vector<8x128xf32>
      %get3A_719 = arith.index_cast %get3A_155 : i32 to index
      %get3A_720 = memref.load %arg9[%get3A_719] : memref<8200xf32, #tpu.memory_space<smem>>
      %mul3A_721 = vector.broadcast %get3A_720 : f32 to vector<8x128xf32>
      %mul3A_722 = arith.mulf %mul3A_718, %mul3A_721 : vector<8x128xf32>
      %add3A_723 = arith.addf %add3A_664, %mul3A_722 : vector<8x128xf32>
      %get3A_724 = arith.index_cast %get3A_155 : i32 to index
      %get3A_725 = memref.load %arg10[%get3A_724] : memref<8200xf32, #tpu.memory_space<smem>>
      %mul3A_726 = vector.broadcast %get3A_725 : f32 to vector<8x128xf32>
      %mul3A_727 = arith.mulf %mul3A_718, %mul3A_726 : vector<8x128xf32>
      %add3A_728 = arith.addf %add3A_669, %mul3A_727 : vector<8x128xf32>
      %get3A_729 = arith.index_cast %get3A_155 : i32 to index
      %get3A_730 = memref.load %arg11[%get3A_729] : memref<8200xf32, #tpu.memory_space<smem>>
      %mul3A_731 = vector.broadcast %get3A_730 : f32 to vector<8x128xf32>
      %mul3A_732 = arith.mulf %mul3A_718, %mul3A_731 : vector<8x128xf32>
      %add3A_733 = arith.addf %add3A_674, %mul3A_732 : vector<8x128xf32>
      %sub3A_734 = arith.constant 1.000000e+00 : f32
      %sub3A_735 = vector.broadcast %sub3A_734 : f32 to vector<8x128xf32>
      %sub3A_736 = arith.subf %sub3A_735, %select_n3A_717 : vector<8x128xf32>
      %mul3A_737 = arith.mulf %mul3A_678, %sub3A_736 : vector<8x128xf32>
      %get3A_738 = arith.index_cast %get3A_161 : i32 to index
      %get3A_739 = memref.load %arg3[%get3A_738] : memref<8200xf32, #tpu.memory_space<smem>>
      %sub3A_740 = vector.broadcast %get3A_739 : f32 to vector<8x128xf32>
      %sub3A_741 = arith.subf %add3A_9, %sub3A_740 : vector<8x128xf32>
      %get3A_742 = arith.index_cast %get3A_161 : i32 to index
      %get3A_743 = memref.load %arg4[%get3A_742] : memref<8200xf32, #tpu.memory_space<smem>>
      %sub3A_744 = vector.broadcast %get3A_743 : f32 to vector<8x128xf32>
      %sub3A_745 = arith.subf %add3A_4, %sub3A_744 : vector<8x128xf32>
      %get3A_746 = arith.index_cast %get3A_161 : i32 to index
      %get3A_747 = memref.load %arg5[%get3A_746] : memref<8200xf32, #tpu.memory_space<smem>>
      %mul3A_748 = vector.broadcast %get3A_747 : f32 to vector<8x128xf32>
      %mul3A_749 = arith.mulf %mul3A_748, %sub3A_741 : vector<8x128xf32>
      %mul3A_750 = arith.mulf %mul3A_749, %sub3A_741 : vector<8x128xf32>
      %get3A_751 = arith.index_cast %get3A_161 : i32 to index
      %get3A_752 = memref.load %arg6[%get3A_751] : memref<8200xf32, #tpu.memory_space<smem>>
      %mul3A_753 = vector.broadcast %get3A_752 : f32 to vector<8x128xf32>
      %mul3A_754 = arith.mulf %mul3A_753, %sub3A_741 : vector<8x128xf32>
      %mul3A_755 = arith.mulf %mul3A_754, %sub3A_745 : vector<8x128xf32>
      %add3A_756 = arith.addf %mul3A_750, %mul3A_755 : vector<8x128xf32>
      %get3A_757 = arith.index_cast %get3A_161 : i32 to index
      %get3A_758 = memref.load %arg7[%get3A_757] : memref<8200xf32, #tpu.memory_space<smem>>
      %mul3A_759 = vector.broadcast %get3A_758 : f32 to vector<8x128xf32>
      %mul3A_760 = arith.mulf %mul3A_759, %sub3A_745 : vector<8x128xf32>
      %mul3A_761 = arith.mulf %mul3A_760, %sub3A_745 : vector<8x128xf32>
      %add3A_762 = arith.addf %add3A_756, %mul3A_761 : vector<8x128xf32>
      %get3A_763 = arith.index_cast %get3A_161 : i32 to index
      %get3A_764 = memref.load %arg8[%get3A_763] : memref<8200xf32, #tpu.memory_space<smem>>
      %exp3A_765 = math.exp %add3A_762 : vector<8x128xf32>
      %mul3A_766 = vector.broadcast %get3A_764 : f32 to vector<8x128xf32>
      %mul3A_767 = arith.mulf %mul3A_766, %exp3A_765 : vector<8x128xf32>
      %min3A_768 = arith.constant 9.990000e-01 : f32
      %min3A_769 = vector.broadcast %min3A_768 : f32 to vector<8x128xf32>
      %min3A_770 = arith.minimumf %mul3A_767, %min3A_769 : vector<8x128xf32>
      %ge3A_771 = arith.constant 0.00392156886 : f32
      %ge3A_772 = vector.broadcast %ge3A_771 : f32 to vector<8x128xf32>
      %ge3A_773 = arith.cmpf oge, %min3A_770, %ge3A_772 : vector<8x128xf32>
      %jit3A_774 = arith.constant 0.000000e+00 : f32
      %broadcast_in_dim3A_775 = vector.broadcast %jit3A_774 : f32 to vector<8x128xf32>
      %select_n3A_776 = arith.select %ge3A_773, %min3A_770, %broadcast_in_dim3A_775 : vector<8x128xi1>, vector<8x128xf32>
      %mul3A_777 = arith.mulf %select_n3A_776, %mul3A_737 : vector<8x128xf32>
      %get3A_778 = arith.index_cast %get3A_161 : i32 to index
      %get3A_779 = memref.load %arg9[%get3A_778] : memref<8200xf32, #tpu.memory_space<smem>>
      %mul3A_780 = vector.broadcast %get3A_779 : f32 to vector<8x128xf32>
      %mul3A_781 = arith.mulf %mul3A_777, %mul3A_780 : vector<8x128xf32>
      %add3A_782 = arith.addf %add3A_723, %mul3A_781 : vector<8x128xf32>
      %get3A_783 = arith.index_cast %get3A_161 : i32 to index
      %get3A_784 = memref.load %arg10[%get3A_783] : memref<8200xf32, #tpu.memory_space<smem>>
      %mul3A_785 = vector.broadcast %get3A_784 : f32 to vector<8x128xf32>
      %mul3A_786 = arith.mulf %mul3A_777, %mul3A_785 : vector<8x128xf32>
      %add3A_787 = arith.addf %add3A_728, %mul3A_786 : vector<8x128xf32>
      %get3A_788 = arith.index_cast %get3A_161 : i32 to index
      %get3A_789 = memref.load %arg11[%get3A_788] : memref<8200xf32, #tpu.memory_space<smem>>
      %mul3A_790 = vector.broadcast %get3A_789 : f32 to vector<8x128xf32>
      %mul3A_791 = arith.mulf %mul3A_777, %mul3A_790 : vector<8x128xf32>
      %add3A_792 = arith.addf %add3A_733, %mul3A_791 : vector<8x128xf32>
      %sub3A_793 = arith.constant 1.000000e+00 : f32
      %sub3A_794 = vector.broadcast %sub3A_793 : f32 to vector<8x128xf32>
      %sub3A_795 = arith.subf %sub3A_794, %select_n3A_776 : vector<8x128xf32>
      %mul3A_796 = arith.mulf %mul3A_737, %sub3A_795 : vector<8x128xf32>
      %get3A_797 = arith.index_cast %get3A_167 : i32 to index
      %get3A_798 = memref.load %arg3[%get3A_797] : memref<8200xf32, #tpu.memory_space<smem>>
      %sub3A_799 = vector.broadcast %get3A_798 : f32 to vector<8x128xf32>
      %sub3A_800 = arith.subf %add3A_9, %sub3A_799 : vector<8x128xf32>
      %get3A_801 = arith.index_cast %get3A_167 : i32 to index
      %get3A_802 = memref.load %arg4[%get3A_801] : memref<8200xf32, #tpu.memory_space<smem>>
      %sub3A_803 = vector.broadcast %get3A_802 : f32 to vector<8x128xf32>
      %sub3A_804 = arith.subf %add3A_4, %sub3A_803 : vector<8x128xf32>
      %get3A_805 = arith.index_cast %get3A_167 : i32 to index
      %get3A_806 = memref.load %arg5[%get3A_805] : memref<8200xf32, #tpu.memory_space<smem>>
      %mul3A_807 = vector.broadcast %get3A_806 : f32 to vector<8x128xf32>
      %mul3A_808 = arith.mulf %mul3A_807, %sub3A_800 : vector<8x128xf32>
      %mul3A_809 = arith.mulf %mul3A_808, %sub3A_800 : vector<8x128xf32>
      %get3A_810 = arith.index_cast %get3A_167 : i32 to index
      %get3A_811 = memref.load %arg6[%get3A_810] : memref<8200xf32, #tpu.memory_space<smem>>
      %mul3A_812 = vector.broadcast %get3A_811 : f32 to vector<8x128xf32>
      %mul3A_813 = arith.mulf %mul3A_812, %sub3A_800 : vector<8x128xf32>
      %mul3A_814 = arith.mulf %mul3A_813, %sub3A_804 : vector<8x128xf32>
      %add3A_815 = arith.addf %mul3A_809, %mul3A_814 : vector<8x128xf32>
      %get3A_816 = arith.index_cast %get3A_167 : i32 to index
      %get3A_817 = memref.load %arg7[%get3A_816] : memref<8200xf32, #tpu.memory_space<smem>>
      %mul3A_818 = vector.broadcast %get3A_817 : f32 to vector<8x128xf32>
      %mul3A_819 = arith.mulf %mul3A_818, %sub3A_804 : vector<8x128xf32>
      %mul3A_820 = arith.mulf %mul3A_819, %sub3A_804 : vector<8x128xf32>
      %add3A_821 = arith.addf %add3A_815, %mul3A_820 : vector<8x128xf32>
      %get3A_822 = arith.index_cast %get3A_167 : i32 to index
      %get3A_823 = memref.load %arg8[%get3A_822] : memref<8200xf32, #tpu.memory_space<smem>>
      %exp3A_824 = math.exp %add3A_821 : vector<8x128xf32>
      %mul3A_825 = vector.broadcast %get3A_823 : f32 to vector<8x128xf32>
      %mul3A_826 = arith.mulf %mul3A_825, %exp3A_824 : vector<8x128xf32>
      %min3A_827 = arith.constant 9.990000e-01 : f32
      %min3A_828 = vector.broadcast %min3A_827 : f32 to vector<8x128xf32>
      %min3A_829 = arith.minimumf %mul3A_826, %min3A_828 : vector<8x128xf32>
      %ge3A_830 = arith.constant 0.00392156886 : f32
      %ge3A_831 = vector.broadcast %ge3A_830 : f32 to vector<8x128xf32>
      %ge3A_832 = arith.cmpf oge, %min3A_829, %ge3A_831 : vector<8x128xf32>
      %jit3A_833 = arith.constant 0.000000e+00 : f32
      %broadcast_in_dim3A_834 = vector.broadcast %jit3A_833 : f32 to vector<8x128xf32>
      %select_n3A_835 = arith.select %ge3A_832, %min3A_829, %broadcast_in_dim3A_834 : vector<8x128xi1>, vector<8x128xf32>
      %mul3A_836 = arith.mulf %select_n3A_835, %mul3A_796 : vector<8x128xf32>
      %get3A_837 = arith.index_cast %get3A_167 : i32 to index
      %get3A_838 = memref.load %arg9[%get3A_837] : memref<8200xf32, #tpu.memory_space<smem>>
      %mul3A_839 = vector.broadcast %get3A_838 : f32 to vector<8x128xf32>
      %mul3A_840 = arith.mulf %mul3A_836, %mul3A_839 : vector<8x128xf32>
      %add3A_841 = arith.addf %add3A_782, %mul3A_840 : vector<8x128xf32>
      %get3A_842 = arith.index_cast %get3A_167 : i32 to index
      %get3A_843 = memref.load %arg10[%get3A_842] : memref<8200xf32, #tpu.memory_space<smem>>
      %mul3A_844 = vector.broadcast %get3A_843 : f32 to vector<8x128xf32>
      %mul3A_845 = arith.mulf %mul3A_836, %mul3A_844 : vector<8x128xf32>
      %add3A_846 = arith.addf %add3A_787, %mul3A_845 : vector<8x128xf32>
      %get3A_847 = arith.index_cast %get3A_167 : i32 to index
      %get3A_848 = memref.load %arg11[%get3A_847] : memref<8200xf32, #tpu.memory_space<smem>>
      %mul3A_849 = vector.broadcast %get3A_848 : f32 to vector<8x128xf32>
      %mul3A_850 = arith.mulf %mul3A_836, %mul3A_849 : vector<8x128xf32>
      %add3A_851 = arith.addf %add3A_792, %mul3A_850 : vector<8x128xf32>
      %sub3A_852 = arith.constant 1.000000e+00 : f32
      %sub3A_853 = vector.broadcast %sub3A_852 : f32 to vector<8x128xf32>
      %sub3A_854 = arith.subf %sub3A_853, %select_n3A_835 : vector<8x128xf32>
      %mul3A_855 = arith.mulf %mul3A_796, %sub3A_854 : vector<8x128xf32>
      %get3A_856 = arith.index_cast %get3A_173 : i32 to index
      %get3A_857 = memref.load %arg3[%get3A_856] : memref<8200xf32, #tpu.memory_space<smem>>
      %sub3A_858 = vector.broadcast %get3A_857 : f32 to vector<8x128xf32>
      %sub3A_859 = arith.subf %add3A_9, %sub3A_858 : vector<8x128xf32>
      %get3A_860 = arith.index_cast %get3A_173 : i32 to index
      %get3A_861 = memref.load %arg4[%get3A_860] : memref<8200xf32, #tpu.memory_space<smem>>
      %sub3A_862 = vector.broadcast %get3A_861 : f32 to vector<8x128xf32>
      %sub3A_863 = arith.subf %add3A_4, %sub3A_862 : vector<8x128xf32>
      %get3A_864 = arith.index_cast %get3A_173 : i32 to index
      %get3A_865 = memref.load %arg5[%get3A_864] : memref<8200xf32, #tpu.memory_space<smem>>
      %mul3A_866 = vector.broadcast %get3A_865 : f32 to vector<8x128xf32>
      %mul3A_867 = arith.mulf %mul3A_866, %sub3A_859 : vector<8x128xf32>
      %mul3A_868 = arith.mulf %mul3A_867, %sub3A_859 : vector<8x128xf32>
      %get3A_869 = arith.index_cast %get3A_173 : i32 to index
      %get3A_870 = memref.load %arg6[%get3A_869] : memref<8200xf32, #tpu.memory_space<smem>>
      %mul3A_871 = vector.broadcast %get3A_870 : f32 to vector<8x128xf32>
      %mul3A_872 = arith.mulf %mul3A_871, %sub3A_859 : vector<8x128xf32>
      %mul3A_873 = arith.mulf %mul3A_872, %sub3A_863 : vector<8x128xf32>
      %add3A_874 = arith.addf %mul3A_868, %mul3A_873 : vector<8x128xf32>
      %get3A_875 = arith.index_cast %get3A_173 : i32 to index
      %get3A_876 = memref.load %arg7[%get3A_875] : memref<8200xf32, #tpu.memory_space<smem>>
      %mul3A_877 = vector.broadcast %get3A_876 : f32 to vector<8x128xf32>
      %mul3A_878 = arith.mulf %mul3A_877, %sub3A_863 : vector<8x128xf32>
      %mul3A_879 = arith.mulf %mul3A_878, %sub3A_863 : vector<8x128xf32>
      %add3A_880 = arith.addf %add3A_874, %mul3A_879 : vector<8x128xf32>
      %get3A_881 = arith.index_cast %get3A_173 : i32 to index
      %get3A_882 = memref.load %arg8[%get3A_881] : memref<8200xf32, #tpu.memory_space<smem>>
      %exp3A_883 = math.exp %add3A_880 : vector<8x128xf32>
      %mul3A_884 = vector.broadcast %get3A_882 : f32 to vector<8x128xf32>
      %mul3A_885 = arith.mulf %mul3A_884, %exp3A_883 : vector<8x128xf32>
      %min3A_886 = arith.constant 9.990000e-01 : f32
      %min3A_887 = vector.broadcast %min3A_886 : f32 to vector<8x128xf32>
      %min3A_888 = arith.minimumf %mul3A_885, %min3A_887 : vector<8x128xf32>
      %ge3A_889 = arith.constant 0.00392156886 : f32
      %ge3A_890 = vector.broadcast %ge3A_889 : f32 to vector<8x128xf32>
      %ge3A_891 = arith.cmpf oge, %min3A_888, %ge3A_890 : vector<8x128xf32>
      %jit3A_892 = arith.constant 0.000000e+00 : f32
      %broadcast_in_dim3A_893 = vector.broadcast %jit3A_892 : f32 to vector<8x128xf32>
      %select_n3A_894 = arith.select %ge3A_891, %min3A_888, %broadcast_in_dim3A_893 : vector<8x128xi1>, vector<8x128xf32>
      %mul3A_895 = arith.mulf %select_n3A_894, %mul3A_855 : vector<8x128xf32>
      %get3A_896 = arith.index_cast %get3A_173 : i32 to index
      %get3A_897 = memref.load %arg9[%get3A_896] : memref<8200xf32, #tpu.memory_space<smem>>
      %mul3A_898 = vector.broadcast %get3A_897 : f32 to vector<8x128xf32>
      %mul3A_899 = arith.mulf %mul3A_895, %mul3A_898 : vector<8x128xf32>
      %add3A_900 = arith.addf %add3A_841, %mul3A_899 : vector<8x128xf32>
      %get3A_901 = arith.index_cast %get3A_173 : i32 to index
      %get3A_902 = memref.load %arg10[%get3A_901] : memref<8200xf32, #tpu.memory_space<smem>>
      %mul3A_903 = vector.broadcast %get3A_902 : f32 to vector<8x128xf32>
      %mul3A_904 = arith.mulf %mul3A_895, %mul3A_903 : vector<8x128xf32>
      %add3A_905 = arith.addf %add3A_846, %mul3A_904 : vector<8x128xf32>
      %get3A_906 = arith.index_cast %get3A_173 : i32 to index
      %get3A_907 = memref.load %arg11[%get3A_906] : memref<8200xf32, #tpu.memory_space<smem>>
      %mul3A_908 = vector.broadcast %get3A_907 : f32 to vector<8x128xf32>
      %mul3A_909 = arith.mulf %mul3A_895, %mul3A_908 : vector<8x128xf32>
      %add3A_910 = arith.addf %add3A_851, %mul3A_909 : vector<8x128xf32>
      %sub3A_911 = arith.constant 1.000000e+00 : f32
      %sub3A_912 = vector.broadcast %sub3A_911 : f32 to vector<8x128xf32>
      %sub3A_913 = arith.subf %sub3A_912, %select_n3A_894 : vector<8x128xf32>
      %mul3A_914 = arith.mulf %mul3A_855, %sub3A_913 : vector<8x128xf32>
      %get3A_915 = arith.index_cast %get3A_179 : i32 to index
      %get3A_916 = memref.load %arg3[%get3A_915] : memref<8200xf32, #tpu.memory_space<smem>>
      %sub3A_917 = vector.broadcast %get3A_916 : f32 to vector<8x128xf32>
      %sub3A_918 = arith.subf %add3A_9, %sub3A_917 : vector<8x128xf32>
      %get3A_919 = arith.index_cast %get3A_179 : i32 to index
      %get3A_920 = memref.load %arg4[%get3A_919] : memref<8200xf32, #tpu.memory_space<smem>>
      %sub3A_921 = vector.broadcast %get3A_920 : f32 to vector<8x128xf32>
      %sub3A_922 = arith.subf %add3A_4, %sub3A_921 : vector<8x128xf32>
      %get3A_923 = arith.index_cast %get3A_179 : i32 to index
      %get3A_924 = memref.load %arg5[%get3A_923] : memref<8200xf32, #tpu.memory_space<smem>>
      %mul3A_925 = vector.broadcast %get3A_924 : f32 to vector<8x128xf32>
      %mul3A_926 = arith.mulf %mul3A_925, %sub3A_918 : vector<8x128xf32>
      %mul3A_927 = arith.mulf %mul3A_926, %sub3A_918 : vector<8x128xf32>
      %get3A_928 = arith.index_cast %get3A_179 : i32 to index
      %get3A_929 = memref.load %arg6[%get3A_928] : memref<8200xf32, #tpu.memory_space<smem>>
      %mul3A_930 = vector.broadcast %get3A_929 : f32 to vector<8x128xf32>
      %mul3A_931 = arith.mulf %mul3A_930, %sub3A_918 : vector<8x128xf32>
      %mul3A_932 = arith.mulf %mul3A_931, %sub3A_922 : vector<8x128xf32>
      %add3A_933 = arith.addf %mul3A_927, %mul3A_932 : vector<8x128xf32>
      %get3A_934 = arith.index_cast %get3A_179 : i32 to index
      %get3A_935 = memref.load %arg7[%get3A_934] : memref<8200xf32, #tpu.memory_space<smem>>
      %mul3A_936 = vector.broadcast %get3A_935 : f32 to vector<8x128xf32>
      %mul3A_937 = arith.mulf %mul3A_936, %sub3A_922 : vector<8x128xf32>
      %mul3A_938 = arith.mulf %mul3A_937, %sub3A_922 : vector<8x128xf32>
      %add3A_939 = arith.addf %add3A_933, %mul3A_938 : vector<8x128xf32>
      %get3A_940 = arith.index_cast %get3A_179 : i32 to index
      %get3A_941 = memref.load %arg8[%get3A_940] : memref<8200xf32, #tpu.memory_space<smem>>
      %exp3A_942 = math.exp %add3A_939 : vector<8x128xf32>
      %mul3A_943 = vector.broadcast %get3A_941 : f32 to vector<8x128xf32>
      %mul3A_944 = arith.mulf %mul3A_943, %exp3A_942 : vector<8x128xf32>
      %min3A_945 = arith.constant 9.990000e-01 : f32
      %min3A_946 = vector.broadcast %min3A_945 : f32 to vector<8x128xf32>
      %min3A_947 = arith.minimumf %mul3A_944, %min3A_946 : vector<8x128xf32>
      %ge3A_948 = arith.constant 0.00392156886 : f32
      %ge3A_949 = vector.broadcast %ge3A_948 : f32 to vector<8x128xf32>
      %ge3A_950 = arith.cmpf oge, %min3A_947, %ge3A_949 : vector<8x128xf32>
      %jit3A_951 = arith.constant 0.000000e+00 : f32
      %broadcast_in_dim3A_952 = vector.broadcast %jit3A_951 : f32 to vector<8x128xf32>
      %select_n3A_953 = arith.select %ge3A_950, %min3A_947, %broadcast_in_dim3A_952 : vector<8x128xi1>, vector<8x128xf32>
      %mul3A_954 = arith.mulf %select_n3A_953, %mul3A_914 : vector<8x128xf32>
      %get3A_955 = arith.index_cast %get3A_179 : i32 to index
      %get3A_956 = memref.load %arg9[%get3A_955] : memref<8200xf32, #tpu.memory_space<smem>>
      %mul3A_957 = vector.broadcast %get3A_956 : f32 to vector<8x128xf32>
      %mul3A_958 = arith.mulf %mul3A_954, %mul3A_957 : vector<8x128xf32>
      %add3A_959 = arith.addf %add3A_900, %mul3A_958 : vector<8x128xf32>
      %get3A_960 = arith.index_cast %get3A_179 : i32 to index
      %get3A_961 = memref.load %arg10[%get3A_960] : memref<8200xf32, #tpu.memory_space<smem>>
      %mul3A_962 = vector.broadcast %get3A_961 : f32 to vector<8x128xf32>
      %mul3A_963 = arith.mulf %mul3A_954, %mul3A_962 : vector<8x128xf32>
      %add3A_964 = arith.addf %add3A_905, %mul3A_963 : vector<8x128xf32>
      %get3A_965 = arith.index_cast %get3A_179 : i32 to index
      %get3A_966 = memref.load %arg11[%get3A_965] : memref<8200xf32, #tpu.memory_space<smem>>
      %mul3A_967 = vector.broadcast %get3A_966 : f32 to vector<8x128xf32>
      %mul3A_968 = arith.mulf %mul3A_954, %mul3A_967 : vector<8x128xf32>
      %add3A_969 = arith.addf %add3A_910, %mul3A_968 : vector<8x128xf32>
      %sub3A_970 = arith.constant 1.000000e+00 : f32
      %sub3A_971 = vector.broadcast %sub3A_970 : f32 to vector<8x128xf32>
      %sub3A_972 = arith.subf %sub3A_971, %select_n3A_953 : vector<8x128xf32>
      %mul3A_973 = arith.mulf %mul3A_914, %sub3A_972 : vector<8x128xf32>
      %get3A_974 = arith.index_cast %get3A_185 : i32 to index
      %get3A_975 = memref.load %arg3[%get3A_974] : memref<8200xf32, #tpu.memory_space<smem>>
      %sub3A_976 = vector.broadcast %get3A_975 : f32 to vector<8x128xf32>
      %sub3A_977 = arith.subf %add3A_9, %sub3A_976 : vector<8x128xf32>
      %get3A_978 = arith.index_cast %get3A_185 : i32 to index
      %get3A_979 = memref.load %arg4[%get3A_978] : memref<8200xf32, #tpu.memory_space<smem>>
      %sub3A_980 = vector.broadcast %get3A_979 : f32 to vector<8x128xf32>
      %sub3A_981 = arith.subf %add3A_4, %sub3A_980 : vector<8x128xf32>
      %get3A_982 = arith.index_cast %get3A_185 : i32 to index
      %get3A_983 = memref.load %arg5[%get3A_982] : memref<8200xf32, #tpu.memory_space<smem>>
      %mul3A_984 = vector.broadcast %get3A_983 : f32 to vector<8x128xf32>
      %mul3A_985 = arith.mulf %mul3A_984, %sub3A_977 : vector<8x128xf32>
      %mul3A_986 = arith.mulf %mul3A_985, %sub3A_977 : vector<8x128xf32>
      %get3A_987 = arith.index_cast %get3A_185 : i32 to index
      %get3A_988 = memref.load %arg6[%get3A_987] : memref<8200xf32, #tpu.memory_space<smem>>
      %mul3A_989 = vector.broadcast %get3A_988 : f32 to vector<8x128xf32>
      %mul3A_990 = arith.mulf %mul3A_989, %sub3A_977 : vector<8x128xf32>
      %mul3A_991 = arith.mulf %mul3A_990, %sub3A_981 : vector<8x128xf32>
      %add3A_992 = arith.addf %mul3A_986, %mul3A_991 : vector<8x128xf32>
      %get3A_993 = arith.index_cast %get3A_185 : i32 to index
      %get3A_994 = memref.load %arg7[%get3A_993] : memref<8200xf32, #tpu.memory_space<smem>>
      %mul3A_995 = vector.broadcast %get3A_994 : f32 to vector<8x128xf32>
      %mul3A_996 = arith.mulf %mul3A_995, %sub3A_981 : vector<8x128xf32>
      %mul3A_997 = arith.mulf %mul3A_996, %sub3A_981 : vector<8x128xf32>
      %add3A_998 = arith.addf %add3A_992, %mul3A_997 : vector<8x128xf32>
      %get3A_999 = arith.index_cast %get3A_185 : i32 to index
      %get3A_1000 = memref.load %arg8[%get3A_999] : memref<8200xf32, #tpu.memory_space<smem>>
      %exp3A_1001 = math.exp %add3A_998 : vector<8x128xf32>
      %mul3A_1002 = vector.broadcast %get3A_1000 : f32 to vector<8x128xf32>
      %mul3A_1003 = arith.mulf %mul3A_1002, %exp3A_1001 : vector<8x128xf32>
      %min3A_1004 = arith.constant 9.990000e-01 : f32
      %min3A_1005 = vector.broadcast %min3A_1004 : f32 to vector<8x128xf32>
      %min3A_1006 = arith.minimumf %mul3A_1003, %min3A_1005 : vector<8x128xf32>
      %ge3A_1007 = arith.constant 0.00392156886 : f32
      %ge3A_1008 = vector.broadcast %ge3A_1007 : f32 to vector<8x128xf32>
      %ge3A_1009 = arith.cmpf oge, %min3A_1006, %ge3A_1008 : vector<8x128xf32>
      %jit3A_1010 = arith.constant 0.000000e+00 : f32
      %broadcast_in_dim3A_1011 = vector.broadcast %jit3A_1010 : f32 to vector<8x128xf32>
      %select_n3A_1012 = arith.select %ge3A_1009, %min3A_1006, %broadcast_in_dim3A_1011 : vector<8x128xi1>, vector<8x128xf32>
      %mul3A_1013 = arith.mulf %select_n3A_1012, %mul3A_973 : vector<8x128xf32>
      %get3A_1014 = arith.index_cast %get3A_185 : i32 to index
      %get3A_1015 = memref.load %arg9[%get3A_1014] : memref<8200xf32, #tpu.memory_space<smem>>
      %mul3A_1016 = vector.broadcast %get3A_1015 : f32 to vector<8x128xf32>
      %mul3A_1017 = arith.mulf %mul3A_1013, %mul3A_1016 : vector<8x128xf32>
      %add3A_1018 = arith.addf %add3A_959, %mul3A_1017 : vector<8x128xf32>
      %get3A_1019 = arith.index_cast %get3A_185 : i32 to index
      %get3A_1020 = memref.load %arg10[%get3A_1019] : memref<8200xf32, #tpu.memory_space<smem>>
      %mul3A_1021 = vector.broadcast %get3A_1020 : f32 to vector<8x128xf32>
      %mul3A_1022 = arith.mulf %mul3A_1013, %mul3A_1021 : vector<8x128xf32>
      %add3A_1023 = arith.addf %add3A_964, %mul3A_1022 : vector<8x128xf32>
      %get3A_1024 = arith.index_cast %get3A_185 : i32 to index
      %get3A_1025 = memref.load %arg11[%get3A_1024] : memref<8200xf32, #tpu.memory_space<smem>>
      %mul3A_1026 = vector.broadcast %get3A_1025 : f32 to vector<8x128xf32>
      %mul3A_1027 = arith.mulf %mul3A_1013, %mul3A_1026 : vector<8x128xf32>
      %add3A_1028 = arith.addf %add3A_969, %mul3A_1027 : vector<8x128xf32>
      %sub3A_1029 = arith.constant 1.000000e+00 : f32
      %sub3A_1030 = vector.broadcast %sub3A_1029 : f32 to vector<8x128xf32>
      %sub3A_1031 = arith.subf %sub3A_1030, %select_n3A_1012 : vector<8x128xf32>
      %mul3A_1032 = arith.mulf %mul3A_973, %sub3A_1031 : vector<8x128xf32>
      %get3A_1033 = arith.index_cast %get3A_191 : i32 to index
      %get3A_1034 = memref.load %arg3[%get3A_1033] : memref<8200xf32, #tpu.memory_space<smem>>
      %sub3A_1035 = vector.broadcast %get3A_1034 : f32 to vector<8x128xf32>
      %sub3A_1036 = arith.subf %add3A_9, %sub3A_1035 : vector<8x128xf32>
      %get3A_1037 = arith.index_cast %get3A_191 : i32 to index
      %get3A_1038 = memref.load %arg4[%get3A_1037] : memref<8200xf32, #tpu.memory_space<smem>>
      %sub3A_1039 = vector.broadcast %get3A_1038 : f32 to vector<8x128xf32>
      %sub3A_1040 = arith.subf %add3A_4, %sub3A_1039 : vector<8x128xf32>
      %get3A_1041 = arith.index_cast %get3A_191 : i32 to index
      %get3A_1042 = memref.load %arg5[%get3A_1041] : memref<8200xf32, #tpu.memory_space<smem>>
      %mul3A_1043 = vector.broadcast %get3A_1042 : f32 to vector<8x128xf32>
      %mul3A_1044 = arith.mulf %mul3A_1043, %sub3A_1036 : vector<8x128xf32>
      %mul3A_1045 = arith.mulf %mul3A_1044, %sub3A_1036 : vector<8x128xf32>
      %get3A_1046 = arith.index_cast %get3A_191 : i32 to index
      %get3A_1047 = memref.load %arg6[%get3A_1046] : memref<8200xf32, #tpu.memory_space<smem>>
      %mul3A_1048 = vector.broadcast %get3A_1047 : f32 to vector<8x128xf32>
      %mul3A_1049 = arith.mulf %mul3A_1048, %sub3A_1036 : vector<8x128xf32>
      %mul3A_1050 = arith.mulf %mul3A_1049, %sub3A_1040 : vector<8x128xf32>
      %add3A_1051 = arith.addf %mul3A_1045, %mul3A_1050 : vector<8x128xf32>
      %get3A_1052 = arith.index_cast %get3A_191 : i32 to index
      %get3A_1053 = memref.load %arg7[%get3A_1052] : memref<8200xf32, #tpu.memory_space<smem>>
      %mul3A_1054 = vector.broadcast %get3A_1053 : f32 to vector<8x128xf32>
      %mul3A_1055 = arith.mulf %mul3A_1054, %sub3A_1040 : vector<8x128xf32>
      %mul3A_1056 = arith.mulf %mul3A_1055, %sub3A_1040 : vector<8x128xf32>
      %add3A_1057 = arith.addf %add3A_1051, %mul3A_1056 : vector<8x128xf32>
      %get3A_1058 = arith.index_cast %get3A_191 : i32 to index
      %get3A_1059 = memref.load %arg8[%get3A_1058] : memref<8200xf32, #tpu.memory_space<smem>>
      %exp3A_1060 = math.exp %add3A_1057 : vector<8x128xf32>
      %mul3A_1061 = vector.broadcast %get3A_1059 : f32 to vector<8x128xf32>
      %mul3A_1062 = arith.mulf %mul3A_1061, %exp3A_1060 : vector<8x128xf32>
      %min3A_1063 = arith.constant 9.990000e-01 : f32
      %min3A_1064 = vector.broadcast %min3A_1063 : f32 to vector<8x128xf32>
      %min3A_1065 = arith.minimumf %mul3A_1062, %min3A_1064 : vector<8x128xf32>
      %ge3A_1066 = arith.constant 0.00392156886 : f32
      %ge3A_1067 = vector.broadcast %ge3A_1066 : f32 to vector<8x128xf32>
      %ge3A_1068 = arith.cmpf oge, %min3A_1065, %ge3A_1067 : vector<8x128xf32>
      %jit3A_1069 = arith.constant 0.000000e+00 : f32
      %broadcast_in_dim3A_1070 = vector.broadcast %jit3A_1069 : f32 to vector<8x128xf32>
      %select_n3A_1071 = arith.select %ge3A_1068, %min3A_1065, %broadcast_in_dim3A_1070 : vector<8x128xi1>, vector<8x128xf32>
      %mul3A_1072 = arith.mulf %select_n3A_1071, %mul3A_1032 : vector<8x128xf32>
      %get3A_1073 = arith.index_cast %get3A_191 : i32 to index
      %get3A_1074 = memref.load %arg9[%get3A_1073] : memref<8200xf32, #tpu.memory_space<smem>>
      %mul3A_1075 = vector.broadcast %get3A_1074 : f32 to vector<8x128xf32>
      %mul3A_1076 = arith.mulf %mul3A_1072, %mul3A_1075 : vector<8x128xf32>
      %add3A_1077 = arith.addf %add3A_1018, %mul3A_1076 : vector<8x128xf32>
      %get3A_1078 = arith.index_cast %get3A_191 : i32 to index
      %get3A_1079 = memref.load %arg10[%get3A_1078] : memref<8200xf32, #tpu.memory_space<smem>>
      %mul3A_1080 = vector.broadcast %get3A_1079 : f32 to vector<8x128xf32>
      %mul3A_1081 = arith.mulf %mul3A_1072, %mul3A_1080 : vector<8x128xf32>
      %add3A_1082 = arith.addf %add3A_1023, %mul3A_1081 : vector<8x128xf32>
      %get3A_1083 = arith.index_cast %get3A_191 : i32 to index
      %get3A_1084 = memref.load %arg11[%get3A_1083] : memref<8200xf32, #tpu.memory_space<smem>>
      %mul3A_1085 = vector.broadcast %get3A_1084 : f32 to vector<8x128xf32>
      %mul3A_1086 = arith.mulf %mul3A_1072, %mul3A_1085 : vector<8x128xf32>
      %add3A_1087 = arith.addf %add3A_1028, %mul3A_1086 : vector<8x128xf32>
      %sub3A_1088 = arith.constant 1.000000e+00 : f32
      %sub3A_1089 = vector.broadcast %sub3A_1088 : f32 to vector<8x128xf32>
      %sub3A_1090 = arith.subf %sub3A_1089, %select_n3A_1071 : vector<8x128xf32>
      %mul3A_1091 = arith.mulf %mul3A_1032, %sub3A_1090 : vector<8x128xf32>
      %get3A_1092 = arith.index_cast %get3A_197 : i32 to index
      %get3A_1093 = memref.load %arg3[%get3A_1092] : memref<8200xf32, #tpu.memory_space<smem>>
      %sub3A_1094 = vector.broadcast %get3A_1093 : f32 to vector<8x128xf32>
      %sub3A_1095 = arith.subf %add3A_9, %sub3A_1094 : vector<8x128xf32>
      %get3A_1096 = arith.index_cast %get3A_197 : i32 to index
      %get3A_1097 = memref.load %arg4[%get3A_1096] : memref<8200xf32, #tpu.memory_space<smem>>
      %sub3A_1098 = vector.broadcast %get3A_1097 : f32 to vector<8x128xf32>
      %sub3A_1099 = arith.subf %add3A_4, %sub3A_1098 : vector<8x128xf32>
      %get3A_1100 = arith.index_cast %get3A_197 : i32 to index
      %get3A_1101 = memref.load %arg5[%get3A_1100] : memref<8200xf32, #tpu.memory_space<smem>>
      %mul3A_1102 = vector.broadcast %get3A_1101 : f32 to vector<8x128xf32>
      %mul3A_1103 = arith.mulf %mul3A_1102, %sub3A_1095 : vector<8x128xf32>
      %mul3A_1104 = arith.mulf %mul3A_1103, %sub3A_1095 : vector<8x128xf32>
      %get3A_1105 = arith.index_cast %get3A_197 : i32 to index
      %get3A_1106 = memref.load %arg6[%get3A_1105] : memref<8200xf32, #tpu.memory_space<smem>>
      %mul3A_1107 = vector.broadcast %get3A_1106 : f32 to vector<8x128xf32>
      %mul3A_1108 = arith.mulf %mul3A_1107, %sub3A_1095 : vector<8x128xf32>
      %mul3A_1109 = arith.mulf %mul3A_1108, %sub3A_1099 : vector<8x128xf32>
      %add3A_1110 = arith.addf %mul3A_1104, %mul3A_1109 : vector<8x128xf32>
      %get3A_1111 = arith.index_cast %get3A_197 : i32 to index
      %get3A_1112 = memref.load %arg7[%get3A_1111] : memref<8200xf32, #tpu.memory_space<smem>>
      %mul3A_1113 = vector.broadcast %get3A_1112 : f32 to vector<8x128xf32>
      %mul3A_1114 = arith.mulf %mul3A_1113, %sub3A_1099 : vector<8x128xf32>
      %mul3A_1115 = arith.mulf %mul3A_1114, %sub3A_1099 : vector<8x128xf32>
      %add3A_1116 = arith.addf %add3A_1110, %mul3A_1115 : vector<8x128xf32>
      %get3A_1117 = arith.index_cast %get3A_197 : i32 to index
      %get3A_1118 = memref.load %arg8[%get3A_1117] : memref<8200xf32, #tpu.memory_space<smem>>
      %exp3A_1119 = math.exp %add3A_1116 : vector<8x128xf32>
      %mul3A_1120 = vector.broadcast %get3A_1118 : f32 to vector<8x128xf32>
      %mul3A_1121 = arith.mulf %mul3A_1120, %exp3A_1119 : vector<8x128xf32>
      %min3A_1122 = arith.constant 9.990000e-01 : f32
      %min3A_1123 = vector.broadcast %min3A_1122 : f32 to vector<8x128xf32>
      %min3A_1124 = arith.minimumf %mul3A_1121, %min3A_1123 : vector<8x128xf32>
      %ge3A_1125 = arith.constant 0.00392156886 : f32
      %ge3A_1126 = vector.broadcast %ge3A_1125 : f32 to vector<8x128xf32>
      %ge3A_1127 = arith.cmpf oge, %min3A_1124, %ge3A_1126 : vector<8x128xf32>
      %jit3A_1128 = arith.constant 0.000000e+00 : f32
      %broadcast_in_dim3A_1129 = vector.broadcast %jit3A_1128 : f32 to vector<8x128xf32>
      %select_n3A_1130 = arith.select %ge3A_1127, %min3A_1124, %broadcast_in_dim3A_1129 : vector<8x128xi1>, vector<8x128xf32>
      %mul3A_1131 = arith.mulf %select_n3A_1130, %mul3A_1091 : vector<8x128xf32>
      %get3A_1132 = arith.index_cast %get3A_197 : i32 to index
      %get3A_1133 = memref.load %arg9[%get3A_1132] : memref<8200xf32, #tpu.memory_space<smem>>
      %mul3A_1134 = vector.broadcast %get3A_1133 : f32 to vector<8x128xf32>
      %mul3A_1135 = arith.mulf %mul3A_1131, %mul3A_1134 : vector<8x128xf32>
      %add3A_1136 = arith.addf %add3A_1077, %mul3A_1135 : vector<8x128xf32>
      %get3A_1137 = arith.index_cast %get3A_197 : i32 to index
      %get3A_1138 = memref.load %arg10[%get3A_1137] : memref<8200xf32, #tpu.memory_space<smem>>
      %mul3A_1139 = vector.broadcast %get3A_1138 : f32 to vector<8x128xf32>
      %mul3A_1140 = arith.mulf %mul3A_1131, %mul3A_1139 : vector<8x128xf32>
      %add3A_1141 = arith.addf %add3A_1082, %mul3A_1140 : vector<8x128xf32>
      %get3A_1142 = arith.index_cast %get3A_197 : i32 to index
      %get3A_1143 = memref.load %arg11[%get3A_1142] : memref<8200xf32, #tpu.memory_space<smem>>
      %mul3A_1144 = vector.broadcast %get3A_1143 : f32 to vector<8x128xf32>
      %mul3A_1145 = arith.mulf %mul3A_1131, %mul3A_1144 : vector<8x128xf32>
      %add3A_1146 = arith.addf %add3A_1087, %mul3A_1145 : vector<8x128xf32>
      %sub3A_1147 = arith.constant 1.000000e+00 : f32
      %sub3A_1148 = vector.broadcast %sub3A_1147 : f32 to vector<8x128xf32>
      %sub3A_1149 = arith.subf %sub3A_1148, %select_n3A_1130 : vector<8x128xf32>
      %mul3A_1150 = arith.mulf %mul3A_1091, %sub3A_1149 : vector<8x128xf32>
      %swap3A_1151 = arith.constant 0 : index
      %swap3A_1152 = arith.constant 0 : index
      %swap3A_1153 = vector.load %arg12[%swap3A_1151, %swap3A_1152] : memref<8x128xf32, #tpu.memory_space<vmem>>, vector<8x128xf32>
      tpu.vector_store %arg12[%swap3A_1151, %swap3A_1152], %add3A_1136 {strides = array<i32>} : memref<8x128xf32, #tpu.memory_space<vmem>>, vector<8x128xf32>,
      %swap3A_1154 = arith.constant 0 : index
      %swap3A_1155 = arith.constant 0 : index
      %swap3A_1156 = vector.load %arg13[%swap3A_1154, %swap3A_1155] : memref<8x128xf32, #tpu.memory_space<vmem>>, vector<8x128xf32>
      tpu.vector_store %arg13[%swap3A_1154, %swap3A_1155], %add3A_1141 {strides = array<i32>} : memref<8x128xf32, #tpu.memory_space<vmem>>, vector<8x128xf32>,
      %swap3A_1157 = arith.constant 0 : index
      %swap3A_1158 = arith.constant 0 : index
      %swap3A_1159 = vector.load %arg14[%swap3A_1157, %swap3A_1158] : memref<8x128xf32, #tpu.memory_space<vmem>>, vector<8x128xf32>
      tpu.vector_store %arg14[%swap3A_1157, %swap3A_1158], %add3A_1146 {strides = array<i32>} : memref<8x128xf32, #tpu.memory_space<vmem>>, vector<8x128xf32>,
      %swap3A_1160 = arith.constant 0 : index
      %swap3A_1161 = arith.constant 0 : index
      %swap3A_1162 = vector.load %arg15[%swap3A_1160, %swap3A_1161] : memref<8x128xf32, #tpu.memory_space<vmem>>, vector<8x128xf32>
      tpu.vector_store %arg15[%swap3A_1160, %swap3A_1161], %mul3A_1150 {strides = array<i32>} : memref<8x128xf32, #tpu.memory_space<vmem>>, vector<8x128xf32>,
      %while3A_1163 = arith.constant 0 : i32
      scf.yield %while3A_1163 : i32
    }
    %get3A_56 = arith.index_cast %arg0 : i32 to index
    %get3A_57 = arith.constant 1 : index
    %get3A_58 = arith.constant 0 : index
    %get3A_59 = memref.load %arg2[%get3A_56, %get3A_57, %get3A_58] : memref<16x2x16xi32, #tpu.memory_space<smem>>
    %add3A_60 = arith.constant 15 : i32
    %add3A_61 = arith.addi %get3A_59, %add3A_60 : i32
    %jit3A_62 = arith.constant 16 : i32
    %div3A_63 = arith.divsi %add3A_61, %jit3A_62 : i32
    %sign3A_64 = arith.constant 0 : i32
    %sign3A_65 = arith.cmpi sgt, %add3A_61, %sign3A_64 : i32
    %sign3A_66 = arith.extui %sign3A_65 : i1 to i32
    %sign3A_67 = arith.constant 0 : i32
    %sign3A_68 = arith.cmpi slt, %add3A_61, %sign3A_67 : i32
    %sign3A_69 = arith.extui %sign3A_68 : i1 to i32
    %sign3A_70 = arith.subi %sign3A_66, %sign3A_69 : i32
    %sign3A_71 = arith.constant 0 : i32
    %sign3A_72 = arith.cmpi sgt, %jit3A_62, %sign3A_71 : i32
    %sign3A_73 = arith.extui %sign3A_72 : i1 to i32
    %sign3A_74 = arith.constant 0 : i32
    %sign3A_75 = arith.cmpi slt, %jit3A_62, %sign3A_74 : i32
    %sign3A_76 = arith.extui %sign3A_75 : i1 to i32
    %sign3A_77 = arith.subi %sign3A_73, %sign3A_76 : i32
    %ne3A_78 = arith.cmpi ne, %sign3A_70, %sign3A_77 : i32
    %rem3A_79 = arith.remsi %add3A_61, %jit3A_62 : i32
    %ne3A_80 = arith.constant 0 : i32
    %ne3A_81 = arith.cmpi ne, %rem3A_79, %ne3A_80 : i32
    %and3A_82 = arith.andi %ne3A_78, %ne3A_81 : i1
    %sub3A_83 = arith.constant 1 : i32
    %sub3A_84 = arith.subi %div3A_63, %sub3A_83 : i32
    %select_n3A_85 = arith.select %and3A_82, %sub3A_84, %div3A_63 : i32
    %while3A_86 = arith.constant 0 : i32
    %while3A_87 = arith.constant 0 : i32
    %while3A_88 = arith.subi %select_n3A_85, %while3A_86 : i32
    %while3A_89 = arith.addi %while3A_86, %while3A_88 : i32
    %while3A_90 = arith.constant 1 : i32
    %while3A_91 = arith.divsi %while3A_88, %while3A_90 : i32
    %while3A_92 = arith.muli %while3A_91, %while3A_90 : i32
    %while3A_93 = arith.addi %while3A_86, %while3A_92 : i32
    %while3A_94 = arith.constant 1 : i32
    %while3A_95 = scf.for %while3A_98 = %while3A_86 to %while3A_93 step %while3A_94 iter_args(%while3A_99 = %while3A_87) -> (i32)  : i32 {
      %mul3A_100 = arith.constant 16 : i32
      %mul3A_101 = arith.muli %while3A_98, %mul3A_100 : i32
      %add3A_102 = arith.constant 0 : i32
      %add3A_103 = arith.addi %mul3A_101, %add3A_102 : i32
      %get3A_104 = arith.constant 0 : index
      %get3A_105 = arith.constant 1 : index
      %get3A_106 = arith.index_cast %add3A_103 : i32 to index
      %get3A_107 = memref.load %arg1[%get3A_104, %get3A_105, %get3A_106] : memref<1x2x4112xi32, #tpu.memory_space<smem>>
      %add3A_108 = arith.constant 1 : i32
      %add3A_109 = arith.addi %mul3A_101, %add3A_108 : i32
      %get3A_110 = arith.constant 0 : index
      %get3A_111 = arith.constant 1 : index
      %get3A_112 = arith.index_cast %add3A_109 : i32 to index
      %get3A_113 = memref.load %arg1[%get3A_110, %get3A_111, %get3A_112] : memref<1x2x4112xi32, #tpu.memory_space<smem>>
      %add3A_114 = arith.constant 2 : i32
      %add3A_115 = arith.addi %mul3A_101, %add3A_114 : i32
      %get3A_116 = arith.constant 0 : index
      %get3A_117 = arith.constant 1 : index
      %get3A_118 = arith.index_cast %add3A_115 : i32 to index
      %get3A_119 = memref.load %arg1[%get3A_116, %get3A_117, %get3A_118] : memref<1x2x4112xi32, #tpu.memory_space<smem>>
      %add3A_120 = arith.constant 3 : i32
      %add3A_121 = arith.addi %mul3A_101, %add3A_120 : i32
      %get3A_122 = arith.constant 0 : index
      %get3A_123 = arith.constant 1 : index
      %get3A_124 = arith.index_cast %add3A_121 : i32 to index
      %get3A_125 = memref.load %arg1[%get3A_122, %get3A_123, %get3A_124] : memref<1x2x4112xi32, #tpu.memory_space<smem>>
      %add3A_126 = arith.constant 4 : i32
      %add3A_127 = arith.addi %mul3A_101, %add3A_126 : i32
      %get3A_128 = arith.constant 0 : index
      %get3A_129 = arith.constant 1 : index
      %get3A_130 = arith.index_cast %add3A_127 : i32 to index
      %get3A_131 = memref.load %arg1[%get3A_128, %get3A_129, %get3A_130] : memref<1x2x4112xi32, #tpu.memory_space<smem>>
      %add3A_132 = arith.constant 5 : i32
      %add3A_133 = arith.addi %mul3A_101, %add3A_132 : i32
      %get3A_134 = arith.constant 0 : index
      %get3A_135 = arith.constant 1 : index
      %get3A_136 = arith.index_cast %add3A_133 : i32 to index
      %get3A_137 = memref.load %arg1[%get3A_134, %get3A_135, %get3A_136] : memref<1x2x4112xi32, #tpu.memory_space<smem>>
      %add3A_138 = arith.constant 6 : i32
      %add3A_139 = arith.addi %mul3A_101, %add3A_138 : i32
      %get3A_140 = arith.constant 0 : index
      %get3A_141 = arith.constant 1 : index
      %get3A_142 = arith.index_cast %add3A_139 : i32 to index
      %get3A_143 = memref.load %arg1[%get3A_140, %get3A_141, %get3A_142] : memref<1x2x4112xi32, #tpu.memory_space<smem>>
      %add3A_144 = arith.constant 7 : i32
      %add3A_145 = arith.addi %mul3A_101, %add3A_144 : i32
      %get3A_146 = arith.constant 0 : index
      %get3A_147 = arith.constant 1 : index
      %get3A_148 = arith.index_cast %add3A_145 : i32 to index
      %get3A_149 = memref.load %arg1[%get3A_146, %get3A_147, %get3A_148] : memref<1x2x4112xi32, #tpu.memory_space<smem>>
      %add3A_150 = arith.constant 8 : i32
      %add3A_151 = arith.addi %mul3A_101, %add3A_150 : i32
      %get3A_152 = arith.constant 0 : index
      %get3A_153 = arith.constant 1 : index
      %get3A_154 = arith.index_cast %add3A_151 : i32 to index
      %get3A_155 = memref.load %arg1[%get3A_152, %get3A_153, %get3A_154] : memref<1x2x4112xi32, #tpu.memory_space<smem>>
      %add3A_156 = arith.constant 9 : i32
      %add3A_157 = arith.addi %mul3A_101, %add3A_156 : i32
      %get3A_158 = arith.constant 0 : index
      %get3A_159 = arith.constant 1 : index
      %get3A_160 = arith.index_cast %add3A_157 : i32 to index
      %get3A_161 = memref.load %arg1[%get3A_158, %get3A_159, %get3A_160] : memref<1x2x4112xi32, #tpu.memory_space<smem>>
      %add3A_162 = arith.constant 10 : i32
      %add3A_163 = arith.addi %mul3A_101, %add3A_162 : i32
      %get3A_164 = arith.constant 0 : index
      %get3A_165 = arith.constant 1 : index
      %get3A_166 = arith.index_cast %add3A_163 : i32 to index
      %get3A_167 = memref.load %arg1[%get3A_164, %get3A_165, %get3A_166] : memref<1x2x4112xi32, #tpu.memory_space<smem>>
      %add3A_168 = arith.constant 11 : i32
      %add3A_169 = arith.addi %mul3A_101, %add3A_168 : i32
      %get3A_170 = arith.constant 0 : index
      %get3A_171 = arith.constant 1 : index
      %get3A_172 = arith.index_cast %add3A_169 : i32 to index
      %get3A_173 = memref.load %arg1[%get3A_170, %get3A_171, %get3A_172] : memref<1x2x4112xi32, #tpu.memory_space<smem>>
      %add3A_174 = arith.constant 12 : i32
      %add3A_175 = arith.addi %mul3A_101, %add3A_174 : i32
      %get3A_176 = arith.constant 0 : index
      %get3A_177 = arith.constant 1 : index
      %get3A_178 = arith.index_cast %add3A_175 : i32 to index
      %get3A_179 = memref.load %arg1[%get3A_176, %get3A_177, %get3A_178] : memref<1x2x4112xi32, #tpu.memory_space<smem>>
      %add3A_180 = arith.constant 13 : i32
      %add3A_181 = arith.addi %mul3A_101, %add3A_180 : i32
      %get3A_182 = arith.constant 0 : index
      %get3A_183 = arith.constant 1 : index
      %get3A_184 = arith.index_cast %add3A_181 : i32 to index
      %get3A_185 = memref.load %arg1[%get3A_182, %get3A_183, %get3A_184] : memref<1x2x4112xi32, #tpu.memory_space<smem>>
      %add3A_186 = arith.constant 14 : i32
      %add3A_187 = arith.addi %mul3A_101, %add3A_186 : i32
      %get3A_188 = arith.constant 0 : index
      %get3A_189 = arith.constant 1 : index
      %get3A_190 = arith.index_cast %add3A_187 : i32 to index
      %get3A_191 = memref.load %arg1[%get3A_188, %get3A_189, %get3A_190] : memref<1x2x4112xi32, #tpu.memory_space<smem>>
      %add3A_192 = arith.constant 15 : i32
      %add3A_193 = arith.addi %mul3A_101, %add3A_192 : i32
      %get3A_194 = arith.constant 0 : index
      %get3A_195 = arith.constant 1 : index
      %get3A_196 = arith.index_cast %add3A_193 : i32 to index
      %get3A_197 = memref.load %arg1[%get3A_194, %get3A_195, %get3A_196] : memref<1x2x4112xi32, #tpu.memory_space<smem>>
      %get3A_198 = arith.constant 0 : index
      %get3A_199 = arith.constant 0 : index
      %get3A_200 = vector.load %arg15[%get3A_198, %get3A_199] : memref<8x128xf32, #tpu.memory_space<vmem>>, vector<8x128xf32>
      %get3A_201 = arith.constant 0 : index
      %get3A_202 = arith.constant 0 : index
      %get3A_203 = vector.load %arg12[%get3A_201, %get3A_202] : memref<8x128xf32, #tpu.memory_space<vmem>>, vector<8x128xf32>
      %get3A_204 = arith.constant 0 : index
      %get3A_205 = arith.constant 0 : index
      %get3A_206 = vector.load %arg13[%get3A_204, %get3A_205] : memref<8x128xf32, #tpu.memory_space<vmem>>, vector<8x128xf32>
      %get3A_207 = arith.constant 0 : index
      %get3A_208 = arith.constant 0 : index
      %get3A_209 = vector.load %arg14[%get3A_207, %get3A_208] : memref<8x128xf32, #tpu.memory_space<vmem>>, vector<8x128xf32>
      %get3A_210 = arith.index_cast %get3A_107 : i32 to index
      %get3A_211 = memref.load %arg3[%get3A_210] : memref<8200xf32, #tpu.memory_space<smem>>
      %sub3A_212 = vector.broadcast %get3A_211 : f32 to vector<8x128xf32>
      %sub3A_213 = arith.subf %add3A_9, %sub3A_212 : vector<8x128xf32>
      %get3A_214 = arith.index_cast %get3A_107 : i32 to index
      %get3A_215 = memref.load %arg4[%get3A_214] : memref<8200xf32, #tpu.memory_space<smem>>
      %sub3A_216 = vector.broadcast %get3A_215 : f32 to vector<8x128xf32>
      %sub3A_217 = arith.subf %add3A_4, %sub3A_216 : vector<8x128xf32>
      %get3A_218 = arith.index_cast %get3A_107 : i32 to index
      %get3A_219 = memref.load %arg5[%get3A_218] : memref<8200xf32, #tpu.memory_space<smem>>
      %mul3A_220 = vector.broadcast %get3A_219 : f32 to vector<8x128xf32>
      %mul3A_221 = arith.mulf %mul3A_220, %sub3A_213 : vector<8x128xf32>
      %mul3A_222 = arith.mulf %mul3A_221, %sub3A_213 : vector<8x128xf32>
      %get3A_223 = arith.index_cast %get3A_107 : i32 to index
      %get3A_224 = memref.load %arg6[%get3A_223] : memref<8200xf32, #tpu.memory_space<smem>>
      %mul3A_225 = vector.broadcast %get3A_224 : f32 to vector<8x128xf32>
      %mul3A_226 = arith.mulf %mul3A_225, %sub3A_213 : vector<8x128xf32>
      %mul3A_227 = arith.mulf %mul3A_226, %sub3A_217 : vector<8x128xf32>
      %add3A_228 = arith.addf %mul3A_222, %mul3A_227 : vector<8x128xf32>
      %get3A_229 = arith.index_cast %get3A_107 : i32 to index
      %get3A_230 = memref.load %arg7[%get3A_229] : memref<8200xf32, #tpu.memory_space<smem>>
      %mul3A_231 = vector.broadcast %get3A_230 : f32 to vector<8x128xf32>
      %mul3A_232 = arith.mulf %mul3A_231, %sub3A_217 : vector<8x128xf32>
      %mul3A_233 = arith.mulf %mul3A_232, %sub3A_217 : vector<8x128xf32>
      %add3A_234 = arith.addf %add3A_228, %mul3A_233 : vector<8x128xf32>
      %get3A_235 = arith.index_cast %get3A_107 : i32 to index
      %get3A_236 = memref.load %arg8[%get3A_235] : memref<8200xf32, #tpu.memory_space<smem>>
      %exp3A = math.exp %add3A_234 : vector<8x128xf32>
      %mul3A_237 = vector.broadcast %get3A_236 : f32 to vector<8x128xf32>
      %mul3A_238 = arith.mulf %mul3A_237, %exp3A : vector<8x128xf32>
      %min3A = arith.constant 9.990000e-01 : f32
      %min3A_239 = vector.broadcast %min3A : f32 to vector<8x128xf32>
      %min3A_240 = arith.minimumf %mul3A_238, %min3A_239 : vector<8x128xf32>
      %ge3A = arith.constant 0.00392156886 : f32
      %ge3A_241 = vector.broadcast %ge3A : f32 to vector<8x128xf32>
      %ge3A_242 = arith.cmpf oge, %min3A_240, %ge3A_241 : vector<8x128xf32>
      %jit3A_243 = arith.constant 0.000000e+00 : f32
      %broadcast_in_dim3A_244 = vector.broadcast %jit3A_243 : f32 to vector<8x128xf32>
      %select_n3A_245 = arith.select %ge3A_242, %min3A_240, %broadcast_in_dim3A_244 : vector<8x128xi1>, vector<8x128xf32>
      %mul3A_246 = arith.mulf %select_n3A_245, %get3A_200 : vector<8x128xf32>
      %get3A_247 = arith.index_cast %get3A_107 : i32 to index
      %get3A_248 = memref.load %arg9[%get3A_247] : memref<8200xf32, #tpu.memory_space<smem>>
      %mul3A_249 = vector.broadcast %get3A_248 : f32 to vector<8x128xf32>
      %mul3A_250 = arith.mulf %mul3A_246, %mul3A_249 : vector<8x128xf32>
      %add3A_251 = arith.addf %get3A_203, %mul3A_250 : vector<8x128xf32>
      %get3A_252 = arith.index_cast %get3A_107 : i32 to index
      %get3A_253 = memref.load %arg10[%get3A_252] : memref<8200xf32, #tpu.memory_space<smem>>
      %mul3A_254 = vector.broadcast %get3A_253 : f32 to vector<8x128xf32>
      %mul3A_255 = arith.mulf %mul3A_246, %mul3A_254 : vector<8x128xf32>
      %add3A_256 = arith.addf %get3A_206, %mul3A_255 : vector<8x128xf32>
      %get3A_257 = arith.index_cast %get3A_107 : i32 to index
      %get3A_258 = memref.load %arg11[%get3A_257] : memref<8200xf32, #tpu.memory_space<smem>>
      %mul3A_259 = vector.broadcast %get3A_258 : f32 to vector<8x128xf32>
      %mul3A_260 = arith.mulf %mul3A_246, %mul3A_259 : vector<8x128xf32>
      %add3A_261 = arith.addf %get3A_209, %mul3A_260 : vector<8x128xf32>
      %sub3A_262 = arith.constant 1.000000e+00 : f32
      %sub3A_263 = vector.broadcast %sub3A_262 : f32 to vector<8x128xf32>
      %sub3A_264 = arith.subf %sub3A_263, %select_n3A_245 : vector<8x128xf32>
      %mul3A_265 = arith.mulf %get3A_200, %sub3A_264 : vector<8x128xf32>
      %get3A_266 = arith.index_cast %get3A_113 : i32 to index
      %get3A_267 = memref.load %arg3[%get3A_266] : memref<8200xf32, #tpu.memory_space<smem>>
      %sub3A_268 = vector.broadcast %get3A_267 : f32 to vector<8x128xf32>
      %sub3A_269 = arith.subf %add3A_9, %sub3A_268 : vector<8x128xf32>
      %get3A_270 = arith.index_cast %get3A_113 : i32 to index
      %get3A_271 = memref.load %arg4[%get3A_270] : memref<8200xf32, #tpu.memory_space<smem>>
      %sub3A_272 = vector.broadcast %get3A_271 : f32 to vector<8x128xf32>
      %sub3A_273 = arith.subf %add3A_4, %sub3A_272 : vector<8x128xf32>
      %get3A_274 = arith.index_cast %get3A_113 : i32 to index
      %get3A_275 = memref.load %arg5[%get3A_274] : memref<8200xf32, #tpu.memory_space<smem>>
      %mul3A_276 = vector.broadcast %get3A_275 : f32 to vector<8x128xf32>
      %mul3A_277 = arith.mulf %mul3A_276, %sub3A_269 : vector<8x128xf32>
      %mul3A_278 = arith.mulf %mul3A_277, %sub3A_269 : vector<8x128xf32>
      %get3A_279 = arith.index_cast %get3A_113 : i32 to index
      %get3A_280 = memref.load %arg6[%get3A_279] : memref<8200xf32, #tpu.memory_space<smem>>
      %mul3A_281 = vector.broadcast %get3A_280 : f32 to vector<8x128xf32>
      %mul3A_282 = arith.mulf %mul3A_281, %sub3A_269 : vector<8x128xf32>
      %mul3A_283 = arith.mulf %mul3A_282, %sub3A_273 : vector<8x128xf32>
      %add3A_284 = arith.addf %mul3A_278, %mul3A_283 : vector<8x128xf32>
      %get3A_285 = arith.index_cast %get3A_113 : i32 to index
      %get3A_286 = memref.load %arg7[%get3A_285] : memref<8200xf32, #tpu.memory_space<smem>>
      %mul3A_287 = vector.broadcast %get3A_286 : f32 to vector<8x128xf32>
      %mul3A_288 = arith.mulf %mul3A_287, %sub3A_273 : vector<8x128xf32>
      %mul3A_289 = arith.mulf %mul3A_288, %sub3A_273 : vector<8x128xf32>
      %add3A_290 = arith.addf %add3A_284, %mul3A_289 : vector<8x128xf32>
      %get3A_291 = arith.index_cast %get3A_113 : i32 to index
      %get3A_292 = memref.load %arg8[%get3A_291] : memref<8200xf32, #tpu.memory_space<smem>>
      %exp3A_293 = math.exp %add3A_290 : vector<8x128xf32>
      %mul3A_294 = vector.broadcast %get3A_292 : f32 to vector<8x128xf32>
      %mul3A_295 = arith.mulf %mul3A_294, %exp3A_293 : vector<8x128xf32>
      %min3A_296 = arith.constant 9.990000e-01 : f32
      %min3A_297 = vector.broadcast %min3A_296 : f32 to vector<8x128xf32>
      %min3A_298 = arith.minimumf %mul3A_295, %min3A_297 : vector<8x128xf32>
      %ge3A_299 = arith.constant 0.00392156886 : f32
      %ge3A_300 = vector.broadcast %ge3A_299 : f32 to vector<8x128xf32>
      %ge3A_301 = arith.cmpf oge, %min3A_298, %ge3A_300 : vector<8x128xf32>
      %jit3A_302 = arith.constant 0.000000e+00 : f32
      %broadcast_in_dim3A_303 = vector.broadcast %jit3A_302 : f32 to vector<8x128xf32>
      %select_n3A_304 = arith.select %ge3A_301, %min3A_298, %broadcast_in_dim3A_303 : vector<8x128xi1>, vector<8x128xf32>
      %mul3A_305 = arith.mulf %select_n3A_304, %mul3A_265 : vector<8x128xf32>
      %get3A_306 = arith.index_cast %get3A_113 : i32 to index
      %get3A_307 = memref.load %arg9[%get3A_306] : memref<8200xf32, #tpu.memory_space<smem>>
      %mul3A_308 = vector.broadcast %get3A_307 : f32 to vector<8x128xf32>
      %mul3A_309 = arith.mulf %mul3A_305, %mul3A_308 : vector<8x128xf32>
      %add3A_310 = arith.addf %add3A_251, %mul3A_309 : vector<8x128xf32>
      %get3A_311 = arith.index_cast %get3A_113 : i32 to index
      %get3A_312 = memref.load %arg10[%get3A_311] : memref<8200xf32, #tpu.memory_space<smem>>
      %mul3A_313 = vector.broadcast %get3A_312 : f32 to vector<8x128xf32>
      %mul3A_314 = arith.mulf %mul3A_305, %mul3A_313 : vector<8x128xf32>
      %add3A_315 = arith.addf %add3A_256, %mul3A_314 : vector<8x128xf32>
      %get3A_316 = arith.index_cast %get3A_113 : i32 to index
      %get3A_317 = memref.load %arg11[%get3A_316] : memref<8200xf32, #tpu.memory_space<smem>>
      %mul3A_318 = vector.broadcast %get3A_317 : f32 to vector<8x128xf32>
      %mul3A_319 = arith.mulf %mul3A_305, %mul3A_318 : vector<8x128xf32>
      %add3A_320 = arith.addf %add3A_261, %mul3A_319 : vector<8x128xf32>
      %sub3A_321 = arith.constant 1.000000e+00 : f32
      %sub3A_322 = vector.broadcast %sub3A_321 : f32 to vector<8x128xf32>
      %sub3A_323 = arith.subf %sub3A_322, %select_n3A_304 : vector<8x128xf32>
      %mul3A_324 = arith.mulf %mul3A_265, %sub3A_323 : vector<8x128xf32>
      %get3A_325 = arith.index_cast %get3A_119 : i32 to index
      %get3A_326 = memref.load %arg3[%get3A_325] : memref<8200xf32, #tpu.memory_space<smem>>
      %sub3A_327 = vector.broadcast %get3A_326 : f32 to vector<8x128xf32>
      %sub3A_328 = arith.subf %add3A_9, %sub3A_327 : vector<8x128xf32>
      %get3A_329 = arith.index_cast %get3A_119 : i32 to index
      %get3A_330 = memref.load %arg4[%get3A_329] : memref<8200xf32, #tpu.memory_space<smem>>
      %sub3A_331 = vector.broadcast %get3A_330 : f32 to vector<8x128xf32>
      %sub3A_332 = arith.subf %add3A_4, %sub3A_331 : vector<8x128xf32>
      %get3A_333 = arith.index_cast %get3A_119 : i32 to index
      %get3A_334 = memref.load %arg5[%get3A_333] : memref<8200xf32, #tpu.memory_space<smem>>
      %mul3A_335 = vector.broadcast %get3A_334 : f32 to vector<8x128xf32>
      %mul3A_336 = arith.mulf %mul3A_335, %sub3A_328 : vector<8x128xf32>
      %mul3A_337 = arith.mulf %mul3A_336, %sub3A_328 : vector<8x128xf32>
      %get3A_338 = arith.index_cast %get3A_119 : i32 to index
      %get3A_339 = memref.load %arg6[%get3A_338] : memref<8200xf32, #tpu.memory_space<smem>>
      %mul3A_340 = vector.broadcast %get3A_339 : f32 to vector<8x128xf32>
      %mul3A_341 = arith.mulf %mul3A_340, %sub3A_328 : vector<8x128xf32>
      %mul3A_342 = arith.mulf %mul3A_341, %sub3A_332 : vector<8x128xf32>
      %add3A_343 = arith.addf %mul3A_337, %mul3A_342 : vector<8x128xf32>
      %get3A_344 = arith.index_cast %get3A_119 : i32 to index
      %get3A_345 = memref.load %arg7[%get3A_344] : memref<8200xf32, #tpu.memory_space<smem>>
      %mul3A_346 = vector.broadcast %get3A_345 : f32 to vector<8x128xf32>
      %mul3A_347 = arith.mulf %mul3A_346, %sub3A_332 : vector<8x128xf32>
      %mul3A_348 = arith.mulf %mul3A_347, %sub3A_332 : vector<8x128xf32>
      %add3A_349 = arith.addf %add3A_343, %mul3A_348 : vector<8x128xf32>
      %get3A_350 = arith.index_cast %get3A_119 : i32 to index
      %get3A_351 = memref.load %arg8[%get3A_350] : memref<8200xf32, #tpu.memory_space<smem>>
      %exp3A_352 = math.exp %add3A_349 : vector<8x128xf32>
      %mul3A_353 = vector.broadcast %get3A_351 : f32 to vector<8x128xf32>
      %mul3A_354 = arith.mulf %mul3A_353, %exp3A_352 : vector<8x128xf32>
      %min3A_355 = arith.constant 9.990000e-01 : f32
      %min3A_356 = vector.broadcast %min3A_355 : f32 to vector<8x128xf32>
      %min3A_357 = arith.minimumf %mul3A_354, %min3A_356 : vector<8x128xf32>
      %ge3A_358 = arith.constant 0.00392156886 : f32
      %ge3A_359 = vector.broadcast %ge3A_358 : f32 to vector<8x128xf32>
      %ge3A_360 = arith.cmpf oge, %min3A_357, %ge3A_359 : vector<8x128xf32>
      %jit3A_361 = arith.constant 0.000000e+00 : f32
      %broadcast_in_dim3A_362 = vector.broadcast %jit3A_361 : f32 to vector<8x128xf32>
      %select_n3A_363 = arith.select %ge3A_360, %min3A_357, %broadcast_in_dim3A_362 : vector<8x128xi1>, vector<8x128xf32>
      %mul3A_364 = arith.mulf %select_n3A_363, %mul3A_324 : vector<8x128xf32>
      %get3A_365 = arith.index_cast %get3A_119 : i32 to index
      %get3A_366 = memref.load %arg9[%get3A_365] : memref<8200xf32, #tpu.memory_space<smem>>
      %mul3A_367 = vector.broadcast %get3A_366 : f32 to vector<8x128xf32>
      %mul3A_368 = arith.mulf %mul3A_364, %mul3A_367 : vector<8x128xf32>
      %add3A_369 = arith.addf %add3A_310, %mul3A_368 : vector<8x128xf32>
      %get3A_370 = arith.index_cast %get3A_119 : i32 to index
      %get3A_371 = memref.load %arg10[%get3A_370] : memref<8200xf32, #tpu.memory_space<smem>>
      %mul3A_372 = vector.broadcast %get3A_371 : f32 to vector<8x128xf32>
      %mul3A_373 = arith.mulf %mul3A_364, %mul3A_372 : vector<8x128xf32>
      %add3A_374 = arith.addf %add3A_315, %mul3A_373 : vector<8x128xf32>
      %get3A_375 = arith.index_cast %get3A_119 : i32 to index
      %get3A_376 = memref.load %arg11[%get3A_375] : memref<8200xf32, #tpu.memory_space<smem>>
      %mul3A_377 = vector.broadcast %get3A_376 : f32 to vector<8x128xf32>
      %mul3A_378 = arith.mulf %mul3A_364, %mul3A_377 : vector<8x128xf32>
      %add3A_379 = arith.addf %add3A_320, %mul3A_378 : vector<8x128xf32>
      %sub3A_380 = arith.constant 1.000000e+00 : f32
      %sub3A_381 = vector.broadcast %sub3A_380 : f32 to vector<8x128xf32>
      %sub3A_382 = arith.subf %sub3A_381, %select_n3A_363 : vector<8x128xf32>
      %mul3A_383 = arith.mulf %mul3A_324, %sub3A_382 : vector<8x128xf32>
      %get3A_384 = arith.index_cast %get3A_125 : i32 to index
      %get3A_385 = memref.load %arg3[%get3A_384] : memref<8200xf32, #tpu.memory_space<smem>>
      %sub3A_386 = vector.broadcast %get3A_385 : f32 to vector<8x128xf32>
      %sub3A_387 = arith.subf %add3A_9, %sub3A_386 : vector<8x128xf32>
      %get3A_388 = arith.index_cast %get3A_125 : i32 to index
      %get3A_389 = memref.load %arg4[%get3A_388] : memref<8200xf32, #tpu.memory_space<smem>>
      %sub3A_390 = vector.broadcast %get3A_389 : f32 to vector<8x128xf32>
      %sub3A_391 = arith.subf %add3A_4, %sub3A_390 : vector<8x128xf32>
      %get3A_392 = arith.index_cast %get3A_125 : i32 to index
      %get3A_393 = memref.load %arg5[%get3A_392] : memref<8200xf32, #tpu.memory_space<smem>>
      %mul3A_394 = vector.broadcast %get3A_393 : f32 to vector<8x128xf32>
      %mul3A_395 = arith.mulf %mul3A_394, %sub3A_387 : vector<8x128xf32>
      %mul3A_396 = arith.mulf %mul3A_395, %sub3A_387 : vector<8x128xf32>
      %get3A_397 = arith.index_cast %get3A_125 : i32 to index
      %get3A_398 = memref.load %arg6[%get3A_397] : memref<8200xf32, #tpu.memory_space<smem>>
      %mul3A_399 = vector.broadcast %get3A_398 : f32 to vector<8x128xf32>
      %mul3A_400 = arith.mulf %mul3A_399, %sub3A_387 : vector<8x128xf32>
      %mul3A_401 = arith.mulf %mul3A_400, %sub3A_391 : vector<8x128xf32>
      %add3A_402 = arith.addf %mul3A_396, %mul3A_401 : vector<8x128xf32>
      %get3A_403 = arith.index_cast %get3A_125 : i32 to index
      %get3A_404 = memref.load %arg7[%get3A_403] : memref<8200xf32, #tpu.memory_space<smem>>
      %mul3A_405 = vector.broadcast %get3A_404 : f32 to vector<8x128xf32>
      %mul3A_406 = arith.mulf %mul3A_405, %sub3A_391 : vector<8x128xf32>
      %mul3A_407 = arith.mulf %mul3A_406, %sub3A_391 : vector<8x128xf32>
      %add3A_408 = arith.addf %add3A_402, %mul3A_407 : vector<8x128xf32>
      %get3A_409 = arith.index_cast %get3A_125 : i32 to index
      %get3A_410 = memref.load %arg8[%get3A_409] : memref<8200xf32, #tpu.memory_space<smem>>
      %exp3A_411 = math.exp %add3A_408 : vector<8x128xf32>
      %mul3A_412 = vector.broadcast %get3A_410 : f32 to vector<8x128xf32>
      %mul3A_413 = arith.mulf %mul3A_412, %exp3A_411 : vector<8x128xf32>
      %min3A_414 = arith.constant 9.990000e-01 : f32
      %min3A_415 = vector.broadcast %min3A_414 : f32 to vector<8x128xf32>
      %min3A_416 = arith.minimumf %mul3A_413, %min3A_415 : vector<8x128xf32>
      %ge3A_417 = arith.constant 0.00392156886 : f32
      %ge3A_418 = vector.broadcast %ge3A_417 : f32 to vector<8x128xf32>
      %ge3A_419 = arith.cmpf oge, %min3A_416, %ge3A_418 : vector<8x128xf32>
      %jit3A_420 = arith.constant 0.000000e+00 : f32
      %broadcast_in_dim3A_421 = vector.broadcast %jit3A_420 : f32 to vector<8x128xf32>
      %select_n3A_422 = arith.select %ge3A_419, %min3A_416, %broadcast_in_dim3A_421 : vector<8x128xi1>, vector<8x128xf32>
      %mul3A_423 = arith.mulf %select_n3A_422, %mul3A_383 : vector<8x128xf32>
      %get3A_424 = arith.index_cast %get3A_125 : i32 to index
      %get3A_425 = memref.load %arg9[%get3A_424] : memref<8200xf32, #tpu.memory_space<smem>>
      %mul3A_426 = vector.broadcast %get3A_425 : f32 to vector<8x128xf32>
      %mul3A_427 = arith.mulf %mul3A_423, %mul3A_426 : vector<8x128xf32>
      %add3A_428 = arith.addf %add3A_369, %mul3A_427 : vector<8x128xf32>
      %get3A_429 = arith.index_cast %get3A_125 : i32 to index
      %get3A_430 = memref.load %arg10[%get3A_429] : memref<8200xf32, #tpu.memory_space<smem>>
      %mul3A_431 = vector.broadcast %get3A_430 : f32 to vector<8x128xf32>
      %mul3A_432 = arith.mulf %mul3A_423, %mul3A_431 : vector<8x128xf32>
      %add3A_433 = arith.addf %add3A_374, %mul3A_432 : vector<8x128xf32>
      %get3A_434 = arith.index_cast %get3A_125 : i32 to index
      %get3A_435 = memref.load %arg11[%get3A_434] : memref<8200xf32, #tpu.memory_space<smem>>
      %mul3A_436 = vector.broadcast %get3A_435 : f32 to vector<8x128xf32>
      %mul3A_437 = arith.mulf %mul3A_423, %mul3A_436 : vector<8x128xf32>
      %add3A_438 = arith.addf %add3A_379, %mul3A_437 : vector<8x128xf32>
      %sub3A_439 = arith.constant 1.000000e+00 : f32
      %sub3A_440 = vector.broadcast %sub3A_439 : f32 to vector<8x128xf32>
      %sub3A_441 = arith.subf %sub3A_440, %select_n3A_422 : vector<8x128xf32>
      %mul3A_442 = arith.mulf %mul3A_383, %sub3A_441 : vector<8x128xf32>
      %get3A_443 = arith.index_cast %get3A_131 : i32 to index
      %get3A_444 = memref.load %arg3[%get3A_443] : memref<8200xf32, #tpu.memory_space<smem>>
      %sub3A_445 = vector.broadcast %get3A_444 : f32 to vector<8x128xf32>
      %sub3A_446 = arith.subf %add3A_9, %sub3A_445 : vector<8x128xf32>
      %get3A_447 = arith.index_cast %get3A_131 : i32 to index
      %get3A_448 = memref.load %arg4[%get3A_447] : memref<8200xf32, #tpu.memory_space<smem>>
      %sub3A_449 = vector.broadcast %get3A_448 : f32 to vector<8x128xf32>
      %sub3A_450 = arith.subf %add3A_4, %sub3A_449 : vector<8x128xf32>
      %get3A_451 = arith.index_cast %get3A_131 : i32 to index
      %get3A_452 = memref.load %arg5[%get3A_451] : memref<8200xf32, #tpu.memory_space<smem>>
      %mul3A_453 = vector.broadcast %get3A_452 : f32 to vector<8x128xf32>
      %mul3A_454 = arith.mulf %mul3A_453, %sub3A_446 : vector<8x128xf32>
      %mul3A_455 = arith.mulf %mul3A_454, %sub3A_446 : vector<8x128xf32>
      %get3A_456 = arith.index_cast %get3A_131 : i32 to index
      %get3A_457 = memref.load %arg6[%get3A_456] : memref<8200xf32, #tpu.memory_space<smem>>
      %mul3A_458 = vector.broadcast %get3A_457 : f32 to vector<8x128xf32>
      %mul3A_459 = arith.mulf %mul3A_458, %sub3A_446 : vector<8x128xf32>
      %mul3A_460 = arith.mulf %mul3A_459, %sub3A_450 : vector<8x128xf32>
      %add3A_461 = arith.addf %mul3A_455, %mul3A_460 : vector<8x128xf32>
      %get3A_462 = arith.index_cast %get3A_131 : i32 to index
      %get3A_463 = memref.load %arg7[%get3A_462] : memref<8200xf32, #tpu.memory_space<smem>>
      %mul3A_464 = vector.broadcast %get3A_463 : f32 to vector<8x128xf32>
      %mul3A_465 = arith.mulf %mul3A_464, %sub3A_450 : vector<8x128xf32>
      %mul3A_466 = arith.mulf %mul3A_465, %sub3A_450 : vector<8x128xf32>
      %add3A_467 = arith.addf %add3A_461, %mul3A_466 : vector<8x128xf32>
      %get3A_468 = arith.index_cast %get3A_131 : i32 to index
      %get3A_469 = memref.load %arg8[%get3A_468] : memref<8200xf32, #tpu.memory_space<smem>>
      %exp3A_470 = math.exp %add3A_467 : vector<8x128xf32>
      %mul3A_471 = vector.broadcast %get3A_469 : f32 to vector<8x128xf32>
      %mul3A_472 = arith.mulf %mul3A_471, %exp3A_470 : vector<8x128xf32>
      %min3A_473 = arith.constant 9.990000e-01 : f32
      %min3A_474 = vector.broadcast %min3A_473 : f32 to vector<8x128xf32>
      %min3A_475 = arith.minimumf %mul3A_472, %min3A_474 : vector<8x128xf32>
      %ge3A_476 = arith.constant 0.00392156886 : f32
      %ge3A_477 = vector.broadcast %ge3A_476 : f32 to vector<8x128xf32>
      %ge3A_478 = arith.cmpf oge, %min3A_475, %ge3A_477 : vector<8x128xf32>
      %jit3A_479 = arith.constant 0.000000e+00 : f32
      %broadcast_in_dim3A_480 = vector.broadcast %jit3A_479 : f32 to vector<8x128xf32>
      %select_n3A_481 = arith.select %ge3A_478, %min3A_475, %broadcast_in_dim3A_480 : vector<8x128xi1>, vector<8x128xf32>
      %mul3A_482 = arith.mulf %select_n3A_481, %mul3A_442 : vector<8x128xf32>
      %get3A_483 = arith.index_cast %get3A_131 : i32 to index
      %get3A_484 = memref.load %arg9[%get3A_483] : memref<8200xf32, #tpu.memory_space<smem>>
      %mul3A_485 = vector.broadcast %get3A_484 : f32 to vector<8x128xf32>
      %mul3A_486 = arith.mulf %mul3A_482, %mul3A_485 : vector<8x128xf32>
      %add3A_487 = arith.addf %add3A_428, %mul3A_486 : vector<8x128xf32>
      %get3A_488 = arith.index_cast %get3A_131 : i32 to index
      %get3A_489 = memref.load %arg10[%get3A_488] : memref<8200xf32, #tpu.memory_space<smem>>
      %mul3A_490 = vector.broadcast %get3A_489 : f32 to vector<8x128xf32>
      %mul3A_491 = arith.mulf %mul3A_482, %mul3A_490 : vector<8x128xf32>
      %add3A_492 = arith.addf %add3A_433, %mul3A_491 : vector<8x128xf32>
      %get3A_493 = arith.index_cast %get3A_131 : i32 to index
      %get3A_494 = memref.load %arg11[%get3A_493] : memref<8200xf32, #tpu.memory_space<smem>>
      %mul3A_495 = vector.broadcast %get3A_494 : f32 to vector<8x128xf32>
      %mul3A_496 = arith.mulf %mul3A_482, %mul3A_495 : vector<8x128xf32>
      %add3A_497 = arith.addf %add3A_438, %mul3A_496 : vector<8x128xf32>
      %sub3A_498 = arith.constant 1.000000e+00 : f32
      %sub3A_499 = vector.broadcast %sub3A_498 : f32 to vector<8x128xf32>
      %sub3A_500 = arith.subf %sub3A_499, %select_n3A_481 : vector<8x128xf32>
      %mul3A_501 = arith.mulf %mul3A_442, %sub3A_500 : vector<8x128xf32>
      %get3A_502 = arith.index_cast %get3A_137 : i32 to index
      %get3A_503 = memref.load %arg3[%get3A_502] : memref<8200xf32, #tpu.memory_space<smem>>
      %sub3A_504 = vector.broadcast %get3A_503 : f32 to vector<8x128xf32>
      %sub3A_505 = arith.subf %add3A_9, %sub3A_504 : vector<8x128xf32>
      %get3A_506 = arith.index_cast %get3A_137 : i32 to index
      %get3A_507 = memref.load %arg4[%get3A_506] : memref<8200xf32, #tpu.memory_space<smem>>
      %sub3A_508 = vector.broadcast %get3A_507 : f32 to vector<8x128xf32>
      %sub3A_509 = arith.subf %add3A_4, %sub3A_508 : vector<8x128xf32>
      %get3A_510 = arith.index_cast %get3A_137 : i32 to index
      %get3A_511 = memref.load %arg5[%get3A_510] : memref<8200xf32, #tpu.memory_space<smem>>
      %mul3A_512 = vector.broadcast %get3A_511 : f32 to vector<8x128xf32>
      %mul3A_513 = arith.mulf %mul3A_512, %sub3A_505 : vector<8x128xf32>
      %mul3A_514 = arith.mulf %mul3A_513, %sub3A_505 : vector<8x128xf32>
      %get3A_515 = arith.index_cast %get3A_137 : i32 to index
      %get3A_516 = memref.load %arg6[%get3A_515] : memref<8200xf32, #tpu.memory_space<smem>>
      %mul3A_517 = vector.broadcast %get3A_516 : f32 to vector<8x128xf32>
      %mul3A_518 = arith.mulf %mul3A_517, %sub3A_505 : vector<8x128xf32>
      %mul3A_519 = arith.mulf %mul3A_518, %sub3A_509 : vector<8x128xf32>
      %add3A_520 = arith.addf %mul3A_514, %mul3A_519 : vector<8x128xf32>
      %get3A_521 = arith.index_cast %get3A_137 : i32 to index
      %get3A_522 = memref.load %arg7[%get3A_521] : memref<8200xf32, #tpu.memory_space<smem>>
      %mul3A_523 = vector.broadcast %get3A_522 : f32 to vector<8x128xf32>
      %mul3A_524 = arith.mulf %mul3A_523, %sub3A_509 : vector<8x128xf32>
      %mul3A_525 = arith.mulf %mul3A_524, %sub3A_509 : vector<8x128xf32>
      %add3A_526 = arith.addf %add3A_520, %mul3A_525 : vector<8x128xf32>
      %get3A_527 = arith.index_cast %get3A_137 : i32 to index
      %get3A_528 = memref.load %arg8[%get3A_527] : memref<8200xf32, #tpu.memory_space<smem>>
      %exp3A_529 = math.exp %add3A_526 : vector<8x128xf32>
      %mul3A_530 = vector.broadcast %get3A_528 : f32 to vector<8x128xf32>
      %mul3A_531 = arith.mulf %mul3A_530, %exp3A_529 : vector<8x128xf32>
      %min3A_532 = arith.constant 9.990000e-01 : f32
      %min3A_533 = vector.broadcast %min3A_532 : f32 to vector<8x128xf32>
      %min3A_534 = arith.minimumf %mul3A_531, %min3A_533 : vector<8x128xf32>
      %ge3A_535 = arith.constant 0.00392156886 : f32
      %ge3A_536 = vector.broadcast %ge3A_535 : f32 to vector<8x128xf32>
      %ge3A_537 = arith.cmpf oge, %min3A_534, %ge3A_536 : vector<8x128xf32>
      %jit3A_538 = arith.constant 0.000000e+00 : f32
      %broadcast_in_dim3A_539 = vector.broadcast %jit3A_538 : f32 to vector<8x128xf32>
      %select_n3A_540 = arith.select %ge3A_537, %min3A_534, %broadcast_in_dim3A_539 : vector<8x128xi1>, vector<8x128xf32>
      %mul3A_541 = arith.mulf %select_n3A_540, %mul3A_501 : vector<8x128xf32>
      %get3A_542 = arith.index_cast %get3A_137 : i32 to index
      %get3A_543 = memref.load %arg9[%get3A_542] : memref<8200xf32, #tpu.memory_space<smem>>
      %mul3A_544 = vector.broadcast %get3A_543 : f32 to vector<8x128xf32>
      %mul3A_545 = arith.mulf %mul3A_541, %mul3A_544 : vector<8x128xf32>
      %add3A_546 = arith.addf %add3A_487, %mul3A_545 : vector<8x128xf32>
      %get3A_547 = arith.index_cast %get3A_137 : i32 to index
      %get3A_548 = memref.load %arg10[%get3A_547] : memref<8200xf32, #tpu.memory_space<smem>>
      %mul3A_549 = vector.broadcast %get3A_548 : f32 to vector<8x128xf32>
      %mul3A_550 = arith.mulf %mul3A_541, %mul3A_549 : vector<8x128xf32>
      %add3A_551 = arith.addf %add3A_492, %mul3A_550 : vector<8x128xf32>
      %get3A_552 = arith.index_cast %get3A_137 : i32 to index
      %get3A_553 = memref.load %arg11[%get3A_552] : memref<8200xf32, #tpu.memory_space<smem>>
      %mul3A_554 = vector.broadcast %get3A_553 : f32 to vector<8x128xf32>
      %mul3A_555 = arith.mulf %mul3A_541, %mul3A_554 : vector<8x128xf32>
      %add3A_556 = arith.addf %add3A_497, %mul3A_555 : vector<8x128xf32>
      %sub3A_557 = arith.constant 1.000000e+00 : f32
      %sub3A_558 = vector.broadcast %sub3A_557 : f32 to vector<8x128xf32>
      %sub3A_559 = arith.subf %sub3A_558, %select_n3A_540 : vector<8x128xf32>
      %mul3A_560 = arith.mulf %mul3A_501, %sub3A_559 : vector<8x128xf32>
      %get3A_561 = arith.index_cast %get3A_143 : i32 to index
      %get3A_562 = memref.load %arg3[%get3A_561] : memref<8200xf32, #tpu.memory_space<smem>>
      %sub3A_563 = vector.broadcast %get3A_562 : f32 to vector<8x128xf32>
      %sub3A_564 = arith.subf %add3A_9, %sub3A_563 : vector<8x128xf32>
      %get3A_565 = arith.index_cast %get3A_143 : i32 to index
      %get3A_566 = memref.load %arg4[%get3A_565] : memref<8200xf32, #tpu.memory_space<smem>>
      %sub3A_567 = vector.broadcast %get3A_566 : f32 to vector<8x128xf32>
      %sub3A_568 = arith.subf %add3A_4, %sub3A_567 : vector<8x128xf32>
      %get3A_569 = arith.index_cast %get3A_143 : i32 to index
      %get3A_570 = memref.load %arg5[%get3A_569] : memref<8200xf32, #tpu.memory_space<smem>>
      %mul3A_571 = vector.broadcast %get3A_570 : f32 to vector<8x128xf32>
      %mul3A_572 = arith.mulf %mul3A_571, %sub3A_564 : vector<8x128xf32>
      %mul3A_573 = arith.mulf %mul3A_572, %sub3A_564 : vector<8x128xf32>
      %get3A_574 = arith.index_cast %get3A_143 : i32 to index
      %get3A_575 = memref.load %arg6[%get3A_574] : memref<8200xf32, #tpu.memory_space<smem>>
      %mul3A_576 = vector.broadcast %get3A_575 : f32 to vector<8x128xf32>
      %mul3A_577 = arith.mulf %mul3A_576, %sub3A_564 : vector<8x128xf32>
      %mul3A_578 = arith.mulf %mul3A_577, %sub3A_568 : vector<8x128xf32>
      %add3A_579 = arith.addf %mul3A_573, %mul3A_578 : vector<8x128xf32>
      %get3A_580 = arith.index_cast %get3A_143 : i32 to index
      %get3A_581 = memref.load %arg7[%get3A_580] : memref<8200xf32, #tpu.memory_space<smem>>
      %mul3A_582 = vector.broadcast %get3A_581 : f32 to vector<8x128xf32>
      %mul3A_583 = arith.mulf %mul3A_582, %sub3A_568 : vector<8x128xf32>
      %mul3A_584 = arith.mulf %mul3A_583, %sub3A_568 : vector<8x128xf32>
      %add3A_585 = arith.addf %add3A_579, %mul3A_584 : vector<8x128xf32>
      %get3A_586 = arith.index_cast %get3A_143 : i32 to index
      %get3A_587 = memref.load %arg8[%get3A_586] : memref<8200xf32, #tpu.memory_space<smem>>
      %exp3A_588 = math.exp %add3A_585 : vector<8x128xf32>
      %mul3A_589 = vector.broadcast %get3A_587 : f32 to vector<8x128xf32>
      %mul3A_590 = arith.mulf %mul3A_589, %exp3A_588 : vector<8x128xf32>
      %min3A_591 = arith.constant 9.990000e-01 : f32
      %min3A_592 = vector.broadcast %min3A_591 : f32 to vector<8x128xf32>
      %min3A_593 = arith.minimumf %mul3A_590, %min3A_592 : vector<8x128xf32>
      %ge3A_594 = arith.constant 0.00392156886 : f32
      %ge3A_595 = vector.broadcast %ge3A_594 : f32 to vector<8x128xf32>
      %ge3A_596 = arith.cmpf oge, %min3A_593, %ge3A_595 : vector<8x128xf32>
      %jit3A_597 = arith.constant 0.000000e+00 : f32
      %broadcast_in_dim3A_598 = vector.broadcast %jit3A_597 : f32 to vector<8x128xf32>
      %select_n3A_599 = arith.select %ge3A_596, %min3A_593, %broadcast_in_dim3A_598 : vector<8x128xi1>, vector<8x128xf32>
      %mul3A_600 = arith.mulf %select_n3A_599, %mul3A_560 : vector<8x128xf32>
      %get3A_601 = arith.index_cast %get3A_143 : i32 to index
      %get3A_602 = memref.load %arg9[%get3A_601] : memref<8200xf32, #tpu.memory_space<smem>>
      %mul3A_603 = vector.broadcast %get3A_602 : f32 to vector<8x128xf32>
      %mul3A_604 = arith.mulf %mul3A_600, %mul3A_603 : vector<8x128xf32>
      %add3A_605 = arith.addf %add3A_546, %mul3A_604 : vector<8x128xf32>
      %get3A_606 = arith.index_cast %get3A_143 : i32 to index
      %get3A_607 = memref.load %arg10[%get3A_606] : memref<8200xf32, #tpu.memory_space<smem>>
      %mul3A_608 = vector.broadcast %get3A_607 : f32 to vector<8x128xf32>
      %mul3A_609 = arith.mulf %mul3A_600, %mul3A_608 : vector<8x128xf32>
      %add3A_610 = arith.addf %add3A_551, %mul3A_609 : vector<8x128xf32>
      %get3A_611 = arith.index_cast %get3A_143 : i32 to index
      %get3A_612 = memref.load %arg11[%get3A_611] : memref<8200xf32, #tpu.memory_space<smem>>
      %mul3A_613 = vector.broadcast %get3A_612 : f32 to vector<8x128xf32>
      %mul3A_614 = arith.mulf %mul3A_600, %mul3A_613 : vector<8x128xf32>
      %add3A_615 = arith.addf %add3A_556, %mul3A_614 : vector<8x128xf32>
      %sub3A_616 = arith.constant 1.000000e+00 : f32
      %sub3A_617 = vector.broadcast %sub3A_616 : f32 to vector<8x128xf32>
      %sub3A_618 = arith.subf %sub3A_617, %select_n3A_599 : vector<8x128xf32>
      %mul3A_619 = arith.mulf %mul3A_560, %sub3A_618 : vector<8x128xf32>
      %get3A_620 = arith.index_cast %get3A_149 : i32 to index
      %get3A_621 = memref.load %arg3[%get3A_620] : memref<8200xf32, #tpu.memory_space<smem>>
      %sub3A_622 = vector.broadcast %get3A_621 : f32 to vector<8x128xf32>
      %sub3A_623 = arith.subf %add3A_9, %sub3A_622 : vector<8x128xf32>
      %get3A_624 = arith.index_cast %get3A_149 : i32 to index
      %get3A_625 = memref.load %arg4[%get3A_624] : memref<8200xf32, #tpu.memory_space<smem>>
      %sub3A_626 = vector.broadcast %get3A_625 : f32 to vector<8x128xf32>
      %sub3A_627 = arith.subf %add3A_4, %sub3A_626 : vector<8x128xf32>
      %get3A_628 = arith.index_cast %get3A_149 : i32 to index
      %get3A_629 = memref.load %arg5[%get3A_628] : memref<8200xf32, #tpu.memory_space<smem>>
      %mul3A_630 = vector.broadcast %get3A_629 : f32 to vector<8x128xf32>
      %mul3A_631 = arith.mulf %mul3A_630, %sub3A_623 : vector<8x128xf32>
      %mul3A_632 = arith.mulf %mul3A_631, %sub3A_623 : vector<8x128xf32>
      %get3A_633 = arith.index_cast %get3A_149 : i32 to index
      %get3A_634 = memref.load %arg6[%get3A_633] : memref<8200xf32, #tpu.memory_space<smem>>
      %mul3A_635 = vector.broadcast %get3A_634 : f32 to vector<8x128xf32>
      %mul3A_636 = arith.mulf %mul3A_635, %sub3A_623 : vector<8x128xf32>
      %mul3A_637 = arith.mulf %mul3A_636, %sub3A_627 : vector<8x128xf32>
      %add3A_638 = arith.addf %mul3A_632, %mul3A_637 : vector<8x128xf32>
      %get3A_639 = arith.index_cast %get3A_149 : i32 to index
      %get3A_640 = memref.load %arg7[%get3A_639] : memref<8200xf32, #tpu.memory_space<smem>>
      %mul3A_641 = vector.broadcast %get3A_640 : f32 to vector<8x128xf32>
      %mul3A_642 = arith.mulf %mul3A_641, %sub3A_627 : vector<8x128xf32>
      %mul3A_643 = arith.mulf %mul3A_642, %sub3A_627 : vector<8x128xf32>
      %add3A_644 = arith.addf %add3A_638, %mul3A_643 : vector<8x128xf32>
      %get3A_645 = arith.index_cast %get3A_149 : i32 to index
      %get3A_646 = memref.load %arg8[%get3A_645] : memref<8200xf32, #tpu.memory_space<smem>>
      %exp3A_647 = math.exp %add3A_644 : vector<8x128xf32>
      %mul3A_648 = vector.broadcast %get3A_646 : f32 to vector<8x128xf32>
      %mul3A_649 = arith.mulf %mul3A_648, %exp3A_647 : vector<8x128xf32>
      %min3A_650 = arith.constant 9.990000e-01 : f32
      %min3A_651 = vector.broadcast %min3A_650 : f32 to vector<8x128xf32>
      %min3A_652 = arith.minimumf %mul3A_649, %min3A_651 : vector<8x128xf32>
      %ge3A_653 = arith.constant 0.00392156886 : f32
      %ge3A_654 = vector.broadcast %ge3A_653 : f32 to vector<8x128xf32>
      %ge3A_655 = arith.cmpf oge, %min3A_652, %ge3A_654 : vector<8x128xf32>
      %jit3A_656 = arith.constant 0.000000e+00 : f32
      %broadcast_in_dim3A_657 = vector.broadcast %jit3A_656 : f32 to vector<8x128xf32>
      %select_n3A_658 = arith.select %ge3A_655, %min3A_652, %broadcast_in_dim3A_657 : vector<8x128xi1>, vector<8x128xf32>
      %mul3A_659 = arith.mulf %select_n3A_658, %mul3A_619 : vector<8x128xf32>
      %get3A_660 = arith.index_cast %get3A_149 : i32 to index
      %get3A_661 = memref.load %arg9[%get3A_660] : memref<8200xf32, #tpu.memory_space<smem>>
      %mul3A_662 = vector.broadcast %get3A_661 : f32 to vector<8x128xf32>
      %mul3A_663 = arith.mulf %mul3A_659, %mul3A_662 : vector<8x128xf32>
      %add3A_664 = arith.addf %add3A_605, %mul3A_663 : vector<8x128xf32>
      %get3A_665 = arith.index_cast %get3A_149 : i32 to index
      %get3A_666 = memref.load %arg10[%get3A_665] : memref<8200xf32, #tpu.memory_space<smem>>
      %mul3A_667 = vector.broadcast %get3A_666 : f32 to vector<8x128xf32>
      %mul3A_668 = arith.mulf %mul3A_659, %mul3A_667 : vector<8x128xf32>
      %add3A_669 = arith.addf %add3A_610, %mul3A_668 : vector<8x128xf32>
      %get3A_670 = arith.index_cast %get3A_149 : i32 to index
      %get3A_671 = memref.load %arg11[%get3A_670] : memref<8200xf32, #tpu.memory_space<smem>>
      %mul3A_672 = vector.broadcast %get3A_671 : f32 to vector<8x128xf32>
      %mul3A_673 = arith.mulf %mul3A_659, %mul3A_672 : vector<8x128xf32>
      %add3A_674 = arith.addf %add3A_615, %mul3A_673 : vector<8x128xf32>
      %sub3A_675 = arith.constant 1.000000e+00 : f32
      %sub3A_676 = vector.broadcast %sub3A_675 : f32 to vector<8x128xf32>
      %sub3A_677 = arith.subf %sub3A_676, %select_n3A_658 : vector<8x128xf32>
      %mul3A_678 = arith.mulf %mul3A_619, %sub3A_677 : vector<8x128xf32>
      %get3A_679 = arith.index_cast %get3A_155 : i32 to index
      %get3A_680 = memref.load %arg3[%get3A_679] : memref<8200xf32, #tpu.memory_space<smem>>
      %sub3A_681 = vector.broadcast %get3A_680 : f32 to vector<8x128xf32>
      %sub3A_682 = arith.subf %add3A_9, %sub3A_681 : vector<8x128xf32>
      %get3A_683 = arith.index_cast %get3A_155 : i32 to index
      %get3A_684 = memref.load %arg4[%get3A_683] : memref<8200xf32, #tpu.memory_space<smem>>
      %sub3A_685 = vector.broadcast %get3A_684 : f32 to vector<8x128xf32>
      %sub3A_686 = arith.subf %add3A_4, %sub3A_685 : vector<8x128xf32>
      %get3A_687 = arith.index_cast %get3A_155 : i32 to index
      %get3A_688 = memref.load %arg5[%get3A_687] : memref<8200xf32, #tpu.memory_space<smem>>
      %mul3A_689 = vector.broadcast %get3A_688 : f32 to vector<8x128xf32>
      %mul3A_690 = arith.mulf %mul3A_689, %sub3A_682 : vector<8x128xf32>
      %mul3A_691 = arith.mulf %mul3A_690, %sub3A_682 : vector<8x128xf32>
      %get3A_692 = arith.index_cast %get3A_155 : i32 to index
      %get3A_693 = memref.load %arg6[%get3A_692] : memref<8200xf32, #tpu.memory_space<smem>>
      %mul3A_694 = vector.broadcast %get3A_693 : f32 to vector<8x128xf32>
      %mul3A_695 = arith.mulf %mul3A_694, %sub3A_682 : vector<8x128xf32>
      %mul3A_696 = arith.mulf %mul3A_695, %sub3A_686 : vector<8x128xf32>
      %add3A_697 = arith.addf %mul3A_691, %mul3A_696 : vector<8x128xf32>
      %get3A_698 = arith.index_cast %get3A_155 : i32 to index
      %get3A_699 = memref.load %arg7[%get3A_698] : memref<8200xf32, #tpu.memory_space<smem>>
      %mul3A_700 = vector.broadcast %get3A_699 : f32 to vector<8x128xf32>
      %mul3A_701 = arith.mulf %mul3A_700, %sub3A_686 : vector<8x128xf32>
      %mul3A_702 = arith.mulf %mul3A_701, %sub3A_686 : vector<8x128xf32>
      %add3A_703 = arith.addf %add3A_697, %mul3A_702 : vector<8x128xf32>
      %get3A_704 = arith.index_cast %get3A_155 : i32 to index
      %get3A_705 = memref.load %arg8[%get3A_704] : memref<8200xf32, #tpu.memory_space<smem>>
      %exp3A_706 = math.exp %add3A_703 : vector<8x128xf32>
      %mul3A_707 = vector.broadcast %get3A_705 : f32 to vector<8x128xf32>
      %mul3A_708 = arith.mulf %mul3A_707, %exp3A_706 : vector<8x128xf32>
      %min3A_709 = arith.constant 9.990000e-01 : f32
      %min3A_710 = vector.broadcast %min3A_709 : f32 to vector<8x128xf32>
      %min3A_711 = arith.minimumf %mul3A_708, %min3A_710 : vector<8x128xf32>
      %ge3A_712 = arith.constant 0.00392156886 : f32
      %ge3A_713 = vector.broadcast %ge3A_712 : f32 to vector<8x128xf32>
      %ge3A_714 = arith.cmpf oge, %min3A_711, %ge3A_713 : vector<8x128xf32>
      %jit3A_715 = arith.constant 0.000000e+00 : f32
      %broadcast_in_dim3A_716 = vector.broadcast %jit3A_715 : f32 to vector<8x128xf32>
      %select_n3A_717 = arith.select %ge3A_714, %min3A_711, %broadcast_in_dim3A_716 : vector<8x128xi1>, vector<8x128xf32>
      %mul3A_718 = arith.mulf %select_n3A_717, %mul3A_678 : vector<8x128xf32>
      %get3A_719 = arith.index_cast %get3A_155 : i32 to index
      %get3A_720 = memref.load %arg9[%get3A_719] : memref<8200xf32, #tpu.memory_space<smem>>
      %mul3A_721 = vector.broadcast %get3A_720 : f32 to vector<8x128xf32>
      %mul3A_722 = arith.mulf %mul3A_718, %mul3A_721 : vector<8x128xf32>
      %add3A_723 = arith.addf %add3A_664, %mul3A_722 : vector<8x128xf32>
      %get3A_724 = arith.index_cast %get3A_155 : i32 to index
      %get3A_725 = memref.load %arg10[%get3A_724] : memref<8200xf32, #tpu.memory_space<smem>>
      %mul3A_726 = vector.broadcast %get3A_725 : f32 to vector<8x128xf32>
      %mul3A_727 = arith.mulf %mul3A_718, %mul3A_726 : vector<8x128xf32>
      %add3A_728 = arith.addf %add3A_669, %mul3A_727 : vector<8x128xf32>
      %get3A_729 = arith.index_cast %get3A_155 : i32 to index
      %get3A_730 = memref.load %arg11[%get3A_729] : memref<8200xf32, #tpu.memory_space<smem>>
      %mul3A_731 = vector.broadcast %get3A_730 : f32 to vector<8x128xf32>
      %mul3A_732 = arith.mulf %mul3A_718, %mul3A_731 : vector<8x128xf32>
      %add3A_733 = arith.addf %add3A_674, %mul3A_732 : vector<8x128xf32>
      %sub3A_734 = arith.constant 1.000000e+00 : f32
      %sub3A_735 = vector.broadcast %sub3A_734 : f32 to vector<8x128xf32>
      %sub3A_736 = arith.subf %sub3A_735, %select_n3A_717 : vector<8x128xf32>
      %mul3A_737 = arith.mulf %mul3A_678, %sub3A_736 : vector<8x128xf32>
      %get3A_738 = arith.index_cast %get3A_161 : i32 to index
      %get3A_739 = memref.load %arg3[%get3A_738] : memref<8200xf32, #tpu.memory_space<smem>>
      %sub3A_740 = vector.broadcast %get3A_739 : f32 to vector<8x128xf32>
      %sub3A_741 = arith.subf %add3A_9, %sub3A_740 : vector<8x128xf32>
      %get3A_742 = arith.index_cast %get3A_161 : i32 to index
      %get3A_743 = memref.load %arg4[%get3A_742] : memref<8200xf32, #tpu.memory_space<smem>>
      %sub3A_744 = vector.broadcast %get3A_743 : f32 to vector<8x128xf32>
      %sub3A_745 = arith.subf %add3A_4, %sub3A_744 : vector<8x128xf32>
      %get3A_746 = arith.index_cast %get3A_161 : i32 to index
      %get3A_747 = memref.load %arg5[%get3A_746] : memref<8200xf32, #tpu.memory_space<smem>>
      %mul3A_748 = vector.broadcast %get3A_747 : f32 to vector<8x128xf32>
      %mul3A_749 = arith.mulf %mul3A_748, %sub3A_741 : vector<8x128xf32>
      %mul3A_750 = arith.mulf %mul3A_749, %sub3A_741 : vector<8x128xf32>
      %get3A_751 = arith.index_cast %get3A_161 : i32 to index
      %get3A_752 = memref.load %arg6[%get3A_751] : memref<8200xf32, #tpu.memory_space<smem>>
      %mul3A_753 = vector.broadcast %get3A_752 : f32 to vector<8x128xf32>
      %mul3A_754 = arith.mulf %mul3A_753, %sub3A_741 : vector<8x128xf32>
      %mul3A_755 = arith.mulf %mul3A_754, %sub3A_745 : vector<8x128xf32>
      %add3A_756 = arith.addf %mul3A_750, %mul3A_755 : vector<8x128xf32>
      %get3A_757 = arith.index_cast %get3A_161 : i32 to index
      %get3A_758 = memref.load %arg7[%get3A_757] : memref<8200xf32, #tpu.memory_space<smem>>
      %mul3A_759 = vector.broadcast %get3A_758 : f32 to vector<8x128xf32>
      %mul3A_760 = arith.mulf %mul3A_759, %sub3A_745 : vector<8x128xf32>
      %mul3A_761 = arith.mulf %mul3A_760, %sub3A_745 : vector<8x128xf32>
      %add3A_762 = arith.addf %add3A_756, %mul3A_761 : vector<8x128xf32>
      %get3A_763 = arith.index_cast %get3A_161 : i32 to index
      %get3A_764 = memref.load %arg8[%get3A_763] : memref<8200xf32, #tpu.memory_space<smem>>
      %exp3A_765 = math.exp %add3A_762 : vector<8x128xf32>
      %mul3A_766 = vector.broadcast %get3A_764 : f32 to vector<8x128xf32>
      %mul3A_767 = arith.mulf %mul3A_766, %exp3A_765 : vector<8x128xf32>
      %min3A_768 = arith.constant 9.990000e-01 : f32
      %min3A_769 = vector.broadcast %min3A_768 : f32 to vector<8x128xf32>
      %min3A_770 = arith.minimumf %mul3A_767, %min3A_769 : vector<8x128xf32>
      %ge3A_771 = arith.constant 0.00392156886 : f32
      %ge3A_772 = vector.broadcast %ge3A_771 : f32 to vector<8x128xf32>
      %ge3A_773 = arith.cmpf oge, %min3A_770, %ge3A_772 : vector<8x128xf32>
      %jit3A_774 = arith.constant 0.000000e+00 : f32
      %broadcast_in_dim3A_775 = vector.broadcast %jit3A_774 : f32 to vector<8x128xf32>
      %select_n3A_776 = arith.select %ge3A_773, %min3A_770, %broadcast_in_dim3A_775 : vector<8x128xi1>, vector<8x128xf32>
      %mul3A_777 = arith.mulf %select_n3A_776, %mul3A_737 : vector<8x128xf32>
      %get3A_778 = arith.index_cast %get3A_161 : i32 to index
      %get3A_779 = memref.load %arg9[%get3A_778] : memref<8200xf32, #tpu.memory_space<smem>>
      %mul3A_780 = vector.broadcast %get3A_779 : f32 to vector<8x128xf32>
      %mul3A_781 = arith.mulf %mul3A_777, %mul3A_780 : vector<8x128xf32>
      %add3A_782 = arith.addf %add3A_723, %mul3A_781 : vector<8x128xf32>
      %get3A_783 = arith.index_cast %get3A_161 : i32 to index
      %get3A_784 = memref.load %arg10[%get3A_783] : memref<8200xf32, #tpu.memory_space<smem>>
      %mul3A_785 = vector.broadcast %get3A_784 : f32 to vector<8x128xf32>
      %mul3A_786 = arith.mulf %mul3A_777, %mul3A_785 : vector<8x128xf32>
      %add3A_787 = arith.addf %add3A_728, %mul3A_786 : vector<8x128xf32>
      %get3A_788 = arith.index_cast %get3A_161 : i32 to index
      %get3A_789 = memref.load %arg11[%get3A_788] : memref<8200xf32, #tpu.memory_space<smem>>
      %mul3A_790 = vector.broadcast %get3A_789 : f32 to vector<8x128xf32>
      %mul3A_791 = arith.mulf %mul3A_777, %mul3A_790 : vector<8x128xf32>
      %add3A_792 = arith.addf %add3A_733, %mul3A_791 : vector<8x128xf32>
      %sub3A_793 = arith.constant 1.000000e+00 : f32
      %sub3A_794 = vector.broadcast %sub3A_793 : f32 to vector<8x128xf32>
      %sub3A_795 = arith.subf %sub3A_794, %select_n3A_776 : vector<8x128xf32>
      %mul3A_796 = arith.mulf %mul3A_737, %sub3A_795 : vector<8x128xf32>
      %get3A_797 = arith.index_cast %get3A_167 : i32 to index
      %get3A_798 = memref.load %arg3[%get3A_797] : memref<8200xf32, #tpu.memory_space<smem>>
      %sub3A_799 = vector.broadcast %get3A_798 : f32 to vector<8x128xf32>
      %sub3A_800 = arith.subf %add3A_9, %sub3A_799 : vector<8x128xf32>
      %get3A_801 = arith.index_cast %get3A_167 : i32 to index
      %get3A_802 = memref.load %arg4[%get3A_801] : memref<8200xf32, #tpu.memory_space<smem>>
      %sub3A_803 = vector.broadcast %get3A_802 : f32 to vector<8x128xf32>
      %sub3A_804 = arith.subf %add3A_4, %sub3A_803 : vector<8x128xf32>
      %get3A_805 = arith.index_cast %get3A_167 : i32 to index
      %get3A_806 = memref.load %arg5[%get3A_805] : memref<8200xf32, #tpu.memory_space<smem>>
      %mul3A_807 = vector.broadcast %get3A_806 : f32 to vector<8x128xf32>
      %mul3A_808 = arith.mulf %mul3A_807, %sub3A_800 : vector<8x128xf32>
      %mul3A_809 = arith.mulf %mul3A_808, %sub3A_800 : vector<8x128xf32>
      %get3A_810 = arith.index_cast %get3A_167 : i32 to index
      %get3A_811 = memref.load %arg6[%get3A_810] : memref<8200xf32, #tpu.memory_space<smem>>
      %mul3A_812 = vector.broadcast %get3A_811 : f32 to vector<8x128xf32>
      %mul3A_813 = arith.mulf %mul3A_812, %sub3A_800 : vector<8x128xf32>
      %mul3A_814 = arith.mulf %mul3A_813, %sub3A_804 : vector<8x128xf32>
      %add3A_815 = arith.addf %mul3A_809, %mul3A_814 : vector<8x128xf32>
      %get3A_816 = arith.index_cast %get3A_167 : i32 to index
      %get3A_817 = memref.load %arg7[%get3A_816] : memref<8200xf32, #tpu.memory_space<smem>>
      %mul3A_818 = vector.broadcast %get3A_817 : f32 to vector<8x128xf32>
      %mul3A_819 = arith.mulf %mul3A_818, %sub3A_804 : vector<8x128xf32>
      %mul3A_820 = arith.mulf %mul3A_819, %sub3A_804 : vector<8x128xf32>
      %add3A_821 = arith.addf %add3A_815, %mul3A_820 : vector<8x128xf32>
      %get3A_822 = arith.index_cast %get3A_167 : i32 to index
      %get3A_823 = memref.load %arg8[%get3A_822] : memref<8200xf32, #tpu.memory_space<smem>>
      %exp3A_824 = math.exp %add3A_821 : vector<8x128xf32>
      %mul3A_825 = vector.broadcast %get3A_823 : f32 to vector<8x128xf32>
      %mul3A_826 = arith.mulf %mul3A_825, %exp3A_824 : vector<8x128xf32>
      %min3A_827 = arith.constant 9.990000e-01 : f32
      %min3A_828 = vector.broadcast %min3A_827 : f32 to vector<8x128xf32>
      %min3A_829 = arith.minimumf %mul3A_826, %min3A_828 : vector<8x128xf32>
      %ge3A_830 = arith.constant 0.00392156886 : f32
      %ge3A_831 = vector.broadcast %ge3A_830 : f32 to vector<8x128xf32>
      %ge3A_832 = arith.cmpf oge, %min3A_829, %ge3A_831 : vector<8x128xf32>
      %jit3A_833 = arith.constant 0.000000e+00 : f32
      %broadcast_in_dim3A_834 = vector.broadcast %jit3A_833 : f32 to vector<8x128xf32>
      %select_n3A_835 = arith.select %ge3A_832, %min3A_829, %broadcast_in_dim3A_834 : vector<8x128xi1>, vector<8x128xf32>
      %mul3A_836 = arith.mulf %select_n3A_835, %mul3A_796 : vector<8x128xf32>
      %get3A_837 = arith.index_cast %get3A_167 : i32 to index
      %get3A_838 = memref.load %arg9[%get3A_837] : memref<8200xf32, #tpu.memory_space<smem>>
      %mul3A_839 = vector.broadcast %get3A_838 : f32 to vector<8x128xf32>
      %mul3A_840 = arith.mulf %mul3A_836, %mul3A_839 : vector<8x128xf32>
      %add3A_841 = arith.addf %add3A_782, %mul3A_840 : vector<8x128xf32>
      %get3A_842 = arith.index_cast %get3A_167 : i32 to index
      %get3A_843 = memref.load %arg10[%get3A_842] : memref<8200xf32, #tpu.memory_space<smem>>
      %mul3A_844 = vector.broadcast %get3A_843 : f32 to vector<8x128xf32>
      %mul3A_845 = arith.mulf %mul3A_836, %mul3A_844 : vector<8x128xf32>
      %add3A_846 = arith.addf %add3A_787, %mul3A_845 : vector<8x128xf32>
      %get3A_847 = arith.index_cast %get3A_167 : i32 to index
      %get3A_848 = memref.load %arg11[%get3A_847] : memref<8200xf32, #tpu.memory_space<smem>>
      %mul3A_849 = vector.broadcast %get3A_848 : f32 to vector<8x128xf32>
      %mul3A_850 = arith.mulf %mul3A_836, %mul3A_849 : vector<8x128xf32>
      %add3A_851 = arith.addf %add3A_792, %mul3A_850 : vector<8x128xf32>
      %sub3A_852 = arith.constant 1.000000e+00 : f32
      %sub3A_853 = vector.broadcast %sub3A_852 : f32 to vector<8x128xf32>
      %sub3A_854 = arith.subf %sub3A_853, %select_n3A_835 : vector<8x128xf32>
      %mul3A_855 = arith.mulf %mul3A_796, %sub3A_854 : vector<8x128xf32>
      %get3A_856 = arith.index_cast %get3A_173 : i32 to index
      %get3A_857 = memref.load %arg3[%get3A_856] : memref<8200xf32, #tpu.memory_space<smem>>
      %sub3A_858 = vector.broadcast %get3A_857 : f32 to vector<8x128xf32>
      %sub3A_859 = arith.subf %add3A_9, %sub3A_858 : vector<8x128xf32>
      %get3A_860 = arith.index_cast %get3A_173 : i32 to index
      %get3A_861 = memref.load %arg4[%get3A_860] : memref<8200xf32, #tpu.memory_space<smem>>
      %sub3A_862 = vector.broadcast %get3A_861 : f32 to vector<8x128xf32>
      %sub3A_863 = arith.subf %add3A_4, %sub3A_862 : vector<8x128xf32>
      %get3A_864 = arith.index_cast %get3A_173 : i32 to index
      %get3A_865 = memref.load %arg5[%get3A_864] : memref<8200xf32, #tpu.memory_space<smem>>
      %mul3A_866 = vector.broadcast %get3A_865 : f32 to vector<8x128xf32>
      %mul3A_867 = arith.mulf %mul3A_866, %sub3A_859 : vector<8x128xf32>
      %mul3A_868 = arith.mulf %mul3A_867, %sub3A_859 : vector<8x128xf32>
      %get3A_869 = arith.index_cast %get3A_173 : i32 to index
      %get3A_870 = memref.load %arg6[%get3A_869] : memref<8200xf32, #tpu.memory_space<smem>>
      %mul3A_871 = vector.broadcast %get3A_870 : f32 to vector<8x128xf32>
      %mul3A_872 = arith.mulf %mul3A_871, %sub3A_859 : vector<8x128xf32>
      %mul3A_873 = arith.mulf %mul3A_872, %sub3A_863 : vector<8x128xf32>
      %add3A_874 = arith.addf %mul3A_868, %mul3A_873 : vector<8x128xf32>
      %get3A_875 = arith.index_cast %get3A_173 : i32 to index
      %get3A_876 = memref.load %arg7[%get3A_875] : memref<8200xf32, #tpu.memory_space<smem>>
      %mul3A_877 = vector.broadcast %get3A_876 : f32 to vector<8x128xf32>
      %mul3A_878 = arith.mulf %mul3A_877, %sub3A_863 : vector<8x128xf32>
      %mul3A_879 = arith.mulf %mul3A_878, %sub3A_863 : vector<8x128xf32>
      %add3A_880 = arith.addf %add3A_874, %mul3A_879 : vector<8x128xf32>
      %get3A_881 = arith.index_cast %get3A_173 : i32 to index
      %get3A_882 = memref.load %arg8[%get3A_881] : memref<8200xf32, #tpu.memory_space<smem>>
      %exp3A_883 = math.exp %add3A_880 : vector<8x128xf32>
      %mul3A_884 = vector.broadcast %get3A_882 : f32 to vector<8x128xf32>
      %mul3A_885 = arith.mulf %mul3A_884, %exp3A_883 : vector<8x128xf32>
      %min3A_886 = arith.constant 9.990000e-01 : f32
      %min3A_887 = vector.broadcast %min3A_886 : f32 to vector<8x128xf32>
      %min3A_888 = arith.minimumf %mul3A_885, %min3A_887 : vector<8x128xf32>
      %ge3A_889 = arith.constant 0.00392156886 : f32
      %ge3A_890 = vector.broadcast %ge3A_889 : f32 to vector<8x128xf32>
      %ge3A_891 = arith.cmpf oge, %min3A_888, %ge3A_890 : vector<8x128xf32>
      %jit3A_892 = arith.constant 0.000000e+00 : f32
      %broadcast_in_dim3A_893 = vector.broadcast %jit3A_892 : f32 to vector<8x128xf32>
      %select_n3A_894 = arith.select %ge3A_891, %min3A_888, %broadcast_in_dim3A_893 : vector<8x128xi1>, vector<8x128xf32>
      %mul3A_895 = arith.mulf %select_n3A_894, %mul3A_855 : vector<8x128xf32>
      %get3A_896 = arith.index_cast %get3A_173 : i32 to index
      %get3A_897 = memref.load %arg9[%get3A_896] : memref<8200xf32, #tpu.memory_space<smem>>
      %mul3A_898 = vector.broadcast %get3A_897 : f32 to vector<8x128xf32>
      %mul3A_899 = arith.mulf %mul3A_895, %mul3A_898 : vector<8x128xf32>
      %add3A_900 = arith.addf %add3A_841, %mul3A_899 : vector<8x128xf32>
      %get3A_901 = arith.index_cast %get3A_173 : i32 to index
      %get3A_902 = memref.load %arg10[%get3A_901] : memref<8200xf32, #tpu.memory_space<smem>>
      %mul3A_903 = vector.broadcast %get3A_902 : f32 to vector<8x128xf32>
      %mul3A_904 = arith.mulf %mul3A_895, %mul3A_903 : vector<8x128xf32>
      %add3A_905 = arith.addf %add3A_846, %mul3A_904 : vector<8x128xf32>
      %get3A_906 = arith.index_cast %get3A_173 : i32 to index
      %get3A_907 = memref.load %arg11[%get3A_906] : memref<8200xf32, #tpu.memory_space<smem>>
      %mul3A_908 = vector.broadcast %get3A_907 : f32 to vector<8x128xf32>
      %mul3A_909 = arith.mulf %mul3A_895, %mul3A_908 : vector<8x128xf32>
      %add3A_910 = arith.addf %add3A_851, %mul3A_909 : vector<8x128xf32>
      %sub3A_911 = arith.constant 1.000000e+00 : f32
      %sub3A_912 = vector.broadcast %sub3A_911 : f32 to vector<8x128xf32>
      %sub3A_913 = arith.subf %sub3A_912, %select_n3A_894 : vector<8x128xf32>
      %mul3A_914 = arith.mulf %mul3A_855, %sub3A_913 : vector<8x128xf32>
      %get3A_915 = arith.index_cast %get3A_179 : i32 to index
      %get3A_916 = memref.load %arg3[%get3A_915] : memref<8200xf32, #tpu.memory_space<smem>>
      %sub3A_917 = vector.broadcast %get3A_916 : f32 to vector<8x128xf32>
      %sub3A_918 = arith.subf %add3A_9, %sub3A_917 : vector<8x128xf32>
      %get3A_919 = arith.index_cast %get3A_179 : i32 to index
      %get3A_920 = memref.load %arg4[%get3A_919] : memref<8200xf32, #tpu.memory_space<smem>>
      %sub3A_921 = vector.broadcast %get3A_920 : f32 to vector<8x128xf32>
      %sub3A_922 = arith.subf %add3A_4, %sub3A_921 : vector<8x128xf32>
      %get3A_923 = arith.index_cast %get3A_179 : i32 to index
      %get3A_924 = memref.load %arg5[%get3A_923] : memref<8200xf32, #tpu.memory_space<smem>>
      %mul3A_925 = vector.broadcast %get3A_924 : f32 to vector<8x128xf32>
      %mul3A_926 = arith.mulf %mul3A_925, %sub3A_918 : vector<8x128xf32>
      %mul3A_927 = arith.mulf %mul3A_926, %sub3A_918 : vector<8x128xf32>
      %get3A_928 = arith.index_cast %get3A_179 : i32 to index
      %get3A_929 = memref.load %arg6[%get3A_928] : memref<8200xf32, #tpu.memory_space<smem>>
      %mul3A_930 = vector.broadcast %get3A_929 : f32 to vector<8x128xf32>
      %mul3A_931 = arith.mulf %mul3A_930, %sub3A_918 : vector<8x128xf32>
      %mul3A_932 = arith.mulf %mul3A_931, %sub3A_922 : vector<8x128xf32>
      %add3A_933 = arith.addf %mul3A_927, %mul3A_932 : vector<8x128xf32>
      %get3A_934 = arith.index_cast %get3A_179 : i32 to index
      %get3A_935 = memref.load %arg7[%get3A_934] : memref<8200xf32, #tpu.memory_space<smem>>
      %mul3A_936 = vector.broadcast %get3A_935 : f32 to vector<8x128xf32>
      %mul3A_937 = arith.mulf %mul3A_936, %sub3A_922 : vector<8x128xf32>
      %mul3A_938 = arith.mulf %mul3A_937, %sub3A_922 : vector<8x128xf32>
      %add3A_939 = arith.addf %add3A_933, %mul3A_938 : vector<8x128xf32>
      %get3A_940 = arith.index_cast %get3A_179 : i32 to index
      %get3A_941 = memref.load %arg8[%get3A_940] : memref<8200xf32, #tpu.memory_space<smem>>
      %exp3A_942 = math.exp %add3A_939 : vector<8x128xf32>
      %mul3A_943 = vector.broadcast %get3A_941 : f32 to vector<8x128xf32>
      %mul3A_944 = arith.mulf %mul3A_943, %exp3A_942 : vector<8x128xf32>
      %min3A_945 = arith.constant 9.990000e-01 : f32
      %min3A_946 = vector.broadcast %min3A_945 : f32 to vector<8x128xf32>
      %min3A_947 = arith.minimumf %mul3A_944, %min3A_946 : vector<8x128xf32>
      %ge3A_948 = arith.constant 0.00392156886 : f32
      %ge3A_949 = vector.broadcast %ge3A_948 : f32 to vector<8x128xf32>
      %ge3A_950 = arith.cmpf oge, %min3A_947, %ge3A_949 : vector<8x128xf32>
      %jit3A_951 = arith.constant 0.000000e+00 : f32
      %broadcast_in_dim3A_952 = vector.broadcast %jit3A_951 : f32 to vector<8x128xf32>
      %select_n3A_953 = arith.select %ge3A_950, %min3A_947, %broadcast_in_dim3A_952 : vector<8x128xi1>, vector<8x128xf32>
      %mul3A_954 = arith.mulf %select_n3A_953, %mul3A_914 : vector<8x128xf32>
      %get3A_955 = arith.index_cast %get3A_179 : i32 to index
      %get3A_956 = memref.load %arg9[%get3A_955] : memref<8200xf32, #tpu.memory_space<smem>>
      %mul3A_957 = vector.broadcast %get3A_956 : f32 to vector<8x128xf32>
      %mul3A_958 = arith.mulf %mul3A_954, %mul3A_957 : vector<8x128xf32>
      %add3A_959 = arith.addf %add3A_900, %mul3A_958 : vector<8x128xf32>
      %get3A_960 = arith.index_cast %get3A_179 : i32 to index
      %get3A_961 = memref.load %arg10[%get3A_960] : memref<8200xf32, #tpu.memory_space<smem>>
      %mul3A_962 = vector.broadcast %get3A_961 : f32 to vector<8x128xf32>
      %mul3A_963 = arith.mulf %mul3A_954, %mul3A_962 : vector<8x128xf32>
      %add3A_964 = arith.addf %add3A_905, %mul3A_963 : vector<8x128xf32>
      %get3A_965 = arith.index_cast %get3A_179 : i32 to index
      %get3A_966 = memref.load %arg11[%get3A_965] : memref<8200xf32, #tpu.memory_space<smem>>
      %mul3A_967 = vector.broadcast %get3A_966 : f32 to vector<8x128xf32>
      %mul3A_968 = arith.mulf %mul3A_954, %mul3A_967 : vector<8x128xf32>
      %add3A_969 = arith.addf %add3A_910, %mul3A_968 : vector<8x128xf32>
      %sub3A_970 = arith.constant 1.000000e+00 : f32
      %sub3A_971 = vector.broadcast %sub3A_970 : f32 to vector<8x128xf32>
      %sub3A_972 = arith.subf %sub3A_971, %select_n3A_953 : vector<8x128xf32>
      %mul3A_973 = arith.mulf %mul3A_914, %sub3A_972 : vector<8x128xf32>
      %get3A_974 = arith.index_cast %get3A_185 : i32 to index
      %get3A_975 = memref.load %arg3[%get3A_974] : memref<8200xf32, #tpu.memory_space<smem>>
      %sub3A_976 = vector.broadcast %get3A_975 : f32 to vector<8x128xf32>
      %sub3A_977 = arith.subf %add3A_9, %sub3A_976 : vector<8x128xf32>
      %get3A_978 = arith.index_cast %get3A_185 : i32 to index
      %get3A_979 = memref.load %arg4[%get3A_978] : memref<8200xf32, #tpu.memory_space<smem>>
      %sub3A_980 = vector.broadcast %get3A_979 : f32 to vector<8x128xf32>
      %sub3A_981 = arith.subf %add3A_4, %sub3A_980 : vector<8x128xf32>
      %get3A_982 = arith.index_cast %get3A_185 : i32 to index
      %get3A_983 = memref.load %arg5[%get3A_982] : memref<8200xf32, #tpu.memory_space<smem>>
      %mul3A_984 = vector.broadcast %get3A_983 : f32 to vector<8x128xf32>
      %mul3A_985 = arith.mulf %mul3A_984, %sub3A_977 : vector<8x128xf32>
      %mul3A_986 = arith.mulf %mul3A_985, %sub3A_977 : vector<8x128xf32>
      %get3A_987 = arith.index_cast %get3A_185 : i32 to index
      %get3A_988 = memref.load %arg6[%get3A_987] : memref<8200xf32, #tpu.memory_space<smem>>
      %mul3A_989 = vector.broadcast %get3A_988 : f32 to vector<8x128xf32>
      %mul3A_990 = arith.mulf %mul3A_989, %sub3A_977 : vector<8x128xf32>
      %mul3A_991 = arith.mulf %mul3A_990, %sub3A_981 : vector<8x128xf32>
      %add3A_992 = arith.addf %mul3A_986, %mul3A_991 : vector<8x128xf32>
      %get3A_993 = arith.index_cast %get3A_185 : i32 to index
      %get3A_994 = memref.load %arg7[%get3A_993] : memref<8200xf32, #tpu.memory_space<smem>>
      %mul3A_995 = vector.broadcast %get3A_994 : f32 to vector<8x128xf32>
      %mul3A_996 = arith.mulf %mul3A_995, %sub3A_981 : vector<8x128xf32>
      %mul3A_997 = arith.mulf %mul3A_996, %sub3A_981 : vector<8x128xf32>
      %add3A_998 = arith.addf %add3A_992, %mul3A_997 : vector<8x128xf32>
      %get3A_999 = arith.index_cast %get3A_185 : i32 to index
      %get3A_1000 = memref.load %arg8[%get3A_999] : memref<8200xf32, #tpu.memory_space<smem>>
      %exp3A_1001 = math.exp %add3A_998 : vector<8x128xf32>
      %mul3A_1002 = vector.broadcast %get3A_1000 : f32 to vector<8x128xf32>
      %mul3A_1003 = arith.mulf %mul3A_1002, %exp3A_1001 : vector<8x128xf32>
      %min3A_1004 = arith.constant 9.990000e-01 : f32
      %min3A_1005 = vector.broadcast %min3A_1004 : f32 to vector<8x128xf32>
      %min3A_1006 = arith.minimumf %mul3A_1003, %min3A_1005 : vector<8x128xf32>
      %ge3A_1007 = arith.constant 0.00392156886 : f32
      %ge3A_1008 = vector.broadcast %ge3A_1007 : f32 to vector<8x128xf32>
      %ge3A_1009 = arith.cmpf oge, %min3A_1006, %ge3A_1008 : vector<8x128xf32>
      %jit3A_1010 = arith.constant 0.000000e+00 : f32
      %broadcast_in_dim3A_1011 = vector.broadcast %jit3A_1010 : f32 to vector<8x128xf32>
      %select_n3A_1012 = arith.select %ge3A_1009, %min3A_1006, %broadcast_in_dim3A_1011 : vector<8x128xi1>, vector<8x128xf32>
      %mul3A_1013 = arith.mulf %select_n3A_1012, %mul3A_973 : vector<8x128xf32>
      %get3A_1014 = arith.index_cast %get3A_185 : i32 to index
      %get3A_1015 = memref.load %arg9[%get3A_1014] : memref<8200xf32, #tpu.memory_space<smem>>
      %mul3A_1016 = vector.broadcast %get3A_1015 : f32 to vector<8x128xf32>
      %mul3A_1017 = arith.mulf %mul3A_1013, %mul3A_1016 : vector<8x128xf32>
      %add3A_1018 = arith.addf %add3A_959, %mul3A_1017 : vector<8x128xf32>
      %get3A_1019 = arith.index_cast %get3A_185 : i32 to index
      %get3A_1020 = memref.load %arg10[%get3A_1019] : memref<8200xf32, #tpu.memory_space<smem>>
      %mul3A_1021 = vector.broadcast %get3A_1020 : f32 to vector<8x128xf32>
      %mul3A_1022 = arith.mulf %mul3A_1013, %mul3A_1021 : vector<8x128xf32>
      %add3A_1023 = arith.addf %add3A_964, %mul3A_1022 : vector<8x128xf32>
      %get3A_1024 = arith.index_cast %get3A_185 : i32 to index
      %get3A_1025 = memref.load %arg11[%get3A_1024] : memref<8200xf32, #tpu.memory_space<smem>>
      %mul3A_1026 = vector.broadcast %get3A_1025 : f32 to vector<8x128xf32>
      %mul3A_1027 = arith.mulf %mul3A_1013, %mul3A_1026 : vector<8x128xf32>
      %add3A_1028 = arith.addf %add3A_969, %mul3A_1027 : vector<8x128xf32>
      %sub3A_1029 = arith.constant 1.000000e+00 : f32
      %sub3A_1030 = vector.broadcast %sub3A_1029 : f32 to vector<8x128xf32>
      %sub3A_1031 = arith.subf %sub3A_1030, %select_n3A_1012 : vector<8x128xf32>
      %mul3A_1032 = arith.mulf %mul3A_973, %sub3A_1031 : vector<8x128xf32>
      %get3A_1033 = arith.index_cast %get3A_191 : i32 to index
      %get3A_1034 = memref.load %arg3[%get3A_1033] : memref<8200xf32, #tpu.memory_space<smem>>
      %sub3A_1035 = vector.broadcast %get3A_1034 : f32 to vector<8x128xf32>
      %sub3A_1036 = arith.subf %add3A_9, %sub3A_1035 : vector<8x128xf32>
      %get3A_1037 = arith.index_cast %get3A_191 : i32 to index
      %get3A_1038 = memref.load %arg4[%get3A_1037] : memref<8200xf32, #tpu.memory_space<smem>>
      %sub3A_1039 = vector.broadcast %get3A_1038 : f32 to vector<8x128xf32>
      %sub3A_1040 = arith.subf %add3A_4, %sub3A_1039 : vector<8x128xf32>
      %get3A_1041 = arith.index_cast %get3A_191 : i32 to index
      %get3A_1042 = memref.load %arg5[%get3A_1041] : memref<8200xf32, #tpu.memory_space<smem>>
      %mul3A_1043 = vector.broadcast %get3A_1042 : f32 to vector<8x128xf32>
      %mul3A_1044 = arith.mulf %mul3A_1043, %sub3A_1036 : vector<8x128xf32>
      %mul3A_1045 = arith.mulf %mul3A_1044, %sub3A_1036 : vector<8x128xf32>
      %get3A_1046 = arith.index_cast %get3A_191 : i32 to index
      %get3A_1047 = memref.load %arg6[%get3A_1046] : memref<8200xf32, #tpu.memory_space<smem>>
      %mul3A_1048 = vector.broadcast %get3A_1047 : f32 to vector<8x128xf32>
      %mul3A_1049 = arith.mulf %mul3A_1048, %sub3A_1036 : vector<8x128xf32>
      %mul3A_1050 = arith.mulf %mul3A_1049, %sub3A_1040 : vector<8x128xf32>
      %add3A_1051 = arith.addf %mul3A_1045, %mul3A_1050 : vector<8x128xf32>
      %get3A_1052 = arith.index_cast %get3A_191 : i32 to index
      %get3A_1053 = memref.load %arg7[%get3A_1052] : memref<8200xf32, #tpu.memory_space<smem>>
      %mul3A_1054 = vector.broadcast %get3A_1053 : f32 to vector<8x128xf32>
      %mul3A_1055 = arith.mulf %mul3A_1054, %sub3A_1040 : vector<8x128xf32>
      %mul3A_1056 = arith.mulf %mul3A_1055, %sub3A_1040 : vector<8x128xf32>
      %add3A_1057 = arith.addf %add3A_1051, %mul3A_1056 : vector<8x128xf32>
      %get3A_1058 = arith.index_cast %get3A_191 : i32 to index
      %get3A_1059 = memref.load %arg8[%get3A_1058] : memref<8200xf32, #tpu.memory_space<smem>>
      %exp3A_1060 = math.exp %add3A_1057 : vector<8x128xf32>
      %mul3A_1061 = vector.broadcast %get3A_1059 : f32 to vector<8x128xf32>
      %mul3A_1062 = arith.mulf %mul3A_1061, %exp3A_1060 : vector<8x128xf32>
      %min3A_1063 = arith.constant 9.990000e-01 : f32
      %min3A_1064 = vector.broadcast %min3A_1063 : f32 to vector<8x128xf32>
      %min3A_1065 = arith.minimumf %mul3A_1062, %min3A_1064 : vector<8x128xf32>
      %ge3A_1066 = arith.constant 0.00392156886 : f32
      %ge3A_1067 = vector.broadcast %ge3A_1066 : f32 to vector<8x128xf32>
      %ge3A_1068 = arith.cmpf oge, %min3A_1065, %ge3A_1067 : vector<8x128xf32>
      %jit3A_1069 = arith.constant 0.000000e+00 : f32
      %broadcast_in_dim3A_1070 = vector.broadcast %jit3A_1069 : f32 to vector<8x128xf32>
      %select_n3A_1071 = arith.select %ge3A_1068, %min3A_1065, %broadcast_in_dim3A_1070 : vector<8x128xi1>, vector<8x128xf32>
      %mul3A_1072 = arith.mulf %select_n3A_1071, %mul3A_1032 : vector<8x128xf32>
      %get3A_1073 = arith.index_cast %get3A_191 : i32 to index
      %get3A_1074 = memref.load %arg9[%get3A_1073] : memref<8200xf32, #tpu.memory_space<smem>>
      %mul3A_1075 = vector.broadcast %get3A_1074 : f32 to vector<8x128xf32>
      %mul3A_1076 = arith.mulf %mul3A_1072, %mul3A_1075 : vector<8x128xf32>
      %add3A_1077 = arith.addf %add3A_1018, %mul3A_1076 : vector<8x128xf32>
      %get3A_1078 = arith.index_cast %get3A_191 : i32 to index
      %get3A_1079 = memref.load %arg10[%get3A_1078] : memref<8200xf32, #tpu.memory_space<smem>>
      %mul3A_1080 = vector.broadcast %get3A_1079 : f32 to vector<8x128xf32>
      %mul3A_1081 = arith.mulf %mul3A_1072, %mul3A_1080 : vector<8x128xf32>
      %add3A_1082 = arith.addf %add3A_1023, %mul3A_1081 : vector<8x128xf32>
      %get3A_1083 = arith.index_cast %get3A_191 : i32 to index
      %get3A_1084 = memref.load %arg11[%get3A_1083] : memref<8200xf32, #tpu.memory_space<smem>>
      %mul3A_1085 = vector.broadcast %get3A_1084 : f32 to vector<8x128xf32>
      %mul3A_1086 = arith.mulf %mul3A_1072, %mul3A_1085 : vector<8x128xf32>
      %add3A_1087 = arith.addf %add3A_1028, %mul3A_1086 : vector<8x128xf32>
      %sub3A_1088 = arith.constant 1.000000e+00 : f32
      %sub3A_1089 = vector.broadcast %sub3A_1088 : f32 to vector<8x128xf32>
      %sub3A_1090 = arith.subf %sub3A_1089, %select_n3A_1071 : vector<8x128xf32>
      %mul3A_1091 = arith.mulf %mul3A_1032, %sub3A_1090 : vector<8x128xf32>
      %get3A_1092 = arith.index_cast %get3A_197 : i32 to index
      %get3A_1093 = memref.load %arg3[%get3A_1092] : memref<8200xf32, #tpu.memory_space<smem>>
      %sub3A_1094 = vector.broadcast %get3A_1093 : f32 to vector<8x128xf32>
      %sub3A_1095 = arith.subf %add3A_9, %sub3A_1094 : vector<8x128xf32>
      %get3A_1096 = arith.index_cast %get3A_197 : i32 to index
      %get3A_1097 = memref.load %arg4[%get3A_1096] : memref<8200xf32, #tpu.memory_space<smem>>
      %sub3A_1098 = vector.broadcast %get3A_1097 : f32 to vector<8x128xf32>
      %sub3A_1099 = arith.subf %add3A_4, %sub3A_1098 : vector<8x128xf32>
      %get3A_1100 = arith.index_cast %get3A_197 : i32 to index
      %get3A_1101 = memref.load %arg5[%get3A_1100] : memref<8200xf32, #tpu.memory_space<smem>>
      %mul3A_1102 = vector.broadcast %get3A_1101 : f32 to vector<8x128xf32>
      %mul3A_1103 = arith.mulf %mul3A_1102, %sub3A_1095 : vector<8x128xf32>
      %mul3A_1104 = arith.mulf %mul3A_1103, %sub3A_1095 : vector<8x128xf32>
      %get3A_1105 = arith.index_cast %get3A_197 : i32 to index
      %get3A_1106 = memref.load %arg6[%get3A_1105] : memref<8200xf32, #tpu.memory_space<smem>>
      %mul3A_1107 = vector.broadcast %get3A_1106 : f32 to vector<8x128xf32>
      %mul3A_1108 = arith.mulf %mul3A_1107, %sub3A_1095 : vector<8x128xf32>
      %mul3A_1109 = arith.mulf %mul3A_1108, %sub3A_1099 : vector<8x128xf32>
      %add3A_1110 = arith.addf %mul3A_1104, %mul3A_1109 : vector<8x128xf32>
      %get3A_1111 = arith.index_cast %get3A_197 : i32 to index
      %get3A_1112 = memref.load %arg7[%get3A_1111] : memref<8200xf32, #tpu.memory_space<smem>>
      %mul3A_1113 = vector.broadcast %get3A_1112 : f32 to vector<8x128xf32>
      %mul3A_1114 = arith.mulf %mul3A_1113, %sub3A_1099 : vector<8x128xf32>
      %mul3A_1115 = arith.mulf %mul3A_1114, %sub3A_1099 : vector<8x128xf32>
      %add3A_1116 = arith.addf %add3A_1110, %mul3A_1115 : vector<8x128xf32>
      %get3A_1117 = arith.index_cast %get3A_197 : i32 to index
      %get3A_1118 = memref.load %arg8[%get3A_1117] : memref<8200xf32, #tpu.memory_space<smem>>
      %exp3A_1119 = math.exp %add3A_1116 : vector<8x128xf32>
      %mul3A_1120 = vector.broadcast %get3A_1118 : f32 to vector<8x128xf32>
      %mul3A_1121 = arith.mulf %mul3A_1120, %exp3A_1119 : vector<8x128xf32>
      %min3A_1122 = arith.constant 9.990000e-01 : f32
      %min3A_1123 = vector.broadcast %min3A_1122 : f32 to vector<8x128xf32>
      %min3A_1124 = arith.minimumf %mul3A_1121, %min3A_1123 : vector<8x128xf32>
      %ge3A_1125 = arith.constant 0.00392156886 : f32
      %ge3A_1126 = vector.broadcast %ge3A_1125 : f32 to vector<8x128xf32>
      %ge3A_1127 = arith.cmpf oge, %min3A_1124, %ge3A_1126 : vector<8x128xf32>
      %jit3A_1128 = arith.constant 0.000000e+00 : f32
      %broadcast_in_dim3A_1129 = vector.broadcast %jit3A_1128 : f32 to vector<8x128xf32>
      %select_n3A_1130 = arith.select %ge3A_1127, %min3A_1124, %broadcast_in_dim3A_1129 : vector<8x128xi1>, vector<8x128xf32>
      %mul3A_1131 = arith.mulf %select_n3A_1130, %mul3A_1091 : vector<8x128xf32>
      %get3A_1132 = arith.index_cast %get3A_197 : i32 to index
      %get3A_1133 = memref.load %arg9[%get3A_1132] : memref<8200xf32, #tpu.memory_space<smem>>
      %mul3A_1134 = vector.broadcast %get3A_1133 : f32 to vector<8x128xf32>
      %mul3A_1135 = arith.mulf %mul3A_1131, %mul3A_1134 : vector<8x128xf32>
      %add3A_1136 = arith.addf %add3A_1077, %mul3A_1135 : vector<8x128xf32>
      %get3A_1137 = arith.index_cast %get3A_197 : i32 to index
      %get3A_1138 = memref.load %arg10[%get3A_1137] : memref<8200xf32, #tpu.memory_space<smem>>
      %mul3A_1139 = vector.broadcast %get3A_1138 : f32 to vector<8x128xf32>
      %mul3A_1140 = arith.mulf %mul3A_1131, %mul3A_1139 : vector<8x128xf32>
      %add3A_1141 = arith.addf %add3A_1082, %mul3A_1140 : vector<8x128xf32>
      %get3A_1142 = arith.index_cast %get3A_197 : i32 to index
      %get3A_1143 = memref.load %arg11[%get3A_1142] : memref<8200xf32, #tpu.memory_space<smem>>
      %mul3A_1144 = vector.broadcast %get3A_1143 : f32 to vector<8x128xf32>
      %mul3A_1145 = arith.mulf %mul3A_1131, %mul3A_1144 : vector<8x128xf32>
      %add3A_1146 = arith.addf %add3A_1087, %mul3A_1145 : vector<8x128xf32>
      %sub3A_1147 = arith.constant 1.000000e+00 : f32
      %sub3A_1148 = vector.broadcast %sub3A_1147 : f32 to vector<8x128xf32>
      %sub3A_1149 = arith.subf %sub3A_1148, %select_n3A_1130 : vector<8x128xf32>
      %mul3A_1150 = arith.mulf %mul3A_1091, %sub3A_1149 : vector<8x128xf32>
      %swap3A_1151 = arith.constant 0 : index
      %swap3A_1152 = arith.constant 0 : index
      %swap3A_1153 = vector.load %arg12[%swap3A_1151, %swap3A_1152] : memref<8x128xf32, #tpu.memory_space<vmem>>, vector<8x128xf32>
      tpu.vector_store %arg12[%swap3A_1151, %swap3A_1152], %add3A_1136 {strides = array<i32>} : memref<8x128xf32, #tpu.memory_space<vmem>>, vector<8x128xf32>,
      %swap3A_1154 = arith.constant 0 : index
      %swap3A_1155 = arith.constant 0 : index
      %swap3A_1156 = vector.load %arg13[%swap3A_1154, %swap3A_1155] : memref<8x128xf32, #tpu.memory_space<vmem>>, vector<8x128xf32>
      tpu.vector_store %arg13[%swap3A_1154, %swap3A_1155], %add3A_1141 {strides = array<i32>} : memref<8x128xf32, #tpu.memory_space<vmem>>, vector<8x128xf32>,
      %swap3A_1157 = arith.constant 0 : index
      %swap3A_1158 = arith.constant 0 : index
      %swap3A_1159 = vector.load %arg14[%swap3A_1157, %swap3A_1158] : memref<8x128xf32, #tpu.memory_space<vmem>>, vector<8x128xf32>
      tpu.vector_store %arg14[%swap3A_1157, %swap3A_1158], %add3A_1146 {strides = array<i32>} : memref<8x128xf32, #tpu.memory_space<vmem>>, vector<8x128xf32>,
      %swap3A_1160 = arith.constant 0 : index
      %swap3A_1161 = arith.constant 0 : index
      %swap3A_1162 = vector.load %arg15[%swap3A_1160, %swap3A_1161] : memref<8x128xf32, #tpu.memory_space<vmem>>, vector<8x128xf32>
      tpu.vector_store %arg15[%swap3A_1160, %swap3A_1161], %mul3A_1150 {strides = array<i32>} : memref<8x128xf32, #tpu.memory_space<vmem>>, vector<8x128xf32>,
      %while3A_1163 = arith.constant 0 : i32
      scf.yield %while3A_1163 : i32
    }
    %while3A_96 = arith.constant 1 : i32
    %while3A_97 = scf.for %while3A_98 = %while3A_93 to %while3A_89 step %while3A_96 iter_args(%while3A_99 = %while3A_95) -> (i32)  : i32 {
      %mul3A_100 = arith.constant 16 : i32
      %mul3A_101 = arith.muli %while3A_98, %mul3A_100 : i32
      %add3A_102 = arith.constant 0 : i32
      %add3A_103 = arith.addi %mul3A_101, %add3A_102 : i32
      %get3A_104 = arith.constant 0 : index
      %get3A_105 = arith.constant 1 : index
      %get3A_106 = arith.index_cast %add3A_103 : i32 to index
      %get3A_107 = memref.load %arg1[%get3A_104, %get3A_105, %get3A_106] : memref<1x2x4112xi32, #tpu.memory_space<smem>>
      %add3A_108 = arith.constant 1 : i32
      %add3A_109 = arith.addi %mul3A_101, %add3A_108 : i32
      %get3A_110 = arith.constant 0 : index
      %get3A_111 = arith.constant 1 : index
      %get3A_112 = arith.index_cast %add3A_109 : i32 to index
      %get3A_113 = memref.load %arg1[%get3A_110, %get3A_111, %get3A_112] : memref<1x2x4112xi32, #tpu.memory_space<smem>>
      %add3A_114 = arith.constant 2 : i32
      %add3A_115 = arith.addi %mul3A_101, %add3A_114 : i32
      %get3A_116 = arith.constant 0 : index
      %get3A_117 = arith.constant 1 : index
      %get3A_118 = arith.index_cast %add3A_115 : i32 to index
      %get3A_119 = memref.load %arg1[%get3A_116, %get3A_117, %get3A_118] : memref<1x2x4112xi32, #tpu.memory_space<smem>>
      %add3A_120 = arith.constant 3 : i32
      %add3A_121 = arith.addi %mul3A_101, %add3A_120 : i32
      %get3A_122 = arith.constant 0 : index
      %get3A_123 = arith.constant 1 : index
      %get3A_124 = arith.index_cast %add3A_121 : i32 to index
      %get3A_125 = memref.load %arg1[%get3A_122, %get3A_123, %get3A_124] : memref<1x2x4112xi32, #tpu.memory_space<smem>>
      %add3A_126 = arith.constant 4 : i32
      %add3A_127 = arith.addi %mul3A_101, %add3A_126 : i32
      %get3A_128 = arith.constant 0 : index
      %get3A_129 = arith.constant 1 : index
      %get3A_130 = arith.index_cast %add3A_127 : i32 to index
      %get3A_131 = memref.load %arg1[%get3A_128, %get3A_129, %get3A_130] : memref<1x2x4112xi32, #tpu.memory_space<smem>>
      %add3A_132 = arith.constant 5 : i32
      %add3A_133 = arith.addi %mul3A_101, %add3A_132 : i32
      %get3A_134 = arith.constant 0 : index
      %get3A_135 = arith.constant 1 : index
      %get3A_136 = arith.index_cast %add3A_133 : i32 to index
      %get3A_137 = memref.load %arg1[%get3A_134, %get3A_135, %get3A_136] : memref<1x2x4112xi32, #tpu.memory_space<smem>>
      %add3A_138 = arith.constant 6 : i32
      %add3A_139 = arith.addi %mul3A_101, %add3A_138 : i32
      %get3A_140 = arith.constant 0 : index
      %get3A_141 = arith.constant 1 : index
      %get3A_142 = arith.index_cast %add3A_139 : i32 to index
      %get3A_143 = memref.load %arg1[%get3A_140, %get3A_141, %get3A_142] : memref<1x2x4112xi32, #tpu.memory_space<smem>>
      %add3A_144 = arith.constant 7 : i32
      %add3A_145 = arith.addi %mul3A_101, %add3A_144 : i32
      %get3A_146 = arith.constant 0 : index
      %get3A_147 = arith.constant 1 : index
      %get3A_148 = arith.index_cast %add3A_145 : i32 to index
      %get3A_149 = memref.load %arg1[%get3A_146, %get3A_147, %get3A_148] : memref<1x2x4112xi32, #tpu.memory_space<smem>>
      %add3A_150 = arith.constant 8 : i32
      %add3A_151 = arith.addi %mul3A_101, %add3A_150 : i32
      %get3A_152 = arith.constant 0 : index
      %get3A_153 = arith.constant 1 : index
      %get3A_154 = arith.index_cast %add3A_151 : i32 to index
      %get3A_155 = memref.load %arg1[%get3A_152, %get3A_153, %get3A_154] : memref<1x2x4112xi32, #tpu.memory_space<smem>>
      %add3A_156 = arith.constant 9 : i32
      %add3A_157 = arith.addi %mul3A_101, %add3A_156 : i32
      %get3A_158 = arith.constant 0 : index
      %get3A_159 = arith.constant 1 : index
      %get3A_160 = arith.index_cast %add3A_157 : i32 to index
      %get3A_161 = memref.load %arg1[%get3A_158, %get3A_159, %get3A_160] : memref<1x2x4112xi32, #tpu.memory_space<smem>>
      %add3A_162 = arith.constant 10 : i32
      %add3A_163 = arith.addi %mul3A_101, %add3A_162 : i32
      %get3A_164 = arith.constant 0 : index
      %get3A_165 = arith.constant 1 : index
      %get3A_166 = arith.index_cast %add3A_163 : i32 to index
      %get3A_167 = memref.load %arg1[%get3A_164, %get3A_165, %get3A_166] : memref<1x2x4112xi32, #tpu.memory_space<smem>>
      %add3A_168 = arith.constant 11 : i32
      %add3A_169 = arith.addi %mul3A_101, %add3A_168 : i32
      %get3A_170 = arith.constant 0 : index
      %get3A_171 = arith.constant 1 : index
      %get3A_172 = arith.index_cast %add3A_169 : i32 to index
      %get3A_173 = memref.load %arg1[%get3A_170, %get3A_171, %get3A_172] : memref<1x2x4112xi32, #tpu.memory_space<smem>>
      %add3A_174 = arith.constant 12 : i32
      %add3A_175 = arith.addi %mul3A_101, %add3A_174 : i32
      %get3A_176 = arith.constant 0 : index
      %get3A_177 = arith.constant 1 : index
      %get3A_178 = arith.index_cast %add3A_175 : i32 to index
      %get3A_179 = memref.load %arg1[%get3A_176, %get3A_177, %get3A_178] : memref<1x2x4112xi32, #tpu.memory_space<smem>>
      %add3A_180 = arith.constant 13 : i32
      %add3A_181 = arith.addi %mul3A_101, %add3A_180 : i32
      %get3A_182 = arith.constant 0 : index
      %get3A_183 = arith.constant 1 : index
      %get3A_184 = arith.index_cast %add3A_181 : i32 to index
      %get3A_185 = memref.load %arg1[%get3A_182, %get3A_183, %get3A_184] : memref<1x2x4112xi32, #tpu.memory_space<smem>>
      %add3A_186 = arith.constant 14 : i32
      %add3A_187 = arith.addi %mul3A_101, %add3A_186 : i32
      %get3A_188 = arith.constant 0 : index
      %get3A_189 = arith.constant 1 : index
      %get3A_190 = arith.index_cast %add3A_187 : i32 to index
      %get3A_191 = memref.load %arg1[%get3A_188, %get3A_189, %get3A_190] : memref<1x2x4112xi32, #tpu.memory_space<smem>>
      %add3A_192 = arith.constant 15 : i32
      %add3A_193 = arith.addi %mul3A_101, %add3A_192 : i32
      %get3A_194 = arith.constant 0 : index
      %get3A_195 = arith.constant 1 : index
      %get3A_196 = arith.index_cast %add3A_193 : i32 to index
      %get3A_197 = memref.load %arg1[%get3A_194, %get3A_195, %get3A_196] : memref<1x2x4112xi32, #tpu.memory_space<smem>>
      %get3A_198 = arith.constant 0 : index
      %get3A_199 = arith.constant 0 : index
      %get3A_200 = vector.load %arg15[%get3A_198, %get3A_199] : memref<8x128xf32, #tpu.memory_space<vmem>>, vector<8x128xf32>
      %get3A_201 = arith.constant 0 : index
      %get3A_202 = arith.constant 0 : index
      %get3A_203 = vector.load %arg12[%get3A_201, %get3A_202] : memref<8x128xf32, #tpu.memory_space<vmem>>, vector<8x128xf32>
      %get3A_204 = arith.constant 0 : index
      %get3A_205 = arith.constant 0 : index
      %get3A_206 = vector.load %arg13[%get3A_204, %get3A_205] : memref<8x128xf32, #tpu.memory_space<vmem>>, vector<8x128xf32>
      %get3A_207 = arith.constant 0 : index
      %get3A_208 = arith.constant 0 : index
      %get3A_209 = vector.load %arg14[%get3A_207, %get3A_208] : memref<8x128xf32, #tpu.memory_space<vmem>>, vector<8x128xf32>
      %get3A_210 = arith.index_cast %get3A_107 : i32 to index
      %get3A_211 = memref.load %arg3[%get3A_210] : memref<8200xf32, #tpu.memory_space<smem>>
      %sub3A_212 = vector.broadcast %get3A_211 : f32 to vector<8x128xf32>
      %sub3A_213 = arith.subf %add3A_9, %sub3A_212 : vector<8x128xf32>
      %get3A_214 = arith.index_cast %get3A_107 : i32 to index
      %get3A_215 = memref.load %arg4[%get3A_214] : memref<8200xf32, #tpu.memory_space<smem>>
      %sub3A_216 = vector.broadcast %get3A_215 : f32 to vector<8x128xf32>
      %sub3A_217 = arith.subf %add3A_4, %sub3A_216 : vector<8x128xf32>
      %get3A_218 = arith.index_cast %get3A_107 : i32 to index
      %get3A_219 = memref.load %arg5[%get3A_218] : memref<8200xf32, #tpu.memory_space<smem>>
      %mul3A_220 = vector.broadcast %get3A_219 : f32 to vector<8x128xf32>
      %mul3A_221 = arith.mulf %mul3A_220, %sub3A_213 : vector<8x128xf32>
      %mul3A_222 = arith.mulf %mul3A_221, %sub3A_213 : vector<8x128xf32>
      %get3A_223 = arith.index_cast %get3A_107 : i32 to index
      %get3A_224 = memref.load %arg6[%get3A_223] : memref<8200xf32, #tpu.memory_space<smem>>
      %mul3A_225 = vector.broadcast %get3A_224 : f32 to vector<8x128xf32>
      %mul3A_226 = arith.mulf %mul3A_225, %sub3A_213 : vector<8x128xf32>
      %mul3A_227 = arith.mulf %mul3A_226, %sub3A_217 : vector<8x128xf32>
      %add3A_228 = arith.addf %mul3A_222, %mul3A_227 : vector<8x128xf32>
      %get3A_229 = arith.index_cast %get3A_107 : i32 to index
      %get3A_230 = memref.load %arg7[%get3A_229] : memref<8200xf32, #tpu.memory_space<smem>>
      %mul3A_231 = vector.broadcast %get3A_230 : f32 to vector<8x128xf32>
      %mul3A_232 = arith.mulf %mul3A_231, %sub3A_217 : vector<8x128xf32>
      %mul3A_233 = arith.mulf %mul3A_232, %sub3A_217 : vector<8x128xf32>
      %add3A_234 = arith.addf %add3A_228, %mul3A_233 : vector<8x128xf32>
      %get3A_235 = arith.index_cast %get3A_107 : i32 to index
      %get3A_236 = memref.load %arg8[%get3A_235] : memref<8200xf32, #tpu.memory_space<smem>>
      %exp3A = math.exp %add3A_234 : vector<8x128xf32>
      %mul3A_237 = vector.broadcast %get3A_236 : f32 to vector<8x128xf32>
      %mul3A_238 = arith.mulf %mul3A_237, %exp3A : vector<8x128xf32>
      %min3A = arith.constant 9.990000e-01 : f32
      %min3A_239 = vector.broadcast %min3A : f32 to vector<8x128xf32>
      %min3A_240 = arith.minimumf %mul3A_238, %min3A_239 : vector<8x128xf32>
      %ge3A = arith.constant 0.00392156886 : f32
      %ge3A_241 = vector.broadcast %ge3A : f32 to vector<8x128xf32>
      %ge3A_242 = arith.cmpf oge, %min3A_240, %ge3A_241 : vector<8x128xf32>
      %jit3A_243 = arith.constant 0.000000e+00 : f32
      %broadcast_in_dim3A_244 = vector.broadcast %jit3A_243 : f32 to vector<8x128xf32>
      %select_n3A_245 = arith.select %ge3A_242, %min3A_240, %broadcast_in_dim3A_244 : vector<8x128xi1>, vector<8x128xf32>
      %mul3A_246 = arith.mulf %select_n3A_245, %get3A_200 : vector<8x128xf32>
      %get3A_247 = arith.index_cast %get3A_107 : i32 to index
      %get3A_248 = memref.load %arg9[%get3A_247] : memref<8200xf32, #tpu.memory_space<smem>>
      %mul3A_249 = vector.broadcast %get3A_248 : f32 to vector<8x128xf32>
      %mul3A_250 = arith.mulf %mul3A_246, %mul3A_249 : vector<8x128xf32>
      %add3A_251 = arith.addf %get3A_203, %mul3A_250 : vector<8x128xf32>
      %get3A_252 = arith.index_cast %get3A_107 : i32 to index
      %get3A_253 = memref.load %arg10[%get3A_252] : memref<8200xf32, #tpu.memory_space<smem>>
      %mul3A_254 = vector.broadcast %get3A_253 : f32 to vector<8x128xf32>
      %mul3A_255 = arith.mulf %mul3A_246, %mul3A_254 : vector<8x128xf32>
      %add3A_256 = arith.addf %get3A_206, %mul3A_255 : vector<8x128xf32>
      %get3A_257 = arith.index_cast %get3A_107 : i32 to index
      %get3A_258 = memref.load %arg11[%get3A_257] : memref<8200xf32, #tpu.memory_space<smem>>
      %mul3A_259 = vector.broadcast %get3A_258 : f32 to vector<8x128xf32>
      %mul3A_260 = arith.mulf %mul3A_246, %mul3A_259 : vector<8x128xf32>
      %add3A_261 = arith.addf %get3A_209, %mul3A_260 : vector<8x128xf32>
      %sub3A_262 = arith.constant 1.000000e+00 : f32
      %sub3A_263 = vector.broadcast %sub3A_262 : f32 to vector<8x128xf32>
      %sub3A_264 = arith.subf %sub3A_263, %select_n3A_245 : vector<8x128xf32>
      %mul3A_265 = arith.mulf %get3A_200, %sub3A_264 : vector<8x128xf32>
      %get3A_266 = arith.index_cast %get3A_113 : i32 to index
      %get3A_267 = memref.load %arg3[%get3A_266] : memref<8200xf32, #tpu.memory_space<smem>>
      %sub3A_268 = vector.broadcast %get3A_267 : f32 to vector<8x128xf32>
      %sub3A_269 = arith.subf %add3A_9, %sub3A_268 : vector<8x128xf32>
      %get3A_270 = arith.index_cast %get3A_113 : i32 to index
      %get3A_271 = memref.load %arg4[%get3A_270] : memref<8200xf32, #tpu.memory_space<smem>>
      %sub3A_272 = vector.broadcast %get3A_271 : f32 to vector<8x128xf32>
      %sub3A_273 = arith.subf %add3A_4, %sub3A_272 : vector<8x128xf32>
      %get3A_274 = arith.index_cast %get3A_113 : i32 to index
      %get3A_275 = memref.load %arg5[%get3A_274] : memref<8200xf32, #tpu.memory_space<smem>>
      %mul3A_276 = vector.broadcast %get3A_275 : f32 to vector<8x128xf32>
      %mul3A_277 = arith.mulf %mul3A_276, %sub3A_269 : vector<8x128xf32>
      %mul3A_278 = arith.mulf %mul3A_277, %sub3A_269 : vector<8x128xf32>
      %get3A_279 = arith.index_cast %get3A_113 : i32 to index
      %get3A_280 = memref.load %arg6[%get3A_279] : memref<8200xf32, #tpu.memory_space<smem>>
      %mul3A_281 = vector.broadcast %get3A_280 : f32 to vector<8x128xf32>
      %mul3A_282 = arith.mulf %mul3A_281, %sub3A_269 : vector<8x128xf32>
      %mul3A_283 = arith.mulf %mul3A_282, %sub3A_273 : vector<8x128xf32>
      %add3A_284 = arith.addf %mul3A_278, %mul3A_283 : vector<8x128xf32>
      %get3A_285 = arith.index_cast %get3A_113 : i32 to index
      %get3A_286 = memref.load %arg7[%get3A_285] : memref<8200xf32, #tpu.memory_space<smem>>
      %mul3A_287 = vector.broadcast %get3A_286 : f32 to vector<8x128xf32>
      %mul3A_288 = arith.mulf %mul3A_287, %sub3A_273 : vector<8x128xf32>
      %mul3A_289 = arith.mulf %mul3A_288, %sub3A_273 : vector<8x128xf32>
      %add3A_290 = arith.addf %add3A_284, %mul3A_289 : vector<8x128xf32>
      %get3A_291 = arith.index_cast %get3A_113 : i32 to index
      %get3A_292 = memref.load %arg8[%get3A_291] : memref<8200xf32, #tpu.memory_space<smem>>
      %exp3A_293 = math.exp %add3A_290 : vector<8x128xf32>
      %mul3A_294 = vector.broadcast %get3A_292 : f32 to vector<8x128xf32>
      %mul3A_295 = arith.mulf %mul3A_294, %exp3A_293 : vector<8x128xf32>
      %min3A_296 = arith.constant 9.990000e-01 : f32
      %min3A_297 = vector.broadcast %min3A_296 : f32 to vector<8x128xf32>
      %min3A_298 = arith.minimumf %mul3A_295, %min3A_297 : vector<8x128xf32>
      %ge3A_299 = arith.constant 0.00392156886 : f32
      %ge3A_300 = vector.broadcast %ge3A_299 : f32 to vector<8x128xf32>
      %ge3A_301 = arith.cmpf oge, %min3A_298, %ge3A_300 : vector<8x128xf32>
      %jit3A_302 = arith.constant 0.000000e+00 : f32
      %broadcast_in_dim3A_303 = vector.broadcast %jit3A_302 : f32 to vector<8x128xf32>
      %select_n3A_304 = arith.select %ge3A_301, %min3A_298, %broadcast_in_dim3A_303 : vector<8x128xi1>, vector<8x128xf32>
      %mul3A_305 = arith.mulf %select_n3A_304, %mul3A_265 : vector<8x128xf32>
      %get3A_306 = arith.index_cast %get3A_113 : i32 to index
      %get3A_307 = memref.load %arg9[%get3A_306] : memref<8200xf32, #tpu.memory_space<smem>>
      %mul3A_308 = vector.broadcast %get3A_307 : f32 to vector<8x128xf32>
      %mul3A_309 = arith.mulf %mul3A_305, %mul3A_308 : vector<8x128xf32>
      %add3A_310 = arith.addf %add3A_251, %mul3A_309 : vector<8x128xf32>
      %get3A_311 = arith.index_cast %get3A_113 : i32 to index
      %get3A_312 = memref.load %arg10[%get3A_311] : memref<8200xf32, #tpu.memory_space<smem>>
      %mul3A_313 = vector.broadcast %get3A_312 : f32 to vector<8x128xf32>
      %mul3A_314 = arith.mulf %mul3A_305, %mul3A_313 : vector<8x128xf32>
      %add3A_315 = arith.addf %add3A_256, %mul3A_314 : vector<8x128xf32>
      %get3A_316 = arith.index_cast %get3A_113 : i32 to index
      %get3A_317 = memref.load %arg11[%get3A_316] : memref<8200xf32, #tpu.memory_space<smem>>
      %mul3A_318 = vector.broadcast %get3A_317 : f32 to vector<8x128xf32>
      %mul3A_319 = arith.mulf %mul3A_305, %mul3A_318 : vector<8x128xf32>
      %add3A_320 = arith.addf %add3A_261, %mul3A_319 : vector<8x128xf32>
      %sub3A_321 = arith.constant 1.000000e+00 : f32
      %sub3A_322 = vector.broadcast %sub3A_321 : f32 to vector<8x128xf32>
      %sub3A_323 = arith.subf %sub3A_322, %select_n3A_304 : vector<8x128xf32>
      %mul3A_324 = arith.mulf %mul3A_265, %sub3A_323 : vector<8x128xf32>
      %get3A_325 = arith.index_cast %get3A_119 : i32 to index
      %get3A_326 = memref.load %arg3[%get3A_325] : memref<8200xf32, #tpu.memory_space<smem>>
      %sub3A_327 = vector.broadcast %get3A_326 : f32 to vector<8x128xf32>
      %sub3A_328 = arith.subf %add3A_9, %sub3A_327 : vector<8x128xf32>
      %get3A_329 = arith.index_cast %get3A_119 : i32 to index
      %get3A_330 = memref.load %arg4[%get3A_329] : memref<8200xf32, #tpu.memory_space<smem>>
      %sub3A_331 = vector.broadcast %get3A_330 : f32 to vector<8x128xf32>
      %sub3A_332 = arith.subf %add3A_4, %sub3A_331 : vector<8x128xf32>
      %get3A_333 = arith.index_cast %get3A_119 : i32 to index
      %get3A_334 = memref.load %arg5[%get3A_333] : memref<8200xf32, #tpu.memory_space<smem>>
      %mul3A_335 = vector.broadcast %get3A_334 : f32 to vector<8x128xf32>
      %mul3A_336 = arith.mulf %mul3A_335, %sub3A_328 : vector<8x128xf32>
      %mul3A_337 = arith.mulf %mul3A_336, %sub3A_328 : vector<8x128xf32>
      %get3A_338 = arith.index_cast %get3A_119 : i32 to index
      %get3A_339 = memref.load %arg6[%get3A_338] : memref<8200xf32, #tpu.memory_space<smem>>
      %mul3A_340 = vector.broadcast %get3A_339 : f32 to vector<8x128xf32>
      %mul3A_341 = arith.mulf %mul3A_340, %sub3A_328 : vector<8x128xf32>
      %mul3A_342 = arith.mulf %mul3A_341, %sub3A_332 : vector<8x128xf32>
      %add3A_343 = arith.addf %mul3A_337, %mul3A_342 : vector<8x128xf32>
      %get3A_344 = arith.index_cast %get3A_119 : i32 to index
      %get3A_345 = memref.load %arg7[%get3A_344] : memref<8200xf32, #tpu.memory_space<smem>>
      %mul3A_346 = vector.broadcast %get3A_345 : f32 to vector<8x128xf32>
      %mul3A_347 = arith.mulf %mul3A_346, %sub3A_332 : vector<8x128xf32>
      %mul3A_348 = arith.mulf %mul3A_347, %sub3A_332 : vector<8x128xf32>
      %add3A_349 = arith.addf %add3A_343, %mul3A_348 : vector<8x128xf32>
      %get3A_350 = arith.index_cast %get3A_119 : i32 to index
      %get3A_351 = memref.load %arg8[%get3A_350] : memref<8200xf32, #tpu.memory_space<smem>>
      %exp3A_352 = math.exp %add3A_349 : vector<8x128xf32>
      %mul3A_353 = vector.broadcast %get3A_351 : f32 to vector<8x128xf32>
      %mul3A_354 = arith.mulf %mul3A_353, %exp3A_352 : vector<8x128xf32>
      %min3A_355 = arith.constant 9.990000e-01 : f32
      %min3A_356 = vector.broadcast %min3A_355 : f32 to vector<8x128xf32>
      %min3A_357 = arith.minimumf %mul3A_354, %min3A_356 : vector<8x128xf32>
      %ge3A_358 = arith.constant 0.00392156886 : f32
      %ge3A_359 = vector.broadcast %ge3A_358 : f32 to vector<8x128xf32>
      %ge3A_360 = arith.cmpf oge, %min3A_357, %ge3A_359 : vector<8x128xf32>
      %jit3A_361 = arith.constant 0.000000e+00 : f32
      %broadcast_in_dim3A_362 = vector.broadcast %jit3A_361 : f32 to vector<8x128xf32>
      %select_n3A_363 = arith.select %ge3A_360, %min3A_357, %broadcast_in_dim3A_362 : vector<8x128xi1>, vector<8x128xf32>
      %mul3A_364 = arith.mulf %select_n3A_363, %mul3A_324 : vector<8x128xf32>
      %get3A_365 = arith.index_cast %get3A_119 : i32 to index
      %get3A_366 = memref.load %arg9[%get3A_365] : memref<8200xf32, #tpu.memory_space<smem>>
      %mul3A_367 = vector.broadcast %get3A_366 : f32 to vector<8x128xf32>
      %mul3A_368 = arith.mulf %mul3A_364, %mul3A_367 : vector<8x128xf32>
      %add3A_369 = arith.addf %add3A_310, %mul3A_368 : vector<8x128xf32>
      %get3A_370 = arith.index_cast %get3A_119 : i32 to index
      %get3A_371 = memref.load %arg10[%get3A_370] : memref<8200xf32, #tpu.memory_space<smem>>
      %mul3A_372 = vector.broadcast %get3A_371 : f32 to vector<8x128xf32>
      %mul3A_373 = arith.mulf %mul3A_364, %mul3A_372 : vector<8x128xf32>
      %add3A_374 = arith.addf %add3A_315, %mul3A_373 : vector<8x128xf32>
      %get3A_375 = arith.index_cast %get3A_119 : i32 to index
      %get3A_376 = memref.load %arg11[%get3A_375] : memref<8200xf32, #tpu.memory_space<smem>>
      %mul3A_377 = vector.broadcast %get3A_376 : f32 to vector<8x128xf32>
      %mul3A_378 = arith.mulf %mul3A_364, %mul3A_377 : vector<8x128xf32>
      %add3A_379 = arith.addf %add3A_320, %mul3A_378 : vector<8x128xf32>
      %sub3A_380 = arith.constant 1.000000e+00 : f32
      %sub3A_381 = vector.broadcast %sub3A_380 : f32 to vector<8x128xf32>
      %sub3A_382 = arith.subf %sub3A_381, %select_n3A_363 : vector<8x128xf32>
      %mul3A_383 = arith.mulf %mul3A_324, %sub3A_382 : vector<8x128xf32>
      %get3A_384 = arith.index_cast %get3A_125 : i32 to index
      %get3A_385 = memref.load %arg3[%get3A_384] : memref<8200xf32, #tpu.memory_space<smem>>
      %sub3A_386 = vector.broadcast %get3A_385 : f32 to vector<8x128xf32>
      %sub3A_387 = arith.subf %add3A_9, %sub3A_386 : vector<8x128xf32>
      %get3A_388 = arith.index_cast %get3A_125 : i32 to index
      %get3A_389 = memref.load %arg4[%get3A_388] : memref<8200xf32, #tpu.memory_space<smem>>
      %sub3A_390 = vector.broadcast %get3A_389 : f32 to vector<8x128xf32>
      %sub3A_391 = arith.subf %add3A_4, %sub3A_390 : vector<8x128xf32>
      %get3A_392 = arith.index_cast %get3A_125 : i32 to index
      %get3A_393 = memref.load %arg5[%get3A_392] : memref<8200xf32, #tpu.memory_space<smem>>
      %mul3A_394 = vector.broadcast %get3A_393 : f32 to vector<8x128xf32>
      %mul3A_395 = arith.mulf %mul3A_394, %sub3A_387 : vector<8x128xf32>
      %mul3A_396 = arith.mulf %mul3A_395, %sub3A_387 : vector<8x128xf32>
      %get3A_397 = arith.index_cast %get3A_125 : i32 to index
      %get3A_398 = memref.load %arg6[%get3A_397] : memref<8200xf32, #tpu.memory_space<smem>>
      %mul3A_399 = vector.broadcast %get3A_398 : f32 to vector<8x128xf32>
      %mul3A_400 = arith.mulf %mul3A_399, %sub3A_387 : vector<8x128xf32>
      %mul3A_401 = arith.mulf %mul3A_400, %sub3A_391 : vector<8x128xf32>
      %add3A_402 = arith.addf %mul3A_396, %mul3A_401 : vector<8x128xf32>
      %get3A_403 = arith.index_cast %get3A_125 : i32 to index
      %get3A_404 = memref.load %arg7[%get3A_403] : memref<8200xf32, #tpu.memory_space<smem>>
      %mul3A_405 = vector.broadcast %get3A_404 : f32 to vector<8x128xf32>
      %mul3A_406 = arith.mulf %mul3A_405, %sub3A_391 : vector<8x128xf32>
      %mul3A_407 = arith.mulf %mul3A_406, %sub3A_391 : vector<8x128xf32>
      %add3A_408 = arith.addf %add3A_402, %mul3A_407 : vector<8x128xf32>
      %get3A_409 = arith.index_cast %get3A_125 : i32 to index
      %get3A_410 = memref.load %arg8[%get3A_409] : memref<8200xf32, #tpu.memory_space<smem>>
      %exp3A_411 = math.exp %add3A_408 : vector<8x128xf32>
      %mul3A_412 = vector.broadcast %get3A_410 : f32 to vector<8x128xf32>
      %mul3A_413 = arith.mulf %mul3A_412, %exp3A_411 : vector<8x128xf32>
      %min3A_414 = arith.constant 9.990000e-01 : f32
      %min3A_415 = vector.broadcast %min3A_414 : f32 to vector<8x128xf32>
      %min3A_416 = arith.minimumf %mul3A_413, %min3A_415 : vector<8x128xf32>
      %ge3A_417 = arith.constant 0.00392156886 : f32
      %ge3A_418 = vector.broadcast %ge3A_417 : f32 to vector<8x128xf32>
      %ge3A_419 = arith.cmpf oge, %min3A_416, %ge3A_418 : vector<8x128xf32>
      %jit3A_420 = arith.constant 0.000000e+00 : f32
      %broadcast_in_dim3A_421 = vector.broadcast %jit3A_420 : f32 to vector<8x128xf32>
      %select_n3A_422 = arith.select %ge3A_419, %min3A_416, %broadcast_in_dim3A_421 : vector<8x128xi1>, vector<8x128xf32>
      %mul3A_423 = arith.mulf %select_n3A_422, %mul3A_383 : vector<8x128xf32>
      %get3A_424 = arith.index_cast %get3A_125 : i32 to index
      %get3A_425 = memref.load %arg9[%get3A_424] : memref<8200xf32, #tpu.memory_space<smem>>
      %mul3A_426 = vector.broadcast %get3A_425 : f32 to vector<8x128xf32>
      %mul3A_427 = arith.mulf %mul3A_423, %mul3A_426 : vector<8x128xf32>
      %add3A_428 = arith.addf %add3A_369, %mul3A_427 : vector<8x128xf32>
      %get3A_429 = arith.index_cast %get3A_125 : i32 to index
      %get3A_430 = memref.load %arg10[%get3A_429] : memref<8200xf32, #tpu.memory_space<smem>>
      %mul3A_431 = vector.broadcast %get3A_430 : f32 to vector<8x128xf32>
      %mul3A_432 = arith.mulf %mul3A_423, %mul3A_431 : vector<8x128xf32>
      %add3A_433 = arith.addf %add3A_374, %mul3A_432 : vector<8x128xf32>
      %get3A_434 = arith.index_cast %get3A_125 : i32 to index
      %get3A_435 = memref.load %arg11[%get3A_434] : memref<8200xf32, #tpu.memory_space<smem>>
      %mul3A_436 = vector.broadcast %get3A_435 : f32 to vector<8x128xf32>
      %mul3A_437 = arith.mulf %mul3A_423, %mul3A_436 : vector<8x128xf32>
      %add3A_438 = arith.addf %add3A_379, %mul3A_437 : vector<8x128xf32>
      %sub3A_439 = arith.constant 1.000000e+00 : f32
      %sub3A_440 = vector.broadcast %sub3A_439 : f32 to vector<8x128xf32>
      %sub3A_441 = arith.subf %sub3A_440, %select_n3A_422 : vector<8x128xf32>
      %mul3A_442 = arith.mulf %mul3A_383, %sub3A_441 : vector<8x128xf32>
      %get3A_443 = arith.index_cast %get3A_131 : i32 to index
      %get3A_444 = memref.load %arg3[%get3A_443] : memref<8200xf32, #tpu.memory_space<smem>>
      %sub3A_445 = vector.broadcast %get3A_444 : f32 to vector<8x128xf32>
      %sub3A_446 = arith.subf %add3A_9, %sub3A_445 : vector<8x128xf32>
      %get3A_447 = arith.index_cast %get3A_131 : i32 to index
      %get3A_448 = memref.load %arg4[%get3A_447] : memref<8200xf32, #tpu.memory_space<smem>>
      %sub3A_449 = vector.broadcast %get3A_448 : f32 to vector<8x128xf32>
      %sub3A_450 = arith.subf %add3A_4, %sub3A_449 : vector<8x128xf32>
      %get3A_451 = arith.index_cast %get3A_131 : i32 to index
      %get3A_452 = memref.load %arg5[%get3A_451] : memref<8200xf32, #tpu.memory_space<smem>>
      %mul3A_453 = vector.broadcast %get3A_452 : f32 to vector<8x128xf32>
      %mul3A_454 = arith.mulf %mul3A_453, %sub3A_446 : vector<8x128xf32>
      %mul3A_455 = arith.mulf %mul3A_454, %sub3A_446 : vector<8x128xf32>
      %get3A_456 = arith.index_cast %get3A_131 : i32 to index
      %get3A_457 = memref.load %arg6[%get3A_456] : memref<8200xf32, #tpu.memory_space<smem>>
      %mul3A_458 = vector.broadcast %get3A_457 : f32 to vector<8x128xf32>
      %mul3A_459 = arith.mulf %mul3A_458, %sub3A_446 : vector<8x128xf32>
      %mul3A_460 = arith.mulf %mul3A_459, %sub3A_450 : vector<8x128xf32>
      %add3A_461 = arith.addf %mul3A_455, %mul3A_460 : vector<8x128xf32>
      %get3A_462 = arith.index_cast %get3A_131 : i32 to index
      %get3A_463 = memref.load %arg7[%get3A_462] : memref<8200xf32, #tpu.memory_space<smem>>
      %mul3A_464 = vector.broadcast %get3A_463 : f32 to vector<8x128xf32>
      %mul3A_465 = arith.mulf %mul3A_464, %sub3A_450 : vector<8x128xf32>
      %mul3A_466 = arith.mulf %mul3A_465, %sub3A_450 : vector<8x128xf32>
      %add3A_467 = arith.addf %add3A_461, %mul3A_466 : vector<8x128xf32>
      %get3A_468 = arith.index_cast %get3A_131 : i32 to index
      %get3A_469 = memref.load %arg8[%get3A_468] : memref<8200xf32, #tpu.memory_space<smem>>
      %exp3A_470 = math.exp %add3A_467 : vector<8x128xf32>
      %mul3A_471 = vector.broadcast %get3A_469 : f32 to vector<8x128xf32>
      %mul3A_472 = arith.mulf %mul3A_471, %exp3A_470 : vector<8x128xf32>
      %min3A_473 = arith.constant 9.990000e-01 : f32
      %min3A_474 = vector.broadcast %min3A_473 : f32 to vector<8x128xf32>
      %min3A_475 = arith.minimumf %mul3A_472, %min3A_474 : vector<8x128xf32>
      %ge3A_476 = arith.constant 0.00392156886 : f32
      %ge3A_477 = vector.broadcast %ge3A_476 : f32 to vector<8x128xf32>
      %ge3A_478 = arith.cmpf oge, %min3A_475, %ge3A_477 : vector<8x128xf32>
      %jit3A_479 = arith.constant 0.000000e+00 : f32
      %broadcast_in_dim3A_480 = vector.broadcast %jit3A_479 : f32 to vector<8x128xf32>
      %select_n3A_481 = arith.select %ge3A_478, %min3A_475, %broadcast_in_dim3A_480 : vector<8x128xi1>, vector<8x128xf32>
      %mul3A_482 = arith.mulf %select_n3A_481, %mul3A_442 : vector<8x128xf32>
      %get3A_483 = arith.index_cast %get3A_131 : i32 to index
      %get3A_484 = memref.load %arg9[%get3A_483] : memref<8200xf32, #tpu.memory_space<smem>>
      %mul3A_485 = vector.broadcast %get3A_484 : f32 to vector<8x128xf32>
      %mul3A_486 = arith.mulf %mul3A_482, %mul3A_485 : vector<8x128xf32>
      %add3A_487 = arith.addf %add3A_428, %mul3A_486 : vector<8x128xf32>
      %get3A_488 = arith.index_cast %get3A_131 : i32 to index
      %get3A_489 = memref.load %arg10[%get3A_488] : memref<8200xf32, #tpu.memory_space<smem>>
      %mul3A_490 = vector.broadcast %get3A_489 : f32 to vector<8x128xf32>
      %mul3A_491 = arith.mulf %mul3A_482, %mul3A_490 : vector<8x128xf32>
      %add3A_492 = arith.addf %add3A_433, %mul3A_491 : vector<8x128xf32>
      %get3A_493 = arith.index_cast %get3A_131 : i32 to index
      %get3A_494 = memref.load %arg11[%get3A_493] : memref<8200xf32, #tpu.memory_space<smem>>
      %mul3A_495 = vector.broadcast %get3A_494 : f32 to vector<8x128xf32>
      %mul3A_496 = arith.mulf %mul3A_482, %mul3A_495 : vector<8x128xf32>
      %add3A_497 = arith.addf %add3A_438, %mul3A_496 : vector<8x128xf32>
      %sub3A_498 = arith.constant 1.000000e+00 : f32
      %sub3A_499 = vector.broadcast %sub3A_498 : f32 to vector<8x128xf32>
      %sub3A_500 = arith.subf %sub3A_499, %select_n3A_481 : vector<8x128xf32>
      %mul3A_501 = arith.mulf %mul3A_442, %sub3A_500 : vector<8x128xf32>
      %get3A_502 = arith.index_cast %get3A_137 : i32 to index
      %get3A_503 = memref.load %arg3[%get3A_502] : memref<8200xf32, #tpu.memory_space<smem>>
      %sub3A_504 = vector.broadcast %get3A_503 : f32 to vector<8x128xf32>
      %sub3A_505 = arith.subf %add3A_9, %sub3A_504 : vector<8x128xf32>
      %get3A_506 = arith.index_cast %get3A_137 : i32 to index
      %get3A_507 = memref.load %arg4[%get3A_506] : memref<8200xf32, #tpu.memory_space<smem>>
      %sub3A_508 = vector.broadcast %get3A_507 : f32 to vector<8x128xf32>
      %sub3A_509 = arith.subf %add3A_4, %sub3A_508 : vector<8x128xf32>
      %get3A_510 = arith.index_cast %get3A_137 : i32 to index
      %get3A_511 = memref.load %arg5[%get3A_510] : memref<8200xf32, #tpu.memory_space<smem>>
      %mul3A_512 = vector.broadcast %get3A_511 : f32 to vector<8x128xf32>
      %mul3A_513 = arith.mulf %mul3A_512, %sub3A_505 : vector<8x128xf32>
      %mul3A_514 = arith.mulf %mul3A_513, %sub3A_505 : vector<8x128xf32>
      %get3A_515 = arith.index_cast %get3A_137 : i32 to index
      %get3A_516 = memref.load %arg6[%get3A_515] : memref<8200xf32, #tpu.memory_space<smem>>
      %mul3A_517 = vector.broadcast %get3A_516 : f32 to vector<8x128xf32>
      %mul3A_518 = arith.mulf %mul3A_517, %sub3A_505 : vector<8x128xf32>
      %mul3A_519 = arith.mulf %mul3A_518, %sub3A_509 : vector<8x128xf32>
      %add3A_520 = arith.addf %mul3A_514, %mul3A_519 : vector<8x128xf32>
      %get3A_521 = arith.index_cast %get3A_137 : i32 to index
      %get3A_522 = memref.load %arg7[%get3A_521] : memref<8200xf32, #tpu.memory_space<smem>>
      %mul3A_523 = vector.broadcast %get3A_522 : f32 to vector<8x128xf32>
      %mul3A_524 = arith.mulf %mul3A_523, %sub3A_509 : vector<8x128xf32>
      %mul3A_525 = arith.mulf %mul3A_524, %sub3A_509 : vector<8x128xf32>
      %add3A_526 = arith.addf %add3A_520, %mul3A_525 : vector<8x128xf32>
      %get3A_527 = arith.index_cast %get3A_137 : i32 to index
      %get3A_528 = memref.load %arg8[%get3A_527] : memref<8200xf32, #tpu.memory_space<smem>>
      %exp3A_529 = math.exp %add3A_526 : vector<8x128xf32>
      %mul3A_530 = vector.broadcast %get3A_528 : f32 to vector<8x128xf32>
      %mul3A_531 = arith.mulf %mul3A_530, %exp3A_529 : vector<8x128xf32>
      %min3A_532 = arith.constant 9.990000e-01 : f32
      %min3A_533 = vector.broadcast %min3A_532 : f32 to vector<8x128xf32>
      %min3A_534 = arith.minimumf %mul3A_531, %min3A_533 : vector<8x128xf32>
      %ge3A_535 = arith.constant 0.00392156886 : f32
      %ge3A_536 = vector.broadcast %ge3A_535 : f32 to vector<8x128xf32>
      %ge3A_537 = arith.cmpf oge, %min3A_534, %ge3A_536 : vector<8x128xf32>
      %jit3A_538 = arith.constant 0.000000e+00 : f32
      %broadcast_in_dim3A_539 = vector.broadcast %jit3A_538 : f32 to vector<8x128xf32>
      %select_n3A_540 = arith.select %ge3A_537, %min3A_534, %broadcast_in_dim3A_539 : vector<8x128xi1>, vector<8x128xf32>
      %mul3A_541 = arith.mulf %select_n3A_540, %mul3A_501 : vector<8x128xf32>
      %get3A_542 = arith.index_cast %get3A_137 : i32 to index
      %get3A_543 = memref.load %arg9[%get3A_542] : memref<8200xf32, #tpu.memory_space<smem>>
      %mul3A_544 = vector.broadcast %get3A_543 : f32 to vector<8x128xf32>
      %mul3A_545 = arith.mulf %mul3A_541, %mul3A_544 : vector<8x128xf32>
      %add3A_546 = arith.addf %add3A_487, %mul3A_545 : vector<8x128xf32>
      %get3A_547 = arith.index_cast %get3A_137 : i32 to index
      %get3A_548 = memref.load %arg10[%get3A_547] : memref<8200xf32, #tpu.memory_space<smem>>
      %mul3A_549 = vector.broadcast %get3A_548 : f32 to vector<8x128xf32>
      %mul3A_550 = arith.mulf %mul3A_541, %mul3A_549 : vector<8x128xf32>
      %add3A_551 = arith.addf %add3A_492, %mul3A_550 : vector<8x128xf32>
      %get3A_552 = arith.index_cast %get3A_137 : i32 to index
      %get3A_553 = memref.load %arg11[%get3A_552] : memref<8200xf32, #tpu.memory_space<smem>>
      %mul3A_554 = vector.broadcast %get3A_553 : f32 to vector<8x128xf32>
      %mul3A_555 = arith.mulf %mul3A_541, %mul3A_554 : vector<8x128xf32>
      %add3A_556 = arith.addf %add3A_497, %mul3A_555 : vector<8x128xf32>
      %sub3A_557 = arith.constant 1.000000e+00 : f32
      %sub3A_558 = vector.broadcast %sub3A_557 : f32 to vector<8x128xf32>
      %sub3A_559 = arith.subf %sub3A_558, %select_n3A_540 : vector<8x128xf32>
      %mul3A_560 = arith.mulf %mul3A_501, %sub3A_559 : vector<8x128xf32>
      %get3A_561 = arith.index_cast %get3A_143 : i32 to index
      %get3A_562 = memref.load %arg3[%get3A_561] : memref<8200xf32, #tpu.memory_space<smem>>
      %sub3A_563 = vector.broadcast %get3A_562 : f32 to vector<8x128xf32>
      %sub3A_564 = arith.subf %add3A_9, %sub3A_563 : vector<8x128xf32>
      %get3A_565 = arith.index_cast %get3A_143 : i32 to index
      %get3A_566 = memref.load %arg4[%get3A_565] : memref<8200xf32, #tpu.memory_space<smem>>
      %sub3A_567 = vector.broadcast %get3A_566 : f32 to vector<8x128xf32>
      %sub3A_568 = arith.subf %add3A_4, %sub3A_567 : vector<8x128xf32>
      %get3A_569 = arith.index_cast %get3A_143 : i32 to index
      %get3A_570 = memref.load %arg5[%get3A_569] : memref<8200xf32, #tpu.memory_space<smem>>
      %mul3A_571 = vector.broadcast %get3A_570 : f32 to vector<8x128xf32>
      %mul3A_572 = arith.mulf %mul3A_571, %sub3A_564 : vector<8x128xf32>
      %mul3A_573 = arith.mulf %mul3A_572, %sub3A_564 : vector<8x128xf32>
      %get3A_574 = arith.index_cast %get3A_143 : i32 to index
      %get3A_575 = memref.load %arg6[%get3A_574] : memref<8200xf32, #tpu.memory_space<smem>>
      %mul3A_576 = vector.broadcast %get3A_575 : f32 to vector<8x128xf32>
      %mul3A_577 = arith.mulf %mul3A_576, %sub3A_564 : vector<8x128xf32>
      %mul3A_578 = arith.mulf %mul3A_577, %sub3A_568 : vector<8x128xf32>
      %add3A_579 = arith.addf %mul3A_573, %mul3A_578 : vector<8x128xf32>
      %get3A_580 = arith.index_cast %get3A_143 : i32 to index
      %get3A_581 = memref.load %arg7[%get3A_580] : memref<8200xf32, #tpu.memory_space<smem>>
      %mul3A_582 = vector.broadcast %get3A_581 : f32 to vector<8x128xf32>
      %mul3A_583 = arith.mulf %mul3A_582, %sub3A_568 : vector<8x128xf32>
      %mul3A_584 = arith.mulf %mul3A_583, %sub3A_568 : vector<8x128xf32>
      %add3A_585 = arith.addf %add3A_579, %mul3A_584 : vector<8x128xf32>
      %get3A_586 = arith.index_cast %get3A_143 : i32 to index
      %get3A_587 = memref.load %arg8[%get3A_586] : memref<8200xf32, #tpu.memory_space<smem>>
      %exp3A_588 = math.exp %add3A_585 : vector<8x128xf32>
      %mul3A_589 = vector.broadcast %get3A_587 : f32 to vector<8x128xf32>
      %mul3A_590 = arith.mulf %mul3A_589, %exp3A_588 : vector<8x128xf32>
      %min3A_591 = arith.constant 9.990000e-01 : f32
      %min3A_592 = vector.broadcast %min3A_591 : f32 to vector<8x128xf32>
      %min3A_593 = arith.minimumf %mul3A_590, %min3A_592 : vector<8x128xf32>
      %ge3A_594 = arith.constant 0.00392156886 : f32
      %ge3A_595 = vector.broadcast %ge3A_594 : f32 to vector<8x128xf32>
      %ge3A_596 = arith.cmpf oge, %min3A_593, %ge3A_595 : vector<8x128xf32>
      %jit3A_597 = arith.constant 0.000000e+00 : f32
      %broadcast_in_dim3A_598 = vector.broadcast %jit3A_597 : f32 to vector<8x128xf32>
      %select_n3A_599 = arith.select %ge3A_596, %min3A_593, %broadcast_in_dim3A_598 : vector<8x128xi1>, vector<8x128xf32>
      %mul3A_600 = arith.mulf %select_n3A_599, %mul3A_560 : vector<8x128xf32>
      %get3A_601 = arith.index_cast %get3A_143 : i32 to index
      %get3A_602 = memref.load %arg9[%get3A_601] : memref<8200xf32, #tpu.memory_space<smem>>
      %mul3A_603 = vector.broadcast %get3A_602 : f32 to vector<8x128xf32>
      %mul3A_604 = arith.mulf %mul3A_600, %mul3A_603 : vector<8x128xf32>
      %add3A_605 = arith.addf %add3A_546, %mul3A_604 : vector<8x128xf32>
      %get3A_606 = arith.index_cast %get3A_143 : i32 to index
      %get3A_607 = memref.load %arg10[%get3A_606] : memref<8200xf32, #tpu.memory_space<smem>>
      %mul3A_608 = vector.broadcast %get3A_607 : f32 to vector<8x128xf32>
      %mul3A_609 = arith.mulf %mul3A_600, %mul3A_608 : vector<8x128xf32>
      %add3A_610 = arith.addf %add3A_551, %mul3A_609 : vector<8x128xf32>
      %get3A_611 = arith.index_cast %get3A_143 : i32 to index
      %get3A_612 = memref.load %arg11[%get3A_611] : memref<8200xf32, #tpu.memory_space<smem>>
      %mul3A_613 = vector.broadcast %get3A_612 : f32 to vector<8x128xf32>
      %mul3A_614 = arith.mulf %mul3A_600, %mul3A_613 : vector<8x128xf32>
      %add3A_615 = arith.addf %add3A_556, %mul3A_614 : vector<8x128xf32>
      %sub3A_616 = arith.constant 1.000000e+00 : f32
      %sub3A_617 = vector.broadcast %sub3A_616 : f32 to vector<8x128xf32>
      %sub3A_618 = arith.subf %sub3A_617, %select_n3A_599 : vector<8x128xf32>
      %mul3A_619 = arith.mulf %mul3A_560, %sub3A_618 : vector<8x128xf32>
      %get3A_620 = arith.index_cast %get3A_149 : i32 to index
      %get3A_621 = memref.load %arg3[%get3A_620] : memref<8200xf32, #tpu.memory_space<smem>>
      %sub3A_622 = vector.broadcast %get3A_621 : f32 to vector<8x128xf32>
      %sub3A_623 = arith.subf %add3A_9, %sub3A_622 : vector<8x128xf32>
      %get3A_624 = arith.index_cast %get3A_149 : i32 to index
      %get3A_625 = memref.load %arg4[%get3A_624] : memref<8200xf32, #tpu.memory_space<smem>>
      %sub3A_626 = vector.broadcast %get3A_625 : f32 to vector<8x128xf32>
      %sub3A_627 = arith.subf %add3A_4, %sub3A_626 : vector<8x128xf32>
      %get3A_628 = arith.index_cast %get3A_149 : i32 to index
      %get3A_629 = memref.load %arg5[%get3A_628] : memref<8200xf32, #tpu.memory_space<smem>>
      %mul3A_630 = vector.broadcast %get3A_629 : f32 to vector<8x128xf32>
      %mul3A_631 = arith.mulf %mul3A_630, %sub3A_623 : vector<8x128xf32>
      %mul3A_632 = arith.mulf %mul3A_631, %sub3A_623 : vector<8x128xf32>
      %get3A_633 = arith.index_cast %get3A_149 : i32 to index
      %get3A_634 = memref.load %arg6[%get3A_633] : memref<8200xf32, #tpu.memory_space<smem>>
      %mul3A_635 = vector.broadcast %get3A_634 : f32 to vector<8x128xf32>
      %mul3A_636 = arith.mulf %mul3A_635, %sub3A_623 : vector<8x128xf32>
      %mul3A_637 = arith.mulf %mul3A_636, %sub3A_627 : vector<8x128xf32>
      %add3A_638 = arith.addf %mul3A_632, %mul3A_637 : vector<8x128xf32>
      %get3A_639 = arith.index_cast %get3A_149 : i32 to index
      %get3A_640 = memref.load %arg7[%get3A_639] : memref<8200xf32, #tpu.memory_space<smem>>
      %mul3A_641 = vector.broadcast %get3A_640 : f32 to vector<8x128xf32>
      %mul3A_642 = arith.mulf %mul3A_641, %sub3A_627 : vector<8x128xf32>
      %mul3A_643 = arith.mulf %mul3A_642, %sub3A_627 : vector<8x128xf32>
      %add3A_644 = arith.addf %add3A_638, %mul3A_643 : vector<8x128xf32>
      %get3A_645 = arith.index_cast %get3A_149 : i32 to index
      %get3A_646 = memref.load %arg8[%get3A_645] : memref<8200xf32, #tpu.memory_space<smem>>
      %exp3A_647 = math.exp %add3A_644 : vector<8x128xf32>
      %mul3A_648 = vector.broadcast %get3A_646 : f32 to vector<8x128xf32>
      %mul3A_649 = arith.mulf %mul3A_648, %exp3A_647 : vector<8x128xf32>
      %min3A_650 = arith.constant 9.990000e-01 : f32
      %min3A_651 = vector.broadcast %min3A_650 : f32 to vector<8x128xf32>
      %min3A_652 = arith.minimumf %mul3A_649, %min3A_651 : vector<8x128xf32>
      %ge3A_653 = arith.constant 0.00392156886 : f32
      %ge3A_654 = vector.broadcast %ge3A_653 : f32 to vector<8x128xf32>
      %ge3A_655 = arith.cmpf oge, %min3A_652, %ge3A_654 : vector<8x128xf32>
      %jit3A_656 = arith.constant 0.000000e+00 : f32
      %broadcast_in_dim3A_657 = vector.broadcast %jit3A_656 : f32 to vector<8x128xf32>
      %select_n3A_658 = arith.select %ge3A_655, %min3A_652, %broadcast_in_dim3A_657 : vector<8x128xi1>, vector<8x128xf32>
      %mul3A_659 = arith.mulf %select_n3A_658, %mul3A_619 : vector<8x128xf32>
      %get3A_660 = arith.index_cast %get3A_149 : i32 to index
      %get3A_661 = memref.load %arg9[%get3A_660] : memref<8200xf32, #tpu.memory_space<smem>>
      %mul3A_662 = vector.broadcast %get3A_661 : f32 to vector<8x128xf32>
      %mul3A_663 = arith.mulf %mul3A_659, %mul3A_662 : vector<8x128xf32>
      %add3A_664 = arith.addf %add3A_605, %mul3A_663 : vector<8x128xf32>
      %get3A_665 = arith.index_cast %get3A_149 : i32 to index
      %get3A_666 = memref.load %arg10[%get3A_665] : memref<8200xf32, #tpu.memory_space<smem>>
      %mul3A_667 = vector.broadcast %get3A_666 : f32 to vector<8x128xf32>
      %mul3A_668 = arith.mulf %mul3A_659, %mul3A_667 : vector<8x128xf32>
      %add3A_669 = arith.addf %add3A_610, %mul3A_668 : vector<8x128xf32>
      %get3A_670 = arith.index_cast %get3A_149 : i32 to index
      %get3A_671 = memref.load %arg11[%get3A_670] : memref<8200xf32, #tpu.memory_space<smem>>
      %mul3A_672 = vector.broadcast %get3A_671 : f32 to vector<8x128xf32>
      %mul3A_673 = arith.mulf %mul3A_659, %mul3A_672 : vector<8x128xf32>
      %add3A_674 = arith.addf %add3A_615, %mul3A_673 : vector<8x128xf32>
      %sub3A_675 = arith.constant 1.000000e+00 : f32
      %sub3A_676 = vector.broadcast %sub3A_675 : f32 to vector<8x128xf32>
      %sub3A_677 = arith.subf %sub3A_676, %select_n3A_658 : vector<8x128xf32>
      %mul3A_678 = arith.mulf %mul3A_619, %sub3A_677 : vector<8x128xf32>
      %get3A_679 = arith.index_cast %get3A_155 : i32 to index
      %get3A_680 = memref.load %arg3[%get3A_679] : memref<8200xf32, #tpu.memory_space<smem>>
      %sub3A_681 = vector.broadcast %get3A_680 : f32 to vector<8x128xf32>
      %sub3A_682 = arith.subf %add3A_9, %sub3A_681 : vector<8x128xf32>
      %get3A_683 = arith.index_cast %get3A_155 : i32 to index
      %get3A_684 = memref.load %arg4[%get3A_683] : memref<8200xf32, #tpu.memory_space<smem>>
      %sub3A_685 = vector.broadcast %get3A_684 : f32 to vector<8x128xf32>
      %sub3A_686 = arith.subf %add3A_4, %sub3A_685 : vector<8x128xf32>
      %get3A_687 = arith.index_cast %get3A_155 : i32 to index
      %get3A_688 = memref.load %arg5[%get3A_687] : memref<8200xf32, #tpu.memory_space<smem>>
      %mul3A_689 = vector.broadcast %get3A_688 : f32 to vector<8x128xf32>
      %mul3A_690 = arith.mulf %mul3A_689, %sub3A_682 : vector<8x128xf32>
      %mul3A_691 = arith.mulf %mul3A_690, %sub3A_682 : vector<8x128xf32>
      %get3A_692 = arith.index_cast %get3A_155 : i32 to index
      %get3A_693 = memref.load %arg6[%get3A_692] : memref<8200xf32, #tpu.memory_space<smem>>
      %mul3A_694 = vector.broadcast %get3A_693 : f32 to vector<8x128xf32>
      %mul3A_695 = arith.mulf %mul3A_694, %sub3A_682 : vector<8x128xf32>
      %mul3A_696 = arith.mulf %mul3A_695, %sub3A_686 : vector<8x128xf32>
      %add3A_697 = arith.addf %mul3A_691, %mul3A_696 : vector<8x128xf32>
      %get3A_698 = arith.index_cast %get3A_155 : i32 to index
      %get3A_699 = memref.load %arg7[%get3A_698] : memref<8200xf32, #tpu.memory_space<smem>>
      %mul3A_700 = vector.broadcast %get3A_699 : f32 to vector<8x128xf32>
      %mul3A_701 = arith.mulf %mul3A_700, %sub3A_686 : vector<8x128xf32>
      %mul3A_702 = arith.mulf %mul3A_701, %sub3A_686 : vector<8x128xf32>
      %add3A_703 = arith.addf %add3A_697, %mul3A_702 : vector<8x128xf32>
      %get3A_704 = arith.index_cast %get3A_155 : i32 to index
      %get3A_705 = memref.load %arg8[%get3A_704] : memref<8200xf32, #tpu.memory_space<smem>>
      %exp3A_706 = math.exp %add3A_703 : vector<8x128xf32>
      %mul3A_707 = vector.broadcast %get3A_705 : f32 to vector<8x128xf32>
      %mul3A_708 = arith.mulf %mul3A_707, %exp3A_706 : vector<8x128xf32>
      %min3A_709 = arith.constant 9.990000e-01 : f32
      %min3A_710 = vector.broadcast %min3A_709 : f32 to vector<8x128xf32>
      %min3A_711 = arith.minimumf %mul3A_708, %min3A_710 : vector<8x128xf32>
      %ge3A_712 = arith.constant 0.00392156886 : f32
      %ge3A_713 = vector.broadcast %ge3A_712 : f32 to vector<8x128xf32>
      %ge3A_714 = arith.cmpf oge, %min3A_711, %ge3A_713 : vector<8x128xf32>
      %jit3A_715 = arith.constant 0.000000e+00 : f32
      %broadcast_in_dim3A_716 = vector.broadcast %jit3A_715 : f32 to vector<8x128xf32>
      %select_n3A_717 = arith.select %ge3A_714, %min3A_711, %broadcast_in_dim3A_716 : vector<8x128xi1>, vector<8x128xf32>
      %mul3A_718 = arith.mulf %select_n3A_717, %mul3A_678 : vector<8x128xf32>
      %get3A_719 = arith.index_cast %get3A_155 : i32 to index
      %get3A_720 = memref.load %arg9[%get3A_719] : memref<8200xf32, #tpu.memory_space<smem>>
      %mul3A_721 = vector.broadcast %get3A_720 : f32 to vector<8x128xf32>
      %mul3A_722 = arith.mulf %mul3A_718, %mul3A_721 : vector<8x128xf32>
      %add3A_723 = arith.addf %add3A_664, %mul3A_722 : vector<8x128xf32>
      %get3A_724 = arith.index_cast %get3A_155 : i32 to index
      %get3A_725 = memref.load %arg10[%get3A_724] : memref<8200xf32, #tpu.memory_space<smem>>
      %mul3A_726 = vector.broadcast %get3A_725 : f32 to vector<8x128xf32>
      %mul3A_727 = arith.mulf %mul3A_718, %mul3A_726 : vector<8x128xf32>
      %add3A_728 = arith.addf %add3A_669, %mul3A_727 : vector<8x128xf32>
      %get3A_729 = arith.index_cast %get3A_155 : i32 to index
      %get3A_730 = memref.load %arg11[%get3A_729] : memref<8200xf32, #tpu.memory_space<smem>>
      %mul3A_731 = vector.broadcast %get3A_730 : f32 to vector<8x128xf32>
      %mul3A_732 = arith.mulf %mul3A_718, %mul3A_731 : vector<8x128xf32>
      %add3A_733 = arith.addf %add3A_674, %mul3A_732 : vector<8x128xf32>
      %sub3A_734 = arith.constant 1.000000e+00 : f32
      %sub3A_735 = vector.broadcast %sub3A_734 : f32 to vector<8x128xf32>
      %sub3A_736 = arith.subf %sub3A_735, %select_n3A_717 : vector<8x128xf32>
      %mul3A_737 = arith.mulf %mul3A_678, %sub3A_736 : vector<8x128xf32>
      %get3A_738 = arith.index_cast %get3A_161 : i32 to index
      %get3A_739 = memref.load %arg3[%get3A_738] : memref<8200xf32, #tpu.memory_space<smem>>
      %sub3A_740 = vector.broadcast %get3A_739 : f32 to vector<8x128xf32>
      %sub3A_741 = arith.subf %add3A_9, %sub3A_740 : vector<8x128xf32>
      %get3A_742 = arith.index_cast %get3A_161 : i32 to index
      %get3A_743 = memref.load %arg4[%get3A_742] : memref<8200xf32, #tpu.memory_space<smem>>
      %sub3A_744 = vector.broadcast %get3A_743 : f32 to vector<8x128xf32>
      %sub3A_745 = arith.subf %add3A_4, %sub3A_744 : vector<8x128xf32>
      %get3A_746 = arith.index_cast %get3A_161 : i32 to index
      %get3A_747 = memref.load %arg5[%get3A_746] : memref<8200xf32, #tpu.memory_space<smem>>
      %mul3A_748 = vector.broadcast %get3A_747 : f32 to vector<8x128xf32>
      %mul3A_749 = arith.mulf %mul3A_748, %sub3A_741 : vector<8x128xf32>
      %mul3A_750 = arith.mulf %mul3A_749, %sub3A_741 : vector<8x128xf32>
      %get3A_751 = arith.index_cast %get3A_161 : i32 to index
      %get3A_752 = memref.load %arg6[%get3A_751] : memref<8200xf32, #tpu.memory_space<smem>>
      %mul3A_753 = vector.broadcast %get3A_752 : f32 to vector<8x128xf32>
      %mul3A_754 = arith.mulf %mul3A_753, %sub3A_741 : vector<8x128xf32>
      %mul3A_755 = arith.mulf %mul3A_754, %sub3A_745 : vector<8x128xf32>
      %add3A_756 = arith.addf %mul3A_750, %mul3A_755 : vector<8x128xf32>
      %get3A_757 = arith.index_cast %get3A_161 : i32 to index
      %get3A_758 = memref.load %arg7[%get3A_757] : memref<8200xf32, #tpu.memory_space<smem>>
      %mul3A_759 = vector.broadcast %get3A_758 : f32 to vector<8x128xf32>
      %mul3A_760 = arith.mulf %mul3A_759, %sub3A_745 : vector<8x128xf32>
      %mul3A_761 = arith.mulf %mul3A_760, %sub3A_745 : vector<8x128xf32>
      %add3A_762 = arith.addf %add3A_756, %mul3A_761 : vector<8x128xf32>
      %get3A_763 = arith.index_cast %get3A_161 : i32 to index
      %get3A_764 = memref.load %arg8[%get3A_763] : memref<8200xf32, #tpu.memory_space<smem>>
      %exp3A_765 = math.exp %add3A_762 : vector<8x128xf32>
      %mul3A_766 = vector.broadcast %get3A_764 : f32 to vector<8x128xf32>
      %mul3A_767 = arith.mulf %mul3A_766, %exp3A_765 : vector<8x128xf32>
      %min3A_768 = arith.constant 9.990000e-01 : f32
      %min3A_769 = vector.broadcast %min3A_768 : f32 to vector<8x128xf32>
      %min3A_770 = arith.minimumf %mul3A_767, %min3A_769 : vector<8x128xf32>
      %ge3A_771 = arith.constant 0.00392156886 : f32
      %ge3A_772 = vector.broadcast %ge3A_771 : f32 to vector<8x128xf32>
      %ge3A_773 = arith.cmpf oge, %min3A_770, %ge3A_772 : vector<8x128xf32>
      %jit3A_774 = arith.constant 0.000000e+00 : f32
      %broadcast_in_dim3A_775 = vector.broadcast %jit3A_774 : f32 to vector<8x128xf32>
      %select_n3A_776 = arith.select %ge3A_773, %min3A_770, %broadcast_in_dim3A_775 : vector<8x128xi1>, vector<8x128xf32>
      %mul3A_777 = arith.mulf %select_n3A_776, %mul3A_737 : vector<8x128xf32>
      %get3A_778 = arith.index_cast %get3A_161 : i32 to index
      %get3A_779 = memref.load %arg9[%get3A_778] : memref<8200xf32, #tpu.memory_space<smem>>
      %mul3A_780 = vector.broadcast %get3A_779 : f32 to vector<8x128xf32>
      %mul3A_781 = arith.mulf %mul3A_777, %mul3A_780 : vector<8x128xf32>
      %add3A_782 = arith.addf %add3A_723, %mul3A_781 : vector<8x128xf32>
      %get3A_783 = arith.index_cast %get3A_161 : i32 to index
      %get3A_784 = memref.load %arg10[%get3A_783] : memref<8200xf32, #tpu.memory_space<smem>>
      %mul3A_785 = vector.broadcast %get3A_784 : f32 to vector<8x128xf32>
      %mul3A_786 = arith.mulf %mul3A_777, %mul3A_785 : vector<8x128xf32>
      %add3A_787 = arith.addf %add3A_728, %mul3A_786 : vector<8x128xf32>
      %get3A_788 = arith.index_cast %get3A_161 : i32 to index
      %get3A_789 = memref.load %arg11[%get3A_788] : memref<8200xf32, #tpu.memory_space<smem>>
      %mul3A_790 = vector.broadcast %get3A_789 : f32 to vector<8x128xf32>
      %mul3A_791 = arith.mulf %mul3A_777, %mul3A_790 : vector<8x128xf32>
      %add3A_792 = arith.addf %add3A_733, %mul3A_791 : vector<8x128xf32>
      %sub3A_793 = arith.constant 1.000000e+00 : f32
      %sub3A_794 = vector.broadcast %sub3A_793 : f32 to vector<8x128xf32>
      %sub3A_795 = arith.subf %sub3A_794, %select_n3A_776 : vector<8x128xf32>
      %mul3A_796 = arith.mulf %mul3A_737, %sub3A_795 : vector<8x128xf32>
      %get3A_797 = arith.index_cast %get3A_167 : i32 to index
      %get3A_798 = memref.load %arg3[%get3A_797] : memref<8200xf32, #tpu.memory_space<smem>>
      %sub3A_799 = vector.broadcast %get3A_798 : f32 to vector<8x128xf32>
      %sub3A_800 = arith.subf %add3A_9, %sub3A_799 : vector<8x128xf32>
      %get3A_801 = arith.index_cast %get3A_167 : i32 to index
      %get3A_802 = memref.load %arg4[%get3A_801] : memref<8200xf32, #tpu.memory_space<smem>>
      %sub3A_803 = vector.broadcast %get3A_802 : f32 to vector<8x128xf32>
      %sub3A_804 = arith.subf %add3A_4, %sub3A_803 : vector<8x128xf32>
      %get3A_805 = arith.index_cast %get3A_167 : i32 to index
      %get3A_806 = memref.load %arg5[%get3A_805] : memref<8200xf32, #tpu.memory_space<smem>>
      %mul3A_807 = vector.broadcast %get3A_806 : f32 to vector<8x128xf32>
      %mul3A_808 = arith.mulf %mul3A_807, %sub3A_800 : vector<8x128xf32>
      %mul3A_809 = arith.mulf %mul3A_808, %sub3A_800 : vector<8x128xf32>
      %get3A_810 = arith.index_cast %get3A_167 : i32 to index
      %get3A_811 = memref.load %arg6[%get3A_810] : memref<8200xf32, #tpu.memory_space<smem>>
      %mul3A_812 = vector.broadcast %get3A_811 : f32 to vector<8x128xf32>
      %mul3A_813 = arith.mulf %mul3A_812, %sub3A_800 : vector<8x128xf32>
      %mul3A_814 = arith.mulf %mul3A_813, %sub3A_804 : vector<8x128xf32>
      %add3A_815 = arith.addf %mul3A_809, %mul3A_814 : vector<8x128xf32>
      %get3A_816 = arith.index_cast %get3A_167 : i32 to index
      %get3A_817 = memref.load %arg7[%get3A_816] : memref<8200xf32, #tpu.memory_space<smem>>
      %mul3A_818 = vector.broadcast %get3A_817 : f32 to vector<8x128xf32>
      %mul3A_819 = arith.mulf %mul3A_818, %sub3A_804 : vector<8x128xf32>
      %mul3A_820 = arith.mulf %mul3A_819, %sub3A_804 : vector<8x128xf32>
      %add3A_821 = arith.addf %add3A_815, %mul3A_820 : vector<8x128xf32>
      %get3A_822 = arith.index_cast %get3A_167 : i32 to index
      %get3A_823 = memref.load %arg8[%get3A_822] : memref<8200xf32, #tpu.memory_space<smem>>
      %exp3A_824 = math.exp %add3A_821 : vector<8x128xf32>
      %mul3A_825 = vector.broadcast %get3A_823 : f32 to vector<8x128xf32>
      %mul3A_826 = arith.mulf %mul3A_825, %exp3A_824 : vector<8x128xf32>
      %min3A_827 = arith.constant 9.990000e-01 : f32
      %min3A_828 = vector.broadcast %min3A_827 : f32 to vector<8x128xf32>
      %min3A_829 = arith.minimumf %mul3A_826, %min3A_828 : vector<8x128xf32>
      %ge3A_830 = arith.constant 0.00392156886 : f32
      %ge3A_831 = vector.broadcast %ge3A_830 : f32 to vector<8x128xf32>
      %ge3A_832 = arith.cmpf oge, %min3A_829, %ge3A_831 : vector<8x128xf32>
      %jit3A_833 = arith.constant 0.000000e+00 : f32
      %broadcast_in_dim3A_834 = vector.broadcast %jit3A_833 : f32 to vector<8x128xf32>
      %select_n3A_835 = arith.select %ge3A_832, %min3A_829, %broadcast_in_dim3A_834 : vector<8x128xi1>, vector<8x128xf32>
      %mul3A_836 = arith.mulf %select_n3A_835, %mul3A_796 : vector<8x128xf32>
      %get3A_837 = arith.index_cast %get3A_167 : i32 to index
      %get3A_838 = memref.load %arg9[%get3A_837] : memref<8200xf32, #tpu.memory_space<smem>>
      %mul3A_839 = vector.broadcast %get3A_838 : f32 to vector<8x128xf32>
      %mul3A_840 = arith.mulf %mul3A_836, %mul3A_839 : vector<8x128xf32>
      %add3A_841 = arith.addf %add3A_782, %mul3A_840 : vector<8x128xf32>
      %get3A_842 = arith.index_cast %get3A_167 : i32 to index
      %get3A_843 = memref.load %arg10[%get3A_842] : memref<8200xf32, #tpu.memory_space<smem>>
      %mul3A_844 = vector.broadcast %get3A_843 : f32 to vector<8x128xf32>
      %mul3A_845 = arith.mulf %mul3A_836, %mul3A_844 : vector<8x128xf32>
      %add3A_846 = arith.addf %add3A_787, %mul3A_845 : vector<8x128xf32>
      %get3A_847 = arith.index_cast %get3A_167 : i32 to index
      %get3A_848 = memref.load %arg11[%get3A_847] : memref<8200xf32, #tpu.memory_space<smem>>
      %mul3A_849 = vector.broadcast %get3A_848 : f32 to vector<8x128xf32>
      %mul3A_850 = arith.mulf %mul3A_836, %mul3A_849 : vector<8x128xf32>
      %add3A_851 = arith.addf %add3A_792, %mul3A_850 : vector<8x128xf32>
      %sub3A_852 = arith.constant 1.000000e+00 : f32
      %sub3A_853 = vector.broadcast %sub3A_852 : f32 to vector<8x128xf32>
      %sub3A_854 = arith.subf %sub3A_853, %select_n3A_835 : vector<8x128xf32>
      %mul3A_855 = arith.mulf %mul3A_796, %sub3A_854 : vector<8x128xf32>
      %get3A_856 = arith.index_cast %get3A_173 : i32 to index
      %get3A_857 = memref.load %arg3[%get3A_856] : memref<8200xf32, #tpu.memory_space<smem>>
      %sub3A_858 = vector.broadcast %get3A_857 : f32 to vector<8x128xf32>
      %sub3A_859 = arith.subf %add3A_9, %sub3A_858 : vector<8x128xf32>
      %get3A_860 = arith.index_cast %get3A_173 : i32 to index
      %get3A_861 = memref.load %arg4[%get3A_860] : memref<8200xf32, #tpu.memory_space<smem>>
      %sub3A_862 = vector.broadcast %get3A_861 : f32 to vector<8x128xf32>
      %sub3A_863 = arith.subf %add3A_4, %sub3A_862 : vector<8x128xf32>
      %get3A_864 = arith.index_cast %get3A_173 : i32 to index
      %get3A_865 = memref.load %arg5[%get3A_864] : memref<8200xf32, #tpu.memory_space<smem>>
      %mul3A_866 = vector.broadcast %get3A_865 : f32 to vector<8x128xf32>
      %mul3A_867 = arith.mulf %mul3A_866, %sub3A_859 : vector<8x128xf32>
      %mul3A_868 = arith.mulf %mul3A_867, %sub3A_859 : vector<8x128xf32>
      %get3A_869 = arith.index_cast %get3A_173 : i32 to index
      %get3A_870 = memref.load %arg6[%get3A_869] : memref<8200xf32, #tpu.memory_space<smem>>
      %mul3A_871 = vector.broadcast %get3A_870 : f32 to vector<8x128xf32>
      %mul3A_872 = arith.mulf %mul3A_871, %sub3A_859 : vector<8x128xf32>
      %mul3A_873 = arith.mulf %mul3A_872, %sub3A_863 : vector<8x128xf32>
      %add3A_874 = arith.addf %mul3A_868, %mul3A_873 : vector<8x128xf32>
      %get3A_875 = arith.index_cast %get3A_173 : i32 to index
      %get3A_876 = memref.load %arg7[%get3A_875] : memref<8200xf32, #tpu.memory_space<smem>>
      %mul3A_877 = vector.broadcast %get3A_876 : f32 to vector<8x128xf32>
      %mul3A_878 = arith.mulf %mul3A_877, %sub3A_863 : vector<8x128xf32>
      %mul3A_879 = arith.mulf %mul3A_878, %sub3A_863 : vector<8x128xf32>
      %add3A_880 = arith.addf %add3A_874, %mul3A_879 : vector<8x128xf32>
      %get3A_881 = arith.index_cast %get3A_173 : i32 to index
      %get3A_882 = memref.load %arg8[%get3A_881] : memref<8200xf32, #tpu.memory_space<smem>>
      %exp3A_883 = math.exp %add3A_880 : vector<8x128xf32>
      %mul3A_884 = vector.broadcast %get3A_882 : f32 to vector<8x128xf32>
      %mul3A_885 = arith.mulf %mul3A_884, %exp3A_883 : vector<8x128xf32>
      %min3A_886 = arith.constant 9.990000e-01 : f32
      %min3A_887 = vector.broadcast %min3A_886 : f32 to vector<8x128xf32>
      %min3A_888 = arith.minimumf %mul3A_885, %min3A_887 : vector<8x128xf32>
      %ge3A_889 = arith.constant 0.00392156886 : f32
      %ge3A_890 = vector.broadcast %ge3A_889 : f32 to vector<8x128xf32>
      %ge3A_891 = arith.cmpf oge, %min3A_888, %ge3A_890 : vector<8x128xf32>
      %jit3A_892 = arith.constant 0.000000e+00 : f32
      %broadcast_in_dim3A_893 = vector.broadcast %jit3A_892 : f32 to vector<8x128xf32>
      %select_n3A_894 = arith.select %ge3A_891, %min3A_888, %broadcast_in_dim3A_893 : vector<8x128xi1>, vector<8x128xf32>
      %mul3A_895 = arith.mulf %select_n3A_894, %mul3A_855 : vector<8x128xf32>
      %get3A_896 = arith.index_cast %get3A_173 : i32 to index
      %get3A_897 = memref.load %arg9[%get3A_896] : memref<8200xf32, #tpu.memory_space<smem>>
      %mul3A_898 = vector.broadcast %get3A_897 : f32 to vector<8x128xf32>
      %mul3A_899 = arith.mulf %mul3A_895, %mul3A_898 : vector<8x128xf32>
      %add3A_900 = arith.addf %add3A_841, %mul3A_899 : vector<8x128xf32>
      %get3A_901 = arith.index_cast %get3A_173 : i32 to index
      %get3A_902 = memref.load %arg10[%get3A_901] : memref<8200xf32, #tpu.memory_space<smem>>
      %mul3A_903 = vector.broadcast %get3A_902 : f32 to vector<8x128xf32>
      %mul3A_904 = arith.mulf %mul3A_895, %mul3A_903 : vector<8x128xf32>
      %add3A_905 = arith.addf %add3A_846, %mul3A_904 : vector<8x128xf32>
      %get3A_906 = arith.index_cast %get3A_173 : i32 to index
      %get3A_907 = memref.load %arg11[%get3A_906] : memref<8200xf32, #tpu.memory_space<smem>>
      %mul3A_908 = vector.broadcast %get3A_907 : f32 to vector<8x128xf32>
      %mul3A_909 = arith.mulf %mul3A_895, %mul3A_908 : vector<8x128xf32>
      %add3A_910 = arith.addf %add3A_851, %mul3A_909 : vector<8x128xf32>
      %sub3A_911 = arith.constant 1.000000e+00 : f32
      %sub3A_912 = vector.broadcast %sub3A_911 : f32 to vector<8x128xf32>
      %sub3A_913 = arith.subf %sub3A_912, %select_n3A_894 : vector<8x128xf32>
      %mul3A_914 = arith.mulf %mul3A_855, %sub3A_913 : vector<8x128xf32>
      %get3A_915 = arith.index_cast %get3A_179 : i32 to index
      %get3A_916 = memref.load %arg3[%get3A_915] : memref<8200xf32, #tpu.memory_space<smem>>
      %sub3A_917 = vector.broadcast %get3A_916 : f32 to vector<8x128xf32>
      %sub3A_918 = arith.subf %add3A_9, %sub3A_917 : vector<8x128xf32>
      %get3A_919 = arith.index_cast %get3A_179 : i32 to index
      %get3A_920 = memref.load %arg4[%get3A_919] : memref<8200xf32, #tpu.memory_space<smem>>
      %sub3A_921 = vector.broadcast %get3A_920 : f32 to vector<8x128xf32>
      %sub3A_922 = arith.subf %add3A_4, %sub3A_921 : vector<8x128xf32>
      %get3A_923 = arith.index_cast %get3A_179 : i32 to index
      %get3A_924 = memref.load %arg5[%get3A_923] : memref<8200xf32, #tpu.memory_space<smem>>
      %mul3A_925 = vector.broadcast %get3A_924 : f32 to vector<8x128xf32>
      %mul3A_926 = arith.mulf %mul3A_925, %sub3A_918 : vector<8x128xf32>
      %mul3A_927 = arith.mulf %mul3A_926, %sub3A_918 : vector<8x128xf32>
      %get3A_928 = arith.index_cast %get3A_179 : i32 to index
      %get3A_929 = memref.load %arg6[%get3A_928] : memref<8200xf32, #tpu.memory_space<smem>>
      %mul3A_930 = vector.broadcast %get3A_929 : f32 to vector<8x128xf32>
      %mul3A_931 = arith.mulf %mul3A_930, %sub3A_918 : vector<8x128xf32>
      %mul3A_932 = arith.mulf %mul3A_931, %sub3A_922 : vector<8x128xf32>
      %add3A_933 = arith.addf %mul3A_927, %mul3A_932 : vector<8x128xf32>
      %get3A_934 = arith.index_cast %get3A_179 : i32 to index
      %get3A_935 = memref.load %arg7[%get3A_934] : memref<8200xf32, #tpu.memory_space<smem>>
      %mul3A_936 = vector.broadcast %get3A_935 : f32 to vector<8x128xf32>
      %mul3A_937 = arith.mulf %mul3A_936, %sub3A_922 : vector<8x128xf32>
      %mul3A_938 = arith.mulf %mul3A_937, %sub3A_922 : vector<8x128xf32>
      %add3A_939 = arith.addf %add3A_933, %mul3A_938 : vector<8x128xf32>
      %get3A_940 = arith.index_cast %get3A_179 : i32 to index
      %get3A_941 = memref.load %arg8[%get3A_940] : memref<8200xf32, #tpu.memory_space<smem>>
      %exp3A_942 = math.exp %add3A_939 : vector<8x128xf32>
      %mul3A_943 = vector.broadcast %get3A_941 : f32 to vector<8x128xf32>
      %mul3A_944 = arith.mulf %mul3A_943, %exp3A_942 : vector<8x128xf32>
      %min3A_945 = arith.constant 9.990000e-01 : f32
      %min3A_946 = vector.broadcast %min3A_945 : f32 to vector<8x128xf32>
      %min3A_947 = arith.minimumf %mul3A_944, %min3A_946 : vector<8x128xf32>
      %ge3A_948 = arith.constant 0.00392156886 : f32
      %ge3A_949 = vector.broadcast %ge3A_948 : f32 to vector<8x128xf32>
      %ge3A_950 = arith.cmpf oge, %min3A_947, %ge3A_949 : vector<8x128xf32>
      %jit3A_951 = arith.constant 0.000000e+00 : f32
      %broadcast_in_dim3A_952 = vector.broadcast %jit3A_951 : f32 to vector<8x128xf32>
      %select_n3A_953 = arith.select %ge3A_950, %min3A_947, %broadcast_in_dim3A_952 : vector<8x128xi1>, vector<8x128xf32>
      %mul3A_954 = arith.mulf %select_n3A_953, %mul3A_914 : vector<8x128xf32>
      %get3A_955 = arith.index_cast %get3A_179 : i32 to index
      %get3A_956 = memref.load %arg9[%get3A_955] : memref<8200xf32, #tpu.memory_space<smem>>
      %mul3A_957 = vector.broadcast %get3A_956 : f32 to vector<8x128xf32>
      %mul3A_958 = arith.mulf %mul3A_954, %mul3A_957 : vector<8x128xf32>
      %add3A_959 = arith.addf %add3A_900, %mul3A_958 : vector<8x128xf32>
      %get3A_960 = arith.index_cast %get3A_179 : i32 to index
      %get3A_961 = memref.load %arg10[%get3A_960] : memref<8200xf32, #tpu.memory_space<smem>>
      %mul3A_962 = vector.broadcast %get3A_961 : f32 to vector<8x128xf32>
      %mul3A_963 = arith.mulf %mul3A_954, %mul3A_962 : vector<8x128xf32>
      %add3A_964 = arith.addf %add3A_905, %mul3A_963 : vector<8x128xf32>
      %get3A_965 = arith.index_cast %get3A_179 : i32 to index
      %get3A_966 = memref.load %arg11[%get3A_965] : memref<8200xf32, #tpu.memory_space<smem>>
      %mul3A_967 = vector.broadcast %get3A_966 : f32 to vector<8x128xf32>
      %mul3A_968 = arith.mulf %mul3A_954, %mul3A_967 : vector<8x128xf32>
      %add3A_969 = arith.addf %add3A_910, %mul3A_968 : vector<8x128xf32>
      %sub3A_970 = arith.constant 1.000000e+00 : f32
      %sub3A_971 = vector.broadcast %sub3A_970 : f32 to vector<8x128xf32>
      %sub3A_972 = arith.subf %sub3A_971, %select_n3A_953 : vector<8x128xf32>
      %mul3A_973 = arith.mulf %mul3A_914, %sub3A_972 : vector<8x128xf32>
      %get3A_974 = arith.index_cast %get3A_185 : i32 to index
      %get3A_975 = memref.load %arg3[%get3A_974] : memref<8200xf32, #tpu.memory_space<smem>>
      %sub3A_976 = vector.broadcast %get3A_975 : f32 to vector<8x128xf32>
      %sub3A_977 = arith.subf %add3A_9, %sub3A_976 : vector<8x128xf32>
      %get3A_978 = arith.index_cast %get3A_185 : i32 to index
      %get3A_979 = memref.load %arg4[%get3A_978] : memref<8200xf32, #tpu.memory_space<smem>>
      %sub3A_980 = vector.broadcast %get3A_979 : f32 to vector<8x128xf32>
      %sub3A_981 = arith.subf %add3A_4, %sub3A_980 : vector<8x128xf32>
      %get3A_982 = arith.index_cast %get3A_185 : i32 to index
      %get3A_983 = memref.load %arg5[%get3A_982] : memref<8200xf32, #tpu.memory_space<smem>>
      %mul3A_984 = vector.broadcast %get3A_983 : f32 to vector<8x128xf32>
      %mul3A_985 = arith.mulf %mul3A_984, %sub3A_977 : vector<8x128xf32>
      %mul3A_986 = arith.mulf %mul3A_985, %sub3A_977 : vector<8x128xf32>
      %get3A_987 = arith.index_cast %get3A_185 : i32 to index
      %get3A_988 = memref.load %arg6[%get3A_987] : memref<8200xf32, #tpu.memory_space<smem>>
      %mul3A_989 = vector.broadcast %get3A_988 : f32 to vector<8x128xf32>
      %mul3A_990 = arith.mulf %mul3A_989, %sub3A_977 : vector<8x128xf32>
      %mul3A_991 = arith.mulf %mul3A_990, %sub3A_981 : vector<8x128xf32>
      %add3A_992 = arith.addf %mul3A_986, %mul3A_991 : vector<8x128xf32>
      %get3A_993 = arith.index_cast %get3A_185 : i32 to index
      %get3A_994 = memref.load %arg7[%get3A_993] : memref<8200xf32, #tpu.memory_space<smem>>
      %mul3A_995 = vector.broadcast %get3A_994 : f32 to vector<8x128xf32>
      %mul3A_996 = arith.mulf %mul3A_995, %sub3A_981 : vector<8x128xf32>
      %mul3A_997 = arith.mulf %mul3A_996, %sub3A_981 : vector<8x128xf32>
      %add3A_998 = arith.addf %add3A_992, %mul3A_997 : vector<8x128xf32>
      %get3A_999 = arith.index_cast %get3A_185 : i32 to index
      %get3A_1000 = memref.load %arg8[%get3A_999] : memref<8200xf32, #tpu.memory_space<smem>>
      %exp3A_1001 = math.exp %add3A_998 : vector<8x128xf32>
      %mul3A_1002 = vector.broadcast %get3A_1000 : f32 to vector<8x128xf32>
      %mul3A_1003 = arith.mulf %mul3A_1002, %exp3A_1001 : vector<8x128xf32>
      %min3A_1004 = arith.constant 9.990000e-01 : f32
      %min3A_1005 = vector.broadcast %min3A_1004 : f32 to vector<8x128xf32>
      %min3A_1006 = arith.minimumf %mul3A_1003, %min3A_1005 : vector<8x128xf32>
      %ge3A_1007 = arith.constant 0.00392156886 : f32
      %ge3A_1008 = vector.broadcast %ge3A_1007 : f32 to vector<8x128xf32>
      %ge3A_1009 = arith.cmpf oge, %min3A_1006, %ge3A_1008 : vector<8x128xf32>
      %jit3A_1010 = arith.constant 0.000000e+00 : f32
      %broadcast_in_dim3A_1011 = vector.broadcast %jit3A_1010 : f32 to vector<8x128xf32>
      %select_n3A_1012 = arith.select %ge3A_1009, %min3A_1006, %broadcast_in_dim3A_1011 : vector<8x128xi1>, vector<8x128xf32>
      %mul3A_1013 = arith.mulf %select_n3A_1012, %mul3A_973 : vector<8x128xf32>
      %get3A_1014 = arith.index_cast %get3A_185 : i32 to index
      %get3A_1015 = memref.load %arg9[%get3A_1014] : memref<8200xf32, #tpu.memory_space<smem>>
      %mul3A_1016 = vector.broadcast %get3A_1015 : f32 to vector<8x128xf32>
      %mul3A_1017 = arith.mulf %mul3A_1013, %mul3A_1016 : vector<8x128xf32>
      %add3A_1018 = arith.addf %add3A_959, %mul3A_1017 : vector<8x128xf32>
      %get3A_1019 = arith.index_cast %get3A_185 : i32 to index
      %get3A_1020 = memref.load %arg10[%get3A_1019] : memref<8200xf32, #tpu.memory_space<smem>>
      %mul3A_1021 = vector.broadcast %get3A_1020 : f32 to vector<8x128xf32>
      %mul3A_1022 = arith.mulf %mul3A_1013, %mul3A_1021 : vector<8x128xf32>
      %add3A_1023 = arith.addf %add3A_964, %mul3A_1022 : vector<8x128xf32>
      %get3A_1024 = arith.index_cast %get3A_185 : i32 to index
      %get3A_1025 = memref.load %arg11[%get3A_1024] : memref<8200xf32, #tpu.memory_space<smem>>
      %mul3A_1026 = vector.broadcast %get3A_1025 : f32 to vector<8x128xf32>
      %mul3A_1027 = arith.mulf %mul3A_1013, %mul3A_1026 : vector<8x128xf32>
      %add3A_1028 = arith.addf %add3A_969, %mul3A_1027 : vector<8x128xf32>
      %sub3A_1029 = arith.constant 1.000000e+00 : f32
      %sub3A_1030 = vector.broadcast %sub3A_1029 : f32 to vector<8x128xf32>
      %sub3A_1031 = arith.subf %sub3A_1030, %select_n3A_1012 : vector<8x128xf32>
      %mul3A_1032 = arith.mulf %mul3A_973, %sub3A_1031 : vector<8x128xf32>
      %get3A_1033 = arith.index_cast %get3A_191 : i32 to index
      %get3A_1034 = memref.load %arg3[%get3A_1033] : memref<8200xf32, #tpu.memory_space<smem>>
      %sub3A_1035 = vector.broadcast %get3A_1034 : f32 to vector<8x128xf32>
      %sub3A_1036 = arith.subf %add3A_9, %sub3A_1035 : vector<8x128xf32>
      %get3A_1037 = arith.index_cast %get3A_191 : i32 to index
      %get3A_1038 = memref.load %arg4[%get3A_1037] : memref<8200xf32, #tpu.memory_space<smem>>
      %sub3A_1039 = vector.broadcast %get3A_1038 : f32 to vector<8x128xf32>
      %sub3A_1040 = arith.subf %add3A_4, %sub3A_1039 : vector<8x128xf32>
      %get3A_1041 = arith.index_cast %get3A_191 : i32 to index
      %get3A_1042 = memref.load %arg5[%get3A_1041] : memref<8200xf32, #tpu.memory_space<smem>>
      %mul3A_1043 = vector.broadcast %get3A_1042 : f32 to vector<8x128xf32>
      %mul3A_1044 = arith.mulf %mul3A_1043, %sub3A_1036 : vector<8x128xf32>
      %mul3A_1045 = arith.mulf %mul3A_1044, %sub3A_1036 : vector<8x128xf32>
      %get3A_1046 = arith.index_cast %get3A_191 : i32 to index
      %get3A_1047 = memref.load %arg6[%get3A_1046] : memref<8200xf32, #tpu.memory_space<smem>>
      %mul3A_1048 = vector.broadcast %get3A_1047 : f32 to vector<8x128xf32>
      %mul3A_1049 = arith.mulf %mul3A_1048, %sub3A_1036 : vector<8x128xf32>
      %mul3A_1050 = arith.mulf %mul3A_1049, %sub3A_1040 : vector<8x128xf32>
      %add3A_1051 = arith.addf %mul3A_1045, %mul3A_1050 : vector<8x128xf32>
      %get3A_1052 = arith.index_cast %get3A_191 : i32 to index
      %get3A_1053 = memref.load %arg7[%get3A_1052] : memref<8200xf32, #tpu.memory_space<smem>>
      %mul3A_1054 = vector.broadcast %get3A_1053 : f32 to vector<8x128xf32>
      %mul3A_1055 = arith.mulf %mul3A_1054, %sub3A_1040 : vector<8x128xf32>
      %mul3A_1056 = arith.mulf %mul3A_1055, %sub3A_1040 : vector<8x128xf32>
      %add3A_1057 = arith.addf %add3A_1051, %mul3A_1056 : vector<8x128xf32>
      %get3A_1058 = arith.index_cast %get3A_191 : i32 to index
      %get3A_1059 = memref.load %arg8[%get3A_1058] : memref<8200xf32, #tpu.memory_space<smem>>
      %exp3A_1060 = math.exp %add3A_1057 : vector<8x128xf32>
      %mul3A_1061 = vector.broadcast %get3A_1059 : f32 to vector<8x128xf32>
      %mul3A_1062 = arith.mulf %mul3A_1061, %exp3A_1060 : vector<8x128xf32>
      %min3A_1063 = arith.constant 9.990000e-01 : f32
      %min3A_1064 = vector.broadcast %min3A_1063 : f32 to vector<8x128xf32>
      %min3A_1065 = arith.minimumf %mul3A_1062, %min3A_1064 : vector<8x128xf32>
      %ge3A_1066 = arith.constant 0.00392156886 : f32
      %ge3A_1067 = vector.broadcast %ge3A_1066 : f32 to vector<8x128xf32>
      %ge3A_1068 = arith.cmpf oge, %min3A_1065, %ge3A_1067 : vector<8x128xf32>
      %jit3A_1069 = arith.constant 0.000000e+00 : f32
      %broadcast_in_dim3A_1070 = vector.broadcast %jit3A_1069 : f32 to vector<8x128xf32>
      %select_n3A_1071 = arith.select %ge3A_1068, %min3A_1065, %broadcast_in_dim3A_1070 : vector<8x128xi1>, vector<8x128xf32>
      %mul3A_1072 = arith.mulf %select_n3A_1071, %mul3A_1032 : vector<8x128xf32>
      %get3A_1073 = arith.index_cast %get3A_191 : i32 to index
      %get3A_1074 = memref.load %arg9[%get3A_1073] : memref<8200xf32, #tpu.memory_space<smem>>
      %mul3A_1075 = vector.broadcast %get3A_1074 : f32 to vector<8x128xf32>
      %mul3A_1076 = arith.mulf %mul3A_1072, %mul3A_1075 : vector<8x128xf32>
      %add3A_1077 = arith.addf %add3A_1018, %mul3A_1076 : vector<8x128xf32>
      %get3A_1078 = arith.index_cast %get3A_191 : i32 to index
      %get3A_1079 = memref.load %arg10[%get3A_1078] : memref<8200xf32, #tpu.memory_space<smem>>
      %mul3A_1080 = vector.broadcast %get3A_1079 : f32 to vector<8x128xf32>
      %mul3A_1081 = arith.mulf %mul3A_1072, %mul3A_1080 : vector<8x128xf32>
      %add3A_1082 = arith.addf %add3A_1023, %mul3A_1081 : vector<8x128xf32>
      %get3A_1083 = arith.index_cast %get3A_191 : i32 to index
      %get3A_1084 = memref.load %arg11[%get3A_1083] : memref<8200xf32, #tpu.memory_space<smem>>
      %mul3A_1085 = vector.broadcast %get3A_1084 : f32 to vector<8x128xf32>
      %mul3A_1086 = arith.mulf %mul3A_1072, %mul3A_1085 : vector<8x128xf32>
      %add3A_1087 = arith.addf %add3A_1028, %mul3A_1086 : vector<8x128xf32>
      %sub3A_1088 = arith.constant 1.000000e+00 : f32
      %sub3A_1089 = vector.broadcast %sub3A_1088 : f32 to vector<8x128xf32>
      %sub3A_1090 = arith.subf %sub3A_1089, %select_n3A_1071 : vector<8x128xf32>
      %mul3A_1091 = arith.mulf %mul3A_1032, %sub3A_1090 : vector<8x128xf32>
      %get3A_1092 = arith.index_cast %get3A_197 : i32 to index
      %get3A_1093 = memref.load %arg3[%get3A_1092] : memref<8200xf32, #tpu.memory_space<smem>>
      %sub3A_1094 = vector.broadcast %get3A_1093 : f32 to vector<8x128xf32>
      %sub3A_1095 = arith.subf %add3A_9, %sub3A_1094 : vector<8x128xf32>
      %get3A_1096 = arith.index_cast %get3A_197 : i32 to index
      %get3A_1097 = memref.load %arg4[%get3A_1096] : memref<8200xf32, #tpu.memory_space<smem>>
      %sub3A_1098 = vector.broadcast %get3A_1097 : f32 to vector<8x128xf32>
      %sub3A_1099 = arith.subf %add3A_4, %sub3A_1098 : vector<8x128xf32>
      %get3A_1100 = arith.index_cast %get3A_197 : i32 to index
      %get3A_1101 = memref.load %arg5[%get3A_1100] : memref<8200xf32, #tpu.memory_space<smem>>
      %mul3A_1102 = vector.broadcast %get3A_1101 : f32 to vector<8x128xf32>
      %mul3A_1103 = arith.mulf %mul3A_1102, %sub3A_1095 : vector<8x128xf32>
      %mul3A_1104 = arith.mulf %mul3A_1103, %sub3A_1095 : vector<8x128xf32>
      %get3A_1105 = arith.index_cast %get3A_197 : i32 to index
      %get3A_1106 = memref.load %arg6[%get3A_1105] : memref<8200xf32, #tpu.memory_space<smem>>
      %mul3A_1107 = vector.broadcast %get3A_1106 : f32 to vector<8x128xf32>
      %mul3A_1108 = arith.mulf %mul3A_1107, %sub3A_1095 : vector<8x128xf32>
      %mul3A_1109 = arith.mulf %mul3A_1108, %sub3A_1099 : vector<8x128xf32>
      %add3A_1110 = arith.addf %mul3A_1104, %mul3A_1109 : vector<8x128xf32>
      %get3A_1111 = arith.index_cast %get3A_197 : i32 to index
      %get3A_1112 = memref.load %arg7[%get3A_1111] : memref<8200xf32, #tpu.memory_space<smem>>
      %mul3A_1113 = vector.broadcast %get3A_1112 : f32 to vector<8x128xf32>
      %mul3A_1114 = arith.mulf %mul3A_1113, %sub3A_1099 : vector<8x128xf32>
      %mul3A_1115 = arith.mulf %mul3A_1114, %sub3A_1099 : vector<8x128xf32>
      %add3A_1116 = arith.addf %add3A_1110, %mul3A_1115 : vector<8x128xf32>
      %get3A_1117 = arith.index_cast %get3A_197 : i32 to index
      %get3A_1118 = memref.load %arg8[%get3A_1117] : memref<8200xf32, #tpu.memory_space<smem>>
      %exp3A_1119 = math.exp %add3A_1116 : vector<8x128xf32>
      %mul3A_1120 = vector.broadcast %get3A_1118 : f32 to vector<8x128xf32>
      %mul3A_1121 = arith.mulf %mul3A_1120, %exp3A_1119 : vector<8x128xf32>
      %min3A_1122 = arith.constant 9.990000e-01 : f32
      %min3A_1123 = vector.broadcast %min3A_1122 : f32 to vector<8x128xf32>
      %min3A_1124 = arith.minimumf %mul3A_1121, %min3A_1123 : vector<8x128xf32>
      %ge3A_1125 = arith.constant 0.00392156886 : f32
      %ge3A_1126 = vector.broadcast %ge3A_1125 : f32 to vector<8x128xf32>
      %ge3A_1127 = arith.cmpf oge, %min3A_1124, %ge3A_1126 : vector<8x128xf32>
      %jit3A_1128 = arith.constant 0.000000e+00 : f32
      %broadcast_in_dim3A_1129 = vector.broadcast %jit3A_1128 : f32 to vector<8x128xf32>
      %select_n3A_1130 = arith.select %ge3A_1127, %min3A_1124, %broadcast_in_dim3A_1129 : vector<8x128xi1>, vector<8x128xf32>
      %mul3A_1131 = arith.mulf %select_n3A_1130, %mul3A_1091 : vector<8x128xf32>
      %get3A_1132 = arith.index_cast %get3A_197 : i32 to index
      %get3A_1133 = memref.load %arg9[%get3A_1132] : memref<8200xf32, #tpu.memory_space<smem>>
      %mul3A_1134 = vector.broadcast %get3A_1133 : f32 to vector<8x128xf32>
      %mul3A_1135 = arith.mulf %mul3A_1131, %mul3A_1134 : vector<8x128xf32>
      %add3A_1136 = arith.addf %add3A_1077, %mul3A_1135 : vector<8x128xf32>
      %get3A_1137 = arith.index_cast %get3A_197 : i32 to index
      %get3A_1138 = memref.load %arg10[%get3A_1137] : memref<8200xf32, #tpu.memory_space<smem>>
      %mul3A_1139 = vector.broadcast %get3A_1138 : f32 to vector<8x128xf32>
      %mul3A_1140 = arith.mulf %mul3A_1131, %mul3A_1139 : vector<8x128xf32>
      %add3A_1141 = arith.addf %add3A_1082, %mul3A_1140 : vector<8x128xf32>
      %get3A_1142 = arith.index_cast %get3A_197 : i32 to index
      %get3A_1143 = memref.load %arg11[%get3A_1142] : memref<8200xf32, #tpu.memory_space<smem>>
      %mul3A_1144 = vector.broadcast %get3A_1143 : f32 to vector<8x128xf32>
      %mul3A_1145 = arith.mulf %mul3A_1131, %mul3A_1144 : vector<8x128xf32>
      %add3A_1146 = arith.addf %add3A_1087, %mul3A_1145 : vector<8x128xf32>
      %sub3A_1147 = arith.constant 1.000000e+00 : f32
      %sub3A_1148 = vector.broadcast %sub3A_1147 : f32 to vector<8x128xf32>
      %sub3A_1149 = arith.subf %sub3A_1148, %select_n3A_1130 : vector<8x128xf32>
      %mul3A_1150 = arith.mulf %mul3A_1091, %sub3A_1149 : vector<8x128xf32>
      %swap3A_1151 = arith.constant 0 : index
      %swap3A_1152 = arith.constant 0 : index
      %swap3A_1153 = vector.load %arg12[%swap3A_1151, %swap3A_1152] : memref<8x128xf32, #tpu.memory_space<vmem>>, vector<8x128xf32>
      tpu.vector_store %arg12[%swap3A_1151, %swap3A_1152], %add3A_1136 {strides = array<i32>} : memref<8x128xf32, #tpu.memory_space<vmem>>, vector<8x128xf32>,
      %swap3A_1154 = arith.constant 0 : index
      %swap3A_1155 = arith.constant 0 : index
      %swap3A_1156 = vector.load %arg13[%swap3A_1154, %swap3A_1155] : memref<8x128xf32, #tpu.memory_space<vmem>>, vector<8x128xf32>
      tpu.vector_store %arg13[%swap3A_1154, %swap3A_1155], %add3A_1141 {strides = array<i32>} : memref<8x128xf32, #tpu.memory_space<vmem>>, vector<8x128xf32>,
      %swap3A_1157 = arith.constant 0 : index
      %swap3A_1158 = arith.constant 0 : index
      %swap3A_1159 = vector.load %arg14[%swap3A_1157, %swap3A_1158] : memref<8x128xf32, #tpu.memory_space<vmem>>, vector<8x128xf32>
      tpu.vector_store %arg14[%swap3A_1157, %swap3A_1158], %add3A_1146 {strides = array<i32>} : memref<8x128xf32, #tpu.memory_space<vmem>>, vector<8x128xf32>,
      %swap3A_1160 = arith.constant 0 : index
      %swap3A_1161 = arith.constant 0 : index
      %swap3A_1162 = vector.load %arg15[%swap3A_1160, %swap3A_1161] : memref<8x128xf32, #tpu.memory_space<vmem>>, vector<8x128xf32>
      tpu.vector_store %arg15[%swap3A_1160, %swap3A_1161], %mul3A_1150 {strides = array<i32>} : memref<8x128xf32, #tpu.memory_space<vmem>>, vector<8x128xf32>,
      %while3A_1163 = arith.constant 0 : i32
      scf.yield %while3A_1163 : i32
    }
    return
  }
  func.func @transform_0(%arg0: i32) -> (i32, i32, i32) {
    %c0_i32 = arith.constant 0 : i32
    %c0_i32_0 = arith.constant 0 : i32
    %c0_i32_1 = arith.constant 0 : i32
    return %arg0, %c0_i32, %c0_i32_0 : i32, i32, i32
  }
  func.func @transform_1(%arg0: i32) -> (i32, i32, i32) {
    %c0_i32 = arith.constant 0 : i32
    %c0_i32_0 = arith.constant 0 : i32
    %c0_i32_1 = arith.constant 0 : i32
    %c0_i32_2 = arith.constant 0 : i32
    return %c0_i32, %c0_i32_0, %c0_i32_1 : i32, i32, i32
  }
  func.func @transform_2(%arg0: i32) -> i32 {
    %c0_i32 = arith.constant 0 : i32
    %c0_i32_0 = arith.constant 0 : i32
    return %c0_i32 : i32
  }
  func.func @transform_3(%arg0: i32) -> i32 {
    %c0_i32 = arith.constant 0 : i32
    %c0_i32_0 = arith.constant 0 : i32
    return %c0_i32 : i32
  }
  func.func @transform_4(%arg0: i32) -> i32 {
    %c0_i32 = arith.constant 0 : i32
    %c0_i32_0 = arith.constant 0 : i32
    return %c0_i32 : i32
  }
  func.func @transform_5(%arg0: i32) -> i32 {
    %c0_i32 = arith.constant 0 : i32
    %c0_i32_0 = arith.constant 0 : i32
    return %c0_i32 : i32
  }
  func.func @transform_6(%arg0: i32) -> i32 {
    %c0_i32 = arith.constant 0 : i32
    %c0_i32_0 = arith.constant 0 : i32
    return %c0_i32 : i32
  }
  func.func @transform_7(%arg0: i32) -> i32 {
    %c0_i32 = arith.constant 0 : i32
    %c0_i32_0 = arith.constant 0 : i32
    return %c0_i32 : i32
  }
  func.func @transform_8(%arg0: i32) -> i32 {
    %c0_i32 = arith.constant 0 : i32
    %c0_i32_0 = arith.constant 0 : i32
    return %c0_i32 : i32
  }
  func.func @transform_9(%arg0: i32) -> i32 {
    %c0_i32 = arith.constant 0 : i32
    %c0_i32_0 = arith.constant 0 : i32
    return %c0_i32 : i32
  }
  func.func @transform_10(%arg0: i32) -> i32 {
    %c0_i32 = arith.constant 0 : i32
    %c0_i32_0 = arith.constant 0 : i32
    return %c0_i32 : i32
  }
  func.func @transform_11(%arg0: i32) -> (i32, i32) {
    %c0_i32 = arith.constant 0 : i32
    %c0_i32_0 = arith.constant 0 : i32
    return %arg0, %c0_i32 : i32, i32
  }
  func.func @transform_12(%arg0: i32) -> (i32, i32) {
    %c0_i32 = arith.constant 0 : i32
    %c0_i32_0 = arith.constant 0 : i32
    return %arg0, %c0_i32 : i32, i32
  }
  func.func @transform_13(%arg0: i32) -> (i32, i32) {
    %c0_i32 = arith.constant 0 : i32
    %c0_i32_0 = arith.constant 0 : i32
    return %arg0, %c0_i32 : i32, i32
  }
}

</mosaic_0001>

<sc_bundles>
// kernel: kernel.4.cloned.1.call-start
scs
__scs_entry_jumppad:
0x0: {  	(pc) =	sbr.rel $0x88, $3  }
0x1: {  	(tag) =	ssettag $0x0;
	lr =	simm.s32 $0x1  }
0x2: {  	[smem:$0x3F9C] =	sst lr;
	_ =	strace $0xD0000000  }
0x3: {  	_ = 	snop  }
0x4: {  	_ = 	snop  }
0x5: {  	_ = 	snop  }
0x6: {  	_ = 	snop  }
0x7: {  	_ = 	snop  }
__scs_overlays_trampoline_lowered:
0x8: {  	[smem:$0x3FAB] =	sst s0  }
0x9: {  	[smem:$0x3FAC] =	sst s1  }
0xa: {  	[smem:$0x3FAD] =	sst s2  }
0xb: {  	[smem:$0x3FAE] =	sst s3  }
0xc: {  	[smem:$0x3FAF] =	sst s4  }
0xd: {  	[smem:$0x3FB0] =	sst s5  }
0xe: {  	[smem:$0x3FB1] =	sst s6  }
0xf: {  	[smem:$0x3FB2] =	sst s7  }
0x10: {  	[smem:$0x3FB3] =	sst s8  }
0x11: {  	[smem:$0x3FB4] =	sst s9;
	s0 =	simm.s32 @!p0 $0x0  }
0x12: {  	s1 =	sld [smem:$0x3F9A];
	s0 =	simm.s32 @p0 $0x1  }
0x13: {  	[smem:$0x3FB5] =	sst s0;
	s0 =	simm.s32 @!p1 $0x0  }
0x14: {  	s2 =	sld [smem:$0x3F99];
	s0 =	simm.s32 @p1 $0x1  }
0x15: {  	[smem:$0x3FB6] =	sst s0;
	s0 =	simm.s32 @!p2 $0x0  }
0x16: {  	s3 =	sld [smem:$0x3FDB];
	s0 =	simm.s32 @p2 $0x1  }
0x17: {  	s4 =	simm.s32 $0x1BF5;
	[smem:$0x3FB8] =	sst s0  }
0x18: {  	s0 =	sld [smem:$0x3F9B];
	_ =	swait.ge [sflag:s4], $0x0  }
0x19: {  	s7 =	sld [smem:$0x3F9C]  }
0x1a: {  	s8 =	sadd.s32 $0xFFFFE003, lr  }
0x1b: {  	s9 =	sadd.s32 $0xFFFFFEF7, lr;
	s5 =	simm.s32 $0xFFFFFFFF;
	p2 =	slt.u32 s8, $0xFFFFF086  }
0x1c: {  	p1 =	slt.u32 s9, $0xF7A;
	s5 =	simm.s32 @!p2 $0x0  }
0x1d: {  	s5 =	simm.s32 @p1 $0x1;
	p0 =	seq.s32 s7, s2  }
0x1e: {  	s7 =	smul.u32 @!p0 $0xF7A, s2;
	p2 =	seq.s32 @!p0 s5, $0x0  }
0x1f: {  	s9 =	smul.u32 $0xF7A, s1;
	s8 =	simm.s32 @!p0 $0x1BF5;
	p2 =	por !p2, p0  }
0x20: {  	[sflag:s8] =	ssyncset.s32 @!p0 $0xFFFFF086;
	s6 =	sadd.s32 @!p0 s3, s7;
	s7 =	simm.s32 @!p0 $0x108  }
0x21: {  	s3 =	sadd.s32 s3, s9;
	s6 =	sadd.s32 @!p0 $0x88, s6;
	s7 =	simm.s32 @p2 $0x1082  }
0x22: {  	[simem:s7], [sflag:s8] =	dma.local @!p0 [hbm:s6], $0xF7A  }
0x23: {  	s9 =	sor.u32 $0xD0000000, s2;
	s6 =	simm.s32 $0x108;
	_ =	swait.ge @!p0 [sflag:s8], $0x0  }
0x24: {  	s3 =	sadd.s32 $0x88, s3;
	s6 =	simm.s32 @!p1 $0x1082;
	[sflag:s4] =	ssyncset.s32 $0xFFFFF086  }
0x25: {  	[simem:s6], [sflag:s4] =	dma.local [hbm:s3], $0xF7A  }
0x26: {  	[smem:$0x3F9C] =	sst s1;
	(tag) =	ssettag s2;
	_ =	strace s9  }
0x27: {  	s1 =	sld [smem:$0x3FAC]  }
0x28: {  	s2 =	sld [smem:$0x3FAD]  }
0x29: {  	s4 =	sld [smem:$0x3FAF]  }
0x2a: {  	p0 =	seq.s32 s5, $0x0;
	s5 =	sld [smem:$0x3FB0]  }
0x2b: {  	s6 =	sld [smem:$0x3FB1]  }
0x2c: {  	s7 =	sld [smem:$0x3FB2]  }
0x2d: {  	s3 =	simm.s32 $0x108;
	s8 =	sld [smem:$0x3FB3]  }
0x2e: {  	s3 =	simm.s32 @!p0 $0x1082;
	s9 =	sld [smem:$0x3FB4]  }
0x2f: {  	lr =	sadd.s32 s0, s3;
	s0 =	sld [smem:$0x3FAB]  }
0x30: {  	s3 =	sld [smem:$0x3FAE]  }
0x31: {  	[smem:$0x3FB7] =	sst s10  }
0x32: {  	s10 =	sld [smem:$0x3FB5];
	_ =	sdelay $0x3  }
0x33: {  	p0 =	seq.s32 s10, $0x1;
	s10 =	sld [smem:$0x3FB7];
	_ =	sdelay $0x3  }
0x34: {  	[smem:$0x3FB7] =	sst s10  }
0x35: {  	s10 =	sld [smem:$0x3FB6];
	_ =	sdelay $0x3  }
0x36: {  	p1 =	seq.s32 s10, $0x1;
	s10 =	sld [smem:$0x3FB7];
	_ =	sdelay $0x3  }
0x37: {  	[smem:$0x3FB7] =	sst s10  }
0x38: {  	s10 =	sld [smem:$0x3FB8]  }
0x39: {  	_ = 	snop;
	(pc) =	sbr.ind lr, $3  }
0x3a: {  	_ = 	snop  }
0x3b: {  	_ = 	snop  }
0x3c: {  	p2 =	seq.s32 s10, $0x1;
	s10 =	sld [smem:$0x3FB7]  }
0x3d: {  	_ =	shalt  }
0x3e: {  	_ =	shalt  }
0x3f: {  	_ =	shalt  }
0x40: {  	_ =	shalt  }
0x41: {  	_ =	shalt  }
0x42: {  	_ =	shalt  }
0x43: {  	_ =	shalt  }
0x44: {  	_ =	shalt  }
0x45: {  	_ =	shalt  }
0x46: {  	_ =	shalt  }
0x47: {  	_ =	shalt  }
0x48: {  	_ =	shalt  }
0x49: {  	_ =	shalt  }
0x4a: {  	_ =	shalt  }
0x4b: {  	_ =	shalt  }
0x4c: {  	_ =	shalt  }
0x4d: {  	_ =	shalt  }
0x4e: {  	_ =	shalt  }
0x4f: {  	_ =	shalt  }
0x50: {  	_ =	shalt  }
0x51: {  	_ =	shalt  }
0x52: {  	_ =	shalt  }
0x53: {  	_ =	shalt  }
0x54: {  	_ =	shalt  }
0x55: {  	_ =	shalt  }
0x56: {  	_ =	shalt  }
0x57: {  	_ =	shalt  }
0x58: {  	_ =	shalt  }
0x59: {  	_ =	shalt  }
0x5a: {  	_ =	shalt  }
0x5b: {  	_ =	shalt  }
0x5c: {  	_ =	shalt  }
0x5d: {  	_ =	shalt  }
0x5e: {  	_ =	shalt  }
0x5f: {  	_ =	shalt  }
0x60: {  	_ =	shalt  }
0x61: {  	_ =	shalt  }
0x62: {  	_ =	shalt  }
0x63: {  	_ =	shalt  }
0x64: {  	_ =	shalt  }
0x65: {  	_ =	shalt  }
0x66: {  	_ =	shalt  }
0x67: {  	_ =	shalt  }
0x68: {  	_ =	shalt  }
0x69: {  	_ =	shalt  }
0x6a: {  	_ =	shalt  }
0x6b: {  	_ =	shalt  }
0x6c: {  	_ =	shalt  }
0x6d: {  	_ =	shalt  }
0x6e: {  	_ =	shalt  }
0x6f: {  	_ =	shalt  }
0x70: {  	_ =	shalt  }
0x71: {  	_ =	shalt  }
0x72: {  	_ =	shalt  }
0x73: {  	_ =	shalt  }
0x74: {  	_ =	shalt  }
0x75: {  	_ =	shalt  }
0x76: {  	_ =	shalt  }
0x77: {  	_ =	shalt  }
0x78: {  	_ =	shalt  }
0x79: {  	_ =	shalt  }
0x7a: {  	_ =	shalt  }
0x7b: {  	_ =	shalt  }
0x7c: {  	_ =	shalt  }
0x7d: {  	_ =	shalt  }
0x7e: {  	_ =	shalt  }
0x7f: {  	_ =	shalt  }
0x80: {  	_ =	shalt  }
0x81: {  	_ =	shalt  }
0x82: {  	_ =	shalt  }
0x83: {  	_ =	shalt  }
0x84: {  	_ =	shalt  }
0x85: {  	_ =	shalt  }
0x86: {  	_ =	shalt  }
0x87: {  	_ =	shalt  }
.Lfunc_end0:
.L_simem_size_0:
called_computation_lowered:
.L_overlay_start_0:
0x88: {  	s2 =	sld [smem:$0x3FD9]  }
0x89: {  	s3 =	sld [smem:$0x3FFE];
	_ =	sdelay $0x1  }
0x8a: {  	s1 =	srdreg.scid  }
0x8b: {  	s0 =	sand.u32 $0x1, s1  }
0x8c: {  	s17 =	sshll.u32 s0, $0xA;
	s2 =	sadd.s32 s3, s2  }
0x8d: {  	s2 =	sadd.s32 s2, s17  }
0x8e: {  	[smem:$0x3FC3] =	sst s2  }
0x8f: {  	_ = 	snop  }
0x90: {  	s2 =	sld [smem:$0x3FD0];
	(tm) =	ssettm $0x1  }
0x91: {  	s18 =	sld [smem:$0x3FFB];
	_ =	sdelay $0x3  }
0x92: {  	_ =	strace s18  }
0x93: {  	s3 =	sld [smem:$0x3FFC];
	_ =	sdelay $0x3  }
0x94: {  	_ =	strace s3  }
0x95: {  	s3 =	sld [smem:$0x3FFD];
	_ =	sdelay $0x3  }
0x96: {  	_ =	strace s3  }
0x97: {  	_ =	strace $0x8FFFFFFF  }
0x98: {  	s19 =	sld [smem:$0x3FDB];
	_ =	sdelay $0x1  }
0x99: {  	s4 =	simm.s32 $_scs_section_size  }
0x9a: {  	s5 =	simm.s32 $_size__tile_overlayer_lowered;
	s6 =	simm.s32 $_tile_overlayer_lowered  }
0x9b: {  	s22 =	simm.s32 $0x1BFF;
	s21 =	sshll.u32 s6, $0x1;
	s3 =	sadd.s32 s4, s19  }
0x9c: {  	s7 =	simm.s32 $0x0;
	s20 =	sshll.u32 s5, $0x1;
	s5 =	sadd.s32 s21, s3  }
0x9d: {  	[timem:s7], [sflag:s22] =	dma.local [hbm:s5], s20  }
0x9e: {  	_ =	swait.ge [sflag:s22], s20  }
0x9f: {  	s4 =	ssub.s32 $0x0, s20;
	[sflag:s22] =	ssyncset.done $0x0  }
0xa0: {  	[sflag:s22] =	ssyncadd.s32 s4;
	_ =	sdelay $0x1  }
0xa1: {  	s23 =	simm.s32 $0x1B8B  }
0xa2: {  	_ =	swait.ge [sflag:s23], $0x1  }
0xa3: {  	[sflag:s23] =	ssyncset.done $0x0  }
0xa4: {  	s25 =	simm.s32 $0x1B8E;
	s24 =	sld [smem:$0x3FFE];
	[sflag:s23] =	ssyncadd.s32 $0xFFFFFFFF  }
0xa5: {  	s26 =	simm.s32 $execute0_lowered;
	[smem:$0x3FD2] =	sst s25  }
0xa6: {  	s5 =	sshll.u32 s26, $0x1;
	_ =	strace $0x80000046;
	[dreg:$0x1] =	wrdreg $0xFFFFFFFF  }
0xa7: {  	s28 =	simm.s32 $_size_execute0_lowered;
	s3 =	sadd.s32 s3, s5;
	[dreg:$0x0] =	wrdreg $0x0  }
0xa8: {  	s5 =	sshll.u32 s28, $0x1;
	[dreg:$0x2] =	wrdreg s3  }
0xa9: {  	[dreg:$0x3] =	wrdreg s5  }
0xaa: {  	[dreg:$0x4] =	wrdreg $0xC0  }
0xab: {  	_ =	task [dreg:s7], $0x5FFFF  }
0xac: {  	[dreg:$0x1] =	wrdreg $0xFFFFFFFF  }
0xad: {  	[dreg:$0x0] =	wrdreg $0x60  }
0xae: {  	[dreg:$0x2] =	wrdreg s24  }
0xaf: {  	[dreg:$0x3] =	wrdreg s2  }
0xb0: {  	[dreg:$0x4] =	wrdreg $0x9  }
0xb1: {  	_ =	task.clear_ibuf [dreg:s7], $0x5FFFF;
	_ =	strace $0x90000046  }
0xb2: {  	s29 =	simm.s32 $0x9;
	_ =	strace $0x80000048  }
0xb3: {  	_ =	swait.ge [sflag:s29], $0x1  }
0xb4: {  	[sflag:s29] =	ssyncadd.s32 $0xFFFFFFFF  }
0xb5: {  	_ =	strace $0x90000048  }
0xb6: {  	_ =	sfence  }
0xb7: {  	s30 =	sld [smem:$0x0];
	_ =	sdelay $0x2  }
0xb8: {  	s31 =	sshll.u32 s1, $0xD;
	s1 =	sshrl.u32 s1, $0x2  }
0xb9: {  	s3 =	sand.u32 $0x4000, s31;
	s1 =	sadd.s32 s1, s30  }
0xba: {  	s0 =	sor.u32 s3, s0;
	s1 =	sshll.u32 s1, $0x11  }
0xbb: {  	s0 =	sor.u32 s1, s0  }
0xbc: {  	s0 =	sadd.s32 $0x8F2B, s0  }
0xbd: {  	[sflag:s0] =	ssyncadd.remote.s32 $0x1  }
0xbe: {  	_ =	sfence.sel $0xFFFF  }
0xbf: {  	[dreg:$0x0] =	wrdreg $0xFFFFFFFF;
	(pc) =	sbr.abs _section_cstart, $3  }
0xc0: {  	[dreg:$0x1] =	wrdreg $0xFFFFFFFF  }
0xc1: {  	_ =	task.clear_ibuf [dreg:s7], $0x2FFFF;
	_ =	strace $0x9FFFFFFF  }
0xc2: {  	(tm) =	ssettm $0x7FFFFFFF  }
0xc3: {  	_ =	shalt  }
tec
execute0_lowered:
.L_overlay_start_1:
0x0: {  	(tag) =	ssettag $0x1  }
0x1: {  	s7 =	rddreg [dreg:$0x0]  }
0x2: {  	s1 =	rddreg [dreg:$0x1]  }
0x3: {  	s0 =	rddreg [dreg:$0x2];
	s3 =	simm.s32 $0x0  }
0x4: {  	s4 =	srdreg.scid;
	s2 =	stileid.u32;
	s13 =	simm.s32 $0x80  }
0x5: {  	s14 =	simm.s32 $0x400;
	s15 =	simm.s32 $0x6180;
	s16 =	simm.s32 $0x0  }
0x6: {  	[smem:$0x7FF] =	sst s3;
	s5 =	sand.u32 $0x1, s4;
	s6 =	sshrl.u32 s2, $0x2  }
0x7: {  	s29 =	sshll.u32 s2, $0x8;
	s11 =	sshll.u32 s2, $0x3;
	s8 =	smul.u32 $0x8400, s6  }
0x8: {  	s9 =	sshll.u32 s5, $0x7;
	s4 =	sand.u32 $0x300, s29;
	_ =	strace $0x80000047  }
0x9: {  	s10 =	sshll.u32 s5, $0x9;
	s11 =	scvt.s32.f32 s11;
	s5 =	ssub.s32 $0x2, s5  }
0xa: {  	s6 =	sshll.u32 s6, $0xA;
	s9 =	sor.u32 s9, s4;
	s10 =	sadd.s32 s10, s7  }
0xb: {  	s4 =	sadd.s32 $0x800, s7;
	s12 =	sshrl.u32 s5, $0x1;
	s8 =	sor.u32 s8, s9  }
0xc: {  	s11 =	sadd.f32 $5.000000000e-01, s11;
	s6 =	sor.u32 s6, s9;
	s30 =	ssub.s32 s5, s12  }
0xd: {  	s5 =	sadd.s32 $0x400, s10;
	s9 =	simm.s32 $0x1;
	s10 =	simm.s32 $0x1000  }
0xe: {  	s8 =	sshrl.u32 s8, $0x3;
	s31 =	sshrl.u32 s6, $0x3;
	s11 =	sadd.f32 $3.500000000e+00, s11  }
0xf: {  	v1 =	vimm.s32 $0x0;
	s12 =	simm.s32 $0x5100;
	s8 =	sadd.s32 s8, s7;
	s7 =	sadd.s32 s7, s31  }
0x10: {  	v2 =	vlaneseq.u32;
	v3 =	vimm.s32 $0x2000;
	s6 =	sadd.s32 $0xE00, s8;
	s8 =	smax.u32 s30, $0x1;
	v0 =	vmov s11;
	s11 =	simm.s32 $0x3080  }
.LBB2_1:
0x11: {  	[tilespmem:s3], [sflag:$0x1] =	stream.linear.gather [hbm4b:s5+s3], $0x1000, $0x38;
	[tilespmem:$0x6200] =	vst v63  }
0x12: {  	_ =	swait.ge [sflag:s9], $0x1000  }
0x13: {  	[sflag:s9] =	ssyncset.done $0x0  }
0x14: {  	[sflag:s9] =	ssyncadd.s32 $0xFFFFF000  }
0x15: {  	[tilespmem:s10], [sflag:$0x1] =	stream.linear.gather [hbm4b:s1+s3], $0x2080, $0x38;
	[tilespmem:$0x6200] =	vst v63  }
0x16: {  	_ =	swait.ge [sflag:s9], $0x2080  }
0x17: {  	[sflag:s9] =	ssyncset.done $0x0  }
0x18: {  	[sflag:s9] =	ssyncadd.s32 $0xFFFFDF80  }
0x19: {  	[tilespmem:s11], [sflag:$0x1] =	stream.linear.gather [hbm4b:s4+s3], $0x2080, $0x38;
	[tilespmem:$0x6200] =	vst v63  }
0x1a: {  	_ =	swait.ge [sflag:s9], $0x2080  }
0x1b: {  	[sflag:s9] =	ssyncset.done $0x0  }
0x1c: {  	s17 =	simm.s32 $0x0;
	v4 =	vimm.s32 $0x0;
	[sflag:s9] =	ssyncadd.s32 $0xFFFFDF80  }
.LBB2_2:
0x1d: {  	s18 =	sshra.s32 s17, $0x2  }
0x1e: {  	v5 =	vld [tilespmem:s18+$0x0];
	_ =	sdelay $0x7  }
0x1f: {  	v6 =	vld.idx.msk [tilespmem:v5+s10+$0x0], $0xffff  }
0x20: {  	v7 =	vld.idx.msk [tilespmem:v5+s11+$0x0], $0xffff;
	_ =	sdelay $0x3  }
0x21: {  	v6 =	vsub.f32 v6, v0  }
0x22: {  	v7 =	vadd.f32 $3.500000000e+00, v7  }
0x23: {  	v6 =	vand.u32 $0x7FFFFFFF, v6  }
0x24: {  	vm0 =	vle.f32 v6, v7  }
0x25: {  	v6 =	vsel vm0, $0x1, v1  }
0x26: {  	(xrf0) =	vadd.scan.msk.s32 $0xffff, v6;
	_ =	sdelay $0x5  }
0x27: {  	v6, _, _ =	vpop (xrf0)  }
0x28: {  	v6 =	vadd.s32 v6, v4  }
0x29: {  	p0 =	sne.s32 s17, $0x3FC0;
	v6 =	vadd.s32 $0xFFFFFFFF, v6  }
.Ltmp0:
0x2a: {  	_ = 	snop;
	(pc) =	sbr.rel @p0 .LBB2_2-.Ltmp0, $3  }
0x2b: {  	_ = 	snop  }
0x2c: {  	v7 =	vmpcnt.ones.xlane vm0;
	_ =	sdelay $0x1  }
0x2d: {  	s17 =	sadd.s32 $0x40, s17;
	v4 =	vadd.s32 v4, v7;
	[tilespmem:v6+s12+$0x0] =	vst.idx.msk vm0, v5  }
0x2e: {  	v5 =	vadd.s32 v2, v4  }
0x2f: {  	vm0 =	vlt.s32 v5, $0x1010;
	_ =	sdelay $0x5  }
0x30: {  	[tilespmem:v5+s12+$0x0] =	vst.idx.msk vm0, v3  }
0x31: {  	[tilespmem:$0x6180] =	vst v4  }
0x32: {  	[hbm4b:s6+s13] =	stream.strided.scatter [tilespmem:s12], [sflag:$0x1], $0x1080, s14, s13, $0x38;
	[tilespmem:$0x6200] =	vst v63  }
0x33: {  	s16 =	sadd.s32 $0x1, s16;
	_ =	swait.ge [sflag:s9], $0x1080  }
0x34: {  	p0 =	sne.s32 s16, s8;
	[sflag:s9] =	ssyncset.done $0x0  }
.Ltmp1:
0x35: {  	[sflag:s9] =	ssyncadd.s32 $0xFFFFEF80;
	(pc) =	sbr.rel @p0 .LBB2_1-.Ltmp1, $4  }
0x36: {  	[hbm4b:s7+s3] =	stream.linear.scatter [tilespmem:s15], [sflag:$0x1], $0x80, $0x38;
	[tilespmem:$0x6200] =	vst v63  }
0x37: {  	_ =	swait.ge [sflag:s9], $0x80  }
0x38: {  	[sflag:s9] =	ssyncset.done $0x0  }
0x39: {  	[sflag:s9] =	ssyncadd.s32 $0xFFFFFF80  }
0x3a: {  	_ =	sfence.sel $0x180000  }
0x3b: {  	[bflag:$0x0] =	sbarrier.arrive $0xFFFF  }
0x3c: {  	p0 =	sne.s32 s2, $0x0;
	_ =	strace $0x90000047  }
0x3d: {  	s0 =	sadd.s32 @!p0 $0x100000, s0;
	[bflag:$0x2] =	sbarrier.arrive $0xFFFF  }
0x3e: {  	[sflag:s0] =	ssyncadd.tile.s32 @!p0 $0x1;
	_ =	shalt  }
.Lfunc_end2:
_tile_overlayer_lowered:
.L_overlay_start_2:
0x3f: {  	(tag) =	ssettag $0x2  }
0x40: {  	s0 =	rddreg [dreg:$0x0];
	s2 =	stileid.u32  }
0x41: {  	s1 =	rddreg [dreg:$0x1];
	p0 =	sne.s32 s2, $0x0  }
0x42: {  	s3 =	rddreg [dreg:$0x2];
	[bflag:$0x3] =	sbarrier.arrive $0xFFFF;
	s2 =	simm.s32 @!p0 $0x1C01  }
0x43: {  	[timem:s3], [sflag:s2] =	dma.local @!p0 [hbm:s0], s1  }
0x44: {  	s0 =	simm.s32 @!p0 $0x1  }
0x45: {  	_ =	swait.ge @!p0 [sflag:s0], s1  }
0x46: {  	s1 =	ssub.s32 @!p0 $0x0, s1;
	[sflag:s0] =	ssyncset.done @!p0 $0x0  }
0x47: {  	[sflag:s0] =	ssyncadd.s32 @!p0 s1  }
0x48: {  	[bflag:$0x3] =	sbarrier.arrive $0xFFFF  }
0x49: {  	_ =	shalt  }

</sc_bundles>
